<compile_context>
chip_gen: v7x
topology: tpu7x:2x2x1
jax: 0.10.2.dev20260603
libtpu: 0.0.44.dev20260713+nightly
codegen_flags: <defaults>
</compile_context>

<pallas_src>
import functools

import jax
import jax.numpy as jnp
from jax import lax
from jax.experimental import pallas as pl
from jax.experimental.pallas import tpu as pltpu
from jax.experimental.pallas import tpu_sc as plsc

NC = 2
NS = 16
CH = 128


def _sc_mesh():
    return plsc.VectorSubcoreMesh(core_axis_name="c", subcore_axis_name="s")


_SC_PARAMS = pltpu.CompilerParams(use_tc_tiling_on_sc=False)
_SC_PARAMS_SMALL_SCRATCH = pltpu.CompilerParams(
    use_tc_tiling_on_sc=False, internal_scratch_in_bytes=256 * 1024)


def _count_kernel(n_pad, cc0, cc1):
    rt = n_pad // NS
    cmax = max(cc0, cc1)

    @functools.partial(
        pl.kernel,
        out_type=jax.ShapeDtypeStruct((NC, n_pad, 16), jnp.float32),
        mesh=_sc_mesh(),
        scratch_types=[
            pltpu.VMEM_SHARED((n_pad, 16), jnp.float32),
            pltpu.VMEM((cmax, CH), jnp.int32),
            pltpu.VMEM((CH, 16), jnp.float32),
            pltpu.SemaphoreType.DMA,
        ],
        compiler_params=_SC_PARAMS,
    )
    def k(dst_hbm, out_hbm, acc_sh, didx_v, ones_v, sem):
        core = lax.axis_index("c")
        sub = lax.axis_index("s")
        row0 = sub * rt

        def runc(base, nch):
            @pl.loop(0, CH)
            def _(i):
                ones_v[i, :] = jnp.zeros((16,), jnp.float32)

            idx_load = pltpu.async_copy(
                dst_hbm.at[pl.ds(base, nch)], didx_v.at[pl.ds(0, nch)], sem)

            @pl.loop(0, rt // CH)
            def _(b):
                pltpu.sync_copy(ones_v, acc_sh.at[pl.ds(row0 + b * CH, CH)])

            @pl.loop(0, CH)
            def _(i):
                ones_v[i, :] = jnp.ones((16,), jnp.float32)

            idx_load.wait()
            plsc.subcore_barrier()

            @pl.loop(0, nch, step=8)
            def _(c):
                hs = [pltpu.async_copy(ones_v, acc_sh.at[didx_v.at[c + j]],
                                       sem, add=True)
                      for j in range(8)]
                for h in hs:
                    h.wait()

            plsc.subcore_barrier()
            pltpu.sync_copy(acc_sh.at[pl.ds(row0, rt)],
                            out_hbm.at[core, pl.ds(row0, rt)])

        @pl.when(core == 0)
        def _():
            runc(sub * cc0, cc0)

        @pl.when(core == 1)
        def _():
            runc(NS * cc0 + sub * cc1, cc1)

    return k


NB = 4


def _agg_kernel(n_pad, d, c0, c1, stage=True, nb=NB, ch=CH):
    rt = n_pad // NS

    @functools.partial(
        pl.kernel,
        out_type=jax.ShapeDtypeStruct((NC, n_pad, d), jnp.float32),
        mesh=_sc_mesh(),
        scratch_types=[
            pltpu.VMEM_SHARED((n_pad, d), jnp.float32),
            pltpu.VMEM_SHARED((n_pad, d) if stage else (8, d), jnp.float32),
            pltpu.VMEM((nb, ch), jnp.int32),
            pltpu.VMEM((nb, ch), jnp.int32),
        ] + [pltpu.VMEM((ch, d), jnp.float32)] * nb
          + [pltpu.SemaphoreType.DMA] * (4 * nb + 1),
        compiler_params=_SC_PARAMS,
    )
    def k(g_hbm, src_hbm, dst_hbm, out_hbm, acc_sh, gtab_sh, sidx_v, didx_v,
          *bufs):
        rows = bufs[:nb]
        gsem = bufs[nb:2 * nb]
        ssem = bufs[2 * nb:3 * nb]
        isem = bufs[3 * nb:4 * nb]
        jsem = bufs[4 * nb:5 * nb]
        tsem = bufs[5 * nb]
        core = lax.axis_index("c")
        sub = lax.axis_index("s")
        row0 = sub * rt

        def run(base, nch, do_stage):
            if do_stage:
                st = pltpu.async_copy(
                    g_hbm.at[pl.ds(row0, rt)], gtab_sh.at[pl.ds(row0, rt)],
                    tsem)
                src_tab = gtab_sh
            else:
                src_tab = g_hbm

            @pl.loop(0, ch)
            def _(i):
                @pl.loop(0, d // 16)
                def _(j):
                    rows[0][i, pl.ds(j * 16, 16)] = jnp.zeros((16,), jnp.float32)

            @pl.loop(0, rt // ch)
            def _(b):
                pltpu.sync_copy(rows[0], acc_sh.at[pl.ds(row0 + b * ch, ch)])

            if do_stage:
                st.wait()
            plsc.subcore_barrier()

            iloads = [pltpu.async_copy(src_hbm.at[base + b], sidx_v.at[b],
                                       isem[b]) for b in range(nb)]
            jloads = [pltpu.async_copy(dst_hbm.at[base + b], didx_v.at[b],
                                       jsem[b]) for b in range(nb)]
            for b in range(nb):
                iloads[b].wait()
                pltpu.async_copy(src_tab.at[sidx_v.at[b]], rows[b], gsem[b])

            @pl.loop(0, nch, step=nb)
            def _(c):
                adds = []
                for b in range(nb):
                    pltpu.make_async_copy(src_tab.at[sidx_v.at[b]], rows[b],
                                          gsem[b]).wait()
                    pltpu.make_async_copy(dst_hbm.at[base + c + b],
                                          didx_v.at[b], jsem[b]).wait()
                    adds.append(pltpu.async_copy(
                        rows[b], acc_sh.at[didx_v.at[b]], ssem[b], add=True))

                    @pl.when(c + b + nb < nch)
                    def _():
                        pltpu.async_copy(src_hbm.at[base + c + b + nb],
                                         sidx_v.at[b], isem[b])
                for b in range(nb):
                    adds[b].wait()

                    @pl.when(c + b + nb < nch)
                    def _():
                        pltpu.async_copy(dst_hbm.at[base + c + b + nb],
                                         didx_v.at[b], jsem[b])
                        pltpu.make_async_copy(src_hbm.at[base + c + b + nb],
                                              sidx_v.at[b], isem[b]).wait()
                        pltpu.async_copy(src_tab.at[sidx_v.at[b]], rows[b],
                                         gsem[b])

            plsc.subcore_barrier()
            pltpu.sync_copy(acc_sh.at[pl.ds(row0, rt)],
                            out_hbm.at[core, pl.ds(row0, rt)])

        @pl.when(core == 0)
        def _():
            run(sub * c0, c0, False)

        @pl.when(core == 1)
        def _():
            run(NS * c0 + sub * c1, c1, stage)

    return k


def _matmul_split(feat, loc, wa, wb, n_pad, bn):
    d = wa.shape[1]

    def body(f_ref, l_ref, wa_ref, wb_ref, o_ref):
        o_ref[...] = (
            jnp.dot(f_ref[...], wa_ref[...], preferred_element_type=jnp.float32)
            + jnp.dot(l_ref[...], wb_ref[...],
                      preferred_element_type=jnp.float32))

    return pl.pallas_call(
        body,
        grid=(n_pad // bn,),
        in_specs=[pl.BlockSpec((bn, feat.shape[1]), lambda i: (i, 0)),
                  pl.BlockSpec((bn, loc.shape[1]), lambda i: (i, 0)),
                  pl.BlockSpec(wa.shape, lambda i: (0, 0)),
                  pl.BlockSpec(wb.shape, lambda i: (0, 0))],
        out_specs=pl.BlockSpec((bn, d), lambda i: (i, 0)),
        out_shape=jax.ShapeDtypeStruct((n_pad, d), jnp.float32),
    )(feat, loc, wa, wb)


def _scale(h, cnt, bn):
    n_pad, d = h.shape

    def body(h_ref, cnt_ref, o_ref, d_ref):
        deg = 1.0 + cnt_ref[0, :, 0:1] + cnt_ref[1, :, 0:1]
        dis = lax.rsqrt(deg)
        o_ref[...] = h_ref[...] * dis
        d_ref[...] = jnp.broadcast_to(dis, d_ref.shape)

    return pl.pallas_call(
        body,
        grid=(n_pad // bn,),
        in_specs=[pl.BlockSpec((bn, d), lambda i: (i, 0)),
                  pl.BlockSpec((NC, bn, 16), lambda i: (0, i, 0))],
        out_specs=[pl.BlockSpec((bn, d), lambda i: (i, 0)),
                   pl.BlockSpec((bn, 16), lambda i: (i, 0))],
        out_shape=[jax.ShapeDtypeStruct((n_pad, d), jnp.float32),
                   jax.ShapeDtypeStruct((n_pad, 16), jnp.float32)],
    )(h, cnt)


def _layer1_post(acc1, g1, dis16, loc, b1, bn):
    n_pad, d = g1.shape
    ldim = loc.shape[1]

    def body(a_ref, g_ref, dis_ref, loc_ref, b_ref, o_ref):
        dis = dis_ref[:, 0:1]
        pre = (a_ref[0] + a_ref[1] + g_ref[...]) * dis + b_ref[...]
        z = jnp.maximum(pre, 0.0)
        o_ref[...] = jnp.concatenate([z * dis, loc_ref[...] * dis], axis=1)

    return pl.pallas_call(
        body,
        grid=(n_pad // bn,),
        in_specs=[pl.BlockSpec((NC, bn, d), lambda i: (0, i, 0)),
                  pl.BlockSpec((bn, d), lambda i: (i, 0)),
                  pl.BlockSpec((bn, 16), lambda i: (i, 0)),
                  pl.BlockSpec((bn, ldim), lambda i: (i, 0)),
                  pl.BlockSpec((1, d), lambda i: (0, 0))],
        out_specs=pl.BlockSpec((bn, d + ldim), lambda i: (i, 0)),
        out_shape=jax.ShapeDtypeStruct((n_pad, d + ldim), jnp.float32),
    )(acc1, g1, dis16, loc, b1)


def _layer2_post(acc2, g2, dis16, w2, b2, n, bn):
    n_pad, d = g2.shape
    dout = w2.shape[1]

    def body(a_ref, g_ref, dis_ref, w_ref, b_ref, o_ref):
        dis = dis_ref[:, 0:1]
        u = (a_ref[0] + a_ref[1] + g_ref[...]) * dis
        o_ref[...] = jnp.dot(u, w_ref[...],
                             preferred_element_type=jnp.float32) + b_ref[...]

    return pl.pallas_call(
        body,
        grid=(n_pad // bn,),
        in_specs=[pl.BlockSpec((NC, bn, d), lambda i: (0, i, 0)),
                  pl.BlockSpec((bn, d), lambda i: (i, 0)),
                  pl.BlockSpec((bn, 16), lambda i: (i, 0)),
                  pl.BlockSpec((d, dout), lambda i: (0, 0)),
                  pl.BlockSpec((1, dout), lambda i: (0, 0))],
        out_specs=pl.BlockSpec((bn, dout), lambda i: (i, 0)),
        out_shape=jax.ShapeDtypeStruct((n, dout), jnp.float32),
    )(acc2, g2, dis16, w2, b2)


def kernel(edge_indices, features, location_embedding, W1, b1, W2, b2):
    n = features.shape[0]
    e = edge_indices.shape[1]

    npad_unit = NS * CH
    n_pad = -(-n // npad_unit) * npad_unit
    ep_unit = NC * NS * CH * 8
    e_pad = -(-e // ep_unit) * ep_unit
    n_chunks = e_pad // (NC * NS * CH)

    src = edge_indices[0]
    dst = edge_indices[1]
    pad = e_pad - e
    src_p = jnp.concatenate([src, jnp.zeros((pad,), jnp.int32)]).reshape(-1, CH)
    dst_p = jnp.concatenate([dst, jnp.full((pad,), n, jnp.int32)]).reshape(-1, CH)

    b1r = b1.reshape(1, -1)
    b2r = b2.reshape(1, -1)
    dfeat = features.shape[1]
    w1a = W1[:dfeat]
    w1b = W1[dfeat:]

    bn = n_pad // 8

    c_pair = e_pad // (CH * NS)
    c0b = (c_pair * 3 // 5 // NB) * NB
    c0b = min(max(c0b, NB), c_pair - NB)
    c1b = c_pair - c0b

    cc0 = (c_pair * 3 // 5 // 8) * 8
    cc0 = min(max(cc0, 8), c_pair - 8)
    cc1 = c_pair - cc0
    cnt = _count_kernel(n_pad, cc0, cc1)(dst_p)
    h1 = _matmul_split(features, location_embedding, w1a, w1b, n_pad, bn)
    g1, dis16 = _scale(h1, cnt, bn)
    acc1 = _agg_kernel(n_pad, h1.shape[1], c0b, c1b, stage=True)(
        g1, src_p, dst_p)
    g2 = _layer1_post(acc1, g1, dis16, location_embedding, b1r, bn)
    c0b2 = (c_pair * 31 // 64 // 2) * 2
    c1b2 = c_pair - c0b2
    acc2 = _agg_kernel(n_pad, g2.shape[1], c0b2, c1b2, stage=True, nb=2)(
        g2, src_p, dst_p)
    return _layer2_post(acc2, g2, dis16, W2, b2r, n, bn)

# --- scband reference (transcript-rebuilt; emitter-appended) ---
"""Pipeline reference for scband-positional-gcn-32427003085126 (READ-ONLY COPY).

The authoritative reference and input builder live on the scoring server;
editing this copy changes nothing except your own understanding.
"""

import jax, jax.numpy as jnp
import numpy as np

N = 10000
E = 320000
D_FEAT = 128
LOC_DIM = 16
F1 = 64
OUT = 128


def _glorot(key, shape):
    fan_in, fan_out = shape
    scale = jnp.sqrt(2.0 / (fan_in + fan_out))
    return jax.random.normal(key, shape, dtype=jnp.float32) * scale


def setup_inputs(seed: int = 0) -> dict:
    key = jax.random.key(seed)
    ks = jax.random.split(key, 8)
    edge_indices = jax.random.randint(ks[0], (2, E), 0, N, dtype=jnp.int32)
    features = jax.random.normal(ks[1], (N, D_FEAT), dtype=jnp.float32)
    location_embedding = jax.random.normal(ks[2], (N, LOC_DIM), dtype=jnp.float32)
    W1 = _glorot(ks[3], (D_FEAT + LOC_DIM, F1))
    b1 = jnp.zeros((F1,), dtype=jnp.float32)
    W2 = _glorot(ks[4], (F1 + LOC_DIM, OUT))
    b2 = jnp.zeros((OUT,), dtype=jnp.float32)
    return {"edge_indices": edge_indices, "features": features,
            "location_embedding": location_embedding,
            "W1": W1, "b1": b1, "W2": W2, "b2": b2}


def _gcn_conv(x, edge_index, W, b):
    # PyG GCNConv: add self-loops, symmetric normalization, linear transform, sum aggregation
    self_loops = jnp.arange(N, dtype=edge_index.dtype)
    src = jnp.concatenate([edge_index[0], self_loops])
    dst = jnp.concatenate([edge_index[1], self_loops])
    deg = jax.ops.segment_sum(jnp.ones_like(src, dtype=x.dtype), dst, num_segments=N)
    deg_inv_sqrt = jnp.where(deg > 0, 1.0 / jnp.sqrt(deg), 0.0)
    norm = deg_inv_sqrt[src] * deg_inv_sqrt[dst]
    h = x @ W
    msgs = h[src] * norm[:, None]
    out = jax.ops.segment_sum(msgs, dst, num_segments=N)
    return out + b


def reference(edge_indices, features, location_embedding, W1, b1, W2, b2):
    x = jnp.concatenate([features, location_embedding], axis=-1)
    x = _gcn_conv(x, edge_indices, W1, b1)
    x = jax.nn.relu(x)
    # dropout is identity in eval mode
    x = jnp.concatenate([x, location_embedding], axis=-1)
    x = _gcn_conv(x, edge_indices, W2, b2)
    return x

if __name__ == "__main__":
    import jax
    _d = setup_inputs()
    print(jax.jit(kernel)(*tuple(_d.values())))

</pallas_src>

<mosaic_0001>
#map = affine_map<(d0, d1) -> (0, 0)>
#map1 = affine_map<(d0, d1) -> (0, 0, 0)>
module attributes {stable_mosaic.version = 14 : i64} {
  func.func @k(%arg0: i32, %arg1: i32, %arg2: memref<2560x128xi32, #tpu.memory_space<hbm>>, %arg3: memref<2x10240x16xf32, #tpu.memory_space<hbm>>, %arg4: memref<10240x16xf32, #tpu.memory_space<vmem_shared>>, %arg5: memref<96x128xi32, #tpu.memory_space<vmem>>, %arg6: memref<128x16xf32, #tpu.memory_space<vmem>>, %arg7: memref<!tpu.dma_semaphore, #tpu.memory_space<semaphore_mem>>) attributes {dimension_semantics = [#tpu.dimension_semantics<core_parallel>, #tpu.dimension_semantics<subcore_parallel>], iteration_bounds = array<i64: 2, 16>, scalar_prefetch = 0 : i64, scratch_operands = 4 : i64, tpu.core_type = #tpu.core_type<sc_vector_subcore>, window_params = [{transform_indices = #map}, {transform_indices = #map1}]} {
    %mul3A = arith.constant 640 : i32
    %mul3A_0 = arith.muli %arg1, %mul3A : i32
    %eq3A = arith.constant 0 : i32
    %eq3A_1 = arith.cmpi eq, %arg0, %eq3A : i32
    %convert_element_type3A = arith.extui %eq3A_1 : i1 to i32
    %cond3A = arith.constant 0 : i32
    %cond3A_2 = arith.cmpi ne, %convert_element_type3A, %cond3A : i32
    scf.if %cond3A_2 {
      %mul3A_8 = arith.constant 96 : i32
      %mul3A_9 = arith.muli %arg1, %mul3A_8 : i32
      %scan3A = arith.constant 0 : i32
      %scan3A_10 = arith.constant 128 : i32
      %scan3A_11 = arith.addi %scan3A, %scan3A_10 : i32
      %scan3A_12 = arith.constant 1 : i32
      scf.for %scan3A_48 = %scan3A to %scan3A_11 step %scan3A_12  : i32 {
        %mul3A_49 = arith.constant 1 : i32
        %mul3A_50 = arith.muli %scan3A_48, %mul3A_49 : i32
        %add3A = arith.constant 0 : i32
        %add3A_51 = arith.addi %add3A, %mul3A_50 : i32
        %broadcast_in_dim3A = arith.constant 0.000000e+00 : f32
        %broadcast_in_dim3A_52 = vector.broadcast %broadcast_in_dim3A : f32 to vector<16xf32>
        %swap3A = arith.index_cast %add3A_51 : i32 to index
        %swap3A_53 = arith.constant 0 : index
        %swap3A_54 = tpu.vector_load %arg6[%swap3A, %swap3A_53] {strides = array<i32>} : memref<128x16xf32, #tpu.memory_space<vmem>>, vector<1x16xf32>,
        %swap3A_55 = vector.shape_cast %swap3A_54 : vector<1x16xf32> to vector<16xf32>
        %swap3A_56 = vector.shape_cast %broadcast_in_dim3A_52 : vector<16xf32> to vector<1x16xf32>
        tpu.vector_store %arg6[%swap3A, %swap3A_53], %swap3A_56 {strides = array<i32>} : memref<128x16xf32, #tpu.memory_space<vmem>>, vector<1x16xf32>,
      }
      %scan3A_13 = arith.constant 128 : i32
      %dma_start3A = arith.constant 0 : i32
      %dma_start3A_14 = arith.constant 0 : i32
      %dma_start3A_15 = tpu.memref_slice %arg5[%dma_start3A, %dma_start3A_14] : memref<96x128xi32, #tpu.memory_space<vmem>> -> memref<96x128xi32, #tpu.memory_space<vmem>>
      %dma_start3A_16 = arith.constant 0 : i32
      %dma_start3A_17 = tpu.memref_slice %arg2[%mul3A_9, %dma_start3A_16] : memref<2560x128xi32, #tpu.memory_space<hbm>> -> memref<96x128xi32, #tpu.memory_space<hbm>>
      %dma_start3A_18 = arith.constant 0 : i32
      %dma_start3A_19 = arith.constant 0 : i32
      %dma_start3A_20 = tpu.memref_slice %arg5[%dma_start3A_18, %dma_start3A_19] : memref<96x128xi32, #tpu.memory_space<vmem>> -> memref<96x128xi32, #tpu.memory_space<vmem>>
      %dma_start3A_21 = arith.constant 0 : i32
      %dma_start3A_22 = tpu.memref_slice %arg2[%mul3A_9, %dma_start3A_21] : memref<2560x128xi32, #tpu.memory_space<hbm>> -> memref<96x128xi32, #tpu.memory_space<hbm>>
      tpu.enqueue_dma source(%dma_start3A_22 : memref<96x128xi32, #tpu.memory_space<hbm>>) target(%dma_start3A_20 : memref<96x128xi32, #tpu.memory_space<vmem>>) target_semaphore(%arg7 : memref<!tpu.dma_semaphore, #tpu.memory_space<semaphore_mem>>)
      %scan3A_23 = arith.constant 0 : i32
      %scan3A_24 = arith.constant 5 : i32
      %scan3A_25 = arith.addi %scan3A_23, %scan3A_24 : i32
      %scan3A_26 = arith.constant 1 : i32
      scf.for %scan3A_48 = %scan3A_23 to %scan3A_25 step %scan3A_26  : i32 {
        %mul3A_49 = arith.constant 1 : i32
        %mul3A_50 = arith.muli %scan3A_48, %mul3A_49 : i32
        %add3A = arith.constant 0 : i32
        %add3A_51 = arith.addi %add3A, %mul3A_50 : i32
        %mul3A_52 = arith.constant 128 : i32
        %mul3A_53 = arith.muli %add3A_51, %mul3A_52 : i32
        %add3A_54 = arith.addi %mul3A_0, %mul3A_53 : i32
        "tpu.region"() ({
          %run_scoped3A = tpu.sem_alloc : memref<!tpu.dma_semaphore, #tpu.memory_space<semaphore_mem>>
          %dma_start3A_55 = arith.constant 0 : i32
          %dma_start3A_56 = tpu.memref_slice %arg4[%add3A_54, %dma_start3A_55] : memref<10240x16xf32, #tpu.memory_space<vmem_shared>> -> memref<128x16xf32, #tpu.memory_space<vmem_shared>>
          %dma_start3A_57 = arith.constant 0 : i32
          %dma_start3A_58 = tpu.memref_slice %arg4[%add3A_54, %dma_start3A_57] : memref<10240x16xf32, #tpu.memory_space<vmem_shared>> -> memref<128x16xf32, #tpu.memory_space<vmem_shared>>
          tpu.enqueue_dma source(%arg6 : memref<128x16xf32, #tpu.memory_space<vmem>>) target(%dma_start3A_58 : memref<128x16xf32, #tpu.memory_space<vmem_shared>>) target_semaphore(%run_scoped3A : memref<!tpu.dma_semaphore, #tpu.memory_space<semaphore_mem>>)
          %dma_wait3A_59 = arith.constant 0 : i32
          %dma_wait3A_60 = tpu.memref_slice %arg4[%add3A_54, %dma_wait3A_59] : memref<10240x16xf32, #tpu.memory_space<vmem_shared>> -> memref<128x16xf32, #tpu.memory_space<vmem_shared>>
          %dma_wait3A_61 = arith.constant 0 : i32
          %dma_wait3A_62 = tpu.memref_slice %arg4[%add3A_54, %dma_wait3A_61] : memref<10240x16xf32, #tpu.memory_space<vmem_shared>> -> memref<128x16xf32, #tpu.memory_space<vmem_shared>>
          tpu.wait_dma2 semaphore(%run_scoped3A : memref<!tpu.dma_semaphore, #tpu.memory_space<semaphore_mem>>) src(%arg6 : memref<128x16xf32, #tpu.memory_space<vmem>>) dst(%dma_wait3A_62 : memref<128x16xf32, #tpu.memory_space<vmem_shared>>)
          tpu.yield
        }) : () -> ()
      }
      %scan3A_27 = arith.constant 5 : i32
      %scan3A_28 = arith.constant 0 : i32
      %scan3A_29 = arith.constant 128 : i32
      %scan3A_30 = arith.addi %scan3A_28, %scan3A_29 : i32
      %scan3A_31 = arith.constant 1 : i32
      scf.for %scan3A_48 = %scan3A_28 to %scan3A_30 step %scan3A_31  : i32 {
        %mul3A_49 = arith.constant 1 : i32
        %mul3A_50 = arith.muli %scan3A_48, %mul3A_49 : i32
        %add3A = arith.constant 0 : i32
        %add3A_51 = arith.addi %add3A, %mul3A_50 : i32
        %broadcast_in_dim3A = arith.constant 1.000000e+00 : f32
        %broadcast_in_dim3A_52 = vector.broadcast %broadcast_in_dim3A : f32 to vector<16xf32>
        %swap3A = arith.index_cast %add3A_51 : i32 to index
        %swap3A_53 = arith.constant 0 : index
        %swap3A_54 = tpu.vector_load %arg6[%swap3A, %swap3A_53] {strides = array<i32>} : memref<128x16xf32, #tpu.memory_space<vmem>>, vector<1x16xf32>,
        %swap3A_55 = vector.shape_cast %swap3A_54 : vector<1x16xf32> to vector<16xf32>
        %swap3A_56 = vector.shape_cast %broadcast_in_dim3A_52 : vector<16xf32> to vector<1x16xf32>
        tpu.vector_store %arg6[%swap3A, %swap3A_53], %swap3A_56 {strides = array<i32>} : memref<128x16xf32, #tpu.memory_space<vmem>>, vector<1x16xf32>,
      }
      %scan3A_32 = arith.constant 128 : i32
      %dma_wait3A = arith.constant 0 : i32
      %dma_wait3A_33 = arith.constant 0 : i32
      %dma_wait3A_34 = tpu.memref_slice %arg5[%dma_wait3A, %dma_wait3A_33] : memref<96x128xi32, #tpu.memory_space<vmem>> -> memref<96x128xi32, #tpu.memory_space<vmem>>
      %dma_wait3A_35 = arith.constant 0 : i32
      %dma_wait3A_36 = tpu.memref_slice %arg2[%mul3A_9, %dma_wait3A_35] : memref<2560x128xi32, #tpu.memory_space<hbm>> -> memref<96x128xi32, #tpu.memory_space<hbm>>
      %dma_wait3A_37 = arith.constant 0 : i32
      %dma_wait3A_38 = arith.constant 0 : i32
      %dma_wait3A_39 = tpu.memref_slice %arg5[%dma_wait3A_37, %dma_wait3A_38] : memref<96x128xi32, #tpu.memory_space<vmem>> -> memref<96x128xi32, #tpu.memory_space<vmem>>
      %dma_wait3A_40 = arith.constant 0 : i32
      %dma_wait3A_41 = tpu.memref_slice %arg2[%mul3A_9, %dma_wait3A_40] : memref<2560x128xi32, #tpu.memory_space<hbm>> -> memref<96x128xi32, #tpu.memory_space<hbm>>
      tpu.wait_dma2 semaphore(%arg7 : memref<!tpu.dma_semaphore, #tpu.memory_space<semaphore_mem>>) src(%dma_wait3A_41 : memref<96x128xi32, #tpu.memory_space<hbm>>) dst(%dma_wait3A_39 : memref<96x128xi32, #tpu.memory_space<vmem>>)
      %barrier3A = arith.constant 0 : index
      tpu.barrier barrier_id(%barrier3A)
      %scan3A_42 = arith.constant 0 : i32
      %scan3A_43 = arith.constant 12 : i32
      %scan3A_44 = arith.addi %scan3A_42, %scan3A_43 : i32
      %scan3A_45 = arith.constant 1 : i32
      scf.for %scan3A_48 = %scan3A_42 to %scan3A_44 step %scan3A_45  : i32 {
        %mul3A_49 = arith.constant 8 : i32
        %mul3A_50 = arith.muli %scan3A_48, %mul3A_49 : i32
        %add3A = arith.constant 0 : i32
        %add3A_51 = arith.addi %add3A, %mul3A_50 : i32
        %add3A_52 = arith.constant 0 : i32
        %add3A_53 = arith.addi %add3A_51, %add3A_52 : i32
        %dma_start3A_54 = arith.constant 0 : i32
        %dma_start3A_55 = tpu.memref_slice %arg5[%add3A_53, %dma_start3A_54] : memref<96x128xi32, #tpu.memory_space<vmem>> -> memref<1x128xi32, #tpu.memory_space<vmem>>
        %dma_start3A_56 = tpu.memref_squeeze %dma_start3A_55 : memref<1x128xi32, #tpu.memory_space<vmem>> -> memref<128xi32, #tpu.memory_space<vmem>>
        %dma_start3A_57 = arith.constant 0 : i32
        %dma_start3A_58 = arith.constant 0 : i32
        %dma_start3A_59 = tpu.memref_slice %arg4[%dma_start3A_57, %dma_start3A_58] : memref<10240x16xf32, #tpu.memory_space<vmem_shared>> -> memref<10240x16xf32, #tpu.memory_space<vmem_shared>>
        tpu.enqueue_indirect_dma source(%arg6 : memref<128x16xf32, #tpu.memory_space<vmem>>) target(%dma_start3A_59 : memref<10240x16xf32, #tpu.memory_space<vmem_shared>>) offsets(%dma_start3A_56 : memref<128xi32, #tpu.memory_space<vmem>>) semaphore(%arg7 : memref<!tpu.dma_semaphore, #tpu.memory_space<semaphore_mem>>) {add = true}
        %add3A_60 = arith.constant 1 : i32
        %add3A_61 = arith.addi %add3A_51, %add3A_60 : i32
        %dma_start3A_62 = arith.constant 0 : i32
        %dma_start3A_63 = tpu.memref_slice %arg5[%add3A_61, %dma_start3A_62] : memref<96x128xi32, #tpu.memory_space<vmem>> -> memref<1x128xi32, #tpu.memory_space<vmem>>
        %dma_start3A_64 = tpu.memref_squeeze %dma_start3A_63 : memref<1x128xi32, #tpu.memory_space<vmem>> -> memref<128xi32, #tpu.memory_space<vmem>>
        %dma_start3A_65 = arith.constant 0 : i32
        %dma_start3A_66 = arith.constant 0 : i32
        %dma_start3A_67 = tpu.memref_slice %arg4[%dma_start3A_65, %dma_start3A_66] : memref<10240x16xf32, #tpu.memory_space<vmem_shared>> -> memref<10240x16xf32, #tpu.memory_space<vmem_shared>>
        tpu.enqueue_indirect_dma source(%arg6 : memref<128x16xf32, #tpu.memory_space<vmem>>) target(%dma_start3A_67 : memref<10240x16xf32, #tpu.memory_space<vmem_shared>>) offsets(%dma_start3A_64 : memref<128xi32, #tpu.memory_space<vmem>>) semaphore(%arg7 : memref<!tpu.dma_semaphore, #tpu.memory_space<semaphore_mem>>) {add = true}
        %add3A_68 = arith.constant 2 : i32
        %add3A_69 = arith.addi %add3A_51, %add3A_68 : i32
        %dma_start3A_70 = arith.constant 0 : i32
        %dma_start3A_71 = tpu.memref_slice %arg5[%add3A_69, %dma_start3A_70] : memref<96x128xi32, #tpu.memory_space<vmem>> -> memref<1x128xi32, #tpu.memory_space<vmem>>
        %dma_start3A_72 = tpu.memref_squeeze %dma_start3A_71 : memref<1x128xi32, #tpu.memory_space<vmem>> -> memref<128xi32, #tpu.memory_space<vmem>>
        %dma_start3A_73 = arith.constant 0 : i32
        %dma_start3A_74 = arith.constant 0 : i32
        %dma_start3A_75 = tpu.memref_slice %arg4[%dma_start3A_73, %dma_start3A_74] : memref<10240x16xf32, #tpu.memory_space<vmem_shared>> -> memref<10240x16xf32, #tpu.memory_space<vmem_shared>>
        tpu.enqueue_indirect_dma source(%arg6 : memref<128x16xf32, #tpu.memory_space<vmem>>) target(%dma_start3A_75 : memref<10240x16xf32, #tpu.memory_space<vmem_shared>>) offsets(%dma_start3A_72 : memref<128xi32, #tpu.memory_space<vmem>>) semaphore(%arg7 : memref<!tpu.dma_semaphore, #tpu.memory_space<semaphore_mem>>) {add = true}
        %add3A_76 = arith.constant 3 : i32
        %add3A_77 = arith.addi %add3A_51, %add3A_76 : i32
        %dma_start3A_78 = arith.constant 0 : i32
        %dma_start3A_79 = tpu.memref_slice %arg5[%add3A_77, %dma_start3A_78] : memref<96x128xi32, #tpu.memory_space<vmem>> -> memref<1x128xi32, #tpu.memory_space<vmem>>
        %dma_start3A_80 = tpu.memref_squeeze %dma_start3A_79 : memref<1x128xi32, #tpu.memory_space<vmem>> -> memref<128xi32, #tpu.memory_space<vmem>>
        %dma_start3A_81 = arith.constant 0 : i32
        %dma_start3A_82 = arith.constant 0 : i32
        %dma_start3A_83 = tpu.memref_slice %arg4[%dma_start3A_81, %dma_start3A_82] : memref<10240x16xf32, #tpu.memory_space<vmem_shared>> -> memref<10240x16xf32, #tpu.memory_space<vmem_shared>>
        tpu.enqueue_indirect_dma source(%arg6 : memref<128x16xf32, #tpu.memory_space<vmem>>) target(%dma_start3A_83 : memref<10240x16xf32, #tpu.memory_space<vmem_shared>>) offsets(%dma_start3A_80 : memref<128xi32, #tpu.memory_space<vmem>>) semaphore(%arg7 : memref<!tpu.dma_semaphore, #tpu.memory_space<semaphore_mem>>) {add = true}
        %add3A_84 = arith.constant 4 : i32
        %add3A_85 = arith.addi %add3A_51, %add3A_84 : i32
        %dma_start3A_86 = arith.constant 0 : i32
        %dma_start3A_87 = tpu.memref_slice %arg5[%add3A_85, %dma_start3A_86] : memref<96x128xi32, #tpu.memory_space<vmem>> -> memref<1x128xi32, #tpu.memory_space<vmem>>
        %dma_start3A_88 = tpu.memref_squeeze %dma_start3A_87 : memref<1x128xi32, #tpu.memory_space<vmem>> -> memref<128xi32, #tpu.memory_space<vmem>>
        %dma_start3A_89 = arith.constant 0 : i32
        %dma_start3A_90 = arith.constant 0 : i32
        %dma_start3A_91 = tpu.memref_slice %arg4[%dma_start3A_89, %dma_start3A_90] : memref<10240x16xf32, #tpu.memory_space<vmem_shared>> -> memref<10240x16xf32, #tpu.memory_space<vmem_shared>>
        tpu.enqueue_indirect_dma source(%arg6 : memref<128x16xf32, #tpu.memory_space<vmem>>) target(%dma_start3A_91 : memref<10240x16xf32, #tpu.memory_space<vmem_shared>>) offsets(%dma_start3A_88 : memref<128xi32, #tpu.memory_space<vmem>>) semaphore(%arg7 : memref<!tpu.dma_semaphore, #tpu.memory_space<semaphore_mem>>) {add = true}
        %add3A_92 = arith.constant 5 : i32
        %add3A_93 = arith.addi %add3A_51, %add3A_92 : i32
        %dma_start3A_94 = arith.constant 0 : i32
        %dma_start3A_95 = tpu.memref_slice %arg5[%add3A_93, %dma_start3A_94] : memref<96x128xi32, #tpu.memory_space<vmem>> -> memref<1x128xi32, #tpu.memory_space<vmem>>
        %dma_start3A_96 = tpu.memref_squeeze %dma_start3A_95 : memref<1x128xi32, #tpu.memory_space<vmem>> -> memref<128xi32, #tpu.memory_space<vmem>>
        %dma_start3A_97 = arith.constant 0 : i32
        %dma_start3A_98 = arith.constant 0 : i32
        %dma_start3A_99 = tpu.memref_slice %arg4[%dma_start3A_97, %dma_start3A_98] : memref<10240x16xf32, #tpu.memory_space<vmem_shared>> -> memref<10240x16xf32, #tpu.memory_space<vmem_shared>>
        tpu.enqueue_indirect_dma source(%arg6 : memref<128x16xf32, #tpu.memory_space<vmem>>) target(%dma_start3A_99 : memref<10240x16xf32, #tpu.memory_space<vmem_shared>>) offsets(%dma_start3A_96 : memref<128xi32, #tpu.memory_space<vmem>>) semaphore(%arg7 : memref<!tpu.dma_semaphore, #tpu.memory_space<semaphore_mem>>) {add = true}
        %add3A_100 = arith.constant 6 : i32
        %add3A_101 = arith.addi %add3A_51, %add3A_100 : i32
        %dma_start3A_102 = arith.constant 0 : i32
        %dma_start3A_103 = tpu.memref_slice %arg5[%add3A_101, %dma_start3A_102] : memref<96x128xi32, #tpu.memory_space<vmem>> -> memref<1x128xi32, #tpu.memory_space<vmem>>
        %dma_start3A_104 = tpu.memref_squeeze %dma_start3A_103 : memref<1x128xi32, #tpu.memory_space<vmem>> -> memref<128xi32, #tpu.memory_space<vmem>>
        %dma_start3A_105 = arith.constant 0 : i32
        %dma_start3A_106 = arith.constant 0 : i32
        %dma_start3A_107 = tpu.memref_slice %arg4[%dma_start3A_105, %dma_start3A_106] : memref<10240x16xf32, #tpu.memory_space<vmem_shared>> -> memref<10240x16xf32, #tpu.memory_space<vmem_shared>>
        tpu.enqueue_indirect_dma source(%arg6 : memref<128x16xf32, #tpu.memory_space<vmem>>) target(%dma_start3A_107 : memref<10240x16xf32, #tpu.memory_space<vmem_shared>>) offsets(%dma_start3A_104 : memref<128xi32, #tpu.memory_space<vmem>>) semaphore(%arg7 : memref<!tpu.dma_semaphore, #tpu.memory_space<semaphore_mem>>) {add = true}
        %add3A_108 = arith.constant 7 : i32
        %add3A_109 = arith.addi %add3A_51, %add3A_108 : i32
        %dma_start3A_110 = arith.constant 0 : i32
        %dma_start3A_111 = tpu.memref_slice %arg5[%add3A_109, %dma_start3A_110] : memref<96x128xi32, #tpu.memory_space<vmem>> -> memref<1x128xi32, #tpu.memory_space<vmem>>
        %dma_start3A_112 = tpu.memref_squeeze %dma_start3A_111 : memref<1x128xi32, #tpu.memory_space<vmem>> -> memref<128xi32, #tpu.memory_space<vmem>>
        %dma_start3A_113 = arith.constant 0 : i32
        %dma_start3A_114 = arith.constant 0 : i32
        %dma_start3A_115 = tpu.memref_slice %arg4[%dma_start3A_113, %dma_start3A_114] : memref<10240x16xf32, #tpu.memory_space<vmem_shared>> -> memref<10240x16xf32, #tpu.memory_space<vmem_shared>>
        tpu.enqueue_indirect_dma source(%arg6 : memref<128x16xf32, #tpu.memory_space<vmem>>) target(%dma_start3A_115 : memref<10240x16xf32, #tpu.memory_space<vmem_shared>>) offsets(%dma_start3A_112 : memref<128xi32, #tpu.memory_space<vmem>>) semaphore(%arg7 : memref<!tpu.dma_semaphore, #tpu.memory_space<semaphore_mem>>) {add = true}
        %dma_wait3A_116 = arith.constant 0 : i32
        %dma_wait3A_117 = tpu.memref_slice %arg5[%add3A_53, %dma_wait3A_116] : memref<96x128xi32, #tpu.memory_space<vmem>> -> memref<1x128xi32, #tpu.memory_space<vmem>>
        %dma_wait3A_118 = tpu.memref_squeeze %dma_wait3A_117 : memref<1x128xi32, #tpu.memory_space<vmem>> -> memref<128xi32, #tpu.memory_space<vmem>>
        %dma_wait3A_119 = arith.constant 0 : i32
        %dma_wait3A_120 = arith.constant 0 : i32
        %dma_wait3A_121 = tpu.memref_slice %arg4[%dma_wait3A_119, %dma_wait3A_120] : memref<10240x16xf32, #tpu.memory_space<vmem_shared>> -> memref<10240x16xf32, #tpu.memory_space<vmem_shared>>
        tpu.wait_indirect_dma semaphore(%arg7 : memref<!tpu.dma_semaphore, #tpu.memory_space<semaphore_mem>>) src(%arg6 : memref<128x16xf32, #tpu.memory_space<vmem>>) dst(%dma_wait3A_121 : memref<10240x16xf32, #tpu.memory_space<vmem_shared>>)
        %dma_wait3A_122 = arith.constant 0 : i32
        %dma_wait3A_123 = tpu.memref_slice %arg5[%add3A_61, %dma_wait3A_122] : memref<96x128xi32, #tpu.memory_space<vmem>> -> memref<1x128xi32, #tpu.memory_space<vmem>>
        %dma_wait3A_124 = tpu.memref_squeeze %dma_wait3A_123 : memref<1x128xi32, #tpu.memory_space<vmem>> -> memref<128xi32, #tpu.memory_space<vmem>>
        %dma_wait3A_125 = arith.constant 0 : i32
        %dma_wait3A_126 = arith.constant 0 : i32
        %dma_wait3A_127 = tpu.memref_slice %arg4[%dma_wait3A_125, %dma_wait3A_126] : memref<10240x16xf32, #tpu.memory_space<vmem_shared>> -> memref<10240x16xf32, #tpu.memory_space<vmem_shared>>
        tpu.wait_indirect_dma semaphore(%arg7 : memref<!tpu.dma_semaphore, #tpu.memory_space<semaphore_mem>>) src(%arg6 : memref<128x16xf32, #tpu.memory_space<vmem>>) dst(%dma_wait3A_127 : memref<10240x16xf32, #tpu.memory_space<vmem_shared>>)
        %dma_wait3A_128 = arith.constant 0 : i32
        %dma_wait3A_129 = tpu.memref_slice %arg5[%add3A_69, %dma_wait3A_128] : memref<96x128xi32, #tpu.memory_space<vmem>> -> memref<1x128xi32, #tpu.memory_space<vmem>>
        %dma_wait3A_130 = tpu.memref_squeeze %dma_wait3A_129 : memref<1x128xi32, #tpu.memory_space<vmem>> -> memref<128xi32, #tpu.memory_space<vmem>>
        %dma_wait3A_131 = arith.constant 0 : i32
        %dma_wait3A_132 = arith.constant 0 : i32
        %dma_wait3A_133 = tpu.memref_slice %arg4[%dma_wait3A_131, %dma_wait3A_132] : memref<10240x16xf32, #tpu.memory_space<vmem_shared>> -> memref<10240x16xf32, #tpu.memory_space<vmem_shared>>
        tpu.wait_indirect_dma semaphore(%arg7 : memref<!tpu.dma_semaphore, #tpu.memory_space<semaphore_mem>>) src(%arg6 : memref<128x16xf32, #tpu.memory_space<vmem>>) dst(%dma_wait3A_133 : memref<10240x16xf32, #tpu.memory_space<vmem_shared>>)
        %dma_wait3A_134 = arith.constant 0 : i32
        %dma_wait3A_135 = tpu.memref_slice %arg5[%add3A_77, %dma_wait3A_134] : memref<96x128xi32, #tpu.memory_space<vmem>> -> memref<1x128xi32, #tpu.memory_space<vmem>>
        %dma_wait3A_136 = tpu.memref_squeeze %dma_wait3A_135 : memref<1x128xi32, #tpu.memory_space<vmem>> -> memref<128xi32, #tpu.memory_space<vmem>>
        %dma_wait3A_137 = arith.constant 0 : i32
        %dma_wait3A_138 = arith.constant 0 : i32
        %dma_wait3A_139 = tpu.memref_slice %arg4[%dma_wait3A_137, %dma_wait3A_138] : memref<10240x16xf32, #tpu.memory_space<vmem_shared>> -> memref<10240x16xf32, #tpu.memory_space<vmem_shared>>
        tpu.wait_indirect_dma semaphore(%arg7 : memref<!tpu.dma_semaphore, #tpu.memory_space<semaphore_mem>>) src(%arg6 : memref<128x16xf32, #tpu.memory_space<vmem>>) dst(%dma_wait3A_139 : memref<10240x16xf32, #tpu.memory_space<vmem_shared>>)
        %dma_wait3A_140 = arith.constant 0 : i32
        %dma_wait3A_141 = tpu.memref_slice %arg5[%add3A_85, %dma_wait3A_140] : memref<96x128xi32, #tpu.memory_space<vmem>> -> memref<1x128xi32, #tpu.memory_space<vmem>>
        %dma_wait3A_142 = tpu.memref_squeeze %dma_wait3A_141 : memref<1x128xi32, #tpu.memory_space<vmem>> -> memref<128xi32, #tpu.memory_space<vmem>>
        %dma_wait3A_143 = arith.constant 0 : i32
        %dma_wait3A_144 = arith.constant 0 : i32
        %dma_wait3A_145 = tpu.memref_slice %arg4[%dma_wait3A_143, %dma_wait3A_144] : memref<10240x16xf32, #tpu.memory_space<vmem_shared>> -> memref<10240x16xf32, #tpu.memory_space<vmem_shared>>
        tpu.wait_indirect_dma semaphore(%arg7 : memref<!tpu.dma_semaphore, #tpu.memory_space<semaphore_mem>>) src(%arg6 : memref<128x16xf32, #tpu.memory_space<vmem>>) dst(%dma_wait3A_145 : memref<10240x16xf32, #tpu.memory_space<vmem_shared>>)
        %dma_wait3A_146 = arith.constant 0 : i32
        %dma_wait3A_147 = tpu.memref_slice %arg5[%add3A_93, %dma_wait3A_146] : memref<96x128xi32, #tpu.memory_space<vmem>> -> memref<1x128xi32, #tpu.memory_space<vmem>>
        %dma_wait3A_148 = tpu.memref_squeeze %dma_wait3A_147 : memref<1x128xi32, #tpu.memory_space<vmem>> -> memref<128xi32, #tpu.memory_space<vmem>>
        %dma_wait3A_149 = arith.constant 0 : i32
        %dma_wait3A_150 = arith.constant 0 : i32
        %dma_wait3A_151 = tpu.memref_slice %arg4[%dma_wait3A_149, %dma_wait3A_150] : memref<10240x16xf32, #tpu.memory_space<vmem_shared>> -> memref<10240x16xf32, #tpu.memory_space<vmem_shared>>
        tpu.wait_indirect_dma semaphore(%arg7 : memref<!tpu.dma_semaphore, #tpu.memory_space<semaphore_mem>>) src(%arg6 : memref<128x16xf32, #tpu.memory_space<vmem>>) dst(%dma_wait3A_151 : memref<10240x16xf32, #tpu.memory_space<vmem_shared>>)
        %dma_wait3A_152 = arith.constant 0 : i32
        %dma_wait3A_153 = tpu.memref_slice %arg5[%add3A_101, %dma_wait3A_152] : memref<96x128xi32, #tpu.memory_space<vmem>> -> memref<1x128xi32, #tpu.memory_space<vmem>>
        %dma_wait3A_154 = tpu.memref_squeeze %dma_wait3A_153 : memref<1x128xi32, #tpu.memory_space<vmem>> -> memref<128xi32, #tpu.memory_space<vmem>>
        %dma_wait3A_155 = arith.constant 0 : i32
        %dma_wait3A_156 = arith.constant 0 : i32
        %dma_wait3A_157 = tpu.memref_slice %arg4[%dma_wait3A_155, %dma_wait3A_156] : memref<10240x16xf32, #tpu.memory_space<vmem_shared>> -> memref<10240x16xf32, #tpu.memory_space<vmem_shared>>
        tpu.wait_indirect_dma semaphore(%arg7 : memref<!tpu.dma_semaphore, #tpu.memory_space<semaphore_mem>>) src(%arg6 : memref<128x16xf32, #tpu.memory_space<vmem>>) dst(%dma_wait3A_157 : memref<10240x16xf32, #tpu.memory_space<vmem_shared>>)
        %dma_wait3A_158 = arith.constant 0 : i32
        %dma_wait3A_159 = tpu.memref_slice %arg5[%add3A_109, %dma_wait3A_158] : memref<96x128xi32, #tpu.memory_space<vmem>> -> memref<1x128xi32, #tpu.memory_space<vmem>>
        %dma_wait3A_160 = tpu.memref_squeeze %dma_wait3A_159 : memref<1x128xi32, #tpu.memory_space<vmem>> -> memref<128xi32, #tpu.memory_space<vmem>>
        %dma_wait3A_161 = arith.constant 0 : i32
        %dma_wait3A_162 = arith.constant 0 : i32
        %dma_wait3A_163 = tpu.memref_slice %arg4[%dma_wait3A_161, %dma_wait3A_162] : memref<10240x16xf32, #tpu.memory_space<vmem_shared>> -> memref<10240x16xf32, #tpu.memory_space<vmem_shared>>
        tpu.wait_indirect_dma semaphore(%arg7 : memref<!tpu.dma_semaphore, #tpu.memory_space<semaphore_mem>>) src(%arg6 : memref<128x16xf32, #tpu.memory_space<vmem>>) dst(%dma_wait3A_163 : memref<10240x16xf32, #tpu.memory_space<vmem_shared>>)
      }
      %scan3A_46 = arith.constant 12 : i32
      %barrier3A_47 = arith.constant 0 : index
      tpu.barrier barrier_id(%barrier3A_47)
      "tpu.region"() ({
        %run_scoped3A = tpu.sem_alloc : memref<!tpu.dma_semaphore, #tpu.memory_space<semaphore_mem>>
        %dma_start3A_48 = arith.constant 0 : i32
        %dma_start3A_49 = tpu.memref_slice %arg3[%arg0, %mul3A_0, %dma_start3A_48] : memref<2x10240x16xf32, #tpu.memory_space<hbm>> -> memref<1x640x16xf32, #tpu.memory_space<hbm>>
        %dma_start3A_50 = tpu.memref_squeeze %dma_start3A_49 : memref<1x640x16xf32, #tpu.memory_space<hbm>> -> memref<640x16xf32, #tpu.memory_space<hbm>>
        %dma_start3A_51 = arith.constant 0 : i32
        %dma_start3A_52 = tpu.memref_slice %arg4[%mul3A_0, %dma_start3A_51] : memref<10240x16xf32, #tpu.memory_space<vmem_shared>> -> memref<640x16xf32, #tpu.memory_space<vmem_shared>>
        tpu.enqueue_dma source(%dma_start3A_52 : memref<640x16xf32, #tpu.memory_space<vmem_shared>>) target(%dma_start3A_50 : memref<640x16xf32, #tpu.memory_space<hbm>>) target_semaphore(%run_scoped3A : memref<!tpu.dma_semaphore, #tpu.memory_space<semaphore_mem>>)
        %dma_wait3A_53 = arith.constant 0 : i32
        %dma_wait3A_54 = tpu.memref_slice %arg3[%arg0, %mul3A_0, %dma_wait3A_53] : memref<2x10240x16xf32, #tpu.memory_space<hbm>> -> memref<1x640x16xf32, #tpu.memory_space<hbm>>
        %dma_wait3A_55 = tpu.memref_squeeze %dma_wait3A_54 : memref<1x640x16xf32, #tpu.memory_space<hbm>> -> memref<640x16xf32, #tpu.memory_space<hbm>>
        %dma_wait3A_56 = arith.constant 0 : i32
        %dma_wait3A_57 = tpu.memref_slice %arg4[%mul3A_0, %dma_wait3A_56] : memref<10240x16xf32, #tpu.memory_space<vmem_shared>> -> memref<640x16xf32, #tpu.memory_space<vmem_shared>>
        tpu.wait_dma2 semaphore(%run_scoped3A : memref<!tpu.dma_semaphore, #tpu.memory_space<semaphore_mem>>) src(%dma_wait3A_57 : memref<640x16xf32, #tpu.memory_space<vmem_shared>>) dst(%dma_wait3A_55 : memref<640x16xf32, #tpu.memory_space<hbm>>)
        tpu.yield
      }) : () -> ()
    } else {
    }
    %eq3A_3 = arith.constant 1 : i32
    %eq3A_4 = arith.cmpi eq, %arg0, %eq3A_3 : i32
    %convert_element_type3A_5 = arith.extui %eq3A_4 : i1 to i32
    %cond3A_6 = arith.constant 0 : i32
    %cond3A_7 = arith.cmpi ne, %convert_element_type3A_5, %cond3A_6 : i32
    scf.if %cond3A_7 {
      %mul3A_8 = arith.constant 64 : i32
      %mul3A_9 = arith.muli %arg1, %mul3A_8 : i32
      %add3A = arith.constant 1536 : i32
      %add3A_10 = arith.addi %add3A, %mul3A_9 : i32
      %scan3A = arith.constant 0 : i32
      %scan3A_11 = arith.constant 128 : i32
      %scan3A_12 = arith.addi %scan3A, %scan3A_11 : i32
      %scan3A_13 = arith.constant 1 : i32
      scf.for %scan3A_49 = %scan3A to %scan3A_12 step %scan3A_13  : i32 {
        %mul3A_50 = arith.constant 1 : i32
        %mul3A_51 = arith.muli %scan3A_49, %mul3A_50 : i32
        %add3A_52 = arith.constant 0 : i32
        %add3A_53 = arith.addi %add3A_52, %mul3A_51 : i32
        %broadcast_in_dim3A = arith.constant 0.000000e+00 : f32
        %broadcast_in_dim3A_54 = vector.broadcast %broadcast_in_dim3A : f32 to vector<16xf32>
        %swap3A = arith.index_cast %add3A_53 : i32 to index
        %swap3A_55 = arith.constant 0 : index
        %swap3A_56 = tpu.vector_load %arg6[%swap3A, %swap3A_55] {strides = array<i32>} : memref<128x16xf32, #tpu.memory_space<vmem>>, vector<1x16xf32>,
        %swap3A_57 = vector.shape_cast %swap3A_56 : vector<1x16xf32> to vector<16xf32>
        %swap3A_58 = vector.shape_cast %broadcast_in_dim3A_54 : vector<16xf32> to vector<1x16xf32>
        tpu.vector_store %arg6[%swap3A, %swap3A_55], %swap3A_58 {strides = array<i32>} : memref<128x16xf32, #tpu.memory_space<vmem>>, vector<1x16xf32>,
      }
      %scan3A_14 = arith.constant 128 : i32
      %dma_start3A = arith.constant 0 : i32
      %dma_start3A_15 = arith.constant 0 : i32
      %dma_start3A_16 = tpu.memref_slice %arg5[%dma_start3A, %dma_start3A_15] : memref<96x128xi32, #tpu.memory_space<vmem>> -> memref<64x128xi32, #tpu.memory_space<vmem>>
      %dma_start3A_17 = arith.constant 0 : i32
      %dma_start3A_18 = tpu.memref_slice %arg2[%add3A_10, %dma_start3A_17] : memref<2560x128xi32, #tpu.memory_space<hbm>> -> memref<64x128xi32, #tpu.memory_space<hbm>>
      %dma_start3A_19 = arith.constant 0 : i32
      %dma_start3A_20 = arith.constant 0 : i32
      %dma_start3A_21 = tpu.memref_slice %arg5[%dma_start3A_19, %dma_start3A_20] : memref<96x128xi32, #tpu.memory_space<vmem>> -> memref<64x128xi32, #tpu.memory_space<vmem>>
      %dma_start3A_22 = arith.constant 0 : i32
      %dma_start3A_23 = tpu.memref_slice %arg2[%add3A_10, %dma_start3A_22] : memref<2560x128xi32, #tpu.memory_space<hbm>> -> memref<64x128xi32, #tpu.memory_space<hbm>>
      tpu.enqueue_dma source(%dma_start3A_23 : memref<64x128xi32, #tpu.memory_space<hbm>>) target(%dma_start3A_21 : memref<64x128xi32, #tpu.memory_space<vmem>>) target_semaphore(%arg7 : memref<!tpu.dma_semaphore, #tpu.memory_space<semaphore_mem>>)
      %scan3A_24 = arith.constant 0 : i32
      %scan3A_25 = arith.constant 5 : i32
      %scan3A_26 = arith.addi %scan3A_24, %scan3A_25 : i32
      %scan3A_27 = arith.constant 1 : i32
      scf.for %scan3A_49 = %scan3A_24 to %scan3A_26 step %scan3A_27  : i32 {
        %mul3A_50 = arith.constant 1 : i32
        %mul3A_51 = arith.muli %scan3A_49, %mul3A_50 : i32
        %add3A_52 = arith.constant 0 : i32
        %add3A_53 = arith.addi %add3A_52, %mul3A_51 : i32
        %mul3A_54 = arith.constant 128 : i32
        %mul3A_55 = arith.muli %add3A_53, %mul3A_54 : i32
        %add3A_56 = arith.addi %mul3A_0, %mul3A_55 : i32
        "tpu.region"() ({
          %run_scoped3A = tpu.sem_alloc : memref<!tpu.dma_semaphore, #tpu.memory_space<semaphore_mem>>
          %dma_start3A_57 = arith.constant 0 : i32
          %dma_start3A_58 = tpu.memref_slice %arg4[%add3A_56, %dma_start3A_57] : memref<10240x16xf32, #tpu.memory_space<vmem_shared>> -> memref<128x16xf32, #tpu.memory_space<vmem_shared>>
          %dma_start3A_59 = arith.constant 0 : i32
          %dma_start3A_60 = tpu.memref_slice %arg4[%add3A_56, %dma_start3A_59] : memref<10240x16xf32, #tpu.memory_space<vmem_shared>> -> memref<128x16xf32, #tpu.memory_space<vmem_shared>>
          tpu.enqueue_dma source(%arg6 : memref<128x16xf32, #tpu.memory_space<vmem>>) target(%dma_start3A_60 : memref<128x16xf32, #tpu.memory_space<vmem_shared>>) target_semaphore(%run_scoped3A : memref<!tpu.dma_semaphore, #tpu.memory_space<semaphore_mem>>)
          %dma_wait3A_61 = arith.constant 0 : i32
          %dma_wait3A_62 = tpu.memref_slice %arg4[%add3A_56, %dma_wait3A_61] : memref<10240x16xf32, #tpu.memory_space<vmem_shared>> -> memref<128x16xf32, #tpu.memory_space<vmem_shared>>
          %dma_wait3A_63 = arith.constant 0 : i32
          %dma_wait3A_64 = tpu.memref_slice %arg4[%add3A_56, %dma_wait3A_63] : memref<10240x16xf32, #tpu.memory_space<vmem_shared>> -> memref<128x16xf32, #tpu.memory_space<vmem_shared>>
          tpu.wait_dma2 semaphore(%run_scoped3A : memref<!tpu.dma_semaphore, #tpu.memory_space<semaphore_mem>>) src(%arg6 : memref<128x16xf32, #tpu.memory_space<vmem>>) dst(%dma_wait3A_64 : memref<128x16xf32, #tpu.memory_space<vmem_shared>>)
          tpu.yield
        }) : () -> ()
      }
      %scan3A_28 = arith.constant 5 : i32
      %scan3A_29 = arith.constant 0 : i32
      %scan3A_30 = arith.constant 128 : i32
      %scan3A_31 = arith.addi %scan3A_29, %scan3A_30 : i32
      %scan3A_32 = arith.constant 1 : i32
      scf.for %scan3A_49 = %scan3A_29 to %scan3A_31 step %scan3A_32  : i32 {
        %mul3A_50 = arith.constant 1 : i32
        %mul3A_51 = arith.muli %scan3A_49, %mul3A_50 : i32
        %add3A_52 = arith.constant 0 : i32
        %add3A_53 = arith.addi %add3A_52, %mul3A_51 : i32
        %broadcast_in_dim3A = arith.constant 1.000000e+00 : f32
        %broadcast_in_dim3A_54 = vector.broadcast %broadcast_in_dim3A : f32 to vector<16xf32>
        %swap3A = arith.index_cast %add3A_53 : i32 to index
        %swap3A_55 = arith.constant 0 : index
        %swap3A_56 = tpu.vector_load %arg6[%swap3A, %swap3A_55] {strides = array<i32>} : memref<128x16xf32, #tpu.memory_space<vmem>>, vector<1x16xf32>,
        %swap3A_57 = vector.shape_cast %swap3A_56 : vector<1x16xf32> to vector<16xf32>
        %swap3A_58 = vector.shape_cast %broadcast_in_dim3A_54 : vector<16xf32> to vector<1x16xf32>
        tpu.vector_store %arg6[%swap3A, %swap3A_55], %swap3A_58 {strides = array<i32>} : memref<128x16xf32, #tpu.memory_space<vmem>>, vector<1x16xf32>,
      }
      %scan3A_33 = arith.constant 128 : i32
      %dma_wait3A = arith.constant 0 : i32
      %dma_wait3A_34 = arith.constant 0 : i32
      %dma_wait3A_35 = tpu.memref_slice %arg5[%dma_wait3A, %dma_wait3A_34] : memref<96x128xi32, #tpu.memory_space<vmem>> -> memref<64x128xi32, #tpu.memory_space<vmem>>
      %dma_wait3A_36 = arith.constant 0 : i32
      %dma_wait3A_37 = tpu.memref_slice %arg2[%add3A_10, %dma_wait3A_36] : memref<2560x128xi32, #tpu.memory_space<hbm>> -> memref<64x128xi32, #tpu.memory_space<hbm>>
      %dma_wait3A_38 = arith.constant 0 : i32
      %dma_wait3A_39 = arith.constant 0 : i32
      %dma_wait3A_40 = tpu.memref_slice %arg5[%dma_wait3A_38, %dma_wait3A_39] : memref<96x128xi32, #tpu.memory_space<vmem>> -> memref<64x128xi32, #tpu.memory_space<vmem>>
      %dma_wait3A_41 = arith.constant 0 : i32
      %dma_wait3A_42 = tpu.memref_slice %arg2[%add3A_10, %dma_wait3A_41] : memref<2560x128xi32, #tpu.memory_space<hbm>> -> memref<64x128xi32, #tpu.memory_space<hbm>>
      tpu.wait_dma2 semaphore(%arg7 : memref<!tpu.dma_semaphore, #tpu.memory_space<semaphore_mem>>) src(%dma_wait3A_42 : memref<64x128xi32, #tpu.memory_space<hbm>>) dst(%dma_wait3A_40 : memref<64x128xi32, #tpu.memory_space<vmem>>)
      %barrier3A = arith.constant 0 : index
      tpu.barrier barrier_id(%barrier3A)
      %scan3A_43 = arith.constant 0 : i32
      %scan3A_44 = arith.constant 8 : i32
      %scan3A_45 = arith.addi %scan3A_43, %scan3A_44 : i32
      %scan3A_46 = arith.constant 1 : i32
      scf.for %scan3A_49 = %scan3A_43 to %scan3A_45 step %scan3A_46  : i32 {
        %mul3A_50 = arith.constant 8 : i32
        %mul3A_51 = arith.muli %scan3A_49, %mul3A_50 : i32
        %add3A_52 = arith.constant 0 : i32
        %add3A_53 = arith.addi %add3A_52, %mul3A_51 : i32
        %add3A_54 = arith.constant 0 : i32
        %add3A_55 = arith.addi %add3A_53, %add3A_54 : i32
        %dma_start3A_56 = arith.constant 0 : i32
        %dma_start3A_57 = tpu.memref_slice %arg5[%add3A_55, %dma_start3A_56] : memref<96x128xi32, #tpu.memory_space<vmem>> -> memref<1x128xi32, #tpu.memory_space<vmem>>
        %dma_start3A_58 = tpu.memref_squeeze %dma_start3A_57 : memref<1x128xi32, #tpu.memory_space<vmem>> -> memref<128xi32, #tpu.memory_space<vmem>>
        %dma_start3A_59 = arith.constant 0 : i32
        %dma_start3A_60 = arith.constant 0 : i32
        %dma_start3A_61 = tpu.memref_slice %arg4[%dma_start3A_59, %dma_start3A_60] : memref<10240x16xf32, #tpu.memory_space<vmem_shared>> -> memref<10240x16xf32, #tpu.memory_space<vmem_shared>>
        tpu.enqueue_indirect_dma source(%arg6 : memref<128x16xf32, #tpu.memory_space<vmem>>) target(%dma_start3A_61 : memref<10240x16xf32, #tpu.memory_space<vmem_shared>>) offsets(%dma_start3A_58 : memref<128xi32, #tpu.memory_space<vmem>>) semaphore(%arg7 : memref<!tpu.dma_semaphore, #tpu.memory_space<semaphore_mem>>) {add = true}
        %add3A_62 = arith.constant 1 : i32
        %add3A_63 = arith.addi %add3A_53, %add3A_62 : i32
        %dma_start3A_64 = arith.constant 0 : i32
        %dma_start3A_65 = tpu.memref_slice %arg5[%add3A_63, %dma_start3A_64] : memref<96x128xi32, #tpu.memory_space<vmem>> -> memref<1x128xi32, #tpu.memory_space<vmem>>
        %dma_start3A_66 = tpu.memref_squeeze %dma_start3A_65 : memref<1x128xi32, #tpu.memory_space<vmem>> -> memref<128xi32, #tpu.memory_space<vmem>>
        %dma_start3A_67 = arith.constant 0 : i32
        %dma_start3A_68 = arith.constant 0 : i32
        %dma_start3A_69 = tpu.memref_slice %arg4[%dma_start3A_67, %dma_start3A_68] : memref<10240x16xf32, #tpu.memory_space<vmem_shared>> -> memref<10240x16xf32, #tpu.memory_space<vmem_shared>>
        tpu.enqueue_indirect_dma source(%arg6 : memref<128x16xf32, #tpu.memory_space<vmem>>) target(%dma_start3A_69 : memref<10240x16xf32, #tpu.memory_space<vmem_shared>>) offsets(%dma_start3A_66 : memref<128xi32, #tpu.memory_space<vmem>>) semaphore(%arg7 : memref<!tpu.dma_semaphore, #tpu.memory_space<semaphore_mem>>) {add = true}
        %add3A_70 = arith.constant 2 : i32
        %add3A_71 = arith.addi %add3A_53, %add3A_70 : i32
        %dma_start3A_72 = arith.constant 0 : i32
        %dma_start3A_73 = tpu.memref_slice %arg5[%add3A_71, %dma_start3A_72] : memref<96x128xi32, #tpu.memory_space<vmem>> -> memref<1x128xi32, #tpu.memory_space<vmem>>
        %dma_start3A_74 = tpu.memref_squeeze %dma_start3A_73 : memref<1x128xi32, #tpu.memory_space<vmem>> -> memref<128xi32, #tpu.memory_space<vmem>>
        %dma_start3A_75 = arith.constant 0 : i32
        %dma_start3A_76 = arith.constant 0 : i32
        %dma_start3A_77 = tpu.memref_slice %arg4[%dma_start3A_75, %dma_start3A_76] : memref<10240x16xf32, #tpu.memory_space<vmem_shared>> -> memref<10240x16xf32, #tpu.memory_space<vmem_shared>>
        tpu.enqueue_indirect_dma source(%arg6 : memref<128x16xf32, #tpu.memory_space<vmem>>) target(%dma_start3A_77 : memref<10240x16xf32, #tpu.memory_space<vmem_shared>>) offsets(%dma_start3A_74 : memref<128xi32, #tpu.memory_space<vmem>>) semaphore(%arg7 : memref<!tpu.dma_semaphore, #tpu.memory_space<semaphore_mem>>) {add = true}
        %add3A_78 = arith.constant 3 : i32
        %add3A_79 = arith.addi %add3A_53, %add3A_78 : i32
        %dma_start3A_80 = arith.constant 0 : i32
        %dma_start3A_81 = tpu.memref_slice %arg5[%add3A_79, %dma_start3A_80] : memref<96x128xi32, #tpu.memory_space<vmem>> -> memref<1x128xi32, #tpu.memory_space<vmem>>
        %dma_start3A_82 = tpu.memref_squeeze %dma_start3A_81 : memref<1x128xi32, #tpu.memory_space<vmem>> -> memref<128xi32, #tpu.memory_space<vmem>>
        %dma_start3A_83 = arith.constant 0 : i32
        %dma_start3A_84 = arith.constant 0 : i32
        %dma_start3A_85 = tpu.memref_slice %arg4[%dma_start3A_83, %dma_start3A_84] : memref<10240x16xf32, #tpu.memory_space<vmem_shared>> -> memref<10240x16xf32, #tpu.memory_space<vmem_shared>>
        tpu.enqueue_indirect_dma source(%arg6 : memref<128x16xf32, #tpu.memory_space<vmem>>) target(%dma_start3A_85 : memref<10240x16xf32, #tpu.memory_space<vmem_shared>>) offsets(%dma_start3A_82 : memref<128xi32, #tpu.memory_space<vmem>>) semaphore(%arg7 : memref<!tpu.dma_semaphore, #tpu.memory_space<semaphore_mem>>) {add = true}
        %add3A_86 = arith.constant 4 : i32
        %add3A_87 = arith.addi %add3A_53, %add3A_86 : i32
        %dma_start3A_88 = arith.constant 0 : i32
        %dma_start3A_89 = tpu.memref_slice %arg5[%add3A_87, %dma_start3A_88] : memref<96x128xi32, #tpu.memory_space<vmem>> -> memref<1x128xi32, #tpu.memory_space<vmem>>
        %dma_start3A_90 = tpu.memref_squeeze %dma_start3A_89 : memref<1x128xi32, #tpu.memory_space<vmem>> -> memref<128xi32, #tpu.memory_space<vmem>>
        %dma_start3A_91 = arith.constant 0 : i32
        %dma_start3A_92 = arith.constant 0 : i32
        %dma_start3A_93 = tpu.memref_slice %arg4[%dma_start3A_91, %dma_start3A_92] : memref<10240x16xf32, #tpu.memory_space<vmem_shared>> -> memref<10240x16xf32, #tpu.memory_space<vmem_shared>>
        tpu.enqueue_indirect_dma source(%arg6 : memref<128x16xf32, #tpu.memory_space<vmem>>) target(%dma_start3A_93 : memref<10240x16xf32, #tpu.memory_space<vmem_shared>>) offsets(%dma_start3A_90 : memref<128xi32, #tpu.memory_space<vmem>>) semaphore(%arg7 : memref<!tpu.dma_semaphore, #tpu.memory_space<semaphore_mem>>) {add = true}
        %add3A_94 = arith.constant 5 : i32
        %add3A_95 = arith.addi %add3A_53, %add3A_94 : i32
        %dma_start3A_96 = arith.constant 0 : i32
        %dma_start3A_97 = tpu.memref_slice %arg5[%add3A_95, %dma_start3A_96] : memref<96x128xi32, #tpu.memory_space<vmem>> -> memref<1x128xi32, #tpu.memory_space<vmem>>
        %dma_start3A_98 = tpu.memref_squeeze %dma_start3A_97 : memref<1x128xi32, #tpu.memory_space<vmem>> -> memref<128xi32, #tpu.memory_space<vmem>>
        %dma_start3A_99 = arith.constant 0 : i32
        %dma_start3A_100 = arith.constant 0 : i32
        %dma_start3A_101 = tpu.memref_slice %arg4[%dma_start3A_99, %dma_start3A_100] : memref<10240x16xf32, #tpu.memory_space<vmem_shared>> -> memref<10240x16xf32, #tpu.memory_space<vmem_shared>>
        tpu.enqueue_indirect_dma source(%arg6 : memref<128x16xf32, #tpu.memory_space<vmem>>) target(%dma_start3A_101 : memref<10240x16xf32, #tpu.memory_space<vmem_shared>>) offsets(%dma_start3A_98 : memref<128xi32, #tpu.memory_space<vmem>>) semaphore(%arg7 : memref<!tpu.dma_semaphore, #tpu.memory_space<semaphore_mem>>) {add = true}
        %add3A_102 = arith.constant 6 : i32
        %add3A_103 = arith.addi %add3A_53, %add3A_102 : i32
        %dma_start3A_104 = arith.constant 0 : i32
        %dma_start3A_105 = tpu.memref_slice %arg5[%add3A_103, %dma_start3A_104] : memref<96x128xi32, #tpu.memory_space<vmem>> -> memref<1x128xi32, #tpu.memory_space<vmem>>
        %dma_start3A_106 = tpu.memref_squeeze %dma_start3A_105 : memref<1x128xi32, #tpu.memory_space<vmem>> -> memref<128xi32, #tpu.memory_space<vmem>>
        %dma_start3A_107 = arith.constant 0 : i32
        %dma_start3A_108 = arith.constant 0 : i32
        %dma_start3A_109 = tpu.memref_slice %arg4[%dma_start3A_107, %dma_start3A_108] : memref<10240x16xf32, #tpu.memory_space<vmem_shared>> -> memref<10240x16xf32, #tpu.memory_space<vmem_shared>>
        tpu.enqueue_indirect_dma source(%arg6 : memref<128x16xf32, #tpu.memory_space<vmem>>) target(%dma_start3A_109 : memref<10240x16xf32, #tpu.memory_space<vmem_shared>>) offsets(%dma_start3A_106 : memref<128xi32, #tpu.memory_space<vmem>>) semaphore(%arg7 : memref<!tpu.dma_semaphore, #tpu.memory_space<semaphore_mem>>) {add = true}
        %add3A_110 = arith.constant 7 : i32
        %add3A_111 = arith.addi %add3A_53, %add3A_110 : i32
        %dma_start3A_112 = arith.constant 0 : i32
        %dma_start3A_113 = tpu.memref_slice %arg5[%add3A_111, %dma_start3A_112] : memref<96x128xi32, #tpu.memory_space<vmem>> -> memref<1x128xi32, #tpu.memory_space<vmem>>
        %dma_start3A_114 = tpu.memref_squeeze %dma_start3A_113 : memref<1x128xi32, #tpu.memory_space<vmem>> -> memref<128xi32, #tpu.memory_space<vmem>>
        %dma_start3A_115 = arith.constant 0 : i32
        %dma_start3A_116 = arith.constant 0 : i32
        %dma_start3A_117 = tpu.memref_slice %arg4[%dma_start3A_115, %dma_start3A_116] : memref<10240x16xf32, #tpu.memory_space<vmem_shared>> -> memref<10240x16xf32, #tpu.memory_space<vmem_shared>>
        tpu.enqueue_indirect_dma source(%arg6 : memref<128x16xf32, #tpu.memory_space<vmem>>) target(%dma_start3A_117 : memref<10240x16xf32, #tpu.memory_space<vmem_shared>>) offsets(%dma_start3A_114 : memref<128xi32, #tpu.memory_space<vmem>>) semaphore(%arg7 : memref<!tpu.dma_semaphore, #tpu.memory_space<semaphore_mem>>) {add = true}
        %dma_wait3A_118 = arith.constant 0 : i32
        %dma_wait3A_119 = tpu.memref_slice %arg5[%add3A_55, %dma_wait3A_118] : memref<96x128xi32, #tpu.memory_space<vmem>> -> memref<1x128xi32, #tpu.memory_space<vmem>>
        %dma_wait3A_120 = tpu.memref_squeeze %dma_wait3A_119 : memref<1x128xi32, #tpu.memory_space<vmem>> -> memref<128xi32, #tpu.memory_space<vmem>>
        %dma_wait3A_121 = arith.constant 0 : i32
        %dma_wait3A_122 = arith.constant 0 : i32
        %dma_wait3A_123 = tpu.memref_slice %arg4[%dma_wait3A_121, %dma_wait3A_122] : memref<10240x16xf32, #tpu.memory_space<vmem_shared>> -> memref<10240x16xf32, #tpu.memory_space<vmem_shared>>
        tpu.wait_indirect_dma semaphore(%arg7 : memref<!tpu.dma_semaphore, #tpu.memory_space<semaphore_mem>>) src(%arg6 : memref<128x16xf32, #tpu.memory_space<vmem>>) dst(%dma_wait3A_123 : memref<10240x16xf32, #tpu.memory_space<vmem_shared>>)
        %dma_wait3A_124 = arith.constant 0 : i32
        %dma_wait3A_125 = tpu.memref_slice %arg5[%add3A_63, %dma_wait3A_124] : memref<96x128xi32, #tpu.memory_space<vmem>> -> memref<1x128xi32, #tpu.memory_space<vmem>>
        %dma_wait3A_126 = tpu.memref_squeeze %dma_wait3A_125 : memref<1x128xi32, #tpu.memory_space<vmem>> -> memref<128xi32, #tpu.memory_space<vmem>>
        %dma_wait3A_127 = arith.constant 0 : i32
        %dma_wait3A_128 = arith.constant 0 : i32
        %dma_wait3A_129 = tpu.memref_slice %arg4[%dma_wait3A_127, %dma_wait3A_128] : memref<10240x16xf32, #tpu.memory_space<vmem_shared>> -> memref<10240x16xf32, #tpu.memory_space<vmem_shared>>
        tpu.wait_indirect_dma semaphore(%arg7 : memref<!tpu.dma_semaphore, #tpu.memory_space<semaphore_mem>>) src(%arg6 : memref<128x16xf32, #tpu.memory_space<vmem>>) dst(%dma_wait3A_129 : memref<10240x16xf32, #tpu.memory_space<vmem_shared>>)
        %dma_wait3A_130 = arith.constant 0 : i32
        %dma_wait3A_131 = tpu.memref_slice %arg5[%add3A_71, %dma_wait3A_130] : memref<96x128xi32, #tpu.memory_space<vmem>> -> memref<1x128xi32, #tpu.memory_space<vmem>>
        %dma_wait3A_132 = tpu.memref_squeeze %dma_wait3A_131 : memref<1x128xi32, #tpu.memory_space<vmem>> -> memref<128xi32, #tpu.memory_space<vmem>>
        %dma_wait3A_133 = arith.constant 0 : i32
        %dma_wait3A_134 = arith.constant 0 : i32
        %dma_wait3A_135 = tpu.memref_slice %arg4[%dma_wait3A_133, %dma_wait3A_134] : memref<10240x16xf32, #tpu.memory_space<vmem_shared>> -> memref<10240x16xf32, #tpu.memory_space<vmem_shared>>
        tpu.wait_indirect_dma semaphore(%arg7 : memref<!tpu.dma_semaphore, #tpu.memory_space<semaphore_mem>>) src(%arg6 : memref<128x16xf32, #tpu.memory_space<vmem>>) dst(%dma_wait3A_135 : memref<10240x16xf32, #tpu.memory_space<vmem_shared>>)
        %dma_wait3A_136 = arith.constant 0 : i32
        %dma_wait3A_137 = tpu.memref_slice %arg5[%add3A_79, %dma_wait3A_136] : memref<96x128xi32, #tpu.memory_space<vmem>> -> memref<1x128xi32, #tpu.memory_space<vmem>>
        %dma_wait3A_138 = tpu.memref_squeeze %dma_wait3A_137 : memref<1x128xi32, #tpu.memory_space<vmem>> -> memref<128xi32, #tpu.memory_space<vmem>>
        %dma_wait3A_139 = arith.constant 0 : i32
        %dma_wait3A_140 = arith.constant 0 : i32
        %dma_wait3A_141 = tpu.memref_slice %arg4[%dma_wait3A_139, %dma_wait3A_140] : memref<10240x16xf32, #tpu.memory_space<vmem_shared>> -> memref<10240x16xf32, #tpu.memory_space<vmem_shared>>
        tpu.wait_indirect_dma semaphore(%arg7 : memref<!tpu.dma_semaphore, #tpu.memory_space<semaphore_mem>>) src(%arg6 : memref<128x16xf32, #tpu.memory_space<vmem>>) dst(%dma_wait3A_141 : memref<10240x16xf32, #tpu.memory_space<vmem_shared>>)
        %dma_wait3A_142 = arith.constant 0 : i32
        %dma_wait3A_143 = tpu.memref_slice %arg5[%add3A_87, %dma_wait3A_142] : memref<96x128xi32, #tpu.memory_space<vmem>> -> memref<1x128xi32, #tpu.memory_space<vmem>>
        %dma_wait3A_144 = tpu.memref_squeeze %dma_wait3A_143 : memref<1x128xi32, #tpu.memory_space<vmem>> -> memref<128xi32, #tpu.memory_space<vmem>>
        %dma_wait3A_145 = arith.constant 0 : i32
        %dma_wait3A_146 = arith.constant 0 : i32
        %dma_wait3A_147 = tpu.memref_slice %arg4[%dma_wait3A_145, %dma_wait3A_146] : memref<10240x16xf32, #tpu.memory_space<vmem_shared>> -> memref<10240x16xf32, #tpu.memory_space<vmem_shared>>
        tpu.wait_indirect_dma semaphore(%arg7 : memref<!tpu.dma_semaphore, #tpu.memory_space<semaphore_mem>>) src(%arg6 : memref<128x16xf32, #tpu.memory_space<vmem>>) dst(%dma_wait3A_147 : memref<10240x16xf32, #tpu.memory_space<vmem_shared>>)
        %dma_wait3A_148 = arith.constant 0 : i32
        %dma_wait3A_149 = tpu.memref_slice %arg5[%add3A_95, %dma_wait3A_148] : memref<96x128xi32, #tpu.memory_space<vmem>> -> memref<1x128xi32, #tpu.memory_space<vmem>>
        %dma_wait3A_150 = tpu.memref_squeeze %dma_wait3A_149 : memref<1x128xi32, #tpu.memory_space<vmem>> -> memref<128xi32, #tpu.memory_space<vmem>>
        %dma_wait3A_151 = arith.constant 0 : i32
        %dma_wait3A_152 = arith.constant 0 : i32
        %dma_wait3A_153 = tpu.memref_slice %arg4[%dma_wait3A_151, %dma_wait3A_152] : memref<10240x16xf32, #tpu.memory_space<vmem_shared>> -> memref<10240x16xf32, #tpu.memory_space<vmem_shared>>
        tpu.wait_indirect_dma semaphore(%arg7 : memref<!tpu.dma_semaphore, #tpu.memory_space<semaphore_mem>>) src(%arg6 : memref<128x16xf32, #tpu.memory_space<vmem>>) dst(%dma_wait3A_153 : memref<10240x16xf32, #tpu.memory_space<vmem_shared>>)
        %dma_wait3A_154 = arith.constant 0 : i32
        %dma_wait3A_155 = tpu.memref_slice %arg5[%add3A_103, %dma_wait3A_154] : memref<96x128xi32, #tpu.memory_space<vmem>> -> memref<1x128xi32, #tpu.memory_space<vmem>>
        %dma_wait3A_156 = tpu.memref_squeeze %dma_wait3A_155 : memref<1x128xi32, #tpu.memory_space<vmem>> -> memref<128xi32, #tpu.memory_space<vmem>>
        %dma_wait3A_157 = arith.constant 0 : i32
        %dma_wait3A_158 = arith.constant 0 : i32
        %dma_wait3A_159 = tpu.memref_slice %arg4[%dma_wait3A_157, %dma_wait3A_158] : memref<10240x16xf32, #tpu.memory_space<vmem_shared>> -> memref<10240x16xf32, #tpu.memory_space<vmem_shared>>
        tpu.wait_indirect_dma semaphore(%arg7 : memref<!tpu.dma_semaphore, #tpu.memory_space<semaphore_mem>>) src(%arg6 : memref<128x16xf32, #tpu.memory_space<vmem>>) dst(%dma_wait3A_159 : memref<10240x16xf32, #tpu.memory_space<vmem_shared>>)
        %dma_wait3A_160 = arith.constant 0 : i32
        %dma_wait3A_161 = tpu.memref_slice %arg5[%add3A_111, %dma_wait3A_160] : memref<96x128xi32, #tpu.memory_space<vmem>> -> memref<1x128xi32, #tpu.memory_space<vmem>>
        %dma_wait3A_162 = tpu.memref_squeeze %dma_wait3A_161 : memref<1x128xi32, #tpu.memory_space<vmem>> -> memref<128xi32, #tpu.memory_space<vmem>>
        %dma_wait3A_163 = arith.constant 0 : i32
        %dma_wait3A_164 = arith.constant 0 : i32
        %dma_wait3A_165 = tpu.memref_slice %arg4[%dma_wait3A_163, %dma_wait3A_164] : memref<10240x16xf32, #tpu.memory_space<vmem_shared>> -> memref<10240x16xf32, #tpu.memory_space<vmem_shared>>
        tpu.wait_indirect_dma semaphore(%arg7 : memref<!tpu.dma_semaphore, #tpu.memory_space<semaphore_mem>>) src(%arg6 : memref<128x16xf32, #tpu.memory_space<vmem>>) dst(%dma_wait3A_165 : memref<10240x16xf32, #tpu.memory_space<vmem_shared>>)
      }
      %scan3A_47 = arith.constant 8 : i32
      %barrier3A_48 = arith.constant 0 : index
      tpu.barrier barrier_id(%barrier3A_48)
      "tpu.region"() ({
        %run_scoped3A = tpu.sem_alloc : memref<!tpu.dma_semaphore, #tpu.memory_space<semaphore_mem>>
        %dma_start3A_49 = arith.constant 0 : i32
        %dma_start3A_50 = tpu.memref_slice %arg3[%arg0, %mul3A_0, %dma_start3A_49] : memref<2x10240x16xf32, #tpu.memory_space<hbm>> -> memref<1x640x16xf32, #tpu.memory_space<hbm>>
        %dma_start3A_51 = tpu.memref_squeeze %dma_start3A_50 : memref<1x640x16xf32, #tpu.memory_space<hbm>> -> memref<640x16xf32, #tpu.memory_space<hbm>>
        %dma_start3A_52 = arith.constant 0 : i32
        %dma_start3A_53 = tpu.memref_slice %arg4[%mul3A_0, %dma_start3A_52] : memref<10240x16xf32, #tpu.memory_space<vmem_shared>> -> memref<640x16xf32, #tpu.memory_space<vmem_shared>>
        tpu.enqueue_dma source(%dma_start3A_53 : memref<640x16xf32, #tpu.memory_space<vmem_shared>>) target(%dma_start3A_51 : memref<640x16xf32, #tpu.memory_space<hbm>>) target_semaphore(%run_scoped3A : memref<!tpu.dma_semaphore, #tpu.memory_space<semaphore_mem>>)
        %dma_wait3A_54 = arith.constant 0 : i32
        %dma_wait3A_55 = tpu.memref_slice %arg3[%arg0, %mul3A_0, %dma_wait3A_54] : memref<2x10240x16xf32, #tpu.memory_space<hbm>> -> memref<1x640x16xf32, #tpu.memory_space<hbm>>
        %dma_wait3A_56 = tpu.memref_squeeze %dma_wait3A_55 : memref<1x640x16xf32, #tpu.memory_space<hbm>> -> memref<640x16xf32, #tpu.memory_space<hbm>>
        %dma_wait3A_57 = arith.constant 0 : i32
        %dma_wait3A_58 = tpu.memref_slice %arg4[%mul3A_0, %dma_wait3A_57] : memref<10240x16xf32, #tpu.memory_space<vmem_shared>> -> memref<640x16xf32, #tpu.memory_space<vmem_shared>>
        tpu.wait_dma2 semaphore(%run_scoped3A : memref<!tpu.dma_semaphore, #tpu.memory_space<semaphore_mem>>) src(%dma_wait3A_58 : memref<640x16xf32, #tpu.memory_space<vmem_shared>>) dst(%dma_wait3A_56 : memref<640x16xf32, #tpu.memory_space<hbm>>)
        tpu.yield
      }) : () -> ()
    } else {
    }
    return
  }
}

#map = affine_map<(d0, d1) -> (0, 0)>
#map1 = affine_map<(d0, d1) -> (0, 0, 0)>
module attributes {stable_mosaic.version = 14 : i64} {
  func.func @k(%arg0: i32, %arg1: i32, %arg2: memref<10240x64xf32, #tpu.memory_space<hbm>>, %arg3: memref<2560x128xi32, #tpu.memory_space<hbm>>, %arg4: memref<2560x128xi32, #tpu.memory_space<hbm>>, %arg5: memref<2x10240x64xf32, #tpu.memory_space<hbm>>, %arg6: memref<10240x64xf32, #tpu.memory_space<vmem_shared>>, %arg7: memref<10240x64xf32, #tpu.memory_space<vmem_shared>>, %arg8: memref<4x128xi32, #tpu.memory_space<vmem>>, %arg9: memref<4x128xi32, #tpu.memory_space<vmem>>, %arg10: memref<128x64xf32, #tpu.memory_space<vmem>>, %arg11: memref<128x64xf32, #tpu.memory_space<vmem>>, %arg12: memref<128x64xf32, #tpu.memory_space<vmem>>, %arg13: memref<128x64xf32, #tpu.memory_space<vmem>>, %arg14: memref<!tpu.dma_semaphore, #tpu.memory_space<semaphore_mem>>, %arg15: memref<!tpu.dma_semaphore, #tpu.memory_space<semaphore_mem>>, %arg16: memref<!tpu.dma_semaphore, #tpu.memory_space<semaphore_mem>>, %arg17: memref<!tpu.dma_semaphore, #tpu.memory_space<semaphore_mem>>, %arg18: memref<!tpu.dma_semaphore, #tpu.memory_space<semaphore_mem>>, %arg19: memref<!tpu.dma_semaphore, #tpu.memory_space<semaphore_mem>>, %arg20: memref<!tpu.dma_semaphore, #tpu.memory_space<semaphore_mem>>, %arg21: memref<!tpu.dma_semaphore, #tpu.memory_space<semaphore_mem>>, %arg22: memref<!tpu.dma_semaphore, #tpu.memory_space<semaphore_mem>>, %arg23: memref<!tpu.dma_semaphore, #tpu.memory_space<semaphore_mem>>, %arg24: memref<!tpu.dma_semaphore, #tpu.memory_space<semaphore_mem>>, %arg25: memref<!tpu.dma_semaphore, #tpu.memory_space<semaphore_mem>>, %arg26: memref<!tpu.dma_semaphore, #tpu.memory_space<semaphore_mem>>, %arg27: memref<!tpu.dma_semaphore, #tpu.memory_space<semaphore_mem>>, %arg28: memref<!tpu.dma_semaphore, #tpu.memory_space<semaphore_mem>>, %arg29: memref<!tpu.dma_semaphore, #tpu.memory_space<semaphore_mem>>, %arg30: memref<!tpu.dma_semaphore, #tpu.memory_space<semaphore_mem>>) attributes {dimension_semantics = [#tpu.dimension_semantics<core_parallel>, #tpu.dimension_semantics<subcore_parallel>], iteration_bounds = array<i64: 2, 16>, scalar_prefetch = 0 : i64, scratch_operands = 25 : i64, tpu.core_type = #tpu.core_type<sc_vector_subcore>, window_params = [{transform_indices = #map}, {transform_indices = #map}, {transform_indices = #map}, {transform_indices = #map1}]} {
    %mul3A = arith.constant 640 : i32
    %mul3A_0 = arith.muli %arg1, %mul3A : i32
    %eq3A = arith.constant 0 : i32
    %eq3A_1 = arith.cmpi eq, %arg0, %eq3A : i32
    %convert_element_type3A = arith.extui %eq3A_1 : i1 to i32
    %cond3A = arith.constant 0 : i32
    %cond3A_2 = arith.cmpi ne, %convert_element_type3A, %cond3A : i32
    scf.if %cond3A_2 {
      %mul3A_8 = arith.constant 96 : i32
      %mul3A_9 = arith.muli %arg1, %mul3A_8 : i32
      %scan3A = arith.constant 0 : i32
      %scan3A_10 = arith.constant 128 : i32
      %scan3A_11 = arith.addi %scan3A, %scan3A_10 : i32
      %scan3A_12 = arith.constant 1 : i32
      scf.for %scan3A_222 = %scan3A to %scan3A_11 step %scan3A_12  : i32 {
        %mul3A_223 = arith.constant 1 : i32
        %mul3A_224 = arith.muli %scan3A_222, %mul3A_223 : i32
        %add3A_225 = arith.constant 0 : i32
        %add3A_226 = arith.addi %add3A_225, %mul3A_224 : i32
        %scan3A_227 = arith.constant 0 : i32
        %scan3A_228 = arith.constant 4 : i32
        %scan3A_229 = arith.addi %scan3A_227, %scan3A_228 : i32
        %scan3A_230 = arith.constant 1 : i32
        scf.for %scan3A_232 = %scan3A_227 to %scan3A_229 step %scan3A_230  : i32 {
          %mul3A_233 = arith.constant 1 : i32
          %mul3A_234 = arith.muli %scan3A_232, %mul3A_233 : i32
          %add3A_235 = arith.constant 0 : i32
          %add3A_236 = arith.addi %add3A_235, %mul3A_234 : i32
          %broadcast_in_dim3A = arith.constant 0.000000e+00 : f32
          %broadcast_in_dim3A_237 = vector.broadcast %broadcast_in_dim3A : f32 to vector<16xf32>
          %mul3A_238 = arith.constant 16 : i32
          %mul3A_239 = arith.muli %add3A_236, %mul3A_238 : i32
          %swap3A = arith.index_cast %add3A_226 : i32 to index
          %swap3A_240 = arith.index_cast %mul3A_239 : i32 to index
          %swap3A_241 = tpu.vector_load %arg10[%swap3A, %swap3A_240] {strides = array<i32>} : memref<128x64xf32, #tpu.memory_space<vmem>>, vector<1x16xf32>,
          %swap3A_242 = vector.shape_cast %swap3A_241 : vector<1x16xf32> to vector<16xf32>
          %swap3A_243 = vector.shape_cast %broadcast_in_dim3A_237 : vector<16xf32> to vector<1x16xf32>
          tpu.vector_store %arg10[%swap3A, %swap3A_240], %swap3A_243 {strides = array<i32>} : memref<128x64xf32, #tpu.memory_space<vmem>>, vector<1x16xf32>,
        }
        %scan3A_231 = arith.constant 4 : i32
      }
      %scan3A_13 = arith.constant 128 : i32
      %scan3A_14 = arith.constant 0 : i32
      %scan3A_15 = arith.constant 5 : i32
      %scan3A_16 = arith.addi %scan3A_14, %scan3A_15 : i32
      %scan3A_17 = arith.constant 1 : i32
      scf.for %scan3A_222 = %scan3A_14 to %scan3A_16 step %scan3A_17  : i32 {
        %mul3A_223 = arith.constant 1 : i32
        %mul3A_224 = arith.muli %scan3A_222, %mul3A_223 : i32
        %add3A_225 = arith.constant 0 : i32
        %add3A_226 = arith.addi %add3A_225, %mul3A_224 : i32
        %mul3A_227 = arith.constant 128 : i32
        %mul3A_228 = arith.muli %add3A_226, %mul3A_227 : i32
        %add3A_229 = arith.addi %mul3A_0, %mul3A_228 : i32
        "tpu.region"() ({
          %run_scoped3A = tpu.sem_alloc : memref<!tpu.dma_semaphore, #tpu.memory_space<semaphore_mem>>
          %dma_start3A_230 = arith.constant 0 : i32
          %dma_start3A_231 = tpu.memref_slice %arg6[%add3A_229, %dma_start3A_230] : memref<10240x64xf32, #tpu.memory_space<vmem_shared>> -> memref<128x64xf32, #tpu.memory_space<vmem_shared>>
          %dma_start3A_232 = arith.constant 0 : i32
          %dma_start3A_233 = tpu.memref_slice %arg6[%add3A_229, %dma_start3A_232] : memref<10240x64xf32, #tpu.memory_space<vmem_shared>> -> memref<128x64xf32, #tpu.memory_space<vmem_shared>>
          tpu.enqueue_dma source(%arg10 : memref<128x64xf32, #tpu.memory_space<vmem>>) target(%dma_start3A_233 : memref<128x64xf32, #tpu.memory_space<vmem_shared>>) target_semaphore(%run_scoped3A : memref<!tpu.dma_semaphore, #tpu.memory_space<semaphore_mem>>)
          %dma_wait3A_234 = arith.constant 0 : i32
          %dma_wait3A_235 = tpu.memref_slice %arg6[%add3A_229, %dma_wait3A_234] : memref<10240x64xf32, #tpu.memory_space<vmem_shared>> -> memref<128x64xf32, #tpu.memory_space<vmem_shared>>
          %dma_wait3A_236 = arith.constant 0 : i32
          %dma_wait3A_237 = tpu.memref_slice %arg6[%add3A_229, %dma_wait3A_236] : memref<10240x64xf32, #tpu.memory_space<vmem_shared>> -> memref<128x64xf32, #tpu.memory_space<vmem_shared>>
          tpu.wait_dma2 semaphore(%run_scoped3A : memref<!tpu.dma_semaphore, #tpu.memory_space<semaphore_mem>>) src(%arg10 : memref<128x64xf32, #tpu.memory_space<vmem>>) dst(%dma_wait3A_237 : memref<128x64xf32, #tpu.memory_space<vmem_shared>>)
          tpu.yield
        }) : () -> ()
      }
      %scan3A_18 = arith.constant 5 : i32
      %barrier3A = arith.constant 0 : index
      tpu.barrier barrier_id(%barrier3A)
      %add3A = arith.constant 0 : i32
      %add3A_19 = arith.addi %mul3A_9, %add3A : i32
      %dma_start3A = arith.constant 0 : i32
      %dma_start3A_20 = arith.constant 0 : i32
      %dma_start3A_21 = tpu.memref_slice %arg8[%dma_start3A, %dma_start3A_20] : memref<4x128xi32, #tpu.memory_space<vmem>> -> memref<1x128xi32, #tpu.memory_space<vmem>>
      %dma_start3A_22 = tpu.memref_squeeze %dma_start3A_21 : memref<1x128xi32, #tpu.memory_space<vmem>> -> memref<128xi32, #tpu.memory_space<vmem>>
      %dma_start3A_23 = arith.constant 0 : i32
      %dma_start3A_24 = tpu.memref_slice %arg3[%add3A_19, %dma_start3A_23] : memref<2560x128xi32, #tpu.memory_space<hbm>> -> memref<1x128xi32, #tpu.memory_space<hbm>>
      %dma_start3A_25 = tpu.memref_squeeze %dma_start3A_24 : memref<1x128xi32, #tpu.memory_space<hbm>> -> memref<128xi32, #tpu.memory_space<hbm>>
      %dma_start3A_26 = arith.constant 0 : i32
      %dma_start3A_27 = tpu.memref_slice %arg8[%dma_start3A, %dma_start3A_26] : memref<4x128xi32, #tpu.memory_space<vmem>> -> memref<1x128xi32, #tpu.memory_space<vmem>>
      %dma_start3A_28 = tpu.memref_squeeze %dma_start3A_27 : memref<1x128xi32, #tpu.memory_space<vmem>> -> memref<128xi32, #tpu.memory_space<vmem>>
      %dma_start3A_29 = arith.constant 0 : i32
      %dma_start3A_30 = tpu.memref_slice %arg3[%add3A_19, %dma_start3A_29] : memref<2560x128xi32, #tpu.memory_space<hbm>> -> memref<1x128xi32, #tpu.memory_space<hbm>>
      %dma_start3A_31 = tpu.memref_squeeze %dma_start3A_30 : memref<1x128xi32, #tpu.memory_space<hbm>> -> memref<128xi32, #tpu.memory_space<hbm>>
      tpu.enqueue_dma source(%dma_start3A_31 : memref<128xi32, #tpu.memory_space<hbm>>) target(%dma_start3A_28 : memref<128xi32, #tpu.memory_space<vmem>>) target_semaphore(%arg22 : memref<!tpu.dma_semaphore, #tpu.memory_space<semaphore_mem>>)
      %add3A_32 = arith.constant 1 : i32
      %add3A_33 = arith.addi %mul3A_9, %add3A_32 : i32
      %dma_start3A_34 = arith.constant 1 : i32
      %dma_start3A_35 = arith.constant 0 : i32
      %dma_start3A_36 = tpu.memref_slice %arg8[%dma_start3A_34, %dma_start3A_35] : memref<4x128xi32, #tpu.memory_space<vmem>> -> memref<1x128xi32, #tpu.memory_space<vmem>>
      %dma_start3A_37 = tpu.memref_squeeze %dma_start3A_36 : memref<1x128xi32, #tpu.memory_space<vmem>> -> memref<128xi32, #tpu.memory_space<vmem>>
      %dma_start3A_38 = arith.constant 0 : i32
      %dma_start3A_39 = tpu.memref_slice %arg3[%add3A_33, %dma_start3A_38] : memref<2560x128xi32, #tpu.memory_space<hbm>> -> memref<1x128xi32, #tpu.memory_space<hbm>>
      %dma_start3A_40 = tpu.memref_squeeze %dma_start3A_39 : memref<1x128xi32, #tpu.memory_space<hbm>> -> memref<128xi32, #tpu.memory_space<hbm>>
      %dma_start3A_41 = arith.constant 0 : i32
      %dma_start3A_42 = tpu.memref_slice %arg8[%dma_start3A_34, %dma_start3A_41] : memref<4x128xi32, #tpu.memory_space<vmem>> -> memref<1x128xi32, #tpu.memory_space<vmem>>
      %dma_start3A_43 = tpu.memref_squeeze %dma_start3A_42 : memref<1x128xi32, #tpu.memory_space<vmem>> -> memref<128xi32, #tpu.memory_space<vmem>>
      %dma_start3A_44 = arith.constant 0 : i32
      %dma_start3A_45 = tpu.memref_slice %arg3[%add3A_33, %dma_start3A_44] : memref<2560x128xi32, #tpu.memory_space<hbm>> -> memref<1x128xi32, #tpu.memory_space<hbm>>
      %dma_start3A_46 = tpu.memref_squeeze %dma_start3A_45 : memref<1x128xi32, #tpu.memory_space<hbm>> -> memref<128xi32, #tpu.memory_space<hbm>>
      tpu.enqueue_dma source(%dma_start3A_46 : memref<128xi32, #tpu.memory_space<hbm>>) target(%dma_start3A_43 : memref<128xi32, #tpu.memory_space<vmem>>) target_semaphore(%arg23 : memref<!tpu.dma_semaphore, #tpu.memory_space<semaphore_mem>>)
      %add3A_47 = arith.constant 2 : i32
      %add3A_48 = arith.addi %mul3A_9, %add3A_47 : i32
      %dma_start3A_49 = arith.constant 2 : i32
      %dma_start3A_50 = arith.constant 0 : i32
      %dma_start3A_51 = tpu.memref_slice %arg8[%dma_start3A_49, %dma_start3A_50] : memref<4x128xi32, #tpu.memory_space<vmem>> -> memref<1x128xi32, #tpu.memory_space<vmem>>
      %dma_start3A_52 = tpu.memref_squeeze %dma_start3A_51 : memref<1x128xi32, #tpu.memory_space<vmem>> -> memref<128xi32, #tpu.memory_space<vmem>>
      %dma_start3A_53 = arith.constant 0 : i32
      %dma_start3A_54 = tpu.memref_slice %arg3[%add3A_48, %dma_start3A_53] : memref<2560x128xi32, #tpu.memory_space<hbm>> -> memref<1x128xi32, #tpu.memory_space<hbm>>
      %dma_start3A_55 = tpu.memref_squeeze %dma_start3A_54 : memref<1x128xi32, #tpu.memory_space<hbm>> -> memref<128xi32, #tpu.memory_space<hbm>>
      %dma_start3A_56 = arith.constant 0 : i32
      %dma_start3A_57 = tpu.memref_slice %arg8[%dma_start3A_49, %dma_start3A_56] : memref<4x128xi32, #tpu.memory_space<vmem>> -> memref<1x128xi32, #tpu.memory_space<vmem>>
      %dma_start3A_58 = tpu.memref_squeeze %dma_start3A_57 : memref<1x128xi32, #tpu.memory_space<vmem>> -> memref<128xi32, #tpu.memory_space<vmem>>
      %dma_start3A_59 = arith.constant 0 : i32
      %dma_start3A_60 = tpu.memref_slice %arg3[%add3A_48, %dma_start3A_59] : memref<2560x128xi32, #tpu.memory_space<hbm>> -> memref<1x128xi32, #tpu.memory_space<hbm>>
      %dma_start3A_61 = tpu.memref_squeeze %dma_start3A_60 : memref<1x128xi32, #tpu.memory_space<hbm>> -> memref<128xi32, #tpu.memory_space<hbm>>
      tpu.enqueue_dma source(%dma_start3A_61 : memref<128xi32, #tpu.memory_space<hbm>>) target(%dma_start3A_58 : memref<128xi32, #tpu.memory_space<vmem>>) target_semaphore(%arg24 : memref<!tpu.dma_semaphore, #tpu.memory_space<semaphore_mem>>)
      %add3A_62 = arith.constant 3 : i32
      %add3A_63 = arith.addi %mul3A_9, %add3A_62 : i32
      %dma_start3A_64 = arith.constant 3 : i32
      %dma_start3A_65 = arith.constant 0 : i32
      %dma_start3A_66 = tpu.memref_slice %arg8[%dma_start3A_64, %dma_start3A_65] : memref<4x128xi32, #tpu.memory_space<vmem>> -> memref<1x128xi32, #tpu.memory_space<vmem>>
      %dma_start3A_67 = tpu.memref_squeeze %dma_start3A_66 : memref<1x128xi32, #tpu.memory_space<vmem>> -> memref<128xi32, #tpu.memory_space<vmem>>
      %dma_start3A_68 = arith.constant 0 : i32
      %dma_start3A_69 = tpu.memref_slice %arg3[%add3A_63, %dma_start3A_68] : memref<2560x128xi32, #tpu.memory_space<hbm>> -> memref<1x128xi32, #tpu.memory_space<hbm>>
      %dma_start3A_70 = tpu.memref_squeeze %dma_start3A_69 : memref<1x128xi32, #tpu.memory_space<hbm>> -> memref<128xi32, #tpu.memory_space<hbm>>
      %dma_start3A_71 = arith.constant 0 : i32
      %dma_start3A_72 = tpu.memref_slice %arg8[%dma_start3A_64, %dma_start3A_71] : memref<4x128xi32, #tpu.memory_space<vmem>> -> memref<1x128xi32, #tpu.memory_space<vmem>>
      %dma_start3A_73 = tpu.memref_squeeze %dma_start3A_72 : memref<1x128xi32, #tpu.memory_space<vmem>> -> memref<128xi32, #tpu.memory_space<vmem>>
      %dma_start3A_74 = arith.constant 0 : i32
      %dma_start3A_75 = tpu.memref_slice %arg3[%add3A_63, %dma_start3A_74] : memref<2560x128xi32, #tpu.memory_space<hbm>> -> memref<1x128xi32, #tpu.memory_space<hbm>>
      %dma_start3A_76 = tpu.memref_squeeze %dma_start3A_75 : memref<1x128xi32, #tpu.memory_space<hbm>> -> memref<128xi32, #tpu.memory_space<hbm>>
      tpu.enqueue_dma source(%dma_start3A_76 : memref<128xi32, #tpu.memory_space<hbm>>) target(%dma_start3A_73 : memref<128xi32, #tpu.memory_space<vmem>>) target_semaphore(%arg25 : memref<!tpu.dma_semaphore, #tpu.memory_space<semaphore_mem>>)
      %add3A_77 = arith.constant 0 : i32
      %add3A_78 = arith.addi %mul3A_9, %add3A_77 : i32
      %dma_start3A_79 = arith.constant 0 : i32
      %dma_start3A_80 = arith.constant 0 : i32
      %dma_start3A_81 = tpu.memref_slice %arg9[%dma_start3A_79, %dma_start3A_80] : memref<4x128xi32, #tpu.memory_space<vmem>> -> memref<1x128xi32, #tpu.memory_space<vmem>>
      %dma_start3A_82 = tpu.memref_squeeze %dma_start3A_81 : memref<1x128xi32, #tpu.memory_space<vmem>> -> memref<128xi32, #tpu.memory_space<vmem>>
      %dma_start3A_83 = arith.constant 0 : i32
      %dma_start3A_84 = tpu.memref_slice %arg4[%add3A_78, %dma_start3A_83] : memref<2560x128xi32, #tpu.memory_space<hbm>> -> memref<1x128xi32, #tpu.memory_space<hbm>>
      %dma_start3A_85 = tpu.memref_squeeze %dma_start3A_84 : memref<1x128xi32, #tpu.memory_space<hbm>> -> memref<128xi32, #tpu.memory_space<hbm>>
      %dma_start3A_86 = arith.constant 0 : i32
      %dma_start3A_87 = tpu.memref_slice %arg9[%dma_start3A_79, %dma_start3A_86] : memref<4x128xi32, #tpu.memory_space<vmem>> -> memref<1x128xi32, #tpu.memory_space<vmem>>
      %dma_start3A_88 = tpu.memref_squeeze %dma_start3A_87 : memref<1x128xi32, #tpu.memory_space<vmem>> -> memref<128xi32, #tpu.memory_space<vmem>>
      %dma_start3A_89 = arith.constant 0 : i32
      %dma_start3A_90 = tpu.memref_slice %arg4[%add3A_78, %dma_start3A_89] : memref<2560x128xi32, #tpu.memory_space<hbm>> -> memref<1x128xi32, #tpu.memory_space<hbm>>
      %dma_start3A_91 = tpu.memref_squeeze %dma_start3A_90 : memref<1x128xi32, #tpu.memory_space<hbm>> -> memref<128xi32, #tpu.memory_space<hbm>>
      tpu.enqueue_dma source(%dma_start3A_91 : memref<128xi32, #tpu.memory_space<hbm>>) target(%dma_start3A_88 : memref<128xi32, #tpu.memory_space<vmem>>) target_semaphore(%arg26 : memref<!tpu.dma_semaphore, #tpu.memory_space<semaphore_mem>>)
      %add3A_92 = arith.constant 1 : i32
      %add3A_93 = arith.addi %mul3A_9, %add3A_92 : i32
      %dma_start3A_94 = arith.constant 1 : i32
      %dma_start3A_95 = arith.constant 0 : i32
      %dma_start3A_96 = tpu.memref_slice %arg9[%dma_start3A_94, %dma_start3A_95] : memref<4x128xi32, #tpu.memory_space<vmem>> -> memref<1x128xi32, #tpu.memory_space<vmem>>
      %dma_start3A_97 = tpu.memref_squeeze %dma_start3A_96 : memref<1x128xi32, #tpu.memory_space<vmem>> -> memref<128xi32, #tpu.memory_space<vmem>>
      %dma_start3A_98 = arith.constant 0 : i32
      %dma_start3A_99 = tpu.memref_slice %arg4[%add3A_93, %dma_start3A_98] : memref<2560x128xi32, #tpu.memory_space<hbm>> -> memref<1x128xi32, #tpu.memory_space<hbm>>
      %dma_start3A_100 = tpu.memref_squeeze %dma_start3A_99 : memref<1x128xi32, #tpu.memory_space<hbm>> -> memref<128xi32, #tpu.memory_space<hbm>>
      %dma_start3A_101 = arith.constant 0 : i32
      %dma_start3A_102 = tpu.memref_slice %arg9[%dma_start3A_94, %dma_start3A_101] : memref<4x128xi32, #tpu.memory_space<vmem>> -> memref<1x128xi32, #tpu.memory_space<vmem>>
      %dma_start3A_103 = tpu.memref_squeeze %dma_start3A_102 : memref<1x128xi32, #tpu.memory_space<vmem>> -> memref<128xi32, #tpu.memory_space<vmem>>
      %dma_start3A_104 = arith.constant 0 : i32
      %dma_start3A_105 = tpu.memref_slice %arg4[%add3A_93, %dma_start3A_104] : memref<2560x128xi32, #tpu.memory_space<hbm>> -> memref<1x128xi32, #tpu.memory_space<hbm>>
      %dma_start3A_106 = tpu.memref_squeeze %dma_start3A_105 : memref<1x128xi32, #tpu.memory_space<hbm>> -> memref<128xi32, #tpu.memory_space<hbm>>
      tpu.enqueue_dma source(%dma_start3A_106 : memref<128xi32, #tpu.memory_space<hbm>>) target(%dma_start3A_103 : memref<128xi32, #tpu.memory_space<vmem>>) target_semaphore(%arg27 : memref<!tpu.dma_semaphore, #tpu.memory_space<semaphore_mem>>)
      %add3A_107 = arith.constant 2 : i32
      %add3A_108 = arith.addi %mul3A_9, %add3A_107 : i32
      %dma_start3A_109 = arith.constant 2 : i32
      %dma_start3A_110 = arith.constant 0 : i32
      %dma_start3A_111 = tpu.memref_slice %arg9[%dma_start3A_109, %dma_start3A_110] : memref<4x128xi32, #tpu.memory_space<vmem>> -> memref<1x128xi32, #tpu.memory_space<vmem>>
      %dma_start3A_112 = tpu.memref_squeeze %dma_start3A_111 : memref<1x128xi32, #tpu.memory_space<vmem>> -> memref<128xi32, #tpu.memory_space<vmem>>
      %dma_start3A_113 = arith.constant 0 : i32
      %dma_start3A_114 = tpu.memref_slice %arg4[%add3A_108, %dma_start3A_113] : memref<2560x128xi32, #tpu.memory_space<hbm>> -> memref<1x128xi32, #tpu.memory_space<hbm>>
      %dma_start3A_115 = tpu.memref_squeeze %dma_start3A_114 : memref<1x128xi32, #tpu.memory_space<hbm>> -> memref<128xi32, #tpu.memory_space<hbm>>
      %dma_start3A_116 = arith.constant 0 : i32
      %dma_start3A_117 = tpu.memref_slice %arg9[%dma_start3A_109, %dma_start3A_116] : memref<4x128xi32, #tpu.memory_space<vmem>> -> memref<1x128xi32, #tpu.memory_space<vmem>>
      %dma_start3A_118 = tpu.memref_squeeze %dma_start3A_117 : memref<1x128xi32, #tpu.memory_space<vmem>> -> memref<128xi32, #tpu.memory_space<vmem>>
      %dma_start3A_119 = arith.constant 0 : i32
      %dma_start3A_120 = tpu.memref_slice %arg4[%add3A_108, %dma_start3A_119] : memref<2560x128xi32, #tpu.memory_space<hbm>> -> memref<1x128xi32, #tpu.memory_space<hbm>>
      %dma_start3A_121 = tpu.memref_squeeze %dma_start3A_120 : memref<1x128xi32, #tpu.memory_space<hbm>> -> memref<128xi32, #tpu.memory_space<hbm>>
      tpu.enqueue_dma source(%dma_start3A_121 : memref<128xi32, #tpu.memory_space<hbm>>) target(%dma_start3A_118 : memref<128xi32, #tpu.memory_space<vmem>>) target_semaphore(%arg28 : memref<!tpu.dma_semaphore, #tpu.memory_space<semaphore_mem>>)
      %add3A_122 = arith.constant 3 : i32
      %add3A_123 = arith.addi %mul3A_9, %add3A_122 : i32
      %dma_start3A_124 = arith.constant 3 : i32
      %dma_start3A_125 = arith.constant 0 : i32
      %dma_start3A_126 = tpu.memref_slice %arg9[%dma_start3A_124, %dma_start3A_125] : memref<4x128xi32, #tpu.memory_space<vmem>> -> memref<1x128xi32, #tpu.memory_space<vmem>>
      %dma_start3A_127 = tpu.memref_squeeze %dma_start3A_126 : memref<1x128xi32, #tpu.memory_space<vmem>> -> memref<128xi32, #tpu.memory_space<vmem>>
      %dma_start3A_128 = arith.constant 0 : i32
      %dma_start3A_129 = tpu.memref_slice %arg4[%add3A_123, %dma_start3A_128] : memref<2560x128xi32, #tpu.memory_space<hbm>> -> memref<1x128xi32, #tpu.memory_space<hbm>>
      %dma_start3A_130 = tpu.memref_squeeze %dma_start3A_129 : memref<1x128xi32, #tpu.memory_space<hbm>> -> memref<128xi32, #tpu.memory_space<hbm>>
      %dma_start3A_131 = arith.constant 0 : i32
      %dma_start3A_132 = tpu.memref_slice %arg9[%dma_start3A_124, %dma_start3A_131] : memref<4x128xi32, #tpu.memory_space<vmem>> -> memref<1x128xi32, #tpu.memory_space<vmem>>
      %dma_start3A_133 = tpu.memref_squeeze %dma_start3A_132 : memref<1x128xi32, #tpu.memory_space<vmem>> -> memref<128xi32, #tpu.memory_space<vmem>>
      %dma_start3A_134 = arith.constant 0 : i32
      %dma_start3A_135 = tpu.memref_slice %arg4[%add3A_123, %dma_start3A_134] : memref<2560x128xi32, #tpu.memory_space<hbm>> -> memref<1x128xi32, #tpu.memory_space<hbm>>
      %dma_start3A_136 = tpu.memref_squeeze %dma_start3A_135 : memref<1x128xi32, #tpu.memory_space<hbm>> -> memref<128xi32, #tpu.memory_space<hbm>>
      tpu.enqueue_dma source(%dma_start3A_136 : memref<128xi32, #tpu.memory_space<hbm>>) target(%dma_start3A_133 : memref<128xi32, #tpu.memory_space<vmem>>) target_semaphore(%arg29 : memref<!tpu.dma_semaphore, #tpu.memory_space<semaphore_mem>>)
      %dma_wait3A = arith.constant 0 : i32
      %dma_wait3A_137 = arith.constant 0 : i32
      %dma_wait3A_138 = tpu.memref_slice %arg8[%dma_wait3A, %dma_wait3A_137] : memref<4x128xi32, #tpu.memory_space<vmem>> -> memref<1x128xi32, #tpu.memory_space<vmem>>
      %dma_wait3A_139 = tpu.memref_squeeze %dma_wait3A_138 : memref<1x128xi32, #tpu.memory_space<vmem>> -> memref<128xi32, #tpu.memory_space<vmem>>
      %dma_wait3A_140 = arith.constant 0 : i32
      %dma_wait3A_141 = tpu.memref_slice %arg3[%add3A_19, %dma_wait3A_140] : memref<2560x128xi32, #tpu.memory_space<hbm>> -> memref<1x128xi32, #tpu.memory_space<hbm>>
      %dma_wait3A_142 = tpu.memref_squeeze %dma_wait3A_141 : memref<1x128xi32, #tpu.memory_space<hbm>> -> memref<128xi32, #tpu.memory_space<hbm>>
      %dma_wait3A_143 = arith.constant 0 : i32
      %dma_wait3A_144 = tpu.memref_slice %arg8[%dma_wait3A, %dma_wait3A_143] : memref<4x128xi32, #tpu.memory_space<vmem>> -> memref<1x128xi32, #tpu.memory_space<vmem>>
      %dma_wait3A_145 = tpu.memref_squeeze %dma_wait3A_144 : memref<1x128xi32, #tpu.memory_space<vmem>> -> memref<128xi32, #tpu.memory_space<vmem>>
      %dma_wait3A_146 = arith.constant 0 : i32
      %dma_wait3A_147 = tpu.memref_slice %arg3[%add3A_19, %dma_wait3A_146] : memref<2560x128xi32, #tpu.memory_space<hbm>> -> memref<1x128xi32, #tpu.memory_space<hbm>>
      %dma_wait3A_148 = tpu.memref_squeeze %dma_wait3A_147 : memref<1x128xi32, #tpu.memory_space<hbm>> -> memref<128xi32, #tpu.memory_space<hbm>>
      tpu.wait_dma2 semaphore(%arg22 : memref<!tpu.dma_semaphore, #tpu.memory_space<semaphore_mem>>) src(%dma_wait3A_148 : memref<128xi32, #tpu.memory_space<hbm>>) dst(%dma_wait3A_145 : memref<128xi32, #tpu.memory_space<vmem>>)
      %dma_start3A_149 = arith.constant 0 : i32
      %dma_start3A_150 = arith.constant 0 : i32
      %dma_start3A_151 = tpu.memref_slice %arg8[%dma_start3A_149, %dma_start3A_150] : memref<4x128xi32, #tpu.memory_space<vmem>> -> memref<1x128xi32, #tpu.memory_space<vmem>>
      %dma_start3A_152 = tpu.memref_squeeze %dma_start3A_151 : memref<1x128xi32, #tpu.memory_space<vmem>> -> memref<128xi32, #tpu.memory_space<vmem>>
      %dma_start3A_153 = arith.constant 0 : i32
      %dma_start3A_154 = arith.constant 0 : i32
      %dma_start3A_155 = tpu.memref_slice %arg2[%dma_start3A_153, %dma_start3A_154] : memref<10240x64xf32, #tpu.memory_space<hbm>> -> memref<10240x64xf32, #tpu.memory_space<hbm>>
      tpu.enqueue_indirect_dma source(%dma_start3A_155 : memref<10240x64xf32, #tpu.memory_space<hbm>>) target(%arg10 : memref<128x64xf32, #tpu.memory_space<vmem>>) offsets(%dma_start3A_152 : memref<128xi32, #tpu.memory_space<vmem>>) semaphore(%arg14 : memref<!tpu.dma_semaphore, #tpu.memory_space<semaphore_mem>>)
      %dma_wait3A_156 = arith.constant 1 : i32
      %dma_wait3A_157 = arith.constant 0 : i32
      %dma_wait3A_158 = tpu.memref_slice %arg8[%dma_wait3A_156, %dma_wait3A_157] : memref<4x128xi32, #tpu.memory_space<vmem>> -> memref<1x128xi32, #tpu.memory_space<vmem>>
      %dma_wait3A_159 = tpu.memref_squeeze %dma_wait3A_158 : memref<1x128xi32, #tpu.memory_space<vmem>> -> memref<128xi32, #tpu.memory_space<vmem>>
      %dma_wait3A_160 = arith.constant 0 : i32
      %dma_wait3A_161 = tpu.memref_slice %arg3[%add3A_33, %dma_wait3A_160] : memref<2560x128xi32, #tpu.memory_space<hbm>> -> memref<1x128xi32, #tpu.memory_space<hbm>>
      %dma_wait3A_162 = tpu.memref_squeeze %dma_wait3A_161 : memref<1x128xi32, #tpu.memory_space<hbm>> -> memref<128xi32, #tpu.memory_space<hbm>>
      %dma_wait3A_163 = arith.constant 0 : i32
      %dma_wait3A_164 = tpu.memref_slice %arg8[%dma_wait3A_156, %dma_wait3A_163] : memref<4x128xi32, #tpu.memory_space<vmem>> -> memref<1x128xi32, #tpu.memory_space<vmem>>
      %dma_wait3A_165 = tpu.memref_squeeze %dma_wait3A_164 : memref<1x128xi32, #tpu.memory_space<vmem>> -> memref<128xi32, #tpu.memory_space<vmem>>
      %dma_wait3A_166 = arith.constant 0 : i32
      %dma_wait3A_167 = tpu.memref_slice %arg3[%add3A_33, %dma_wait3A_166] : memref<2560x128xi32, #tpu.memory_space<hbm>> -> memref<1x128xi32, #tpu.memory_space<hbm>>
      %dma_wait3A_168 = tpu.memref_squeeze %dma_wait3A_167 : memref<1x128xi32, #tpu.memory_space<hbm>> -> memref<128xi32, #tpu.memory_space<hbm>>
      tpu.wait_dma2 semaphore(%arg23 : memref<!tpu.dma_semaphore, #tpu.memory_space<semaphore_mem>>) src(%dma_wait3A_168 : memref<128xi32, #tpu.memory_space<hbm>>) dst(%dma_wait3A_165 : memref<128xi32, #tpu.memory_space<vmem>>)
      %dma_start3A_169 = arith.constant 1 : i32
      %dma_start3A_170 = arith.constant 0 : i32
      %dma_start3A_171 = tpu.memref_slice %arg8[%dma_start3A_169, %dma_start3A_170] : memref<4x128xi32, #tpu.memory_space<vmem>> -> memref<1x128xi32, #tpu.memory_space<vmem>>
      %dma_start3A_172 = tpu.memref_squeeze %dma_start3A_171 : memref<1x128xi32, #tpu.memory_space<vmem>> -> memref<128xi32, #tpu.memory_space<vmem>>
      %dma_start3A_173 = arith.constant 0 : i32
      %dma_start3A_174 = arith.constant 0 : i32
      %dma_start3A_175 = tpu.memref_slice %arg2[%dma_start3A_173, %dma_start3A_174] : memref<10240x64xf32, #tpu.memory_space<hbm>> -> memref<10240x64xf32, #tpu.memory_space<hbm>>
      tpu.enqueue_indirect_dma source(%dma_start3A_175 : memref<10240x64xf32, #tpu.memory_space<hbm>>) target(%arg11 : memref<128x64xf32, #tpu.memory_space<vmem>>) offsets(%dma_start3A_172 : memref<128xi32, #tpu.memory_space<vmem>>) semaphore(%arg15 : memref<!tpu.dma_semaphore, #tpu.memory_space<semaphore_mem>>)
      %dma_wait3A_176 = arith.constant 2 : i32
      %dma_wait3A_177 = arith.constant 0 : i32
      %dma_wait3A_178 = tpu.memref_slice %arg8[%dma_wait3A_176, %dma_wait3A_177] : memref<4x128xi32, #tpu.memory_space<vmem>> -> memref<1x128xi32, #tpu.memory_space<vmem>>
      %dma_wait3A_179 = tpu.memref_squeeze %dma_wait3A_178 : memref<1x128xi32, #tpu.memory_space<vmem>> -> memref<128xi32, #tpu.memory_space<vmem>>
      %dma_wait3A_180 = arith.constant 0 : i32
      %dma_wait3A_181 = tpu.memref_slice %arg3[%add3A_48, %dma_wait3A_180] : memref<2560x128xi32, #tpu.memory_space<hbm>> -> memref<1x128xi32, #tpu.memory_space<hbm>>
      %dma_wait3A_182 = tpu.memref_squeeze %dma_wait3A_181 : memref<1x128xi32, #tpu.memory_space<hbm>> -> memref<128xi32, #tpu.memory_space<hbm>>
      %dma_wait3A_183 = arith.constant 0 : i32
      %dma_wait3A_184 = tpu.memref_slice %arg8[%dma_wait3A_176, %dma_wait3A_183] : memref<4x128xi32, #tpu.memory_space<vmem>> -> memref<1x128xi32, #tpu.memory_space<vmem>>
      %dma_wait3A_185 = tpu.memref_squeeze %dma_wait3A_184 : memref<1x128xi32, #tpu.memory_space<vmem>> -> memref<128xi32, #tpu.memory_space<vmem>>
      %dma_wait3A_186 = arith.constant 0 : i32
      %dma_wait3A_187 = tpu.memref_slice %arg3[%add3A_48, %dma_wait3A_186] : memref<2560x128xi32, #tpu.memory_space<hbm>> -> memref<1x128xi32, #tpu.memory_space<hbm>>
      %dma_wait3A_188 = tpu.memref_squeeze %dma_wait3A_187 : memref<1x128xi32, #tpu.memory_space<hbm>> -> memref<128xi32, #tpu.memory_space<hbm>>
      tpu.wait_dma2 semaphore(%arg24 : memref<!tpu.dma_semaphore, #tpu.memory_space<semaphore_mem>>) src(%dma_wait3A_188 : memref<128xi32, #tpu.memory_space<hbm>>) dst(%dma_wait3A_185 : memref<128xi32, #tpu.memory_space<vmem>>)
      %dma_start3A_189 = arith.constant 2 : i32
      %dma_start3A_190 = arith.constant 0 : i32
      %dma_start3A_191 = tpu.memref_slice %arg8[%dma_start3A_189, %dma_start3A_190] : memref<4x128xi32, #tpu.memory_space<vmem>> -> memref<1x128xi32, #tpu.memory_space<vmem>>
      %dma_start3A_192 = tpu.memref_squeeze %dma_start3A_191 : memref<1x128xi32, #tpu.memory_space<vmem>> -> memref<128xi32, #tpu.memory_space<vmem>>
      %dma_start3A_193 = arith.constant 0 : i32
      %dma_start3A_194 = arith.constant 0 : i32
      %dma_start3A_195 = tpu.memref_slice %arg2[%dma_start3A_193, %dma_start3A_194] : memref<10240x64xf32, #tpu.memory_space<hbm>> -> memref<10240x64xf32, #tpu.memory_space<hbm>>
      tpu.enqueue_indirect_dma source(%dma_start3A_195 : memref<10240x64xf32, #tpu.memory_space<hbm>>) target(%arg12 : memref<128x64xf32, #tpu.memory_space<vmem>>) offsets(%dma_start3A_192 : memref<128xi32, #tpu.memory_space<vmem>>) semaphore(%arg16 : memref<!tpu.dma_semaphore, #tpu.memory_space<semaphore_mem>>)
      %dma_wait3A_196 = arith.constant 3 : i32
      %dma_wait3A_197 = arith.constant 0 : i32
      %dma_wait3A_198 = tpu.memref_slice %arg8[%dma_wait3A_196, %dma_wait3A_197] : memref<4x128xi32, #tpu.memory_space<vmem>> -> memref<1x128xi32, #tpu.memory_space<vmem>>
      %dma_wait3A_199 = tpu.memref_squeeze %dma_wait3A_198 : memref<1x128xi32, #tpu.memory_space<vmem>> -> memref<128xi32, #tpu.memory_space<vmem>>
      %dma_wait3A_200 = arith.constant 0 : i32
      %dma_wait3A_201 = tpu.memref_slice %arg3[%add3A_63, %dma_wait3A_200] : memref<2560x128xi32, #tpu.memory_space<hbm>> -> memref<1x128xi32, #tpu.memory_space<hbm>>
      %dma_wait3A_202 = tpu.memref_squeeze %dma_wait3A_201 : memref<1x128xi32, #tpu.memory_space<hbm>> -> memref<128xi32, #tpu.memory_space<hbm>>
      %dma_wait3A_203 = arith.constant 0 : i32
      %dma_wait3A_204 = tpu.memref_slice %arg8[%dma_wait3A_196, %dma_wait3A_203] : memref<4x128xi32, #tpu.memory_space<vmem>> -> memref<1x128xi32, #tpu.memory_space<vmem>>
      %dma_wait3A_205 = tpu.memref_squeeze %dma_wait3A_204 : memref<1x128xi32, #tpu.memory_space<vmem>> -> memref<128xi32, #tpu.memory_space<vmem>>
      %dma_wait3A_206 = arith.constant 0 : i32
      %dma_wait3A_207 = tpu.memref_slice %arg3[%add3A_63, %dma_wait3A_206] : memref<2560x128xi32, #tpu.memory_space<hbm>> -> memref<1x128xi32, #tpu.memory_space<hbm>>
      %dma_wait3A_208 = tpu.memref_squeeze %dma_wait3A_207 : memref<1x128xi32, #tpu.memory_space<hbm>> -> memref<128xi32, #tpu.memory_space<hbm>>
      tpu.wait_dma2 semaphore(%arg25 : memref<!tpu.dma_semaphore, #tpu.memory_space<semaphore_mem>>) src(%dma_wait3A_208 : memref<128xi32, #tpu.memory_space<hbm>>) dst(%dma_wait3A_205 : memref<128xi32, #tpu.memory_space<vmem>>)
      %dma_start3A_209 = arith.constant 3 : i32
      %dma_start3A_210 = arith.constant 0 : i32
      %dma_start3A_211 = tpu.memref_slice %arg8[%dma_start3A_209, %dma_start3A_210] : memref<4x128xi32, #tpu.memory_space<vmem>> -> memref<1x128xi32, #tpu.memory_space<vmem>>
      %dma_start3A_212 = tpu.memref_squeeze %dma_start3A_211 : memref<1x128xi32, #tpu.memory_space<vmem>> -> memref<128xi32, #tpu.memory_space<vmem>>
      %dma_start3A_213 = arith.constant 0 : i32
      %dma_start3A_214 = arith.constant 0 : i32
      %dma_start3A_215 = tpu.memref_slice %arg2[%dma_start3A_213, %dma_start3A_214] : memref<10240x64xf32, #tpu.memory_space<hbm>> -> memref<10240x64xf32, #tpu.memory_space<hbm>>
      tpu.enqueue_indirect_dma source(%dma_start3A_215 : memref<10240x64xf32, #tpu.memory_space<hbm>>) target(%arg13 : memref<128x64xf32, #tpu.memory_space<vmem>>) offsets(%dma_start3A_212 : memref<128xi32, #tpu.memory_space<vmem>>) semaphore(%arg17 : memref<!tpu.dma_semaphore, #tpu.memory_space<semaphore_mem>>)
      %scan3A_216 = arith.constant 0 : i32
      %scan3A_217 = arith.constant 24 : i32
      %scan3A_218 = arith.addi %scan3A_216, %scan3A_217 : i32
      %scan3A_219 = arith.constant 1 : i32
      scf.for %scan3A_222 = %scan3A_216 to %scan3A_218 step %scan3A_219  : i32 {
        %mul3A_223 = arith.constant 4 : i32
        %mul3A_224 = arith.muli %scan3A_222, %mul3A_223 : i32
        %add3A_225 = arith.constant 0 : i32
        %add3A_226 = arith.addi %add3A_225, %mul3A_224 : i32
        %dma_wait3A_227 = arith.constant 0 : i32
        %dma_wait3A_228 = arith.constant 0 : i32
        %dma_wait3A_229 = tpu.memref_slice %arg8[%dma_wait3A_227, %dma_wait3A_228] : memref<4x128xi32, #tpu.memory_space<vmem>> -> memref<1x128xi32, #tpu.memory_space<vmem>>
        %dma_wait3A_230 = tpu.memref_squeeze %dma_wait3A_229 : memref<1x128xi32, #tpu.memory_space<vmem>> -> memref<128xi32, #tpu.memory_space<vmem>>
        %dma_wait3A_231 = arith.constant 0 : i32
        %dma_wait3A_232 = arith.constant 0 : i32
        %dma_wait3A_233 = tpu.memref_slice %arg2[%dma_wait3A_231, %dma_wait3A_232] : memref<10240x64xf32, #tpu.memory_space<hbm>> -> memref<10240x64xf32, #tpu.memory_space<hbm>>
        tpu.wait_indirect_dma semaphore(%arg14 : memref<!tpu.dma_semaphore, #tpu.memory_space<semaphore_mem>>) src(%dma_wait3A_233 : memref<10240x64xf32, #tpu.memory_space<hbm>>) dst(%arg10 : memref<128x64xf32, #tpu.memory_space<vmem>>)
        %add3A_234 = arith.addi %mul3A_9, %add3A_226 : i32
        %add3A_235 = arith.constant 0 : i32
        %add3A_236 = arith.addi %add3A_234, %add3A_235 : i32
        %dma_wait3A_237 = arith.constant 0 : i32
        %dma_wait3A_238 = arith.constant 0 : i32
        %dma_wait3A_239 = tpu.memref_slice %arg9[%dma_wait3A_237, %dma_wait3A_238] : memref<4x128xi32, #tpu.memory_space<vmem>> -> memref<1x128xi32, #tpu.memory_space<vmem>>
        %dma_wait3A_240 = tpu.memref_squeeze %dma_wait3A_239 : memref<1x128xi32, #tpu.memory_space<vmem>> -> memref<128xi32, #tpu.memory_space<vmem>>
        %dma_wait3A_241 = arith.constant 0 : i32
        %dma_wait3A_242 = tpu.memref_slice %arg4[%add3A_236, %dma_wait3A_241] : memref<2560x128xi32, #tpu.memory_space<hbm>> -> memref<1x128xi32, #tpu.memory_space<hbm>>
        %dma_wait3A_243 = tpu.memref_squeeze %dma_wait3A_242 : memref<1x128xi32, #tpu.memory_space<hbm>> -> memref<128xi32, #tpu.memory_space<hbm>>
        %dma_wait3A_244 = arith.constant 0 : i32
        %dma_wait3A_245 = tpu.memref_slice %arg9[%dma_wait3A_237, %dma_wait3A_244] : memref<4x128xi32, #tpu.memory_space<vmem>> -> memref<1x128xi32, #tpu.memory_space<vmem>>
        %dma_wait3A_246 = tpu.memref_squeeze %dma_wait3A_245 : memref<1x128xi32, #tpu.memory_space<vmem>> -> memref<128xi32, #tpu.memory_space<vmem>>
        %dma_wait3A_247 = arith.constant 0 : i32
        %dma_wait3A_248 = tpu.memref_slice %arg4[%add3A_236, %dma_wait3A_247] : memref<2560x128xi32, #tpu.memory_space<hbm>> -> memref<1x128xi32, #tpu.memory_space<hbm>>
        %dma_wait3A_249 = tpu.memref_squeeze %dma_wait3A_248 : memref<1x128xi32, #tpu.memory_space<hbm>> -> memref<128xi32, #tpu.memory_space<hbm>>
        tpu.wait_dma2 semaphore(%arg26 : memref<!tpu.dma_semaphore, #tpu.memory_space<semaphore_mem>>) src(%dma_wait3A_249 : memref<128xi32, #tpu.memory_space<hbm>>) dst(%dma_wait3A_246 : memref<128xi32, #tpu.memory_space<vmem>>)
        %dma_start3A_250 = arith.constant 0 : i32
        %dma_start3A_251 = arith.constant 0 : i32
        %dma_start3A_252 = tpu.memref_slice %arg9[%dma_start3A_250, %dma_start3A_251] : memref<4x128xi32, #tpu.memory_space<vmem>> -> memref<1x128xi32, #tpu.memory_space<vmem>>
        %dma_start3A_253 = tpu.memref_squeeze %dma_start3A_252 : memref<1x128xi32, #tpu.memory_space<vmem>> -> memref<128xi32, #tpu.memory_space<vmem>>
        %dma_start3A_254 = arith.constant 0 : i32
        %dma_start3A_255 = arith.constant 0 : i32
        %dma_start3A_256 = tpu.memref_slice %arg6[%dma_start3A_254, %dma_start3A_255] : memref<10240x64xf32, #tpu.memory_space<vmem_shared>> -> memref<10240x64xf32, #tpu.memory_space<vmem_shared>>
        tpu.enqueue_indirect_dma source(%arg10 : memref<128x64xf32, #tpu.memory_space<vmem>>) target(%dma_start3A_256 : memref<10240x64xf32, #tpu.memory_space<vmem_shared>>) offsets(%dma_start3A_253 : memref<128xi32, #tpu.memory_space<vmem>>) semaphore(%arg18 : memref<!tpu.dma_semaphore, #tpu.memory_space<semaphore_mem>>) {add = true}
        %add3A_257 = arith.constant 0 : i32
        %add3A_258 = arith.addi %add3A_226, %add3A_257 : i32
        %add3A_259 = arith.constant 4 : i32
        %add3A_260 = arith.addi %add3A_258, %add3A_259 : i32
        %lt3A = arith.constant 96 : i32
        %lt3A_261 = arith.cmpi slt, %add3A_260, %lt3A : i32
        %convert_element_type3A_262 = arith.extui %lt3A_261 : i1 to i32
        %cond3A_263 = arith.constant 0 : i32
        %cond3A_264 = arith.cmpi ne, %convert_element_type3A_262, %cond3A_263 : i32
        scf.if %cond3A_264 {
          %add3A_446 = arith.addi %mul3A_9, %add3A_226 : i32
          %add3A_447 = arith.constant 0 : i32
          %add3A_448 = arith.addi %add3A_446, %add3A_447 : i32
          %add3A_449 = arith.constant 4 : i32
          %add3A_450 = arith.addi %add3A_448, %add3A_449 : i32
          %dma_start3A_451 = arith.constant 0 : i32
          %dma_start3A_452 = arith.constant 0 : i32
          %dma_start3A_453 = tpu.memref_slice %arg8[%dma_start3A_451, %dma_start3A_452] : memref<4x128xi32, #tpu.memory_space<vmem>> -> memref<1x128xi32, #tpu.memory_space<vmem>>
          %dma_start3A_454 = tpu.memref_squeeze %dma_start3A_453 : memref<1x128xi32, #tpu.memory_space<vmem>> -> memref<128xi32, #tpu.memory_space<vmem>>
          %dma_start3A_455 = arith.constant 0 : i32
          %dma_start3A_456 = tpu.memref_slice %arg3[%add3A_450, %dma_start3A_455] : memref<2560x128xi32, #tpu.memory_space<hbm>> -> memref<1x128xi32, #tpu.memory_space<hbm>>
          %dma_start3A_457 = tpu.memref_squeeze %dma_start3A_456 : memref<1x128xi32, #tpu.memory_space<hbm>> -> memref<128xi32, #tpu.memory_space<hbm>>
          %dma_start3A_458 = arith.constant 0 : i32
          %dma_start3A_459 = tpu.memref_slice %arg8[%dma_start3A_451, %dma_start3A_458] : memref<4x128xi32, #tpu.memory_space<vmem>> -> memref<1x128xi32, #tpu.memory_space<vmem>>
          %dma_start3A_460 = tpu.memref_squeeze %dma_start3A_459 : memref<1x128xi32, #tpu.memory_space<vmem>> -> memref<128xi32, #tpu.memory_space<vmem>>
          %dma_start3A_461 = arith.constant 0 : i32
          %dma_start3A_462 = tpu.memref_slice %arg3[%add3A_450, %dma_start3A_461] : memref<2560x128xi32, #tpu.memory_space<hbm>> -> memref<1x128xi32, #tpu.memory_space<hbm>>
          %dma_start3A_463 = tpu.memref_squeeze %dma_start3A_462 : memref<1x128xi32, #tpu.memory_space<hbm>> -> memref<128xi32, #tpu.memory_space<hbm>>
          tpu.enqueue_dma source(%dma_start3A_463 : memref<128xi32, #tpu.memory_space<hbm>>) target(%dma_start3A_460 : memref<128xi32, #tpu.memory_space<vmem>>) target_semaphore(%arg22 : memref<!tpu.dma_semaphore, #tpu.memory_space<semaphore_mem>>)
        } else {
        }
        %dma_wait3A_265 = arith.constant 1 : i32
        %dma_wait3A_266 = arith.constant 0 : i32
        %dma_wait3A_267 = tpu.memref_slice %arg8[%dma_wait3A_265, %dma_wait3A_266] : memref<4x128xi32, #tpu.memory_space<vmem>> -> memref<1x128xi32, #tpu.memory_space<vmem>>
        %dma_wait3A_268 = tpu.memref_squeeze %dma_wait3A_267 : memref<1x128xi32, #tpu.memory_space<vmem>> -> memref<128xi32, #tpu.memory_space<vmem>>
        %dma_wait3A_269 = arith.constant 0 : i32
        %dma_wait3A_270 = arith.constant 0 : i32
        %dma_wait3A_271 = tpu.memref_slice %arg2[%dma_wait3A_269, %dma_wait3A_270] : memref<10240x64xf32, #tpu.memory_space<hbm>> -> memref<10240x64xf32, #tpu.memory_space<hbm>>
        tpu.wait_indirect_dma semaphore(%arg15 : memref<!tpu.dma_semaphore, #tpu.memory_space<semaphore_mem>>) src(%dma_wait3A_271 : memref<10240x64xf32, #tpu.memory_space<hbm>>) dst(%arg11 : memref<128x64xf32, #tpu.memory_space<vmem>>)
        %add3A_272 = arith.addi %mul3A_9, %add3A_226 : i32
        %add3A_273 = arith.constant 1 : i32
        %add3A_274 = arith.addi %add3A_272, %add3A_273 : i32
        %dma_wait3A_275 = arith.constant 1 : i32
        %dma_wait3A_276 = arith.constant 0 : i32
        %dma_wait3A_277 = tpu.memref_slice %arg9[%dma_wait3A_275, %dma_wait3A_276] : memref<4x128xi32, #tpu.memory_space<vmem>> -> memref<1x128xi32, #tpu.memory_space<vmem>>
        %dma_wait3A_278 = tpu.memref_squeeze %dma_wait3A_277 : memref<1x128xi32, #tpu.memory_space<vmem>> -> memref<128xi32, #tpu.memory_space<vmem>>
        %dma_wait3A_279 = arith.constant 0 : i32
        %dma_wait3A_280 = tpu.memref_slice %arg4[%add3A_274, %dma_wait3A_279] : memref<2560x128xi32, #tpu.memory_space<hbm>> -> memref<1x128xi32, #tpu.memory_space<hbm>>
        %dma_wait3A_281 = tpu.memref_squeeze %dma_wait3A_280 : memref<1x128xi32, #tpu.memory_space<hbm>> -> memref<128xi32, #tpu.memory_space<hbm>>
        %dma_wait3A_282 = arith.constant 0 : i32
        %dma_wait3A_283 = tpu.memref_slice %arg9[%dma_wait3A_275, %dma_wait3A_282] : memref<4x128xi32, #tpu.memory_space<vmem>> -> memref<1x128xi32, #tpu.memory_space<vmem>>
        %dma_wait3A_284 = tpu.memref_squeeze %dma_wait3A_283 : memref<1x128xi32, #tpu.memory_space<vmem>> -> memref<128xi32, #tpu.memory_space<vmem>>
        %dma_wait3A_285 = arith.constant 0 : i32
        %dma_wait3A_286 = tpu.memref_slice %arg4[%add3A_274, %dma_wait3A_285] : memref<2560x128xi32, #tpu.memory_space<hbm>> -> memref<1x128xi32, #tpu.memory_space<hbm>>
        %dma_wait3A_287 = tpu.memref_squeeze %dma_wait3A_286 : memref<1x128xi32, #tpu.memory_space<hbm>> -> memref<128xi32, #tpu.memory_space<hbm>>
        tpu.wait_dma2 semaphore(%arg27 : memref<!tpu.dma_semaphore, #tpu.memory_space<semaphore_mem>>) src(%dma_wait3A_287 : memref<128xi32, #tpu.memory_space<hbm>>) dst(%dma_wait3A_284 : memref<128xi32, #tpu.memory_space<vmem>>)
        %dma_start3A_288 = arith.constant 1 : i32
        %dma_start3A_289 = arith.constant 0 : i32
        %dma_start3A_290 = tpu.memref_slice %arg9[%dma_start3A_288, %dma_start3A_289] : memref<4x128xi32, #tpu.memory_space<vmem>> -> memref<1x128xi32, #tpu.memory_space<vmem>>
        %dma_start3A_291 = tpu.memref_squeeze %dma_start3A_290 : memref<1x128xi32, #tpu.memory_space<vmem>> -> memref<128xi32, #tpu.memory_space<vmem>>
        %dma_start3A_292 = arith.constant 0 : i32
        %dma_start3A_293 = arith.constant 0 : i32
        %dma_start3A_294 = tpu.memref_slice %arg6[%dma_start3A_292, %dma_start3A_293] : memref<10240x64xf32, #tpu.memory_space<vmem_shared>> -> memref<10240x64xf32, #tpu.memory_space<vmem_shared>>
        tpu.enqueue_indirect_dma source(%arg11 : memref<128x64xf32, #tpu.memory_space<vmem>>) target(%dma_start3A_294 : memref<10240x64xf32, #tpu.memory_space<vmem_shared>>) offsets(%dma_start3A_291 : memref<128xi32, #tpu.memory_space<vmem>>) semaphore(%arg19 : memref<!tpu.dma_semaphore, #tpu.memory_space<semaphore_mem>>) {add = true}
        %add3A_295 = arith.constant 1 : i32
        %add3A_296 = arith.addi %add3A_226, %add3A_295 : i32
        %add3A_297 = arith.constant 4 : i32
        %add3A_298 = arith.addi %add3A_296, %add3A_297 : i32
        %lt3A_299 = arith.constant 96 : i32
        %lt3A_300 = arith.cmpi slt, %add3A_298, %lt3A_299 : i32
        %convert_element_type3A_301 = arith.extui %lt3A_300 : i1 to i32
        %cond3A_302 = arith.constant 0 : i32
        %cond3A_303 = arith.cmpi ne, %convert_element_type3A_301, %cond3A_302 : i32
        scf.if %cond3A_303 {
          %add3A_446 = arith.addi %mul3A_9, %add3A_226 : i32
          %add3A_447 = arith.constant 1 : i32
          %add3A_448 = arith.addi %add3A_446, %add3A_447 : i32
          %add3A_449 = arith.constant 4 : i32
          %add3A_450 = arith.addi %add3A_448, %add3A_449 : i32
          %dma_start3A_451 = arith.constant 1 : i32
          %dma_start3A_452 = arith.constant 0 : i32
          %dma_start3A_453 = tpu.memref_slice %arg8[%dma_start3A_451, %dma_start3A_452] : memref<4x128xi32, #tpu.memory_space<vmem>> -> memref<1x128xi32, #tpu.memory_space<vmem>>
          %dma_start3A_454 = tpu.memref_squeeze %dma_start3A_453 : memref<1x128xi32, #tpu.memory_space<vmem>> -> memref<128xi32, #tpu.memory_space<vmem>>
          %dma_start3A_455 = arith.constant 0 : i32
          %dma_start3A_456 = tpu.memref_slice %arg3[%add3A_450, %dma_start3A_455] : memref<2560x128xi32, #tpu.memory_space<hbm>> -> memref<1x128xi32, #tpu.memory_space<hbm>>
          %dma_start3A_457 = tpu.memref_squeeze %dma_start3A_456 : memref<1x128xi32, #tpu.memory_space<hbm>> -> memref<128xi32, #tpu.memory_space<hbm>>
          %dma_start3A_458 = arith.constant 0 : i32
          %dma_start3A_459 = tpu.memref_slice %arg8[%dma_start3A_451, %dma_start3A_458] : memref<4x128xi32, #tpu.memory_space<vmem>> -> memref<1x128xi32, #tpu.memory_space<vmem>>
          %dma_start3A_460 = tpu.memref_squeeze %dma_start3A_459 : memref<1x128xi32, #tpu.memory_space<vmem>> -> memref<128xi32, #tpu.memory_space<vmem>>
          %dma_start3A_461 = arith.constant 0 : i32
          %dma_start3A_462 = tpu.memref_slice %arg3[%add3A_450, %dma_start3A_461] : memref<2560x128xi32, #tpu.memory_space<hbm>> -> memref<1x128xi32, #tpu.memory_space<hbm>>
          %dma_start3A_463 = tpu.memref_squeeze %dma_start3A_462 : memref<1x128xi32, #tpu.memory_space<hbm>> -> memref<128xi32, #tpu.memory_space<hbm>>
          tpu.enqueue_dma source(%dma_start3A_463 : memref<128xi32, #tpu.memory_space<hbm>>) target(%dma_start3A_460 : memref<128xi32, #tpu.memory_space<vmem>>) target_semaphore(%arg23 : memref<!tpu.dma_semaphore, #tpu.memory_space<semaphore_mem>>)
        } else {
        }
        %dma_wait3A_304 = arith.constant 2 : i32
        %dma_wait3A_305 = arith.constant 0 : i32
        %dma_wait3A_306 = tpu.memref_slice %arg8[%dma_wait3A_304, %dma_wait3A_305] : memref<4x128xi32, #tpu.memory_space<vmem>> -> memref<1x128xi32, #tpu.memory_space<vmem>>
        %dma_wait3A_307 = tpu.memref_squeeze %dma_wait3A_306 : memref<1x128xi32, #tpu.memory_space<vmem>> -> memref<128xi32, #tpu.memory_space<vmem>>
        %dma_wait3A_308 = arith.constant 0 : i32
        %dma_wait3A_309 = arith.constant 0 : i32
        %dma_wait3A_310 = tpu.memref_slice %arg2[%dma_wait3A_308, %dma_wait3A_309] : memref<10240x64xf32, #tpu.memory_space<hbm>> -> memref<10240x64xf32, #tpu.memory_space<hbm>>
        tpu.wait_indirect_dma semaphore(%arg16 : memref<!tpu.dma_semaphore, #tpu.memory_space<semaphore_mem>>) src(%dma_wait3A_310 : memref<10240x64xf32, #tpu.memory_space<hbm>>) dst(%arg12 : memref<128x64xf32, #tpu.memory_space<vmem>>)
        %add3A_311 = arith.addi %mul3A_9, %add3A_226 : i32
        %add3A_312 = arith.constant 2 : i32
        %add3A_313 = arith.addi %add3A_311, %add3A_312 : i32
        %dma_wait3A_314 = arith.constant 2 : i32
        %dma_wait3A_315 = arith.constant 0 : i32
        %dma_wait3A_316 = tpu.memref_slice %arg9[%dma_wait3A_314, %dma_wait3A_315] : memref<4x128xi32, #tpu.memory_space<vmem>> -> memref<1x128xi32, #tpu.memory_space<vmem>>
        %dma_wait3A_317 = tpu.memref_squeeze %dma_wait3A_316 : memref<1x128xi32, #tpu.memory_space<vmem>> -> memref<128xi32, #tpu.memory_space<vmem>>
        %dma_wait3A_318 = arith.constant 0 : i32
        %dma_wait3A_319 = tpu.memref_slice %arg4[%add3A_313, %dma_wait3A_318] : memref<2560x128xi32, #tpu.memory_space<hbm>> -> memref<1x128xi32, #tpu.memory_space<hbm>>
        %dma_wait3A_320 = tpu.memref_squeeze %dma_wait3A_319 : memref<1x128xi32, #tpu.memory_space<hbm>> -> memref<128xi32, #tpu.memory_space<hbm>>
        %dma_wait3A_321 = arith.constant 0 : i32
        %dma_wait3A_322 = tpu.memref_slice %arg9[%dma_wait3A_314, %dma_wait3A_321] : memref<4x128xi32, #tpu.memory_space<vmem>> -> memref<1x128xi32, #tpu.memory_space<vmem>>
        %dma_wait3A_323 = tpu.memref_squeeze %dma_wait3A_322 : memref<1x128xi32, #tpu.memory_space<vmem>> -> memref<128xi32, #tpu.memory_space<vmem>>
        %dma_wait3A_324 = arith.constant 0 : i32
        %dma_wait3A_325 = tpu.memref_slice %arg4[%add3A_313, %dma_wait3A_324] : memref<2560x128xi32, #tpu.memory_space<hbm>> -> memref<1x128xi32, #tpu.memory_space<hbm>>
        %dma_wait3A_326 = tpu.memref_squeeze %dma_wait3A_325 : memref<1x128xi32, #tpu.memory_space<hbm>> -> memref<128xi32, #tpu.memory_space<hbm>>
        tpu.wait_dma2 semaphore(%arg28 : memref<!tpu.dma_semaphore, #tpu.memory_space<semaphore_mem>>) src(%dma_wait3A_326 : memref<128xi32, #tpu.memory_space<hbm>>) dst(%dma_wait3A_323 : memref<128xi32, #tpu.memory_space<vmem>>)
        %dma_start3A_327 = arith.constant 2 : i32
        %dma_start3A_328 = arith.constant 0 : i32
        %dma_start3A_329 = tpu.memref_slice %arg9[%dma_start3A_327, %dma_start3A_328] : memref<4x128xi32, #tpu.memory_space<vmem>> -> memref<1x128xi32, #tpu.memory_space<vmem>>
        %dma_start3A_330 = tpu.memref_squeeze %dma_start3A_329 : memref<1x128xi32, #tpu.memory_space<vmem>> -> memref<128xi32, #tpu.memory_space<vmem>>
        %dma_start3A_331 = arith.constant 0 : i32
        %dma_start3A_332 = arith.constant 0 : i32
        %dma_start3A_333 = tpu.memref_slice %arg6[%dma_start3A_331, %dma_start3A_332] : memref<10240x64xf32, #tpu.memory_space<vmem_shared>> -> memref<10240x64xf32, #tpu.memory_space<vmem_shared>>
        tpu.enqueue_indirect_dma source(%arg12 : memref<128x64xf32, #tpu.memory_space<vmem>>) target(%dma_start3A_333 : memref<10240x64xf32, #tpu.memory_space<vmem_shared>>) offsets(%dma_start3A_330 : memref<128xi32, #tpu.memory_space<vmem>>) semaphore(%arg20 : memref<!tpu.dma_semaphore, #tpu.memory_space<semaphore_mem>>) {add = true}
        %add3A_334 = arith.constant 2 : i32
        %add3A_335 = arith.addi %add3A_226, %add3A_334 : i32
        %add3A_336 = arith.constant 4 : i32
        %add3A_337 = arith.addi %add3A_335, %add3A_336 : i32
        %lt3A_338 = arith.constant 96 : i32
        %lt3A_339 = arith.cmpi slt, %add3A_337, %lt3A_338 : i32
        %convert_element_type3A_340 = arith.extui %lt3A_339 : i1 to i32
        %cond3A_341 = arith.constant 0 : i32
        %cond3A_342 = arith.cmpi ne, %convert_element_type3A_340, %cond3A_341 : i32
        scf.if %cond3A_342 {
          %add3A_446 = arith.addi %mul3A_9, %add3A_226 : i32
          %add3A_447 = arith.constant 2 : i32
          %add3A_448 = arith.addi %add3A_446, %add3A_447 : i32
          %add3A_449 = arith.constant 4 : i32
          %add3A_450 = arith.addi %add3A_448, %add3A_449 : i32
          %dma_start3A_451 = arith.constant 2 : i32
          %dma_start3A_452 = arith.constant 0 : i32
          %dma_start3A_453 = tpu.memref_slice %arg8[%dma_start3A_451, %dma_start3A_452] : memref<4x128xi32, #tpu.memory_space<vmem>> -> memref<1x128xi32, #tpu.memory_space<vmem>>
          %dma_start3A_454 = tpu.memref_squeeze %dma_start3A_453 : memref<1x128xi32, #tpu.memory_space<vmem>> -> memref<128xi32, #tpu.memory_space<vmem>>
          %dma_start3A_455 = arith.constant 0 : i32
          %dma_start3A_456 = tpu.memref_slice %arg3[%add3A_450, %dma_start3A_455] : memref<2560x128xi32, #tpu.memory_space<hbm>> -> memref<1x128xi32, #tpu.memory_space<hbm>>
          %dma_start3A_457 = tpu.memref_squeeze %dma_start3A_456 : memref<1x128xi32, #tpu.memory_space<hbm>> -> memref<128xi32, #tpu.memory_space<hbm>>
          %dma_start3A_458 = arith.constant 0 : i32
          %dma_start3A_459 = tpu.memref_slice %arg8[%dma_start3A_451, %dma_start3A_458] : memref<4x128xi32, #tpu.memory_space<vmem>> -> memref<1x128xi32, #tpu.memory_space<vmem>>
          %dma_start3A_460 = tpu.memref_squeeze %dma_start3A_459 : memref<1x128xi32, #tpu.memory_space<vmem>> -> memref<128xi32, #tpu.memory_space<vmem>>
          %dma_start3A_461 = arith.constant 0 : i32
          %dma_start3A_462 = tpu.memref_slice %arg3[%add3A_450, %dma_start3A_461] : memref<2560x128xi32, #tpu.memory_space<hbm>> -> memref<1x128xi32, #tpu.memory_space<hbm>>
          %dma_start3A_463 = tpu.memref_squeeze %dma_start3A_462 : memref<1x128xi32, #tpu.memory_space<hbm>> -> memref<128xi32, #tpu.memory_space<hbm>>
          tpu.enqueue_dma source(%dma_start3A_463 : memref<128xi32, #tpu.memory_space<hbm>>) target(%dma_start3A_460 : memref<128xi32, #tpu.memory_space<vmem>>) target_semaphore(%arg24 : memref<!tpu.dma_semaphore, #tpu.memory_space<semaphore_mem>>)
        } else {
        }
        %dma_wait3A_343 = arith.constant 3 : i32
        %dma_wait3A_344 = arith.constant 0 : i32
        %dma_wait3A_345 = tpu.memref_slice %arg8[%dma_wait3A_343, %dma_wait3A_344] : memref<4x128xi32, #tpu.memory_space<vmem>> -> memref<1x128xi32, #tpu.memory_space<vmem>>
        %dma_wait3A_346 = tpu.memref_squeeze %dma_wait3A_345 : memref<1x128xi32, #tpu.memory_space<vmem>> -> memref<128xi32, #tpu.memory_space<vmem>>
        %dma_wait3A_347 = arith.constant 0 : i32
        %dma_wait3A_348 = arith.constant 0 : i32
        %dma_wait3A_349 = tpu.memref_slice %arg2[%dma_wait3A_347, %dma_wait3A_348] : memref<10240x64xf32, #tpu.memory_space<hbm>> -> memref<10240x64xf32, #tpu.memory_space<hbm>>
        tpu.wait_indirect_dma semaphore(%arg17 : memref<!tpu.dma_semaphore, #tpu.memory_space<semaphore_mem>>) src(%dma_wait3A_349 : memref<10240x64xf32, #tpu.memory_space<hbm>>) dst(%arg13 : memref<128x64xf32, #tpu.memory_space<vmem>>)
        %add3A_350 = arith.addi %mul3A_9, %add3A_226 : i32
        %add3A_351 = arith.constant 3 : i32
        %add3A_352 = arith.addi %add3A_350, %add3A_351 : i32
        %dma_wait3A_353 = arith.constant 3 : i32
        %dma_wait3A_354 = arith.constant 0 : i32
        %dma_wait3A_355 = tpu.memref_slice %arg9[%dma_wait3A_353, %dma_wait3A_354] : memref<4x128xi32, #tpu.memory_space<vmem>> -> memref<1x128xi32, #tpu.memory_space<vmem>>
        %dma_wait3A_356 = tpu.memref_squeeze %dma_wait3A_355 : memref<1x128xi32, #tpu.memory_space<vmem>> -> memref<128xi32, #tpu.memory_space<vmem>>
        %dma_wait3A_357 = arith.constant 0 : i32
        %dma_wait3A_358 = tpu.memref_slice %arg4[%add3A_352, %dma_wait3A_357] : memref<2560x128xi32, #tpu.memory_space<hbm>> -> memref<1x128xi32, #tpu.memory_space<hbm>>
        %dma_wait3A_359 = tpu.memref_squeeze %dma_wait3A_358 : memref<1x128xi32, #tpu.memory_space<hbm>> -> memref<128xi32, #tpu.memory_space<hbm>>
        %dma_wait3A_360 = arith.constant 0 : i32
        %dma_wait3A_361 = tpu.memref_slice %arg9[%dma_wait3A_353, %dma_wait3A_360] : memref<4x128xi32, #tpu.memory_space<vmem>> -> memref<1x128xi32, #tpu.memory_space<vmem>>
        %dma_wait3A_362 = tpu.memref_squeeze %dma_wait3A_361 : memref<1x128xi32, #tpu.memory_space<vmem>> -> memref<128xi32, #tpu.memory_space<vmem>>
        %dma_wait3A_363 = arith.constant 0 : i32
        %dma_wait3A_364 = tpu.memref_slice %arg4[%add3A_352, %dma_wait3A_363] : memref<2560x128xi32, #tpu.memory_space<hbm>> -> memref<1x128xi32, #tpu.memory_space<hbm>>
        %dma_wait3A_365 = tpu.memref_squeeze %dma_wait3A_364 : memref<1x128xi32, #tpu.memory_space<hbm>> -> memref<128xi32, #tpu.memory_space<hbm>>
        tpu.wait_dma2 semaphore(%arg29 : memref<!tpu.dma_semaphore, #tpu.memory_space<semaphore_mem>>) src(%dma_wait3A_365 : memref<128xi32, #tpu.memory_space<hbm>>) dst(%dma_wait3A_362 : memref<128xi32, #tpu.memory_space<vmem>>)
        %dma_start3A_366 = arith.constant 3 : i32
        %dma_start3A_367 = arith.constant 0 : i32
        %dma_start3A_368 = tpu.memref_slice %arg9[%dma_start3A_366, %dma_start3A_367] : memref<4x128xi32, #tpu.memory_space<vmem>> -> memref<1x128xi32, #tpu.memory_space<vmem>>
        %dma_start3A_369 = tpu.memref_squeeze %dma_start3A_368 : memref<1x128xi32, #tpu.memory_space<vmem>> -> memref<128xi32, #tpu.memory_space<vmem>>
        %dma_start3A_370 = arith.constant 0 : i32
        %dma_start3A_371 = arith.constant 0 : i32
        %dma_start3A_372 = tpu.memref_slice %arg6[%dma_start3A_370, %dma_start3A_371] : memref<10240x64xf32, #tpu.memory_space<vmem_shared>> -> memref<10240x64xf32, #tpu.memory_space<vmem_shared>>
        tpu.enqueue_indirect_dma source(%arg13 : memref<128x64xf32, #tpu.memory_space<vmem>>) target(%dma_start3A_372 : memref<10240x64xf32, #tpu.memory_space<vmem_shared>>) offsets(%dma_start3A_369 : memref<128xi32, #tpu.memory_space<vmem>>) semaphore(%arg21 : memref<!tpu.dma_semaphore, #tpu.memory_space<semaphore_mem>>) {add = true}
        %add3A_373 = arith.constant 3 : i32
        %add3A_374 = arith.addi %add3A_226, %add3A_373 : i32
        %add3A_375 = arith.constant 4 : i32
        %add3A_376 = arith.addi %add3A_374, %add3A_375 : i32
        %lt3A_377 = arith.constant 96 : i32
        %lt3A_378 = arith.cmpi slt, %add3A_376, %lt3A_377 : i32
        %convert_element_type3A_379 = arith.extui %lt3A_378 : i1 to i32
        %cond3A_380 = arith.constant 0 : i32
        %cond3A_381 = arith.cmpi ne, %convert_element_type3A_379, %cond3A_380 : i32
        scf.if %cond3A_381 {
          %add3A_446 = arith.addi %mul3A_9, %add3A_226 : i32
          %add3A_447 = arith.constant 3 : i32
          %add3A_448 = arith.addi %add3A_446, %add3A_447 : i32
          %add3A_449 = arith.constant 4 : i32
          %add3A_450 = arith.addi %add3A_448, %add3A_449 : i32
          %dma_start3A_451 = arith.constant 3 : i32
          %dma_start3A_452 = arith.constant 0 : i32
          %dma_start3A_453 = tpu.memref_slice %arg8[%dma_start3A_451, %dma_start3A_452] : memref<4x128xi32, #tpu.memory_space<vmem>> -> memref<1x128xi32, #tpu.memory_space<vmem>>
          %dma_start3A_454 = tpu.memref_squeeze %dma_start3A_453 : memref<1x128xi32, #tpu.memory_space<vmem>> -> memref<128xi32, #tpu.memory_space<vmem>>
          %dma_start3A_455 = arith.constant 0 : i32
          %dma_start3A_456 = tpu.memref_slice %arg3[%add3A_450, %dma_start3A_455] : memref<2560x128xi32, #tpu.memory_space<hbm>> -> memref<1x128xi32, #tpu.memory_space<hbm>>
          %dma_start3A_457 = tpu.memref_squeeze %dma_start3A_456 : memref<1x128xi32, #tpu.memory_space<hbm>> -> memref<128xi32, #tpu.memory_space<hbm>>
          %dma_start3A_458 = arith.constant 0 : i32
          %dma_start3A_459 = tpu.memref_slice %arg8[%dma_start3A_451, %dma_start3A_458] : memref<4x128xi32, #tpu.memory_space<vmem>> -> memref<1x128xi32, #tpu.memory_space<vmem>>
          %dma_start3A_460 = tpu.memref_squeeze %dma_start3A_459 : memref<1x128xi32, #tpu.memory_space<vmem>> -> memref<128xi32, #tpu.memory_space<vmem>>
          %dma_start3A_461 = arith.constant 0 : i32
          %dma_start3A_462 = tpu.memref_slice %arg3[%add3A_450, %dma_start3A_461] : memref<2560x128xi32, #tpu.memory_space<hbm>> -> memref<1x128xi32, #tpu.memory_space<hbm>>
          %dma_start3A_463 = tpu.memref_squeeze %dma_start3A_462 : memref<1x128xi32, #tpu.memory_space<hbm>> -> memref<128xi32, #tpu.memory_space<hbm>>
          tpu.enqueue_dma source(%dma_start3A_463 : memref<128xi32, #tpu.memory_space<hbm>>) target(%dma_start3A_460 : memref<128xi32, #tpu.memory_space<vmem>>) target_semaphore(%arg25 : memref<!tpu.dma_semaphore, #tpu.memory_space<semaphore_mem>>)
        } else {
        }
        %dma_wait3A_382 = arith.constant 0 : i32
        %dma_wait3A_383 = arith.constant 0 : i32
        %dma_wait3A_384 = tpu.memref_slice %arg9[%dma_wait3A_382, %dma_wait3A_383] : memref<4x128xi32, #tpu.memory_space<vmem>> -> memref<1x128xi32, #tpu.memory_space<vmem>>
        %dma_wait3A_385 = tpu.memref_squeeze %dma_wait3A_384 : memref<1x128xi32, #tpu.memory_space<vmem>> -> memref<128xi32, #tpu.memory_space<vmem>>
        %dma_wait3A_386 = arith.constant 0 : i32
        %dma_wait3A_387 = arith.constant 0 : i32
        %dma_wait3A_388 = tpu.memref_slice %arg6[%dma_wait3A_386, %dma_wait3A_387] : memref<10240x64xf32, #tpu.memory_space<vmem_shared>> -> memref<10240x64xf32, #tpu.memory_space<vmem_shared>>
        tpu.wait_indirect_dma semaphore(%arg18 : memref<!tpu.dma_semaphore, #tpu.memory_space<semaphore_mem>>) src(%arg10 : memref<128x64xf32, #tpu.memory_space<vmem>>) dst(%dma_wait3A_388 : memref<10240x64xf32, #tpu.memory_space<vmem_shared>>)
        %add3A_389 = arith.constant 0 : i32
        %add3A_390 = arith.addi %add3A_226, %add3A_389 : i32
        %add3A_391 = arith.constant 4 : i32
        %add3A_392 = arith.addi %add3A_390, %add3A_391 : i32
        %lt3A_393 = arith.constant 96 : i32
        %lt3A_394 = arith.cmpi slt, %add3A_392, %lt3A_393 : i32
        %convert_element_type3A_395 = arith.extui %lt3A_394 : i1 to i32
        %cond3A_396 = arith.constant 0 : i32
        %cond3A_397 = arith.cmpi ne, %convert_element_type3A_395, %cond3A_396 : i32
        scf.if %cond3A_397 {
          %add3A_446 = arith.addi %mul3A_9, %add3A_226 : i32
          %add3A_447 = arith.constant 0 : i32
          %add3A_448 = arith.addi %add3A_446, %add3A_447 : i32
          %add3A_449 = arith.constant 4 : i32
          %add3A_450 = arith.addi %add3A_448, %add3A_449 : i32
          %dma_start3A_451 = arith.constant 0 : i32
          %dma_start3A_452 = arith.constant 0 : i32
          %dma_start3A_453 = tpu.memref_slice %arg9[%dma_start3A_451, %dma_start3A_452] : memref<4x128xi32, #tpu.memory_space<vmem>> -> memref<1x128xi32, #tpu.memory_space<vmem>>
          %dma_start3A_454 = tpu.memref_squeeze %dma_start3A_453 : memref<1x128xi32, #tpu.memory_space<vmem>> -> memref<128xi32, #tpu.memory_space<vmem>>
          %dma_start3A_455 = arith.constant 0 : i32
          %dma_start3A_456 = tpu.memref_slice %arg4[%add3A_450, %dma_start3A_455] : memref<2560x128xi32, #tpu.memory_space<hbm>> -> memref<1x128xi32, #tpu.memory_space<hbm>>
          %dma_start3A_457 = tpu.memref_squeeze %dma_start3A_456 : memref<1x128xi32, #tpu.memory_space<hbm>> -> memref<128xi32, #tpu.memory_space<hbm>>
          %dma_start3A_458 = arith.constant 0 : i32
          %dma_start3A_459 = tpu.memref_slice %arg9[%dma_start3A_451, %dma_start3A_458] : memref<4x128xi32, #tpu.memory_space<vmem>> -> memref<1x128xi32, #tpu.memory_space<vmem>>
          %dma_start3A_460 = tpu.memref_squeeze %dma_start3A_459 : memref<1x128xi32, #tpu.memory_space<vmem>> -> memref<128xi32, #tpu.memory_space<vmem>>
          %dma_start3A_461 = arith.constant 0 : i32
          %dma_start3A_462 = tpu.memref_slice %arg4[%add3A_450, %dma_start3A_461] : memref<2560x128xi32, #tpu.memory_space<hbm>> -> memref<1x128xi32, #tpu.memory_space<hbm>>
          %dma_start3A_463 = tpu.memref_squeeze %dma_start3A_462 : memref<1x128xi32, #tpu.memory_space<hbm>> -> memref<128xi32, #tpu.memory_space<hbm>>
          tpu.enqueue_dma source(%dma_start3A_463 : memref<128xi32, #tpu.memory_space<hbm>>) target(%dma_start3A_460 : memref<128xi32, #tpu.memory_space<vmem>>) target_semaphore(%arg26 : memref<!tpu.dma_semaphore, #tpu.memory_space<semaphore_mem>>)
          %add3A_464 = arith.addi %mul3A_9, %add3A_226 : i32
          %add3A_465 = arith.constant 0 : i32
          %add3A_466 = arith.addi %add3A_464, %add3A_465 : i32
          %add3A_467 = arith.constant 4 : i32
          %add3A_468 = arith.addi %add3A_466, %add3A_467 : i32
          %dma_wait3A_469 = arith.constant 0 : i32
          %dma_wait3A_470 = arith.constant 0 : i32
          %dma_wait3A_471 = tpu.memref_slice %arg8[%dma_wait3A_469, %dma_wait3A_470] : memref<4x128xi32, #tpu.memory_space<vmem>> -> memref<1x128xi32, #tpu.memory_space<vmem>>
          %dma_wait3A_472 = tpu.memref_squeeze %dma_wait3A_471 : memref<1x128xi32, #tpu.memory_space<vmem>> -> memref<128xi32, #tpu.memory_space<vmem>>
          %dma_wait3A_473 = arith.constant 0 : i32
          %dma_wait3A_474 = tpu.memref_slice %arg3[%add3A_468, %dma_wait3A_473] : memref<2560x128xi32, #tpu.memory_space<hbm>> -> memref<1x128xi32, #tpu.memory_space<hbm>>
          %dma_wait3A_475 = tpu.memref_squeeze %dma_wait3A_474 : memref<1x128xi32, #tpu.memory_space<hbm>> -> memref<128xi32, #tpu.memory_space<hbm>>
          %dma_wait3A_476 = arith.constant 0 : i32
          %dma_wait3A_477 = tpu.memref_slice %arg8[%dma_wait3A_469, %dma_wait3A_476] : memref<4x128xi32, #tpu.memory_space<vmem>> -> memref<1x128xi32, #tpu.memory_space<vmem>>
          %dma_wait3A_478 = tpu.memref_squeeze %dma_wait3A_477 : memref<1x128xi32, #tpu.memory_space<vmem>> -> memref<128xi32, #tpu.memory_space<vmem>>
          %dma_wait3A_479 = arith.constant 0 : i32
          %dma_wait3A_480 = tpu.memref_slice %arg3[%add3A_468, %dma_wait3A_479] : memref<2560x128xi32, #tpu.memory_space<hbm>> -> memref<1x128xi32, #tpu.memory_space<hbm>>
          %dma_wait3A_481 = tpu.memref_squeeze %dma_wait3A_480 : memref<1x128xi32, #tpu.memory_space<hbm>> -> memref<128xi32, #tpu.memory_space<hbm>>
          tpu.wait_dma2 semaphore(%arg22 : memref<!tpu.dma_semaphore, #tpu.memory_space<semaphore_mem>>) src(%dma_wait3A_481 : memref<128xi32, #tpu.memory_space<hbm>>) dst(%dma_wait3A_478 : memref<128xi32, #tpu.memory_space<vmem>>)
          %dma_start3A_482 = arith.constant 0 : i32
          %dma_start3A_483 = arith.constant 0 : i32
          %dma_start3A_484 = tpu.memref_slice %arg8[%dma_start3A_482, %dma_start3A_483] : memref<4x128xi32, #tpu.memory_space<vmem>> -> memref<1x128xi32, #tpu.memory_space<vmem>>
          %dma_start3A_485 = tpu.memref_squeeze %dma_start3A_484 : memref<1x128xi32, #tpu.memory_space<vmem>> -> memref<128xi32, #tpu.memory_space<vmem>>
          %dma_start3A_486 = arith.constant 0 : i32
          %dma_start3A_487 = arith.constant 0 : i32
          %dma_start3A_488 = tpu.memref_slice %arg2[%dma_start3A_486, %dma_start3A_487] : memref<10240x64xf32, #tpu.memory_space<hbm>> -> memref<10240x64xf32, #tpu.memory_space<hbm>>
          tpu.enqueue_indirect_dma source(%dma_start3A_488 : memref<10240x64xf32, #tpu.memory_space<hbm>>) target(%arg10 : memref<128x64xf32, #tpu.memory_space<vmem>>) offsets(%dma_start3A_485 : memref<128xi32, #tpu.memory_space<vmem>>) semaphore(%arg14 : memref<!tpu.dma_semaphore, #tpu.memory_space<semaphore_mem>>)
        } else {
        }
        %dma_wait3A_398 = arith.constant 1 : i32
        %dma_wait3A_399 = arith.constant 0 : i32
        %dma_wait3A_400 = tpu.memref_slice %arg9[%dma_wait3A_398, %dma_wait3A_399] : memref<4x128xi32, #tpu.memory_space<vmem>> -> memref<1x128xi32, #tpu.memory_space<vmem>>
        %dma_wait3A_401 = tpu.memref_squeeze %dma_wait3A_400 : memref<1x128xi32, #tpu.memory_space<vmem>> -> memref<128xi32, #tpu.memory_space<vmem>>
        %dma_wait3A_402 = arith.constant 0 : i32
        %dma_wait3A_403 = arith.constant 0 : i32
        %dma_wait3A_404 = tpu.memref_slice %arg6[%dma_wait3A_402, %dma_wait3A_403] : memref<10240x64xf32, #tpu.memory_space<vmem_shared>> -> memref<10240x64xf32, #tpu.memory_space<vmem_shared>>
        tpu.wait_indirect_dma semaphore(%arg19 : memref<!tpu.dma_semaphore, #tpu.memory_space<semaphore_mem>>) src(%arg11 : memref<128x64xf32, #tpu.memory_space<vmem>>) dst(%dma_wait3A_404 : memref<10240x64xf32, #tpu.memory_space<vmem_shared>>)
        %add3A_405 = arith.constant 1 : i32
        %add3A_406 = arith.addi %add3A_226, %add3A_405 : i32
        %add3A_407 = arith.constant 4 : i32
        %add3A_408 = arith.addi %add3A_406, %add3A_407 : i32
        %lt3A_409 = arith.constant 96 : i32
        %lt3A_410 = arith.cmpi slt, %add3A_408, %lt3A_409 : i32
        %convert_element_type3A_411 = arith.extui %lt3A_410 : i1 to i32
        %cond3A_412 = arith.constant 0 : i32
        %cond3A_413 = arith.cmpi ne, %convert_element_type3A_411, %cond3A_412 : i32
        scf.if %cond3A_413 {
          %add3A_446 = arith.addi %mul3A_9, %add3A_226 : i32
          %add3A_447 = arith.constant 1 : i32
          %add3A_448 = arith.addi %add3A_446, %add3A_447 : i32
          %add3A_449 = arith.constant 4 : i32
          %add3A_450 = arith.addi %add3A_448, %add3A_449 : i32
          %dma_start3A_451 = arith.constant 1 : i32
          %dma_start3A_452 = arith.constant 0 : i32
          %dma_start3A_453 = tpu.memref_slice %arg9[%dma_start3A_451, %dma_start3A_452] : memref<4x128xi32, #tpu.memory_space<vmem>> -> memref<1x128xi32, #tpu.memory_space<vmem>>
          %dma_start3A_454 = tpu.memref_squeeze %dma_start3A_453 : memref<1x128xi32, #tpu.memory_space<vmem>> -> memref<128xi32, #tpu.memory_space<vmem>>
          %dma_start3A_455 = arith.constant 0 : i32
          %dma_start3A_456 = tpu.memref_slice %arg4[%add3A_450, %dma_start3A_455] : memref<2560x128xi32, #tpu.memory_space<hbm>> -> memref<1x128xi32, #tpu.memory_space<hbm>>
          %dma_start3A_457 = tpu.memref_squeeze %dma_start3A_456 : memref<1x128xi32, #tpu.memory_space<hbm>> -> memref<128xi32, #tpu.memory_space<hbm>>
          %dma_start3A_458 = arith.constant 0 : i32
          %dma_start3A_459 = tpu.memref_slice %arg9[%dma_start3A_451, %dma_start3A_458] : memref<4x128xi32, #tpu.memory_space<vmem>> -> memref<1x128xi32, #tpu.memory_space<vmem>>
          %dma_start3A_460 = tpu.memref_squeeze %dma_start3A_459 : memref<1x128xi32, #tpu.memory_space<vmem>> -> memref<128xi32, #tpu.memory_space<vmem>>
          %dma_start3A_461 = arith.constant 0 : i32
          %dma_start3A_462 = tpu.memref_slice %arg4[%add3A_450, %dma_start3A_461] : memref<2560x128xi32, #tpu.memory_space<hbm>> -> memref<1x128xi32, #tpu.memory_space<hbm>>
          %dma_start3A_463 = tpu.memref_squeeze %dma_start3A_462 : memref<1x128xi32, #tpu.memory_space<hbm>> -> memref<128xi32, #tpu.memory_space<hbm>>
          tpu.enqueue_dma source(%dma_start3A_463 : memref<128xi32, #tpu.memory_space<hbm>>) target(%dma_start3A_460 : memref<128xi32, #tpu.memory_space<vmem>>) target_semaphore(%arg27 : memref<!tpu.dma_semaphore, #tpu.memory_space<semaphore_mem>>)
          %add3A_464 = arith.addi %mul3A_9, %add3A_226 : i32
          %add3A_465 = arith.constant 1 : i32
          %add3A_466 = arith.addi %add3A_464, %add3A_465 : i32
          %add3A_467 = arith.constant 4 : i32
          %add3A_468 = arith.addi %add3A_466, %add3A_467 : i32
          %dma_wait3A_469 = arith.constant 1 : i32
          %dma_wait3A_470 = arith.constant 0 : i32
          %dma_wait3A_471 = tpu.memref_slice %arg8[%dma_wait3A_469, %dma_wait3A_470] : memref<4x128xi32, #tpu.memory_space<vmem>> -> memref<1x128xi32, #tpu.memory_space<vmem>>
          %dma_wait3A_472 = tpu.memref_squeeze %dma_wait3A_471 : memref<1x128xi32, #tpu.memory_space<vmem>> -> memref<128xi32, #tpu.memory_space<vmem>>
          %dma_wait3A_473 = arith.constant 0 : i32
          %dma_wait3A_474 = tpu.memref_slice %arg3[%add3A_468, %dma_wait3A_473] : memref<2560x128xi32, #tpu.memory_space<hbm>> -> memref<1x128xi32, #tpu.memory_space<hbm>>
          %dma_wait3A_475 = tpu.memref_squeeze %dma_wait3A_474 : memref<1x128xi32, #tpu.memory_space<hbm>> -> memref<128xi32, #tpu.memory_space<hbm>>
          %dma_wait3A_476 = arith.constant 0 : i32
          %dma_wait3A_477 = tpu.memref_slice %arg8[%dma_wait3A_469, %dma_wait3A_476] : memref<4x128xi32, #tpu.memory_space<vmem>> -> memref<1x128xi32, #tpu.memory_space<vmem>>
          %dma_wait3A_478 = tpu.memref_squeeze %dma_wait3A_477 : memref<1x128xi32, #tpu.memory_space<vmem>> -> memref<128xi32, #tpu.memory_space<vmem>>
          %dma_wait3A_479 = arith.constant 0 : i32
          %dma_wait3A_480 = tpu.memref_slice %arg3[%add3A_468, %dma_wait3A_479] : memref<2560x128xi32, #tpu.memory_space<hbm>> -> memref<1x128xi32, #tpu.memory_space<hbm>>
          %dma_wait3A_481 = tpu.memref_squeeze %dma_wait3A_480 : memref<1x128xi32, #tpu.memory_space<hbm>> -> memref<128xi32, #tpu.memory_space<hbm>>
          tpu.wait_dma2 semaphore(%arg23 : memref<!tpu.dma_semaphore, #tpu.memory_space<semaphore_mem>>) src(%dma_wait3A_481 : memref<128xi32, #tpu.memory_space<hbm>>) dst(%dma_wait3A_478 : memref<128xi32, #tpu.memory_space<vmem>>)
          %dma_start3A_482 = arith.constant 1 : i32
          %dma_start3A_483 = arith.constant 0 : i32
          %dma_start3A_484 = tpu.memref_slice %arg8[%dma_start3A_482, %dma_start3A_483] : memref<4x128xi32, #tpu.memory_space<vmem>> -> memref<1x128xi32, #tpu.memory_space<vmem>>
          %dma_start3A_485 = tpu.memref_squeeze %dma_start3A_484 : memref<1x128xi32, #tpu.memory_space<vmem>> -> memref<128xi32, #tpu.memory_space<vmem>>
          %dma_start3A_486 = arith.constant 0 : i32
          %dma_start3A_487 = arith.constant 0 : i32
          %dma_start3A_488 = tpu.memref_slice %arg2[%dma_start3A_486, %dma_start3A_487] : memref<10240x64xf32, #tpu.memory_space<hbm>> -> memref<10240x64xf32, #tpu.memory_space<hbm>>
          tpu.enqueue_indirect_dma source(%dma_start3A_488 : memref<10240x64xf32, #tpu.memory_space<hbm>>) target(%arg11 : memref<128x64xf32, #tpu.memory_space<vmem>>) offsets(%dma_start3A_485 : memref<128xi32, #tpu.memory_space<vmem>>) semaphore(%arg15 : memref<!tpu.dma_semaphore, #tpu.memory_space<semaphore_mem>>)
        } else {
        }
        %dma_wait3A_414 = arith.constant 2 : i32
        %dma_wait3A_415 = arith.constant 0 : i32
        %dma_wait3A_416 = tpu.memref_slice %arg9[%dma_wait3A_414, %dma_wait3A_415] : memref<4x128xi32, #tpu.memory_space<vmem>> -> memref<1x128xi32, #tpu.memory_space<vmem>>
        %dma_wait3A_417 = tpu.memref_squeeze %dma_wait3A_416 : memref<1x128xi32, #tpu.memory_space<vmem>> -> memref<128xi32, #tpu.memory_space<vmem>>
        %dma_wait3A_418 = arith.constant 0 : i32
        %dma_wait3A_419 = arith.constant 0 : i32
        %dma_wait3A_420 = tpu.memref_slice %arg6[%dma_wait3A_418, %dma_wait3A_419] : memref<10240x64xf32, #tpu.memory_space<vmem_shared>> -> memref<10240x64xf32, #tpu.memory_space<vmem_shared>>
        tpu.wait_indirect_dma semaphore(%arg20 : memref<!tpu.dma_semaphore, #tpu.memory_space<semaphore_mem>>) src(%arg12 : memref<128x64xf32, #tpu.memory_space<vmem>>) dst(%dma_wait3A_420 : memref<10240x64xf32, #tpu.memory_space<vmem_shared>>)
        %add3A_421 = arith.constant 2 : i32
        %add3A_422 = arith.addi %add3A_226, %add3A_421 : i32
        %add3A_423 = arith.constant 4 : i32
        %add3A_424 = arith.addi %add3A_422, %add3A_423 : i32
        %lt3A_425 = arith.constant 96 : i32
        %lt3A_426 = arith.cmpi slt, %add3A_424, %lt3A_425 : i32
        %convert_element_type3A_427 = arith.extui %lt3A_426 : i1 to i32
        %cond3A_428 = arith.constant 0 : i32
        %cond3A_429 = arith.cmpi ne, %convert_element_type3A_427, %cond3A_428 : i32
        scf.if %cond3A_429 {
          %add3A_446 = arith.addi %mul3A_9, %add3A_226 : i32
          %add3A_447 = arith.constant 2 : i32
          %add3A_448 = arith.addi %add3A_446, %add3A_447 : i32
          %add3A_449 = arith.constant 4 : i32
          %add3A_450 = arith.addi %add3A_448, %add3A_449 : i32
          %dma_start3A_451 = arith.constant 2 : i32
          %dma_start3A_452 = arith.constant 0 : i32
          %dma_start3A_453 = tpu.memref_slice %arg9[%dma_start3A_451, %dma_start3A_452] : memref<4x128xi32, #tpu.memory_space<vmem>> -> memref<1x128xi32, #tpu.memory_space<vmem>>
          %dma_start3A_454 = tpu.memref_squeeze %dma_start3A_453 : memref<1x128xi32, #tpu.memory_space<vmem>> -> memref<128xi32, #tpu.memory_space<vmem>>
          %dma_start3A_455 = arith.constant 0 : i32
          %dma_start3A_456 = tpu.memref_slice %arg4[%add3A_450, %dma_start3A_455] : memref<2560x128xi32, #tpu.memory_space<hbm>> -> memref<1x128xi32, #tpu.memory_space<hbm>>
          %dma_start3A_457 = tpu.memref_squeeze %dma_start3A_456 : memref<1x128xi32, #tpu.memory_space<hbm>> -> memref<128xi32, #tpu.memory_space<hbm>>
          %dma_start3A_458 = arith.constant 0 : i32
          %dma_start3A_459 = tpu.memref_slice %arg9[%dma_start3A_451, %dma_start3A_458] : memref<4x128xi32, #tpu.memory_space<vmem>> -> memref<1x128xi32, #tpu.memory_space<vmem>>
          %dma_start3A_460 = tpu.memref_squeeze %dma_start3A_459 : memref<1x128xi32, #tpu.memory_space<vmem>> -> memref<128xi32, #tpu.memory_space<vmem>>
          %dma_start3A_461 = arith.constant 0 : i32
          %dma_start3A_462 = tpu.memref_slice %arg4[%add3A_450, %dma_start3A_461] : memref<2560x128xi32, #tpu.memory_space<hbm>> -> memref<1x128xi32, #tpu.memory_space<hbm>>
          %dma_start3A_463 = tpu.memref_squeeze %dma_start3A_462 : memref<1x128xi32, #tpu.memory_space<hbm>> -> memref<128xi32, #tpu.memory_space<hbm>>
          tpu.enqueue_dma source(%dma_start3A_463 : memref<128xi32, #tpu.memory_space<hbm>>) target(%dma_start3A_460 : memref<128xi32, #tpu.memory_space<vmem>>) target_semaphore(%arg28 : memref<!tpu.dma_semaphore, #tpu.memory_space<semaphore_mem>>)
          %add3A_464 = arith.addi %mul3A_9, %add3A_226 : i32
          %add3A_465 = arith.constant 2 : i32
          %add3A_466 = arith.addi %add3A_464, %add3A_465 : i32
          %add3A_467 = arith.constant 4 : i32
          %add3A_468 = arith.addi %add3A_466, %add3A_467 : i32
          %dma_wait3A_469 = arith.constant 2 : i32
          %dma_wait3A_470 = arith.constant 0 : i32
          %dma_wait3A_471 = tpu.memref_slice %arg8[%dma_wait3A_469, %dma_wait3A_470] : memref<4x128xi32, #tpu.memory_space<vmem>> -> memref<1x128xi32, #tpu.memory_space<vmem>>
          %dma_wait3A_472 = tpu.memref_squeeze %dma_wait3A_471 : memref<1x128xi32, #tpu.memory_space<vmem>> -> memref<128xi32, #tpu.memory_space<vmem>>
          %dma_wait3A_473 = arith.constant 0 : i32
          %dma_wait3A_474 = tpu.memref_slice %arg3[%add3A_468, %dma_wait3A_473] : memref<2560x128xi32, #tpu.memory_space<hbm>> -> memref<1x128xi32, #tpu.memory_space<hbm>>
          %dma_wait3A_475 = tpu.memref_squeeze %dma_wait3A_474 : memref<1x128xi32, #tpu.memory_space<hbm>> -> memref<128xi32, #tpu.memory_space<hbm>>
          %dma_wait3A_476 = arith.constant 0 : i32
          %dma_wait3A_477 = tpu.memref_slice %arg8[%dma_wait3A_469, %dma_wait3A_476] : memref<4x128xi32, #tpu.memory_space<vmem>> -> memref<1x128xi32, #tpu.memory_space<vmem>>
          %dma_wait3A_478 = tpu.memref_squeeze %dma_wait3A_477 : memref<1x128xi32, #tpu.memory_space<vmem>> -> memref<128xi32, #tpu.memory_space<vmem>>
          %dma_wait3A_479 = arith.constant 0 : i32
          %dma_wait3A_480 = tpu.memref_slice %arg3[%add3A_468, %dma_wait3A_479] : memref<2560x128xi32, #tpu.memory_space<hbm>> -> memref<1x128xi32, #tpu.memory_space<hbm>>
          %dma_wait3A_481 = tpu.memref_squeeze %dma_wait3A_480 : memref<1x128xi32, #tpu.memory_space<hbm>> -> memref<128xi32, #tpu.memory_space<hbm>>
          tpu.wait_dma2 semaphore(%arg24 : memref<!tpu.dma_semaphore, #tpu.memory_space<semaphore_mem>>) src(%dma_wait3A_481 : memref<128xi32, #tpu.memory_space<hbm>>) dst(%dma_wait3A_478 : memref<128xi32, #tpu.memory_space<vmem>>)
          %dma_start3A_482 = arith.constant 2 : i32
          %dma_start3A_483 = arith.constant 0 : i32
          %dma_start3A_484 = tpu.memref_slice %arg8[%dma_start3A_482, %dma_start3A_483] : memref<4x128xi32, #tpu.memory_space<vmem>> -> memref<1x128xi32, #tpu.memory_space<vmem>>
          %dma_start3A_485 = tpu.memref_squeeze %dma_start3A_484 : memref<1x128xi32, #tpu.memory_space<vmem>> -> memref<128xi32, #tpu.memory_space<vmem>>
          %dma_start3A_486 = arith.constant 0 : i32
          %dma_start3A_487 = arith.constant 0 : i32
          %dma_start3A_488 = tpu.memref_slice %arg2[%dma_start3A_486, %dma_start3A_487] : memref<10240x64xf32, #tpu.memory_space<hbm>> -> memref<10240x64xf32, #tpu.memory_space<hbm>>
          tpu.enqueue_indirect_dma source(%dma_start3A_488 : memref<10240x64xf32, #tpu.memory_space<hbm>>) target(%arg12 : memref<128x64xf32, #tpu.memory_space<vmem>>) offsets(%dma_start3A_485 : memref<128xi32, #tpu.memory_space<vmem>>) semaphore(%arg16 : memref<!tpu.dma_semaphore, #tpu.memory_space<semaphore_mem>>)
        } else {
        }
        %dma_wait3A_430 = arith.constant 3 : i32
        %dma_wait3A_431 = arith.constant 0 : i32
        %dma_wait3A_432 = tpu.memref_slice %arg9[%dma_wait3A_430, %dma_wait3A_431] : memref<4x128xi32, #tpu.memory_space<vmem>> -> memref<1x128xi32, #tpu.memory_space<vmem>>
        %dma_wait3A_433 = tpu.memref_squeeze %dma_wait3A_432 : memref<1x128xi32, #tpu.memory_space<vmem>> -> memref<128xi32, #tpu.memory_space<vmem>>
        %dma_wait3A_434 = arith.constant 0 : i32
        %dma_wait3A_435 = arith.constant 0 : i32
        %dma_wait3A_436 = tpu.memref_slice %arg6[%dma_wait3A_434, %dma_wait3A_435] : memref<10240x64xf32, #tpu.memory_space<vmem_shared>> -> memref<10240x64xf32, #tpu.memory_space<vmem_shared>>
        tpu.wait_indirect_dma semaphore(%arg21 : memref<!tpu.dma_semaphore, #tpu.memory_space<semaphore_mem>>) src(%arg13 : memref<128x64xf32, #tpu.memory_space<vmem>>) dst(%dma_wait3A_436 : memref<10240x64xf32, #tpu.memory_space<vmem_shared>>)
        %add3A_437 = arith.constant 3 : i32
        %add3A_438 = arith.addi %add3A_226, %add3A_437 : i32
        %add3A_439 = arith.constant 4 : i32
        %add3A_440 = arith.addi %add3A_438, %add3A_439 : i32
        %lt3A_441 = arith.constant 96 : i32
        %lt3A_442 = arith.cmpi slt, %add3A_440, %lt3A_441 : i32
        %convert_element_type3A_443 = arith.extui %lt3A_442 : i1 to i32
        %cond3A_444 = arith.constant 0 : i32
        %cond3A_445 = arith.cmpi ne, %convert_element_type3A_443, %cond3A_444 : i32
        scf.if %cond3A_445 {
          %add3A_446 = arith.addi %mul3A_9, %add3A_226 : i32
          %add3A_447 = arith.constant 3 : i32
          %add3A_448 = arith.addi %add3A_446, %add3A_447 : i32
          %add3A_449 = arith.constant 4 : i32
          %add3A_450 = arith.addi %add3A_448, %add3A_449 : i32
          %dma_start3A_451 = arith.constant 3 : i32
          %dma_start3A_452 = arith.constant 0 : i32
          %dma_start3A_453 = tpu.memref_slice %arg9[%dma_start3A_451, %dma_start3A_452] : memref<4x128xi32, #tpu.memory_space<vmem>> -> memref<1x128xi32, #tpu.memory_space<vmem>>
          %dma_start3A_454 = tpu.memref_squeeze %dma_start3A_453 : memref<1x128xi32, #tpu.memory_space<vmem>> -> memref<128xi32, #tpu.memory_space<vmem>>
          %dma_start3A_455 = arith.constant 0 : i32
          %dma_start3A_456 = tpu.memref_slice %arg4[%add3A_450, %dma_start3A_455] : memref<2560x128xi32, #tpu.memory_space<hbm>> -> memref<1x128xi32, #tpu.memory_space<hbm>>
          %dma_start3A_457 = tpu.memref_squeeze %dma_start3A_456 : memref<1x128xi32, #tpu.memory_space<hbm>> -> memref<128xi32, #tpu.memory_space<hbm>>
          %dma_start3A_458 = arith.constant 0 : i32
          %dma_start3A_459 = tpu.memref_slice %arg9[%dma_start3A_451, %dma_start3A_458] : memref<4x128xi32, #tpu.memory_space<vmem>> -> memref<1x128xi32, #tpu.memory_space<vmem>>
          %dma_start3A_460 = tpu.memref_squeeze %dma_start3A_459 : memref<1x128xi32, #tpu.memory_space<vmem>> -> memref<128xi32, #tpu.memory_space<vmem>>
          %dma_start3A_461 = arith.constant 0 : i32
          %dma_start3A_462 = tpu.memref_slice %arg4[%add3A_450, %dma_start3A_461] : memref<2560x128xi32, #tpu.memory_space<hbm>> -> memref<1x128xi32, #tpu.memory_space<hbm>>
          %dma_start3A_463 = tpu.memref_squeeze %dma_start3A_462 : memref<1x128xi32, #tpu.memory_space<hbm>> -> memref<128xi32, #tpu.memory_space<hbm>>
          tpu.enqueue_dma source(%dma_start3A_463 : memref<128xi32, #tpu.memory_space<hbm>>) target(%dma_start3A_460 : memref<128xi32, #tpu.memory_space<vmem>>) target_semaphore(%arg29 : memref<!tpu.dma_semaphore, #tpu.memory_space<semaphore_mem>>)
          %add3A_464 = arith.addi %mul3A_9, %add3A_226 : i32
          %add3A_465 = arith.constant 3 : i32
          %add3A_466 = arith.addi %add3A_464, %add3A_465 : i32
          %add3A_467 = arith.constant 4 : i32
          %add3A_468 = arith.addi %add3A_466, %add3A_467 : i32
          %dma_wait3A_469 = arith.constant 3 : i32
          %dma_wait3A_470 = arith.constant 0 : i32
          %dma_wait3A_471 = tpu.memref_slice %arg8[%dma_wait3A_469, %dma_wait3A_470] : memref<4x128xi32, #tpu.memory_space<vmem>> -> memref<1x128xi32, #tpu.memory_space<vmem>>
          %dma_wait3A_472 = tpu.memref_squeeze %dma_wait3A_471 : memref<1x128xi32, #tpu.memory_space<vmem>> -> memref<128xi32, #tpu.memory_space<vmem>>
          %dma_wait3A_473 = arith.constant 0 : i32
          %dma_wait3A_474 = tpu.memref_slice %arg3[%add3A_468, %dma_wait3A_473] : memref<2560x128xi32, #tpu.memory_space<hbm>> -> memref<1x128xi32, #tpu.memory_space<hbm>>
          %dma_wait3A_475 = tpu.memref_squeeze %dma_wait3A_474 : memref<1x128xi32, #tpu.memory_space<hbm>> -> memref<128xi32, #tpu.memory_space<hbm>>
          %dma_wait3A_476 = arith.constant 0 : i32
          %dma_wait3A_477 = tpu.memref_slice %arg8[%dma_wait3A_469, %dma_wait3A_476] : memref<4x128xi32, #tpu.memory_space<vmem>> -> memref<1x128xi32, #tpu.memory_space<vmem>>
          %dma_wait3A_478 = tpu.memref_squeeze %dma_wait3A_477 : memref<1x128xi32, #tpu.memory_space<vmem>> -> memref<128xi32, #tpu.memory_space<vmem>>
          %dma_wait3A_479 = arith.constant 0 : i32
          %dma_wait3A_480 = tpu.memref_slice %arg3[%add3A_468, %dma_wait3A_479] : memref<2560x128xi32, #tpu.memory_space<hbm>> -> memref<1x128xi32, #tpu.memory_space<hbm>>
          %dma_wait3A_481 = tpu.memref_squeeze %dma_wait3A_480 : memref<1x128xi32, #tpu.memory_space<hbm>> -> memref<128xi32, #tpu.memory_space<hbm>>
          tpu.wait_dma2 semaphore(%arg25 : memref<!tpu.dma_semaphore, #tpu.memory_space<semaphore_mem>>) src(%dma_wait3A_481 : memref<128xi32, #tpu.memory_space<hbm>>) dst(%dma_wait3A_478 : memref<128xi32, #tpu.memory_space<vmem>>)
          %dma_start3A_482 = arith.constant 3 : i32
          %dma_start3A_483 = arith.constant 0 : i32
          %dma_start3A_484 = tpu.memref_slice %arg8[%dma_start3A_482, %dma_start3A_483] : memref<4x128xi32, #tpu.memory_space<vmem>> -> memref<1x128xi32, #tpu.memory_space<vmem>>
          %dma_start3A_485 = tpu.memref_squeeze %dma_start3A_484 : memref<1x128xi32, #tpu.memory_space<vmem>> -> memref<128xi32, #tpu.memory_space<vmem>>
          %dma_start3A_486 = arith.constant 0 : i32
          %dma_start3A_487 = arith.constant 0 : i32
          %dma_start3A_488 = tpu.memref_slice %arg2[%dma_start3A_486, %dma_start3A_487] : memref<10240x64xf32, #tpu.memory_space<hbm>> -> memref<10240x64xf32, #tpu.memory_space<hbm>>
          tpu.enqueue_indirect_dma source(%dma_start3A_488 : memref<10240x64xf32, #tpu.memory_space<hbm>>) target(%arg13 : memref<128x64xf32, #tpu.memory_space<vmem>>) offsets(%dma_start3A_485 : memref<128xi32, #tpu.memory_space<vmem>>) semaphore(%arg17 : memref<!tpu.dma_semaphore, #tpu.memory_space<semaphore_mem>>)
        } else {
        }
      }
      %scan3A_220 = arith.constant 24 : i32
      %barrier3A_221 = arith.constant 0 : index
      tpu.barrier barrier_id(%barrier3A_221)
      "tpu.region"() ({
        %run_scoped3A = tpu.sem_alloc : memref<!tpu.dma_semaphore, #tpu.memory_space<semaphore_mem>>
        %dma_start3A_222 = arith.constant 0 : i32
        %dma_start3A_223 = tpu.memref_slice %arg5[%arg0, %mul3A_0, %dma_start3A_222] : memref<2x10240x64xf32, #tpu.memory_space<hbm>> -> memref<1x640x64xf32, #tpu.memory_space<hbm>>
        %dma_start3A_224 = tpu.memref_squeeze %dma_start3A_223 : memref<1x640x64xf32, #tpu.memory_space<hbm>> -> memref<640x64xf32, #tpu.memory_space<hbm>>
        %dma_start3A_225 = arith.constant 0 : i32
        %dma_start3A_226 = tpu.memref_slice %arg6[%mul3A_0, %dma_start3A_225] : memref<10240x64xf32, #tpu.memory_space<vmem_shared>> -> memref<640x64xf32, #tpu.memory_space<vmem_shared>>
        tpu.enqueue_dma source(%dma_start3A_226 : memref<640x64xf32, #tpu.memory_space<vmem_shared>>) target(%dma_start3A_224 : memref<640x64xf32, #tpu.memory_space<hbm>>) target_semaphore(%run_scoped3A : memref<!tpu.dma_semaphore, #tpu.memory_space<semaphore_mem>>)
        %dma_wait3A_227 = arith.constant 0 : i32
        %dma_wait3A_228 = tpu.memref_slice %arg5[%arg0, %mul3A_0, %dma_wait3A_227] : memref<2x10240x64xf32, #tpu.memory_space<hbm>> -> memref<1x640x64xf32, #tpu.memory_space<hbm>>
        %dma_wait3A_229 = tpu.memref_squeeze %dma_wait3A_228 : memref<1x640x64xf32, #tpu.memory_space<hbm>> -> memref<640x64xf32, #tpu.memory_space<hbm>>
        %dma_wait3A_230 = arith.constant 0 : i32
        %dma_wait3A_231 = tpu.memref_slice %arg6[%mul3A_0, %dma_wait3A_230] : memref<10240x64xf32, #tpu.memory_space<vmem_shared>> -> memref<640x64xf32, #tpu.memory_space<vmem_shared>>
        tpu.wait_dma2 semaphore(%run_scoped3A : memref<!tpu.dma_semaphore, #tpu.memory_space<semaphore_mem>>) src(%dma_wait3A_231 : memref<640x64xf32, #tpu.memory_space<vmem_shared>>) dst(%dma_wait3A_229 : memref<640x64xf32, #tpu.memory_space<hbm>>)
        tpu.yield
      }) : () -> ()
    } else {
    }
    %eq3A_3 = arith.constant 1 : i32
    %eq3A_4 = arith.cmpi eq, %arg0, %eq3A_3 : i32
    %convert_element_type3A_5 = arith.extui %eq3A_4 : i1 to i32
    %cond3A_6 = arith.constant 0 : i32
    %cond3A_7 = arith.cmpi ne, %convert_element_type3A_5, %cond3A_6 : i32
    scf.if %cond3A_7 {
      %mul3A_8 = arith.constant 64 : i32
      %mul3A_9 = arith.muli %arg1, %mul3A_8 : i32
      %add3A = arith.constant 1536 : i32
      %add3A_10 = arith.addi %add3A, %mul3A_9 : i32
      %dma_start3A = arith.constant 0 : i32
      %dma_start3A_11 = tpu.memref_slice %arg7[%mul3A_0, %dma_start3A] : memref<10240x64xf32, #tpu.memory_space<vmem_shared>> -> memref<640x64xf32, #tpu.memory_space<vmem_shared>>
      %dma_start3A_12 = arith.constant 0 : i32
      %dma_start3A_13 = tpu.memref_slice %arg2[%mul3A_0, %dma_start3A_12] : memref<10240x64xf32, #tpu.memory_space<hbm>> -> memref<640x64xf32, #tpu.memory_space<hbm>>
      tpu.enqueue_dma source(%dma_start3A_13 : memref<640x64xf32, #tpu.memory_space<hbm>>) target(%dma_start3A_11 : memref<640x64xf32, #tpu.memory_space<vmem_shared>>) target_semaphore(%arg30 : memref<!tpu.dma_semaphore, #tpu.memory_space<semaphore_mem>>)
      %scan3A = arith.constant 0 : i32
      %scan3A_14 = arith.constant 128 : i32
      %scan3A_15 = arith.addi %scan3A, %scan3A_14 : i32
      %scan3A_16 = arith.constant 1 : i32
      scf.for %scan3A_232 = %scan3A to %scan3A_15 step %scan3A_16  : i32 {
        %mul3A_233 = arith.constant 1 : i32
        %mul3A_234 = arith.muli %scan3A_232, %mul3A_233 : i32
        %add3A_235 = arith.constant 0 : i32
        %add3A_236 = arith.addi %add3A_235, %mul3A_234 : i32
        %scan3A_237 = arith.constant 0 : i32
        %scan3A_238 = arith.constant 4 : i32
        %scan3A_239 = arith.addi %scan3A_237, %scan3A_238 : i32
        %scan3A_240 = arith.constant 1 : i32
        scf.for %scan3A_242 = %scan3A_237 to %scan3A_239 step %scan3A_240  : i32 {
          %mul3A_243 = arith.constant 1 : i32
          %mul3A_244 = arith.muli %scan3A_242, %mul3A_243 : i32
          %add3A_245 = arith.constant 0 : i32
          %add3A_246 = arith.addi %add3A_245, %mul3A_244 : i32
          %broadcast_in_dim3A = arith.constant 0.000000e+00 : f32
          %broadcast_in_dim3A_247 = vector.broadcast %broadcast_in_dim3A : f32 to vector<16xf32>
          %mul3A_248 = arith.constant 16 : i32
          %mul3A_249 = arith.muli %add3A_246, %mul3A_248 : i32
          %swap3A = arith.index_cast %add3A_236 : i32 to index
          %swap3A_250 = arith.index_cast %mul3A_249 : i32 to index
          %swap3A_251 = tpu.vector_load %arg10[%swap3A, %swap3A_250] {strides = array<i32>} : memref<128x64xf32, #tpu.memory_space<vmem>>, vector<1x16xf32>,
          %swap3A_252 = vector.shape_cast %swap3A_251 : vector<1x16xf32> to vector<16xf32>
          %swap3A_253 = vector.shape_cast %broadcast_in_dim3A_247 : vector<16xf32> to vector<1x16xf32>
          tpu.vector_store %arg10[%swap3A, %swap3A_250], %swap3A_253 {strides = array<i32>} : memref<128x64xf32, #tpu.memory_space<vmem>>, vector<1x16xf32>,
        }
        %scan3A_241 = arith.constant 4 : i32
      }
      %scan3A_17 = arith.constant 128 : i32
      %scan3A_18 = arith.constant 0 : i32
      %scan3A_19 = arith.constant 5 : i32
      %scan3A_20 = arith.addi %scan3A_18, %scan3A_19 : i32
      %scan3A_21 = arith.constant 1 : i32
      scf.for %scan3A_232 = %scan3A_18 to %scan3A_20 step %scan3A_21  : i32 {
        %mul3A_233 = arith.constant 1 : i32
        %mul3A_234 = arith.muli %scan3A_232, %mul3A_233 : i32
        %add3A_235 = arith.constant 0 : i32
        %add3A_236 = arith.addi %add3A_235, %mul3A_234 : i32
        %mul3A_237 = arith.constant 128 : i32
        %mul3A_238 = arith.muli %add3A_236, %mul3A_237 : i32
        %add3A_239 = arith.addi %mul3A_0, %mul3A_238 : i32
        "tpu.region"() ({
          %run_scoped3A = tpu.sem_alloc : memref<!tpu.dma_semaphore, #tpu.memory_space<semaphore_mem>>
          %dma_start3A_240 = arith.constant 0 : i32
          %dma_start3A_241 = tpu.memref_slice %arg6[%add3A_239, %dma_start3A_240] : memref<10240x64xf32, #tpu.memory_space<vmem_shared>> -> memref<128x64xf32, #tpu.memory_space<vmem_shared>>
          %dma_start3A_242 = arith.constant 0 : i32
          %dma_start3A_243 = tpu.memref_slice %arg6[%add3A_239, %dma_start3A_242] : memref<10240x64xf32, #tpu.memory_space<vmem_shared>> -> memref<128x64xf32, #tpu.memory_space<vmem_shared>>
          tpu.enqueue_dma source(%arg10 : memref<128x64xf32, #tpu.memory_space<vmem>>) target(%dma_start3A_243 : memref<128x64xf32, #tpu.memory_space<vmem_shared>>) target_semaphore(%run_scoped3A : memref<!tpu.dma_semaphore, #tpu.memory_space<semaphore_mem>>)
          %dma_wait3A_244 = arith.constant 0 : i32
          %dma_wait3A_245 = tpu.memref_slice %arg6[%add3A_239, %dma_wait3A_244] : memref<10240x64xf32, #tpu.memory_space<vmem_shared>> -> memref<128x64xf32, #tpu.memory_space<vmem_shared>>
          %dma_wait3A_246 = arith.constant 0 : i32
          %dma_wait3A_247 = tpu.memref_slice %arg6[%add3A_239, %dma_wait3A_246] : memref<10240x64xf32, #tpu.memory_space<vmem_shared>> -> memref<128x64xf32, #tpu.memory_space<vmem_shared>>
          tpu.wait_dma2 semaphore(%run_scoped3A : memref<!tpu.dma_semaphore, #tpu.memory_space<semaphore_mem>>) src(%arg10 : memref<128x64xf32, #tpu.memory_space<vmem>>) dst(%dma_wait3A_247 : memref<128x64xf32, #tpu.memory_space<vmem_shared>>)
          tpu.yield
        }) : () -> ()
      }
      %scan3A_22 = arith.constant 5 : i32
      %dma_wait3A = arith.constant 0 : i32
      %dma_wait3A_23 = tpu.memref_slice %arg7[%mul3A_0, %dma_wait3A] : memref<10240x64xf32, #tpu.memory_space<vmem_shared>> -> memref<640x64xf32, #tpu.memory_space<vmem_shared>>
      %dma_wait3A_24 = arith.constant 0 : i32
      %dma_wait3A_25 = tpu.memref_slice %arg2[%mul3A_0, %dma_wait3A_24] : memref<10240x64xf32, #tpu.memory_space<hbm>> -> memref<640x64xf32, #tpu.memory_space<hbm>>
      tpu.wait_dma2 semaphore(%arg30 : memref<!tpu.dma_semaphore, #tpu.memory_space<semaphore_mem>>) src(%dma_wait3A_25 : memref<640x64xf32, #tpu.memory_space<hbm>>) dst(%dma_wait3A_23 : memref<640x64xf32, #tpu.memory_space<vmem_shared>>)
      %barrier3A = arith.constant 0 : index
      tpu.barrier barrier_id(%barrier3A)
      %add3A_26 = arith.constant 0 : i32
      %add3A_27 = arith.addi %add3A_10, %add3A_26 : i32
      %dma_start3A_28 = arith.constant 0 : i32
      %dma_start3A_29 = arith.constant 0 : i32
      %dma_start3A_30 = tpu.memref_slice %arg8[%dma_start3A_28, %dma_start3A_29] : memref<4x128xi32, #tpu.memory_space<vmem>> -> memref<1x128xi32, #tpu.memory_space<vmem>>
      %dma_start3A_31 = tpu.memref_squeeze %dma_start3A_30 : memref<1x128xi32, #tpu.memory_space<vmem>> -> memref<128xi32, #tpu.memory_space<vmem>>
      %dma_start3A_32 = arith.constant 0 : i32
      %dma_start3A_33 = tpu.memref_slice %arg3[%add3A_27, %dma_start3A_32] : memref<2560x128xi32, #tpu.memory_space<hbm>> -> memref<1x128xi32, #tpu.memory_space<hbm>>
      %dma_start3A_34 = tpu.memref_squeeze %dma_start3A_33 : memref<1x128xi32, #tpu.memory_space<hbm>> -> memref<128xi32, #tpu.memory_space<hbm>>
      %dma_start3A_35 = arith.constant 0 : i32
      %dma_start3A_36 = tpu.memref_slice %arg8[%dma_start3A_28, %dma_start3A_35] : memref<4x128xi32, #tpu.memory_space<vmem>> -> memref<1x128xi32, #tpu.memory_space<vmem>>
      %dma_start3A_37 = tpu.memref_squeeze %dma_start3A_36 : memref<1x128xi32, #tpu.memory_space<vmem>> -> memref<128xi32, #tpu.memory_space<vmem>>
      %dma_start3A_38 = arith.constant 0 : i32
      %dma_start3A_39 = tpu.memref_slice %arg3[%add3A_27, %dma_start3A_38] : memref<2560x128xi32, #tpu.memory_space<hbm>> -> memref<1x128xi32, #tpu.memory_space<hbm>>
      %dma_start3A_40 = tpu.memref_squeeze %dma_start3A_39 : memref<1x128xi32, #tpu.memory_space<hbm>> -> memref<128xi32, #tpu.memory_space<hbm>>
      tpu.enqueue_dma source(%dma_start3A_40 : memref<128xi32, #tpu.memory_space<hbm>>) target(%dma_start3A_37 : memref<128xi32, #tpu.memory_space<vmem>>) target_semaphore(%arg22 : memref<!tpu.dma_semaphore, #tpu.memory_space<semaphore_mem>>)
      %add3A_41 = arith.constant 1 : i32
      %add3A_42 = arith.addi %add3A_10, %add3A_41 : i32
      %dma_start3A_43 = arith.constant 1 : i32
      %dma_start3A_44 = arith.constant 0 : i32
      %dma_start3A_45 = tpu.memref_slice %arg8[%dma_start3A_43, %dma_start3A_44] : memref<4x128xi32, #tpu.memory_space<vmem>> -> memref<1x128xi32, #tpu.memory_space<vmem>>
      %dma_start3A_46 = tpu.memref_squeeze %dma_start3A_45 : memref<1x128xi32, #tpu.memory_space<vmem>> -> memref<128xi32, #tpu.memory_space<vmem>>
      %dma_start3A_47 = arith.constant 0 : i32
      %dma_start3A_48 = tpu.memref_slice %arg3[%add3A_42, %dma_start3A_47] : memref<2560x128xi32, #tpu.memory_space<hbm>> -> memref<1x128xi32, #tpu.memory_space<hbm>>
      %dma_start3A_49 = tpu.memref_squeeze %dma_start3A_48 : memref<1x128xi32, #tpu.memory_space<hbm>> -> memref<128xi32, #tpu.memory_space<hbm>>
      %dma_start3A_50 = arith.constant 0 : i32
      %dma_start3A_51 = tpu.memref_slice %arg8[%dma_start3A_43, %dma_start3A_50] : memref<4x128xi32, #tpu.memory_space<vmem>> -> memref<1x128xi32, #tpu.memory_space<vmem>>
      %dma_start3A_52 = tpu.memref_squeeze %dma_start3A_51 : memref<1x128xi32, #tpu.memory_space<vmem>> -> memref<128xi32, #tpu.memory_space<vmem>>
      %dma_start3A_53 = arith.constant 0 : i32
      %dma_start3A_54 = tpu.memref_slice %arg3[%add3A_42, %dma_start3A_53] : memref<2560x128xi32, #tpu.memory_space<hbm>> -> memref<1x128xi32, #tpu.memory_space<hbm>>
      %dma_start3A_55 = tpu.memref_squeeze %dma_start3A_54 : memref<1x128xi32, #tpu.memory_space<hbm>> -> memref<128xi32, #tpu.memory_space<hbm>>
      tpu.enqueue_dma source(%dma_start3A_55 : memref<128xi32, #tpu.memory_space<hbm>>) target(%dma_start3A_52 : memref<128xi32, #tpu.memory_space<vmem>>) target_semaphore(%arg23 : memref<!tpu.dma_semaphore, #tpu.memory_space<semaphore_mem>>)
      %add3A_56 = arith.constant 2 : i32
      %add3A_57 = arith.addi %add3A_10, %add3A_56 : i32
      %dma_start3A_58 = arith.constant 2 : i32
      %dma_start3A_59 = arith.constant 0 : i32
      %dma_start3A_60 = tpu.memref_slice %arg8[%dma_start3A_58, %dma_start3A_59] : memref<4x128xi32, #tpu.memory_space<vmem>> -> memref<1x128xi32, #tpu.memory_space<vmem>>
      %dma_start3A_61 = tpu.memref_squeeze %dma_start3A_60 : memref<1x128xi32, #tpu.memory_space<vmem>> -> memref<128xi32, #tpu.memory_space<vmem>>
      %dma_start3A_62 = arith.constant 0 : i32
      %dma_start3A_63 = tpu.memref_slice %arg3[%add3A_57, %dma_start3A_62] : memref<2560x128xi32, #tpu.memory_space<hbm>> -> memref<1x128xi32, #tpu.memory_space<hbm>>
      %dma_start3A_64 = tpu.memref_squeeze %dma_start3A_63 : memref<1x128xi32, #tpu.memory_space<hbm>> -> memref<128xi32, #tpu.memory_space<hbm>>
      %dma_start3A_65 = arith.constant 0 : i32
      %dma_start3A_66 = tpu.memref_slice %arg8[%dma_start3A_58, %dma_start3A_65] : memref<4x128xi32, #tpu.memory_space<vmem>> -> memref<1x128xi32, #tpu.memory_space<vmem>>
      %dma_start3A_67 = tpu.memref_squeeze %dma_start3A_66 : memref<1x128xi32, #tpu.memory_space<vmem>> -> memref<128xi32, #tpu.memory_space<vmem>>
      %dma_start3A_68 = arith.constant 0 : i32
      %dma_start3A_69 = tpu.memref_slice %arg3[%add3A_57, %dma_start3A_68] : memref<2560x128xi32, #tpu.memory_space<hbm>> -> memref<1x128xi32, #tpu.memory_space<hbm>>
      %dma_start3A_70 = tpu.memref_squeeze %dma_start3A_69 : memref<1x128xi32, #tpu.memory_space<hbm>> -> memref<128xi32, #tpu.memory_space<hbm>>
      tpu.enqueue_dma source(%dma_start3A_70 : memref<128xi32, #tpu.memory_space<hbm>>) target(%dma_start3A_67 : memref<128xi32, #tpu.memory_space<vmem>>) target_semaphore(%arg24 : memref<!tpu.dma_semaphore, #tpu.memory_space<semaphore_mem>>)
      %add3A_71 = arith.constant 3 : i32
      %add3A_72 = arith.addi %add3A_10, %add3A_71 : i32
      %dma_start3A_73 = arith.constant 3 : i32
      %dma_start3A_74 = arith.constant 0 : i32
      %dma_start3A_75 = tpu.memref_slice %arg8[%dma_start3A_73, %dma_start3A_74] : memref<4x128xi32, #tpu.memory_space<vmem>> -> memref<1x128xi32, #tpu.memory_space<vmem>>
      %dma_start3A_76 = tpu.memref_squeeze %dma_start3A_75 : memref<1x128xi32, #tpu.memory_space<vmem>> -> memref<128xi32, #tpu.memory_space<vmem>>
      %dma_start3A_77 = arith.constant 0 : i32
      %dma_start3A_78 = tpu.memref_slice %arg3[%add3A_72, %dma_start3A_77] : memref<2560x128xi32, #tpu.memory_space<hbm>> -> memref<1x128xi32, #tpu.memory_space<hbm>>
      %dma_start3A_79 = tpu.memref_squeeze %dma_start3A_78 : memref<1x128xi32, #tpu.memory_space<hbm>> -> memref<128xi32, #tpu.memory_space<hbm>>
      %dma_start3A_80 = arith.constant 0 : i32
      %dma_start3A_81 = tpu.memref_slice %arg8[%dma_start3A_73, %dma_start3A_80] : memref<4x128xi32, #tpu.memory_space<vmem>> -> memref<1x128xi32, #tpu.memory_space<vmem>>
      %dma_start3A_82 = tpu.memref_squeeze %dma_start3A_81 : memref<1x128xi32, #tpu.memory_space<vmem>> -> memref<128xi32, #tpu.memory_space<vmem>>
      %dma_start3A_83 = arith.constant 0 : i32
      %dma_start3A_84 = tpu.memref_slice %arg3[%add3A_72, %dma_start3A_83] : memref<2560x128xi32, #tpu.memory_space<hbm>> -> memref<1x128xi32, #tpu.memory_space<hbm>>
      %dma_start3A_85 = tpu.memref_squeeze %dma_start3A_84 : memref<1x128xi32, #tpu.memory_space<hbm>> -> memref<128xi32, #tpu.memory_space<hbm>>
      tpu.enqueue_dma source(%dma_start3A_85 : memref<128xi32, #tpu.memory_space<hbm>>) target(%dma_start3A_82 : memref<128xi32, #tpu.memory_space<vmem>>) target_semaphore(%arg25 : memref<!tpu.dma_semaphore, #tpu.memory_space<semaphore_mem>>)
      %add3A_86 = arith.constant 0 : i32
      %add3A_87 = arith.addi %add3A_10, %add3A_86 : i32
      %dma_start3A_88 = arith.constant 0 : i32
      %dma_start3A_89 = arith.constant 0 : i32
      %dma_start3A_90 = tpu.memref_slice %arg9[%dma_start3A_88, %dma_start3A_89] : memref<4x128xi32, #tpu.memory_space<vmem>> -> memref<1x128xi32, #tpu.memory_space<vmem>>
      %dma_start3A_91 = tpu.memref_squeeze %dma_start3A_90 : memref<1x128xi32, #tpu.memory_space<vmem>> -> memref<128xi32, #tpu.memory_space<vmem>>
      %dma_start3A_92 = arith.constant 0 : i32
      %dma_start3A_93 = tpu.memref_slice %arg4[%add3A_87, %dma_start3A_92] : memref<2560x128xi32, #tpu.memory_space<hbm>> -> memref<1x128xi32, #tpu.memory_space<hbm>>
      %dma_start3A_94 = tpu.memref_squeeze %dma_start3A_93 : memref<1x128xi32, #tpu.memory_space<hbm>> -> memref<128xi32, #tpu.memory_space<hbm>>
      %dma_start3A_95 = arith.constant 0 : i32
      %dma_start3A_96 = tpu.memref_slice %arg9[%dma_start3A_88, %dma_start3A_95] : memref<4x128xi32, #tpu.memory_space<vmem>> -> memref<1x128xi32, #tpu.memory_space<vmem>>
      %dma_start3A_97 = tpu.memref_squeeze %dma_start3A_96 : memref<1x128xi32, #tpu.memory_space<vmem>> -> memref<128xi32, #tpu.memory_space<vmem>>
      %dma_start3A_98 = arith.constant 0 : i32
      %dma_start3A_99 = tpu.memref_slice %arg4[%add3A_87, %dma_start3A_98] : memref<2560x128xi32, #tpu.memory_space<hbm>> -> memref<1x128xi32, #tpu.memory_space<hbm>>
      %dma_start3A_100 = tpu.memref_squeeze %dma_start3A_99 : memref<1x128xi32, #tpu.memory_space<hbm>> -> memref<128xi32, #tpu.memory_space<hbm>>
      tpu.enqueue_dma source(%dma_start3A_100 : memref<128xi32, #tpu.memory_space<hbm>>) target(%dma_start3A_97 : memref<128xi32, #tpu.memory_space<vmem>>) target_semaphore(%arg26 : memref<!tpu.dma_semaphore, #tpu.memory_space<semaphore_mem>>)
      %add3A_101 = arith.constant 1 : i32
      %add3A_102 = arith.addi %add3A_10, %add3A_101 : i32
      %dma_start3A_103 = arith.constant 1 : i32
      %dma_start3A_104 = arith.constant 0 : i32
      %dma_start3A_105 = tpu.memref_slice %arg9[%dma_start3A_103, %dma_start3A_104] : memref<4x128xi32, #tpu.memory_space<vmem>> -> memref<1x128xi32, #tpu.memory_space<vmem>>
      %dma_start3A_106 = tpu.memref_squeeze %dma_start3A_105 : memref<1x128xi32, #tpu.memory_space<vmem>> -> memref<128xi32, #tpu.memory_space<vmem>>
      %dma_start3A_107 = arith.constant 0 : i32
      %dma_start3A_108 = tpu.memref_slice %arg4[%add3A_102, %dma_start3A_107] : memref<2560x128xi32, #tpu.memory_space<hbm>> -> memref<1x128xi32, #tpu.memory_space<hbm>>
      %dma_start3A_109 = tpu.memref_squeeze %dma_start3A_108 : memref<1x128xi32, #tpu.memory_space<hbm>> -> memref<128xi32, #tpu.memory_space<hbm>>
      %dma_start3A_110 = arith.constant 0 : i32
      %dma_start3A_111 = tpu.memref_slice %arg9[%dma_start3A_103, %dma_start3A_110] : memref<4x128xi32, #tpu.memory_space<vmem>> -> memref<1x128xi32, #tpu.memory_space<vmem>>
      %dma_start3A_112 = tpu.memref_squeeze %dma_start3A_111 : memref<1x128xi32, #tpu.memory_space<vmem>> -> memref<128xi32, #tpu.memory_space<vmem>>
      %dma_start3A_113 = arith.constant 0 : i32
      %dma_start3A_114 = tpu.memref_slice %arg4[%add3A_102, %dma_start3A_113] : memref<2560x128xi32, #tpu.memory_space<hbm>> -> memref<1x128xi32, #tpu.memory_space<hbm>>
      %dma_start3A_115 = tpu.memref_squeeze %dma_start3A_114 : memref<1x128xi32, #tpu.memory_space<hbm>> -> memref<128xi32, #tpu.memory_space<hbm>>
      tpu.enqueue_dma source(%dma_start3A_115 : memref<128xi32, #tpu.memory_space<hbm>>) target(%dma_start3A_112 : memref<128xi32, #tpu.memory_space<vmem>>) target_semaphore(%arg27 : memref<!tpu.dma_semaphore, #tpu.memory_space<semaphore_mem>>)
      %add3A_116 = arith.constant 2 : i32
      %add3A_117 = arith.addi %add3A_10, %add3A_116 : i32
      %dma_start3A_118 = arith.constant 2 : i32
      %dma_start3A_119 = arith.constant 0 : i32
      %dma_start3A_120 = tpu.memref_slice %arg9[%dma_start3A_118, %dma_start3A_119] : memref<4x128xi32, #tpu.memory_space<vmem>> -> memref<1x128xi32, #tpu.memory_space<vmem>>
      %dma_start3A_121 = tpu.memref_squeeze %dma_start3A_120 : memref<1x128xi32, #tpu.memory_space<vmem>> -> memref<128xi32, #tpu.memory_space<vmem>>
      %dma_start3A_122 = arith.constant 0 : i32
      %dma_start3A_123 = tpu.memref_slice %arg4[%add3A_117, %dma_start3A_122] : memref<2560x128xi32, #tpu.memory_space<hbm>> -> memref<1x128xi32, #tpu.memory_space<hbm>>
      %dma_start3A_124 = tpu.memref_squeeze %dma_start3A_123 : memref<1x128xi32, #tpu.memory_space<hbm>> -> memref<128xi32, #tpu.memory_space<hbm>>
      %dma_start3A_125 = arith.constant 0 : i32
      %dma_start3A_126 = tpu.memref_slice %arg9[%dma_start3A_118, %dma_start3A_125] : memref<4x128xi32, #tpu.memory_space<vmem>> -> memref<1x128xi32, #tpu.memory_space<vmem>>
      %dma_start3A_127 = tpu.memref_squeeze %dma_start3A_126 : memref<1x128xi32, #tpu.memory_space<vmem>> -> memref<128xi32, #tpu.memory_space<vmem>>
      %dma_start3A_128 = arith.constant 0 : i32
      %dma_start3A_129 = tpu.memref_slice %arg4[%add3A_117, %dma_start3A_128] : memref<2560x128xi32, #tpu.memory_space<hbm>> -> memref<1x128xi32, #tpu.memory_space<hbm>>
      %dma_start3A_130 = tpu.memref_squeeze %dma_start3A_129 : memref<1x128xi32, #tpu.memory_space<hbm>> -> memref<128xi32, #tpu.memory_space<hbm>>
      tpu.enqueue_dma source(%dma_start3A_130 : memref<128xi32, #tpu.memory_space<hbm>>) target(%dma_start3A_127 : memref<128xi32, #tpu.memory_space<vmem>>) target_semaphore(%arg28 : memref<!tpu.dma_semaphore, #tpu.memory_space<semaphore_mem>>)
      %add3A_131 = arith.constant 3 : i32
      %add3A_132 = arith.addi %add3A_10, %add3A_131 : i32
      %dma_start3A_133 = arith.constant 3 : i32
      %dma_start3A_134 = arith.constant 0 : i32
      %dma_start3A_135 = tpu.memref_slice %arg9[%dma_start3A_133, %dma_start3A_134] : memref<4x128xi32, #tpu.memory_space<vmem>> -> memref<1x128xi32, #tpu.memory_space<vmem>>
      %dma_start3A_136 = tpu.memref_squeeze %dma_start3A_135 : memref<1x128xi32, #tpu.memory_space<vmem>> -> memref<128xi32, #tpu.memory_space<vmem>>
      %dma_start3A_137 = arith.constant 0 : i32
      %dma_start3A_138 = tpu.memref_slice %arg4[%add3A_132, %dma_start3A_137] : memref<2560x128xi32, #tpu.memory_space<hbm>> -> memref<1x128xi32, #tpu.memory_space<hbm>>
      %dma_start3A_139 = tpu.memref_squeeze %dma_start3A_138 : memref<1x128xi32, #tpu.memory_space<hbm>> -> memref<128xi32, #tpu.memory_space<hbm>>
      %dma_start3A_140 = arith.constant 0 : i32
      %dma_start3A_141 = tpu.memref_slice %arg9[%dma_start3A_133, %dma_start3A_140] : memref<4x128xi32, #tpu.memory_space<vmem>> -> memref<1x128xi32, #tpu.memory_space<vmem>>
      %dma_start3A_142 = tpu.memref_squeeze %dma_start3A_141 : memref<1x128xi32, #tpu.memory_space<vmem>> -> memref<128xi32, #tpu.memory_space<vmem>>
      %dma_start3A_143 = arith.constant 0 : i32
      %dma_start3A_144 = tpu.memref_slice %arg4[%add3A_132, %dma_start3A_143] : memref<2560x128xi32, #tpu.memory_space<hbm>> -> memref<1x128xi32, #tpu.memory_space<hbm>>
      %dma_start3A_145 = tpu.memref_squeeze %dma_start3A_144 : memref<1x128xi32, #tpu.memory_space<hbm>> -> memref<128xi32, #tpu.memory_space<hbm>>
      tpu.enqueue_dma source(%dma_start3A_145 : memref<128xi32, #tpu.memory_space<hbm>>) target(%dma_start3A_142 : memref<128xi32, #tpu.memory_space<vmem>>) target_semaphore(%arg29 : memref<!tpu.dma_semaphore, #tpu.memory_space<semaphore_mem>>)
      %dma_wait3A_146 = arith.constant 0 : i32
      %dma_wait3A_147 = arith.constant 0 : i32
      %dma_wait3A_148 = tpu.memref_slice %arg8[%dma_wait3A_146, %dma_wait3A_147] : memref<4x128xi32, #tpu.memory_space<vmem>> -> memref<1x128xi32, #tpu.memory_space<vmem>>
      %dma_wait3A_149 = tpu.memref_squeeze %dma_wait3A_148 : memref<1x128xi32, #tpu.memory_space<vmem>> -> memref<128xi32, #tpu.memory_space<vmem>>
      %dma_wait3A_150 = arith.constant 0 : i32
      %dma_wait3A_151 = tpu.memref_slice %arg3[%add3A_27, %dma_wait3A_150] : memref<2560x128xi32, #tpu.memory_space<hbm>> -> memref<1x128xi32, #tpu.memory_space<hbm>>
      %dma_wait3A_152 = tpu.memref_squeeze %dma_wait3A_151 : memref<1x128xi32, #tpu.memory_space<hbm>> -> memref<128xi32, #tpu.memory_space<hbm>>
      %dma_wait3A_153 = arith.constant 0 : i32
      %dma_wait3A_154 = tpu.memref_slice %arg8[%dma_wait3A_146, %dma_wait3A_153] : memref<4x128xi32, #tpu.memory_space<vmem>> -> memref<1x128xi32, #tpu.memory_space<vmem>>
      %dma_wait3A_155 = tpu.memref_squeeze %dma_wait3A_154 : memref<1x128xi32, #tpu.memory_space<vmem>> -> memref<128xi32, #tpu.memory_space<vmem>>
      %dma_wait3A_156 = arith.constant 0 : i32
      %dma_wait3A_157 = tpu.memref_slice %arg3[%add3A_27, %dma_wait3A_156] : memref<2560x128xi32, #tpu.memory_space<hbm>> -> memref<1x128xi32, #tpu.memory_space<hbm>>
      %dma_wait3A_158 = tpu.memref_squeeze %dma_wait3A_157 : memref<1x128xi32, #tpu.memory_space<hbm>> -> memref<128xi32, #tpu.memory_space<hbm>>
      tpu.wait_dma2 semaphore(%arg22 : memref<!tpu.dma_semaphore, #tpu.memory_space<semaphore_mem>>) src(%dma_wait3A_158 : memref<128xi32, #tpu.memory_space<hbm>>) dst(%dma_wait3A_155 : memref<128xi32, #tpu.memory_space<vmem>>)
      %dma_start3A_159 = arith.constant 0 : i32
      %dma_start3A_160 = arith.constant 0 : i32
      %dma_start3A_161 = tpu.memref_slice %arg8[%dma_start3A_159, %dma_start3A_160] : memref<4x128xi32, #tpu.memory_space<vmem>> -> memref<1x128xi32, #tpu.memory_space<vmem>>
      %dma_start3A_162 = tpu.memref_squeeze %dma_start3A_161 : memref<1x128xi32, #tpu.memory_space<vmem>> -> memref<128xi32, #tpu.memory_space<vmem>>
      %dma_start3A_163 = arith.constant 0 : i32
      %dma_start3A_164 = arith.constant 0 : i32
      %dma_start3A_165 = tpu.memref_slice %arg7[%dma_start3A_163, %dma_start3A_164] : memref<10240x64xf32, #tpu.memory_space<vmem_shared>> -> memref<10240x64xf32, #tpu.memory_space<vmem_shared>>
      tpu.enqueue_indirect_dma source(%dma_start3A_165 : memref<10240x64xf32, #tpu.memory_space<vmem_shared>>) target(%arg10 : memref<128x64xf32, #tpu.memory_space<vmem>>) offsets(%dma_start3A_162 : memref<128xi32, #tpu.memory_space<vmem>>) semaphore(%arg14 : memref<!tpu.dma_semaphore, #tpu.memory_space<semaphore_mem>>)
      %dma_wait3A_166 = arith.constant 1 : i32
      %dma_wait3A_167 = arith.constant 0 : i32
      %dma_wait3A_168 = tpu.memref_slice %arg8[%dma_wait3A_166, %dma_wait3A_167] : memref<4x128xi32, #tpu.memory_space<vmem>> -> memref<1x128xi32, #tpu.memory_space<vmem>>
      %dma_wait3A_169 = tpu.memref_squeeze %dma_wait3A_168 : memref<1x128xi32, #tpu.memory_space<vmem>> -> memref<128xi32, #tpu.memory_space<vmem>>
      %dma_wait3A_170 = arith.constant 0 : i32
      %dma_wait3A_171 = tpu.memref_slice %arg3[%add3A_42, %dma_wait3A_170] : memref<2560x128xi32, #tpu.memory_space<hbm>> -> memref<1x128xi32, #tpu.memory_space<hbm>>
      %dma_wait3A_172 = tpu.memref_squeeze %dma_wait3A_171 : memref<1x128xi32, #tpu.memory_space<hbm>> -> memref<128xi32, #tpu.memory_space<hbm>>
      %dma_wait3A_173 = arith.constant 0 : i32
      %dma_wait3A_174 = tpu.memref_slice %arg8[%dma_wait3A_166, %dma_wait3A_173] : memref<4x128xi32, #tpu.memory_space<vmem>> -> memref<1x128xi32, #tpu.memory_space<vmem>>
      %dma_wait3A_175 = tpu.memref_squeeze %dma_wait3A_174 : memref<1x128xi32, #tpu.memory_space<vmem>> -> memref<128xi32, #tpu.memory_space<vmem>>
      %dma_wait3A_176 = arith.constant 0 : i32
      %dma_wait3A_177 = tpu.memref_slice %arg3[%add3A_42, %dma_wait3A_176] : memref<2560x128xi32, #tpu.memory_space<hbm>> -> memref<1x128xi32, #tpu.memory_space<hbm>>
      %dma_wait3A_178 = tpu.memref_squeeze %dma_wait3A_177 : memref<1x128xi32, #tpu.memory_space<hbm>> -> memref<128xi32, #tpu.memory_space<hbm>>
      tpu.wait_dma2 semaphore(%arg23 : memref<!tpu.dma_semaphore, #tpu.memory_space<semaphore_mem>>) src(%dma_wait3A_178 : memref<128xi32, #tpu.memory_space<hbm>>) dst(%dma_wait3A_175 : memref<128xi32, #tpu.memory_space<vmem>>)
      %dma_start3A_179 = arith.constant 1 : i32
      %dma_start3A_180 = arith.constant 0 : i32
      %dma_start3A_181 = tpu.memref_slice %arg8[%dma_start3A_179, %dma_start3A_180] : memref<4x128xi32, #tpu.memory_space<vmem>> -> memref<1x128xi32, #tpu.memory_space<vmem>>
      %dma_start3A_182 = tpu.memref_squeeze %dma_start3A_181 : memref<1x128xi32, #tpu.memory_space<vmem>> -> memref<128xi32, #tpu.memory_space<vmem>>
      %dma_start3A_183 = arith.constant 0 : i32
      %dma_start3A_184 = arith.constant 0 : i32
      %dma_start3A_185 = tpu.memref_slice %arg7[%dma_start3A_183, %dma_start3A_184] : memref<10240x64xf32, #tpu.memory_space<vmem_shared>> -> memref<10240x64xf32, #tpu.memory_space<vmem_shared>>
      tpu.enqueue_indirect_dma source(%dma_start3A_185 : memref<10240x64xf32, #tpu.memory_space<vmem_shared>>) target(%arg11 : memref<128x64xf32, #tpu.memory_space<vmem>>) offsets(%dma_start3A_182 : memref<128xi32, #tpu.memory_space<vmem>>) semaphore(%arg15 : memref<!tpu.dma_semaphore, #tpu.memory_space<semaphore_mem>>)
      %dma_wait3A_186 = arith.constant 2 : i32
      %dma_wait3A_187 = arith.constant 0 : i32
      %dma_wait3A_188 = tpu.memref_slice %arg8[%dma_wait3A_186, %dma_wait3A_187] : memref<4x128xi32, #tpu.memory_space<vmem>> -> memref<1x128xi32, #tpu.memory_space<vmem>>
      %dma_wait3A_189 = tpu.memref_squeeze %dma_wait3A_188 : memref<1x128xi32, #tpu.memory_space<vmem>> -> memref<128xi32, #tpu.memory_space<vmem>>
      %dma_wait3A_190 = arith.constant 0 : i32
      %dma_wait3A_191 = tpu.memref_slice %arg3[%add3A_57, %dma_wait3A_190] : memref<2560x128xi32, #tpu.memory_space<hbm>> -> memref<1x128xi32, #tpu.memory_space<hbm>>
      %dma_wait3A_192 = tpu.memref_squeeze %dma_wait3A_191 : memref<1x128xi32, #tpu.memory_space<hbm>> -> memref<128xi32, #tpu.memory_space<hbm>>
      %dma_wait3A_193 = arith.constant 0 : i32
      %dma_wait3A_194 = tpu.memref_slice %arg8[%dma_wait3A_186, %dma_wait3A_193] : memref<4x128xi32, #tpu.memory_space<vmem>> -> memref<1x128xi32, #tpu.memory_space<vmem>>
      %dma_wait3A_195 = tpu.memref_squeeze %dma_wait3A_194 : memref<1x128xi32, #tpu.memory_space<vmem>> -> memref<128xi32, #tpu.memory_space<vmem>>
      %dma_wait3A_196 = arith.constant 0 : i32
      %dma_wait3A_197 = tpu.memref_slice %arg3[%add3A_57, %dma_wait3A_196] : memref<2560x128xi32, #tpu.memory_space<hbm>> -> memref<1x128xi32, #tpu.memory_space<hbm>>
      %dma_wait3A_198 = tpu.memref_squeeze %dma_wait3A_197 : memref<1x128xi32, #tpu.memory_space<hbm>> -> memref<128xi32, #tpu.memory_space<hbm>>
      tpu.wait_dma2 semaphore(%arg24 : memref<!tpu.dma_semaphore, #tpu.memory_space<semaphore_mem>>) src(%dma_wait3A_198 : memref<128xi32, #tpu.memory_space<hbm>>) dst(%dma_wait3A_195 : memref<128xi32, #tpu.memory_space<vmem>>)
      %dma_start3A_199 = arith.constant 2 : i32
      %dma_start3A_200 = arith.constant 0 : i32
      %dma_start3A_201 = tpu.memref_slice %arg8[%dma_start3A_199, %dma_start3A_200] : memref<4x128xi32, #tpu.memory_space<vmem>> -> memref<1x128xi32, #tpu.memory_space<vmem>>
      %dma_start3A_202 = tpu.memref_squeeze %dma_start3A_201 : memref<1x128xi32, #tpu.memory_space<vmem>> -> memref<128xi32, #tpu.memory_space<vmem>>
      %dma_start3A_203 = arith.constant 0 : i32
      %dma_start3A_204 = arith.constant 0 : i32
      %dma_start3A_205 = tpu.memref_slice %arg7[%dma_start3A_203, %dma_start3A_204] : memref<10240x64xf32, #tpu.memory_space<vmem_shared>> -> memref<10240x64xf32, #tpu.memory_space<vmem_shared>>
      tpu.enqueue_indirect_dma source(%dma_start3A_205 : memref<10240x64xf32, #tpu.memory_space<vmem_shared>>) target(%arg12 : memref<128x64xf32, #tpu.memory_space<vmem>>) offsets(%dma_start3A_202 : memref<128xi32, #tpu.memory_space<vmem>>) semaphore(%arg16 : memref<!tpu.dma_semaphore, #tpu.memory_space<semaphore_mem>>)
      %dma_wait3A_206 = arith.constant 3 : i32
      %dma_wait3A_207 = arith.constant 0 : i32
      %dma_wait3A_208 = tpu.memref_slice %arg8[%dma_wait3A_206, %dma_wait3A_207] : memref<4x128xi32, #tpu.memory_space<vmem>> -> memref<1x128xi32, #tpu.memory_space<vmem>>
      %dma_wait3A_209 = tpu.memref_squeeze %dma_wait3A_208 : memref<1x128xi32, #tpu.memory_space<vmem>> -> memref<128xi32, #tpu.memory_space<vmem>>
      %dma_wait3A_210 = arith.constant 0 : i32
      %dma_wait3A_211 = tpu.memref_slice %arg3[%add3A_72, %dma_wait3A_210] : memref<2560x128xi32, #tpu.memory_space<hbm>> -> memref<1x128xi32, #tpu.memory_space<hbm>>
      %dma_wait3A_212 = tpu.memref_squeeze %dma_wait3A_211 : memref<1x128xi32, #tpu.memory_space<hbm>> -> memref<128xi32, #tpu.memory_space<hbm>>
      %dma_wait3A_213 = arith.constant 0 : i32
      %dma_wait3A_214 = tpu.memref_slice %arg8[%dma_wait3A_206, %dma_wait3A_213] : memref<4x128xi32, #tpu.memory_space<vmem>> -> memref<1x128xi32, #tpu.memory_space<vmem>>
      %dma_wait3A_215 = tpu.memref_squeeze %dma_wait3A_214 : memref<1x128xi32, #tpu.memory_space<vmem>> -> memref<128xi32, #tpu.memory_space<vmem>>
      %dma_wait3A_216 = arith.constant 0 : i32
      %dma_wait3A_217 = tpu.memref_slice %arg3[%add3A_72, %dma_wait3A_216] : memref<2560x128xi32, #tpu.memory_space<hbm>> -> memref<1x128xi32, #tpu.memory_space<hbm>>
      %dma_wait3A_218 = tpu.memref_squeeze %dma_wait3A_217 : memref<1x128xi32, #tpu.memory_space<hbm>> -> memref<128xi32, #tpu.memory_space<hbm>>
      tpu.wait_dma2 semaphore(%arg25 : memref<!tpu.dma_semaphore, #tpu.memory_space<semaphore_mem>>) src(%dma_wait3A_218 : memref<128xi32, #tpu.memory_space<hbm>>) dst(%dma_wait3A_215 : memref<128xi32, #tpu.memory_space<vmem>>)
      %dma_start3A_219 = arith.constant 3 : i32
      %dma_start3A_220 = arith.constant 0 : i32
      %dma_start3A_221 = tpu.memref_slice %arg8[%dma_start3A_219, %dma_start3A_220] : memref<4x128xi32, #tpu.memory_space<vmem>> -> memref<1x128xi32, #tpu.memory_space<vmem>>
      %dma_start3A_222 = tpu.memref_squeeze %dma_start3A_221 : memref<1x128xi32, #tpu.memory_space<vmem>> -> memref<128xi32, #tpu.memory_space<vmem>>
      %dma_start3A_223 = arith.constant 0 : i32
      %dma_start3A_224 = arith.constant 0 : i32
      %dma_start3A_225 = tpu.memref_slice %arg7[%dma_start3A_223, %dma_start3A_224] : memref<10240x64xf32, #tpu.memory_space<vmem_shared>> -> memref<10240x64xf32, #tpu.memory_space<vmem_shared>>
      tpu.enqueue_indirect_dma source(%dma_start3A_225 : memref<10240x64xf32, #tpu.memory_space<vmem_shared>>) target(%arg13 : memref<128x64xf32, #tpu.memory_space<vmem>>) offsets(%dma_start3A_222 : memref<128xi32, #tpu.memory_space<vmem>>) semaphore(%arg17 : memref<!tpu.dma_semaphore, #tpu.memory_space<semaphore_mem>>)
      %scan3A_226 = arith.constant 0 : i32
      %scan3A_227 = arith.constant 16 : i32
      %scan3A_228 = arith.addi %scan3A_226, %scan3A_227 : i32
      %scan3A_229 = arith.constant 1 : i32
      scf.for %scan3A_232 = %scan3A_226 to %scan3A_228 step %scan3A_229  : i32 {
        %mul3A_233 = arith.constant 4 : i32
        %mul3A_234 = arith.muli %scan3A_232, %mul3A_233 : i32
        %add3A_235 = arith.constant 0 : i32
        %add3A_236 = arith.addi %add3A_235, %mul3A_234 : i32
        %dma_wait3A_237 = arith.constant 0 : i32
        %dma_wait3A_238 = arith.constant 0 : i32
        %dma_wait3A_239 = tpu.memref_slice %arg8[%dma_wait3A_237, %dma_wait3A_238] : memref<4x128xi32, #tpu.memory_space<vmem>> -> memref<1x128xi32, #tpu.memory_space<vmem>>
        %dma_wait3A_240 = tpu.memref_squeeze %dma_wait3A_239 : memref<1x128xi32, #tpu.memory_space<vmem>> -> memref<128xi32, #tpu.memory_space<vmem>>
        %dma_wait3A_241 = arith.constant 0 : i32
        %dma_wait3A_242 = arith.constant 0 : i32
        %dma_wait3A_243 = tpu.memref_slice %arg7[%dma_wait3A_241, %dma_wait3A_242] : memref<10240x64xf32, #tpu.memory_space<vmem_shared>> -> memref<10240x64xf32, #tpu.memory_space<vmem_shared>>
        tpu.wait_indirect_dma semaphore(%arg14 : memref<!tpu.dma_semaphore, #tpu.memory_space<semaphore_mem>>) src(%dma_wait3A_243 : memref<10240x64xf32, #tpu.memory_space<vmem_shared>>) dst(%arg10 : memref<128x64xf32, #tpu.memory_space<vmem>>)
        %add3A_244 = arith.addi %add3A_10, %add3A_236 : i32
        %add3A_245 = arith.constant 0 : i32
        %add3A_246 = arith.addi %add3A_244, %add3A_245 : i32
        %dma_wait3A_247 = arith.constant 0 : i32
        %dma_wait3A_248 = arith.constant 0 : i32
        %dma_wait3A_249 = tpu.memref_slice %arg9[%dma_wait3A_247, %dma_wait3A_248] : memref<4x128xi32, #tpu.memory_space<vmem>> -> memref<1x128xi32, #tpu.memory_space<vmem>>
        %dma_wait3A_250 = tpu.memref_squeeze %dma_wait3A_249 : memref<1x128xi32, #tpu.memory_space<vmem>> -> memref<128xi32, #tpu.memory_space<vmem>>
        %dma_wait3A_251 = arith.constant 0 : i32
        %dma_wait3A_252 = tpu.memref_slice %arg4[%add3A_246, %dma_wait3A_251] : memref<2560x128xi32, #tpu.memory_space<hbm>> -> memref<1x128xi32, #tpu.memory_space<hbm>>
        %dma_wait3A_253 = tpu.memref_squeeze %dma_wait3A_252 : memref<1x128xi32, #tpu.memory_space<hbm>> -> memref<128xi32, #tpu.memory_space<hbm>>
        %dma_wait3A_254 = arith.constant 0 : i32
        %dma_wait3A_255 = tpu.memref_slice %arg9[%dma_wait3A_247, %dma_wait3A_254] : memref<4x128xi32, #tpu.memory_space<vmem>> -> memref<1x128xi32, #tpu.memory_space<vmem>>
        %dma_wait3A_256 = tpu.memref_squeeze %dma_wait3A_255 : memref<1x128xi32, #tpu.memory_space<vmem>> -> memref<128xi32, #tpu.memory_space<vmem>>
        %dma_wait3A_257 = arith.constant 0 : i32
        %dma_wait3A_258 = tpu.memref_slice %arg4[%add3A_246, %dma_wait3A_257] : memref<2560x128xi32, #tpu.memory_space<hbm>> -> memref<1x128xi32, #tpu.memory_space<hbm>>
        %dma_wait3A_259 = tpu.memref_squeeze %dma_wait3A_258 : memref<1x128xi32, #tpu.memory_space<hbm>> -> memref<128xi32, #tpu.memory_space<hbm>>
        tpu.wait_dma2 semaphore(%arg26 : memref<!tpu.dma_semaphore, #tpu.memory_space<semaphore_mem>>) src(%dma_wait3A_259 : memref<128xi32, #tpu.memory_space<hbm>>) dst(%dma_wait3A_256 : memref<128xi32, #tpu.memory_space<vmem>>)
        %dma_start3A_260 = arith.constant 0 : i32
        %dma_start3A_261 = arith.constant 0 : i32
        %dma_start3A_262 = tpu.memref_slice %arg9[%dma_start3A_260, %dma_start3A_261] : memref<4x128xi32, #tpu.memory_space<vmem>> -> memref<1x128xi32, #tpu.memory_space<vmem>>
        %dma_start3A_263 = tpu.memref_squeeze %dma_start3A_262 : memref<1x128xi32, #tpu.memory_space<vmem>> -> memref<128xi32, #tpu.memory_space<vmem>>
        %dma_start3A_264 = arith.constant 0 : i32
        %dma_start3A_265 = arith.constant 0 : i32
        %dma_start3A_266 = tpu.memref_slice %arg6[%dma_start3A_264, %dma_start3A_265] : memref<10240x64xf32, #tpu.memory_space<vmem_shared>> -> memref<10240x64xf32, #tpu.memory_space<vmem_shared>>
        tpu.enqueue_indirect_dma source(%arg10 : memref<128x64xf32, #tpu.memory_space<vmem>>) target(%dma_start3A_266 : memref<10240x64xf32, #tpu.memory_space<vmem_shared>>) offsets(%dma_start3A_263 : memref<128xi32, #tpu.memory_space<vmem>>) semaphore(%arg18 : memref<!tpu.dma_semaphore, #tpu.memory_space<semaphore_mem>>) {add = true}
        %add3A_267 = arith.constant 0 : i32
        %add3A_268 = arith.addi %add3A_236, %add3A_267 : i32
        %add3A_269 = arith.constant 4 : i32
        %add3A_270 = arith.addi %add3A_268, %add3A_269 : i32
        %lt3A = arith.constant 64 : i32
        %lt3A_271 = arith.cmpi slt, %add3A_270, %lt3A : i32
        %convert_element_type3A_272 = arith.extui %lt3A_271 : i1 to i32
        %cond3A_273 = arith.constant 0 : i32
        %cond3A_274 = arith.cmpi ne, %convert_element_type3A_272, %cond3A_273 : i32
        scf.if %cond3A_274 {
          %add3A_456 = arith.addi %add3A_10, %add3A_236 : i32
          %add3A_457 = arith.constant 0 : i32
          %add3A_458 = arith.addi %add3A_456, %add3A_457 : i32
          %add3A_459 = arith.constant 4 : i32
          %add3A_460 = arith.addi %add3A_458, %add3A_459 : i32
          %dma_start3A_461 = arith.constant 0 : i32
          %dma_start3A_462 = arith.constant 0 : i32
          %dma_start3A_463 = tpu.memref_slice %arg8[%dma_start3A_461, %dma_start3A_462] : memref<4x128xi32, #tpu.memory_space<vmem>> -> memref<1x128xi32, #tpu.memory_space<vmem>>
          %dma_start3A_464 = tpu.memref_squeeze %dma_start3A_463 : memref<1x128xi32, #tpu.memory_space<vmem>> -> memref<128xi32, #tpu.memory_space<vmem>>
          %dma_start3A_465 = arith.constant 0 : i32
          %dma_start3A_466 = tpu.memref_slice %arg3[%add3A_460, %dma_start3A_465] : memref<2560x128xi32, #tpu.memory_space<hbm>> -> memref<1x128xi32, #tpu.memory_space<hbm>>
          %dma_start3A_467 = tpu.memref_squeeze %dma_start3A_466 : memref<1x128xi32, #tpu.memory_space<hbm>> -> memref<128xi32, #tpu.memory_space<hbm>>
          %dma_start3A_468 = arith.constant 0 : i32
          %dma_start3A_469 = tpu.memref_slice %arg8[%dma_start3A_461, %dma_start3A_468] : memref<4x128xi32, #tpu.memory_space<vmem>> -> memref<1x128xi32, #tpu.memory_space<vmem>>
          %dma_start3A_470 = tpu.memref_squeeze %dma_start3A_469 : memref<1x128xi32, #tpu.memory_space<vmem>> -> memref<128xi32, #tpu.memory_space<vmem>>
          %dma_start3A_471 = arith.constant 0 : i32
          %dma_start3A_472 = tpu.memref_slice %arg3[%add3A_460, %dma_start3A_471] : memref<2560x128xi32, #tpu.memory_space<hbm>> -> memref<1x128xi32, #tpu.memory_space<hbm>>
          %dma_start3A_473 = tpu.memref_squeeze %dma_start3A_472 : memref<1x128xi32, #tpu.memory_space<hbm>> -> memref<128xi32, #tpu.memory_space<hbm>>
          tpu.enqueue_dma source(%dma_start3A_473 : memref<128xi32, #tpu.memory_space<hbm>>) target(%dma_start3A_470 : memref<128xi32, #tpu.memory_space<vmem>>) target_semaphore(%arg22 : memref<!tpu.dma_semaphore, #tpu.memory_space<semaphore_mem>>)
        } else {
        }
        %dma_wait3A_275 = arith.constant 1 : i32
        %dma_wait3A_276 = arith.constant 0 : i32
        %dma_wait3A_277 = tpu.memref_slice %arg8[%dma_wait3A_275, %dma_wait3A_276] : memref<4x128xi32, #tpu.memory_space<vmem>> -> memref<1x128xi32, #tpu.memory_space<vmem>>
        %dma_wait3A_278 = tpu.memref_squeeze %dma_wait3A_277 : memref<1x128xi32, #tpu.memory_space<vmem>> -> memref<128xi32, #tpu.memory_space<vmem>>
        %dma_wait3A_279 = arith.constant 0 : i32
        %dma_wait3A_280 = arith.constant 0 : i32
        %dma_wait3A_281 = tpu.memref_slice %arg7[%dma_wait3A_279, %dma_wait3A_280] : memref<10240x64xf32, #tpu.memory_space<vmem_shared>> -> memref<10240x64xf32, #tpu.memory_space<vmem_shared>>
        tpu.wait_indirect_dma semaphore(%arg15 : memref<!tpu.dma_semaphore, #tpu.memory_space<semaphore_mem>>) src(%dma_wait3A_281 : memref<10240x64xf32, #tpu.memory_space<vmem_shared>>) dst(%arg11 : memref<128x64xf32, #tpu.memory_space<vmem>>)
        %add3A_282 = arith.addi %add3A_10, %add3A_236 : i32
        %add3A_283 = arith.constant 1 : i32
        %add3A_284 = arith.addi %add3A_282, %add3A_283 : i32
        %dma_wait3A_285 = arith.constant 1 : i32
        %dma_wait3A_286 = arith.constant 0 : i32
        %dma_wait3A_287 = tpu.memref_slice %arg9[%dma_wait3A_285, %dma_wait3A_286] : memref<4x128xi32, #tpu.memory_space<vmem>> -> memref<1x128xi32, #tpu.memory_space<vmem>>
        %dma_wait3A_288 = tpu.memref_squeeze %dma_wait3A_287 : memref<1x128xi32, #tpu.memory_space<vmem>> -> memref<128xi32, #tpu.memory_space<vmem>>
        %dma_wait3A_289 = arith.constant 0 : i32
        %dma_wait3A_290 = tpu.memref_slice %arg4[%add3A_284, %dma_wait3A_289] : memref<2560x128xi32, #tpu.memory_space<hbm>> -> memref<1x128xi32, #tpu.memory_space<hbm>>
        %dma_wait3A_291 = tpu.memref_squeeze %dma_wait3A_290 : memref<1x128xi32, #tpu.memory_space<hbm>> -> memref<128xi32, #tpu.memory_space<hbm>>
        %dma_wait3A_292 = arith.constant 0 : i32
        %dma_wait3A_293 = tpu.memref_slice %arg9[%dma_wait3A_285, %dma_wait3A_292] : memref<4x128xi32, #tpu.memory_space<vmem>> -> memref<1x128xi32, #tpu.memory_space<vmem>>
        %dma_wait3A_294 = tpu.memref_squeeze %dma_wait3A_293 : memref<1x128xi32, #tpu.memory_space<vmem>> -> memref<128xi32, #tpu.memory_space<vmem>>
        %dma_wait3A_295 = arith.constant 0 : i32
        %dma_wait3A_296 = tpu.memref_slice %arg4[%add3A_284, %dma_wait3A_295] : memref<2560x128xi32, #tpu.memory_space<hbm>> -> memref<1x128xi32, #tpu.memory_space<hbm>>
        %dma_wait3A_297 = tpu.memref_squeeze %dma_wait3A_296 : memref<1x128xi32, #tpu.memory_space<hbm>> -> memref<128xi32, #tpu.memory_space<hbm>>
        tpu.wait_dma2 semaphore(%arg27 : memref<!tpu.dma_semaphore, #tpu.memory_space<semaphore_mem>>) src(%dma_wait3A_297 : memref<128xi32, #tpu.memory_space<hbm>>) dst(%dma_wait3A_294 : memref<128xi32, #tpu.memory_space<vmem>>)
        %dma_start3A_298 = arith.constant 1 : i32
        %dma_start3A_299 = arith.constant 0 : i32
        %dma_start3A_300 = tpu.memref_slice %arg9[%dma_start3A_298, %dma_start3A_299] : memref<4x128xi32, #tpu.memory_space<vmem>> -> memref<1x128xi32, #tpu.memory_space<vmem>>
        %dma_start3A_301 = tpu.memref_squeeze %dma_start3A_300 : memref<1x128xi32, #tpu.memory_space<vmem>> -> memref<128xi32, #tpu.memory_space<vmem>>
        %dma_start3A_302 = arith.constant 0 : i32
        %dma_start3A_303 = arith.constant 0 : i32
        %dma_start3A_304 = tpu.memref_slice %arg6[%dma_start3A_302, %dma_start3A_303] : memref<10240x64xf32, #tpu.memory_space<vmem_shared>> -> memref<10240x64xf32, #tpu.memory_space<vmem_shared>>
        tpu.enqueue_indirect_dma source(%arg11 : memref<128x64xf32, #tpu.memory_space<vmem>>) target(%dma_start3A_304 : memref<10240x64xf32, #tpu.memory_space<vmem_shared>>) offsets(%dma_start3A_301 : memref<128xi32, #tpu.memory_space<vmem>>) semaphore(%arg19 : memref<!tpu.dma_semaphore, #tpu.memory_space<semaphore_mem>>) {add = true}
        %add3A_305 = arith.constant 1 : i32
        %add3A_306 = arith.addi %add3A_236, %add3A_305 : i32
        %add3A_307 = arith.constant 4 : i32
        %add3A_308 = arith.addi %add3A_306, %add3A_307 : i32
        %lt3A_309 = arith.constant 64 : i32
        %lt3A_310 = arith.cmpi slt, %add3A_308, %lt3A_309 : i32
        %convert_element_type3A_311 = arith.extui %lt3A_310 : i1 to i32
        %cond3A_312 = arith.constant 0 : i32
        %cond3A_313 = arith.cmpi ne, %convert_element_type3A_311, %cond3A_312 : i32
        scf.if %cond3A_313 {
          %add3A_456 = arith.addi %add3A_10, %add3A_236 : i32
          %add3A_457 = arith.constant 1 : i32
          %add3A_458 = arith.addi %add3A_456, %add3A_457 : i32
          %add3A_459 = arith.constant 4 : i32
          %add3A_460 = arith.addi %add3A_458, %add3A_459 : i32
          %dma_start3A_461 = arith.constant 1 : i32
          %dma_start3A_462 = arith.constant 0 : i32
          %dma_start3A_463 = tpu.memref_slice %arg8[%dma_start3A_461, %dma_start3A_462] : memref<4x128xi32, #tpu.memory_space<vmem>> -> memref<1x128xi32, #tpu.memory_space<vmem>>
          %dma_start3A_464 = tpu.memref_squeeze %dma_start3A_463 : memref<1x128xi32, #tpu.memory_space<vmem>> -> memref<128xi32, #tpu.memory_space<vmem>>
          %dma_start3A_465 = arith.constant 0 : i32
          %dma_start3A_466 = tpu.memref_slice %arg3[%add3A_460, %dma_start3A_465] : memref<2560x128xi32, #tpu.memory_space<hbm>> -> memref<1x128xi32, #tpu.memory_space<hbm>>
          %dma_start3A_467 = tpu.memref_squeeze %dma_start3A_466 : memref<1x128xi32, #tpu.memory_space<hbm>> -> memref<128xi32, #tpu.memory_space<hbm>>
          %dma_start3A_468 = arith.constant 0 : i32
          %dma_start3A_469 = tpu.memref_slice %arg8[%dma_start3A_461, %dma_start3A_468] : memref<4x128xi32, #tpu.memory_space<vmem>> -> memref<1x128xi32, #tpu.memory_space<vmem>>
          %dma_start3A_470 = tpu.memref_squeeze %dma_start3A_469 : memref<1x128xi32, #tpu.memory_space<vmem>> -> memref<128xi32, #tpu.memory_space<vmem>>
          %dma_start3A_471 = arith.constant 0 : i32
          %dma_start3A_472 = tpu.memref_slice %arg3[%add3A_460, %dma_start3A_471] : memref<2560x128xi32, #tpu.memory_space<hbm>> -> memref<1x128xi32, #tpu.memory_space<hbm>>
          %dma_start3A_473 = tpu.memref_squeeze %dma_start3A_472 : memref<1x128xi32, #tpu.memory_space<hbm>> -> memref<128xi32, #tpu.memory_space<hbm>>
          tpu.enqueue_dma source(%dma_start3A_473 : memref<128xi32, #tpu.memory_space<hbm>>) target(%dma_start3A_470 : memref<128xi32, #tpu.memory_space<vmem>>) target_semaphore(%arg23 : memref<!tpu.dma_semaphore, #tpu.memory_space<semaphore_mem>>)
        } else {
        }
        %dma_wait3A_314 = arith.constant 2 : i32
        %dma_wait3A_315 = arith.constant 0 : i32
        %dma_wait3A_316 = tpu.memref_slice %arg8[%dma_wait3A_314, %dma_wait3A_315] : memref<4x128xi32, #tpu.memory_space<vmem>> -> memref<1x128xi32, #tpu.memory_space<vmem>>
        %dma_wait3A_317 = tpu.memref_squeeze %dma_wait3A_316 : memref<1x128xi32, #tpu.memory_space<vmem>> -> memref<128xi32, #tpu.memory_space<vmem>>
        %dma_wait3A_318 = arith.constant 0 : i32
        %dma_wait3A_319 = arith.constant 0 : i32
        %dma_wait3A_320 = tpu.memref_slice %arg7[%dma_wait3A_318, %dma_wait3A_319] : memref<10240x64xf32, #tpu.memory_space<vmem_shared>> -> memref<10240x64xf32, #tpu.memory_space<vmem_shared>>
        tpu.wait_indirect_dma semaphore(%arg16 : memref<!tpu.dma_semaphore, #tpu.memory_space<semaphore_mem>>) src(%dma_wait3A_320 : memref<10240x64xf32, #tpu.memory_space<vmem_shared>>) dst(%arg12 : memref<128x64xf32, #tpu.memory_space<vmem>>)
        %add3A_321 = arith.addi %add3A_10, %add3A_236 : i32
        %add3A_322 = arith.constant 2 : i32
        %add3A_323 = arith.addi %add3A_321, %add3A_322 : i32
        %dma_wait3A_324 = arith.constant 2 : i32
        %dma_wait3A_325 = arith.constant 0 : i32
        %dma_wait3A_326 = tpu.memref_slice %arg9[%dma_wait3A_324, %dma_wait3A_325] : memref<4x128xi32, #tpu.memory_space<vmem>> -> memref<1x128xi32, #tpu.memory_space<vmem>>
        %dma_wait3A_327 = tpu.memref_squeeze %dma_wait3A_326 : memref<1x128xi32, #tpu.memory_space<vmem>> -> memref<128xi32, #tpu.memory_space<vmem>>
        %dma_wait3A_328 = arith.constant 0 : i32
        %dma_wait3A_329 = tpu.memref_slice %arg4[%add3A_323, %dma_wait3A_328] : memref<2560x128xi32, #tpu.memory_space<hbm>> -> memref<1x128xi32, #tpu.memory_space<hbm>>
        %dma_wait3A_330 = tpu.memref_squeeze %dma_wait3A_329 : memref<1x128xi32, #tpu.memory_space<hbm>> -> memref<128xi32, #tpu.memory_space<hbm>>
        %dma_wait3A_331 = arith.constant 0 : i32
        %dma_wait3A_332 = tpu.memref_slice %arg9[%dma_wait3A_324, %dma_wait3A_331] : memref<4x128xi32, #tpu.memory_space<vmem>> -> memref<1x128xi32, #tpu.memory_space<vmem>>
        %dma_wait3A_333 = tpu.memref_squeeze %dma_wait3A_332 : memref<1x128xi32, #tpu.memory_space<vmem>> -> memref<128xi32, #tpu.memory_space<vmem>>
        %dma_wait3A_334 = arith.constant 0 : i32
        %dma_wait3A_335 = tpu.memref_slice %arg4[%add3A_323, %dma_wait3A_334] : memref<2560x128xi32, #tpu.memory_space<hbm>> -> memref<1x128xi32, #tpu.memory_space<hbm>>
        %dma_wait3A_336 = tpu.memref_squeeze %dma_wait3A_335 : memref<1x128xi32, #tpu.memory_space<hbm>> -> memref<128xi32, #tpu.memory_space<hbm>>
        tpu.wait_dma2 semaphore(%arg28 : memref<!tpu.dma_semaphore, #tpu.memory_space<semaphore_mem>>) src(%dma_wait3A_336 : memref<128xi32, #tpu.memory_space<hbm>>) dst(%dma_wait3A_333 : memref<128xi32, #tpu.memory_space<vmem>>)
        %dma_start3A_337 = arith.constant 2 : i32
        %dma_start3A_338 = arith.constant 0 : i32
        %dma_start3A_339 = tpu.memref_slice %arg9[%dma_start3A_337, %dma_start3A_338] : memref<4x128xi32, #tpu.memory_space<vmem>> -> memref<1x128xi32, #tpu.memory_space<vmem>>
        %dma_start3A_340 = tpu.memref_squeeze %dma_start3A_339 : memref<1x128xi32, #tpu.memory_space<vmem>> -> memref<128xi32, #tpu.memory_space<vmem>>
        %dma_start3A_341 = arith.constant 0 : i32
        %dma_start3A_342 = arith.constant 0 : i32
        %dma_start3A_343 = tpu.memref_slice %arg6[%dma_start3A_341, %dma_start3A_342] : memref<10240x64xf32, #tpu.memory_space<vmem_shared>> -> memref<10240x64xf32, #tpu.memory_space<vmem_shared>>
        tpu.enqueue_indirect_dma source(%arg12 : memref<128x64xf32, #tpu.memory_space<vmem>>) target(%dma_start3A_343 : memref<10240x64xf32, #tpu.memory_space<vmem_shared>>) offsets(%dma_start3A_340 : memref<128xi32, #tpu.memory_space<vmem>>) semaphore(%arg20 : memref<!tpu.dma_semaphore, #tpu.memory_space<semaphore_mem>>) {add = true}
        %add3A_344 = arith.constant 2 : i32
        %add3A_345 = arith.addi %add3A_236, %add3A_344 : i32
        %add3A_346 = arith.constant 4 : i32
        %add3A_347 = arith.addi %add3A_345, %add3A_346 : i32
        %lt3A_348 = arith.constant 64 : i32
        %lt3A_349 = arith.cmpi slt, %add3A_347, %lt3A_348 : i32
        %convert_element_type3A_350 = arith.extui %lt3A_349 : i1 to i32
        %cond3A_351 = arith.constant 0 : i32
        %cond3A_352 = arith.cmpi ne, %convert_element_type3A_350, %cond3A_351 : i32
        scf.if %cond3A_352 {
          %add3A_456 = arith.addi %add3A_10, %add3A_236 : i32
          %add3A_457 = arith.constant 2 : i32
          %add3A_458 = arith.addi %add3A_456, %add3A_457 : i32
          %add3A_459 = arith.constant 4 : i32
          %add3A_460 = arith.addi %add3A_458, %add3A_459 : i32
          %dma_start3A_461 = arith.constant 2 : i32
          %dma_start3A_462 = arith.constant 0 : i32
          %dma_start3A_463 = tpu.memref_slice %arg8[%dma_start3A_461, %dma_start3A_462] : memref<4x128xi32, #tpu.memory_space<vmem>> -> memref<1x128xi32, #tpu.memory_space<vmem>>
          %dma_start3A_464 = tpu.memref_squeeze %dma_start3A_463 : memref<1x128xi32, #tpu.memory_space<vmem>> -> memref<128xi32, #tpu.memory_space<vmem>>
          %dma_start3A_465 = arith.constant 0 : i32
          %dma_start3A_466 = tpu.memref_slice %arg3[%add3A_460, %dma_start3A_465] : memref<2560x128xi32, #tpu.memory_space<hbm>> -> memref<1x128xi32, #tpu.memory_space<hbm>>
          %dma_start3A_467 = tpu.memref_squeeze %dma_start3A_466 : memref<1x128xi32, #tpu.memory_space<hbm>> -> memref<128xi32, #tpu.memory_space<hbm>>
          %dma_start3A_468 = arith.constant 0 : i32
          %dma_start3A_469 = tpu.memref_slice %arg8[%dma_start3A_461, %dma_start3A_468] : memref<4x128xi32, #tpu.memory_space<vmem>> -> memref<1x128xi32, #tpu.memory_space<vmem>>
          %dma_start3A_470 = tpu.memref_squeeze %dma_start3A_469 : memref<1x128xi32, #tpu.memory_space<vmem>> -> memref<128xi32, #tpu.memory_space<vmem>>
          %dma_start3A_471 = arith.constant 0 : i32
          %dma_start3A_472 = tpu.memref_slice %arg3[%add3A_460, %dma_start3A_471] : memref<2560x128xi32, #tpu.memory_space<hbm>> -> memref<1x128xi32, #tpu.memory_space<hbm>>
          %dma_start3A_473 = tpu.memref_squeeze %dma_start3A_472 : memref<1x128xi32, #tpu.memory_space<hbm>> -> memref<128xi32, #tpu.memory_space<hbm>>
          tpu.enqueue_dma source(%dma_start3A_473 : memref<128xi32, #tpu.memory_space<hbm>>) target(%dma_start3A_470 : memref<128xi32, #tpu.memory_space<vmem>>) target_semaphore(%arg24 : memref<!tpu.dma_semaphore, #tpu.memory_space<semaphore_mem>>)
        } else {
        }
        %dma_wait3A_353 = arith.constant 3 : i32
        %dma_wait3A_354 = arith.constant 0 : i32
        %dma_wait3A_355 = tpu.memref_slice %arg8[%dma_wait3A_353, %dma_wait3A_354] : memref<4x128xi32, #tpu.memory_space<vmem>> -> memref<1x128xi32, #tpu.memory_space<vmem>>
        %dma_wait3A_356 = tpu.memref_squeeze %dma_wait3A_355 : memref<1x128xi32, #tpu.memory_space<vmem>> -> memref<128xi32, #tpu.memory_space<vmem>>
        %dma_wait3A_357 = arith.constant 0 : i32
        %dma_wait3A_358 = arith.constant 0 : i32
        %dma_wait3A_359 = tpu.memref_slice %arg7[%dma_wait3A_357, %dma_wait3A_358] : memref<10240x64xf32, #tpu.memory_space<vmem_shared>> -> memref<10240x64xf32, #tpu.memory_space<vmem_shared>>
        tpu.wait_indirect_dma semaphore(%arg17 : memref<!tpu.dma_semaphore, #tpu.memory_space<semaphore_mem>>) src(%dma_wait3A_359 : memref<10240x64xf32, #tpu.memory_space<vmem_shared>>) dst(%arg13 : memref<128x64xf32, #tpu.memory_space<vmem>>)
        %add3A_360 = arith.addi %add3A_10, %add3A_236 : i32
        %add3A_361 = arith.constant 3 : i32
        %add3A_362 = arith.addi %add3A_360, %add3A_361 : i32
        %dma_wait3A_363 = arith.constant 3 : i32
        %dma_wait3A_364 = arith.constant 0 : i32
        %dma_wait3A_365 = tpu.memref_slice %arg9[%dma_wait3A_363, %dma_wait3A_364] : memref<4x128xi32, #tpu.memory_space<vmem>> -> memref<1x128xi32, #tpu.memory_space<vmem>>
        %dma_wait3A_366 = tpu.memref_squeeze %dma_wait3A_365 : memref<1x128xi32, #tpu.memory_space<vmem>> -> memref<128xi32, #tpu.memory_space<vmem>>
        %dma_wait3A_367 = arith.constant 0 : i32
        %dma_wait3A_368 = tpu.memref_slice %arg4[%add3A_362, %dma_wait3A_367] : memref<2560x128xi32, #tpu.memory_space<hbm>> -> memref<1x128xi32, #tpu.memory_space<hbm>>
        %dma_wait3A_369 = tpu.memref_squeeze %dma_wait3A_368 : memref<1x128xi32, #tpu.memory_space<hbm>> -> memref<128xi32, #tpu.memory_space<hbm>>
        %dma_wait3A_370 = arith.constant 0 : i32
        %dma_wait3A_371 = tpu.memref_slice %arg9[%dma_wait3A_363, %dma_wait3A_370] : memref<4x128xi32, #tpu.memory_space<vmem>> -> memref<1x128xi32, #tpu.memory_space<vmem>>
        %dma_wait3A_372 = tpu.memref_squeeze %dma_wait3A_371 : memref<1x128xi32, #tpu.memory_space<vmem>> -> memref<128xi32, #tpu.memory_space<vmem>>
        %dma_wait3A_373 = arith.constant 0 : i32
        %dma_wait3A_374 = tpu.memref_slice %arg4[%add3A_362, %dma_wait3A_373] : memref<2560x128xi32, #tpu.memory_space<hbm>> -> memref<1x128xi32, #tpu.memory_space<hbm>>
        %dma_wait3A_375 = tpu.memref_squeeze %dma_wait3A_374 : memref<1x128xi32, #tpu.memory_space<hbm>> -> memref<128xi32, #tpu.memory_space<hbm>>
        tpu.wait_dma2 semaphore(%arg29 : memref<!tpu.dma_semaphore, #tpu.memory_space<semaphore_mem>>) src(%dma_wait3A_375 : memref<128xi32, #tpu.memory_space<hbm>>) dst(%dma_wait3A_372 : memref<128xi32, #tpu.memory_space<vmem>>)
        %dma_start3A_376 = arith.constant 3 : i32
        %dma_start3A_377 = arith.constant 0 : i32
        %dma_start3A_378 = tpu.memref_slice %arg9[%dma_start3A_376, %dma_start3A_377] : memref<4x128xi32, #tpu.memory_space<vmem>> -> memref<1x128xi32, #tpu.memory_space<vmem>>
        %dma_start3A_379 = tpu.memref_squeeze %dma_start3A_378 : memref<1x128xi32, #tpu.memory_space<vmem>> -> memref<128xi32, #tpu.memory_space<vmem>>
        %dma_start3A_380 = arith.constant 0 : i32
        %dma_start3A_381 = arith.constant 0 : i32
        %dma_start3A_382 = tpu.memref_slice %arg6[%dma_start3A_380, %dma_start3A_381] : memref<10240x64xf32, #tpu.memory_space<vmem_shared>> -> memref<10240x64xf32, #tpu.memory_space<vmem_shared>>
        tpu.enqueue_indirect_dma source(%arg13 : memref<128x64xf32, #tpu.memory_space<vmem>>) target(%dma_start3A_382 : memref<10240x64xf32, #tpu.memory_space<vmem_shared>>) offsets(%dma_start3A_379 : memref<128xi32, #tpu.memory_space<vmem>>) semaphore(%arg21 : memref<!tpu.dma_semaphore, #tpu.memory_space<semaphore_mem>>) {add = true}
        %add3A_383 = arith.constant 3 : i32
        %add3A_384 = arith.addi %add3A_236, %add3A_383 : i32
        %add3A_385 = arith.constant 4 : i32
        %add3A_386 = arith.addi %add3A_384, %add3A_385 : i32
        %lt3A_387 = arith.constant 64 : i32
        %lt3A_388 = arith.cmpi slt, %add3A_386, %lt3A_387 : i32
        %convert_element_type3A_389 = arith.extui %lt3A_388 : i1 to i32
        %cond3A_390 = arith.constant 0 : i32
        %cond3A_391 = arith.cmpi ne, %convert_element_type3A_389, %cond3A_390 : i32
        scf.if %cond3A_391 {
          %add3A_456 = arith.addi %add3A_10, %add3A_236 : i32
          %add3A_457 = arith.constant 3 : i32
          %add3A_458 = arith.addi %add3A_456, %add3A_457 : i32
          %add3A_459 = arith.constant 4 : i32
          %add3A_460 = arith.addi %add3A_458, %add3A_459 : i32
          %dma_start3A_461 = arith.constant 3 : i32
          %dma_start3A_462 = arith.constant 0 : i32
          %dma_start3A_463 = tpu.memref_slice %arg8[%dma_start3A_461, %dma_start3A_462] : memref<4x128xi32, #tpu.memory_space<vmem>> -> memref<1x128xi32, #tpu.memory_space<vmem>>
          %dma_start3A_464 = tpu.memref_squeeze %dma_start3A_463 : memref<1x128xi32, #tpu.memory_space<vmem>> -> memref<128xi32, #tpu.memory_space<vmem>>
          %dma_start3A_465 = arith.constant 0 : i32
          %dma_start3A_466 = tpu.memref_slice %arg3[%add3A_460, %dma_start3A_465] : memref<2560x128xi32, #tpu.memory_space<hbm>> -> memref<1x128xi32, #tpu.memory_space<hbm>>
          %dma_start3A_467 = tpu.memref_squeeze %dma_start3A_466 : memref<1x128xi32, #tpu.memory_space<hbm>> -> memref<128xi32, #tpu.memory_space<hbm>>
          %dma_start3A_468 = arith.constant 0 : i32
          %dma_start3A_469 = tpu.memref_slice %arg8[%dma_start3A_461, %dma_start3A_468] : memref<4x128xi32, #tpu.memory_space<vmem>> -> memref<1x128xi32, #tpu.memory_space<vmem>>
          %dma_start3A_470 = tpu.memref_squeeze %dma_start3A_469 : memref<1x128xi32, #tpu.memory_space<vmem>> -> memref<128xi32, #tpu.memory_space<vmem>>
          %dma_start3A_471 = arith.constant 0 : i32
          %dma_start3A_472 = tpu.memref_slice %arg3[%add3A_460, %dma_start3A_471] : memref<2560x128xi32, #tpu.memory_space<hbm>> -> memref<1x128xi32, #tpu.memory_space<hbm>>
          %dma_start3A_473 = tpu.memref_squeeze %dma_start3A_472 : memref<1x128xi32, #tpu.memory_space<hbm>> -> memref<128xi32, #tpu.memory_space<hbm>>
          tpu.enqueue_dma source(%dma_start3A_473 : memref<128xi32, #tpu.memory_space<hbm>>) target(%dma_start3A_470 : memref<128xi32, #tpu.memory_space<vmem>>) target_semaphore(%arg25 : memref<!tpu.dma_semaphore, #tpu.memory_space<semaphore_mem>>)
        } else {
        }
        %dma_wait3A_392 = arith.constant 0 : i32
        %dma_wait3A_393 = arith.constant 0 : i32
        %dma_wait3A_394 = tpu.memref_slice %arg9[%dma_wait3A_392, %dma_wait3A_393] : memref<4x128xi32, #tpu.memory_space<vmem>> -> memref<1x128xi32, #tpu.memory_space<vmem>>
        %dma_wait3A_395 = tpu.memref_squeeze %dma_wait3A_394 : memref<1x128xi32, #tpu.memory_space<vmem>> -> memref<128xi32, #tpu.memory_space<vmem>>
        %dma_wait3A_396 = arith.constant 0 : i32
        %dma_wait3A_397 = arith.constant 0 : i32
        %dma_wait3A_398 = tpu.memref_slice %arg6[%dma_wait3A_396, %dma_wait3A_397] : memref<10240x64xf32, #tpu.memory_space<vmem_shared>> -> memref<10240x64xf32, #tpu.memory_space<vmem_shared>>
        tpu.wait_indirect_dma semaphore(%arg18 : memref<!tpu.dma_semaphore, #tpu.memory_space<semaphore_mem>>) src(%arg10 : memref<128x64xf32, #tpu.memory_space<vmem>>) dst(%dma_wait3A_398 : memref<10240x64xf32, #tpu.memory_space<vmem_shared>>)
        %add3A_399 = arith.constant 0 : i32
        %add3A_400 = arith.addi %add3A_236, %add3A_399 : i32
        %add3A_401 = arith.constant 4 : i32
        %add3A_402 = arith.addi %add3A_400, %add3A_401 : i32
        %lt3A_403 = arith.constant 64 : i32
        %lt3A_404 = arith.cmpi slt, %add3A_402, %lt3A_403 : i32
        %convert_element_type3A_405 = arith.extui %lt3A_404 : i1 to i32
        %cond3A_406 = arith.constant 0 : i32
        %cond3A_407 = arith.cmpi ne, %convert_element_type3A_405, %cond3A_406 : i32
        scf.if %cond3A_407 {
          %add3A_456 = arith.addi %add3A_10, %add3A_236 : i32
          %add3A_457 = arith.constant 0 : i32
          %add3A_458 = arith.addi %add3A_456, %add3A_457 : i32
          %add3A_459 = arith.constant 4 : i32
          %add3A_460 = arith.addi %add3A_458, %add3A_459 : i32
          %dma_start3A_461 = arith.constant 0 : i32
          %dma_start3A_462 = arith.constant 0 : i32
          %dma_start3A_463 = tpu.memref_slice %arg9[%dma_start3A_461, %dma_start3A_462] : memref<4x128xi32, #tpu.memory_space<vmem>> -> memref<1x128xi32, #tpu.memory_space<vmem>>
          %dma_start3A_464 = tpu.memref_squeeze %dma_start3A_463 : memref<1x128xi32, #tpu.memory_space<vmem>> -> memref<128xi32, #tpu.memory_space<vmem>>
          %dma_start3A_465 = arith.constant 0 : i32
          %dma_start3A_466 = tpu.memref_slice %arg4[%add3A_460, %dma_start3A_465] : memref<2560x128xi32, #tpu.memory_space<hbm>> -> memref<1x128xi32, #tpu.memory_space<hbm>>
          %dma_start3A_467 = tpu.memref_squeeze %dma_start3A_466 : memref<1x128xi32, #tpu.memory_space<hbm>> -> memref<128xi32, #tpu.memory_space<hbm>>
          %dma_start3A_468 = arith.constant 0 : i32
          %dma_start3A_469 = tpu.memref_slice %arg9[%dma_start3A_461, %dma_start3A_468] : memref<4x128xi32, #tpu.memory_space<vmem>> -> memref<1x128xi32, #tpu.memory_space<vmem>>
          %dma_start3A_470 = tpu.memref_squeeze %dma_start3A_469 : memref<1x128xi32, #tpu.memory_space<vmem>> -> memref<128xi32, #tpu.memory_space<vmem>>
          %dma_start3A_471 = arith.constant 0 : i32
          %dma_start3A_472 = tpu.memref_slice %arg4[%add3A_460, %dma_start3A_471] : memref<2560x128xi32, #tpu.memory_space<hbm>> -> memref<1x128xi32, #tpu.memory_space<hbm>>
          %dma_start3A_473 = tpu.memref_squeeze %dma_start3A_472 : memref<1x128xi32, #tpu.memory_space<hbm>> -> memref<128xi32, #tpu.memory_space<hbm>>
          tpu.enqueue_dma source(%dma_start3A_473 : memref<128xi32, #tpu.memory_space<hbm>>) target(%dma_start3A_470 : memref<128xi32, #tpu.memory_space<vmem>>) target_semaphore(%arg26 : memref<!tpu.dma_semaphore, #tpu.memory_space<semaphore_mem>>)
          %add3A_474 = arith.addi %add3A_10, %add3A_236 : i32
          %add3A_475 = arith.constant 0 : i32
          %add3A_476 = arith.addi %add3A_474, %add3A_475 : i32
          %add3A_477 = arith.constant 4 : i32
          %add3A_478 = arith.addi %add3A_476, %add3A_477 : i32
          %dma_wait3A_479 = arith.constant 0 : i32
          %dma_wait3A_480 = arith.constant 0 : i32
          %dma_wait3A_481 = tpu.memref_slice %arg8[%dma_wait3A_479, %dma_wait3A_480] : memref<4x128xi32, #tpu.memory_space<vmem>> -> memref<1x128xi32, #tpu.memory_space<vmem>>
          %dma_wait3A_482 = tpu.memref_squeeze %dma_wait3A_481 : memref<1x128xi32, #tpu.memory_space<vmem>> -> memref<128xi32, #tpu.memory_space<vmem>>
          %dma_wait3A_483 = arith.constant 0 : i32
          %dma_wait3A_484 = tpu.memref_slice %arg3[%add3A_478, %dma_wait3A_483] : memref<2560x128xi32, #tpu.memory_space<hbm>> -> memref<1x128xi32, #tpu.memory_space<hbm>>
          %dma_wait3A_485 = tpu.memref_squeeze %dma_wait3A_484 : memref<1x128xi32, #tpu.memory_space<hbm>> -> memref<128xi32, #tpu.memory_space<hbm>>
          %dma_wait3A_486 = arith.constant 0 : i32
          %dma_wait3A_487 = tpu.memref_slice %arg8[%dma_wait3A_479, %dma_wait3A_486] : memref<4x128xi32, #tpu.memory_space<vmem>> -> memref<1x128xi32, #tpu.memory_space<vmem>>
          %dma_wait3A_488 = tpu.memref_squeeze %dma_wait3A_487 : memref<1x128xi32, #tpu.memory_space<vmem>> -> memref<128xi32, #tpu.memory_space<vmem>>
          %dma_wait3A_489 = arith.constant 0 : i32
          %dma_wait3A_490 = tpu.memref_slice %arg3[%add3A_478, %dma_wait3A_489] : memref<2560x128xi32, #tpu.memory_space<hbm>> -> memref<1x128xi32, #tpu.memory_space<hbm>>
          %dma_wait3A_491 = tpu.memref_squeeze %dma_wait3A_490 : memref<1x128xi32, #tpu.memory_space<hbm>> -> memref<128xi32, #tpu.memory_space<hbm>>
          tpu.wait_dma2 semaphore(%arg22 : memref<!tpu.dma_semaphore, #tpu.memory_space<semaphore_mem>>) src(%dma_wait3A_491 : memref<128xi32, #tpu.memory_space<hbm>>) dst(%dma_wait3A_488 : memref<128xi32, #tpu.memory_space<vmem>>)
          %dma_start3A_492 = arith.constant 0 : i32
          %dma_start3A_493 = arith.constant 0 : i32
          %dma_start3A_494 = tpu.memref_slice %arg8[%dma_start3A_492, %dma_start3A_493] : memref<4x128xi32, #tpu.memory_space<vmem>> -> memref<1x128xi32, #tpu.memory_space<vmem>>
          %dma_start3A_495 = tpu.memref_squeeze %dma_start3A_494 : memref<1x128xi32, #tpu.memory_space<vmem>> -> memref<128xi32, #tpu.memory_space<vmem>>
          %dma_start3A_496 = arith.constant 0 : i32
          %dma_start3A_497 = arith.constant 0 : i32
          %dma_start3A_498 = tpu.memref_slice %arg7[%dma_start3A_496, %dma_start3A_497] : memref<10240x64xf32, #tpu.memory_space<vmem_shared>> -> memref<10240x64xf32, #tpu.memory_space<vmem_shared>>
          tpu.enqueue_indirect_dma source(%dma_start3A_498 : memref<10240x64xf32, #tpu.memory_space<vmem_shared>>) target(%arg10 : memref<128x64xf32, #tpu.memory_space<vmem>>) offsets(%dma_start3A_495 : memref<128xi32, #tpu.memory_space<vmem>>) semaphore(%arg14 : memref<!tpu.dma_semaphore, #tpu.memory_space<semaphore_mem>>)
        } else {
        }
        %dma_wait3A_408 = arith.constant 1 : i32
        %dma_wait3A_409 = arith.constant 0 : i32
        %dma_wait3A_410 = tpu.memref_slice %arg9[%dma_wait3A_408, %dma_wait3A_409] : memref<4x128xi32, #tpu.memory_space<vmem>> -> memref<1x128xi32, #tpu.memory_space<vmem>>
        %dma_wait3A_411 = tpu.memref_squeeze %dma_wait3A_410 : memref<1x128xi32, #tpu.memory_space<vmem>> -> memref<128xi32, #tpu.memory_space<vmem>>
        %dma_wait3A_412 = arith.constant 0 : i32
        %dma_wait3A_413 = arith.constant 0 : i32
        %dma_wait3A_414 = tpu.memref_slice %arg6[%dma_wait3A_412, %dma_wait3A_413] : memref<10240x64xf32, #tpu.memory_space<vmem_shared>> -> memref<10240x64xf32, #tpu.memory_space<vmem_shared>>
        tpu.wait_indirect_dma semaphore(%arg19 : memref<!tpu.dma_semaphore, #tpu.memory_space<semaphore_mem>>) src(%arg11 : memref<128x64xf32, #tpu.memory_space<vmem>>) dst(%dma_wait3A_414 : memref<10240x64xf32, #tpu.memory_space<vmem_shared>>)
        %add3A_415 = arith.constant 1 : i32
        %add3A_416 = arith.addi %add3A_236, %add3A_415 : i32
        %add3A_417 = arith.constant 4 : i32
        %add3A_418 = arith.addi %add3A_416, %add3A_417 : i32
        %lt3A_419 = arith.constant 64 : i32
        %lt3A_420 = arith.cmpi slt, %add3A_418, %lt3A_419 : i32
        %convert_element_type3A_421 = arith.extui %lt3A_420 : i1 to i32
        %cond3A_422 = arith.constant 0 : i32
        %cond3A_423 = arith.cmpi ne, %convert_element_type3A_421, %cond3A_422 : i32
        scf.if %cond3A_423 {
          %add3A_456 = arith.addi %add3A_10, %add3A_236 : i32
          %add3A_457 = arith.constant 1 : i32
          %add3A_458 = arith.addi %add3A_456, %add3A_457 : i32
          %add3A_459 = arith.constant 4 : i32
          %add3A_460 = arith.addi %add3A_458, %add3A_459 : i32
          %dma_start3A_461 = arith.constant 1 : i32
          %dma_start3A_462 = arith.constant 0 : i32
          %dma_start3A_463 = tpu.memref_slice %arg9[%dma_start3A_461, %dma_start3A_462] : memref<4x128xi32, #tpu.memory_space<vmem>> -> memref<1x128xi32, #tpu.memory_space<vmem>>
          %dma_start3A_464 = tpu.memref_squeeze %dma_start3A_463 : memref<1x128xi32, #tpu.memory_space<vmem>> -> memref<128xi32, #tpu.memory_space<vmem>>
          %dma_start3A_465 = arith.constant 0 : i32
          %dma_start3A_466 = tpu.memref_slice %arg4[%add3A_460, %dma_start3A_465] : memref<2560x128xi32, #tpu.memory_space<hbm>> -> memref<1x128xi32, #tpu.memory_space<hbm>>
          %dma_start3A_467 = tpu.memref_squeeze %dma_start3A_466 : memref<1x128xi32, #tpu.memory_space<hbm>> -> memref<128xi32, #tpu.memory_space<hbm>>
          %dma_start3A_468 = arith.constant 0 : i32
          %dma_start3A_469 = tpu.memref_slice %arg9[%dma_start3A_461, %dma_start3A_468] : memref<4x128xi32, #tpu.memory_space<vmem>> -> memref<1x128xi32, #tpu.memory_space<vmem>>
          %dma_start3A_470 = tpu.memref_squeeze %dma_start3A_469 : memref<1x128xi32, #tpu.memory_space<vmem>> -> memref<128xi32, #tpu.memory_space<vmem>>
          %dma_start3A_471 = arith.constant 0 : i32
          %dma_start3A_472 = tpu.memref_slice %arg4[%add3A_460, %dma_start3A_471] : memref<2560x128xi32, #tpu.memory_space<hbm>> -> memref<1x128xi32, #tpu.memory_space<hbm>>
          %dma_start3A_473 = tpu.memref_squeeze %dma_start3A_472 : memref<1x128xi32, #tpu.memory_space<hbm>> -> memref<128xi32, #tpu.memory_space<hbm>>
          tpu.enqueue_dma source(%dma_start3A_473 : memref<128xi32, #tpu.memory_space<hbm>>) target(%dma_start3A_470 : memref<128xi32, #tpu.memory_space<vmem>>) target_semaphore(%arg27 : memref<!tpu.dma_semaphore, #tpu.memory_space<semaphore_mem>>)
          %add3A_474 = arith.addi %add3A_10, %add3A_236 : i32
          %add3A_475 = arith.constant 1 : i32
          %add3A_476 = arith.addi %add3A_474, %add3A_475 : i32
          %add3A_477 = arith.constant 4 : i32
          %add3A_478 = arith.addi %add3A_476, %add3A_477 : i32
          %dma_wait3A_479 = arith.constant 1 : i32
          %dma_wait3A_480 = arith.constant 0 : i32
          %dma_wait3A_481 = tpu.memref_slice %arg8[%dma_wait3A_479, %dma_wait3A_480] : memref<4x128xi32, #tpu.memory_space<vmem>> -> memref<1x128xi32, #tpu.memory_space<vmem>>
          %dma_wait3A_482 = tpu.memref_squeeze %dma_wait3A_481 : memref<1x128xi32, #tpu.memory_space<vmem>> -> memref<128xi32, #tpu.memory_space<vmem>>
          %dma_wait3A_483 = arith.constant 0 : i32
          %dma_wait3A_484 = tpu.memref_slice %arg3[%add3A_478, %dma_wait3A_483] : memref<2560x128xi32, #tpu.memory_space<hbm>> -> memref<1x128xi32, #tpu.memory_space<hbm>>
          %dma_wait3A_485 = tpu.memref_squeeze %dma_wait3A_484 : memref<1x128xi32, #tpu.memory_space<hbm>> -> memref<128xi32, #tpu.memory_space<hbm>>
          %dma_wait3A_486 = arith.constant 0 : i32
          %dma_wait3A_487 = tpu.memref_slice %arg8[%dma_wait3A_479, %dma_wait3A_486] : memref<4x128xi32, #tpu.memory_space<vmem>> -> memref<1x128xi32, #tpu.memory_space<vmem>>
          %dma_wait3A_488 = tpu.memref_squeeze %dma_wait3A_487 : memref<1x128xi32, #tpu.memory_space<vmem>> -> memref<128xi32, #tpu.memory_space<vmem>>
          %dma_wait3A_489 = arith.constant 0 : i32
          %dma_wait3A_490 = tpu.memref_slice %arg3[%add3A_478, %dma_wait3A_489] : memref<2560x128xi32, #tpu.memory_space<hbm>> -> memref<1x128xi32, #tpu.memory_space<hbm>>
          %dma_wait3A_491 = tpu.memref_squeeze %dma_wait3A_490 : memref<1x128xi32, #tpu.memory_space<hbm>> -> memref<128xi32, #tpu.memory_space<hbm>>
          tpu.wait_dma2 semaphore(%arg23 : memref<!tpu.dma_semaphore, #tpu.memory_space<semaphore_mem>>) src(%dma_wait3A_491 : memref<128xi32, #tpu.memory_space<hbm>>) dst(%dma_wait3A_488 : memref<128xi32, #tpu.memory_space<vmem>>)
          %dma_start3A_492 = arith.constant 1 : i32
          %dma_start3A_493 = arith.constant 0 : i32
          %dma_start3A_494 = tpu.memref_slice %arg8[%dma_start3A_492, %dma_start3A_493] : memref<4x128xi32, #tpu.memory_space<vmem>> -> memref<1x128xi32, #tpu.memory_space<vmem>>
          %dma_start3A_495 = tpu.memref_squeeze %dma_start3A_494 : memref<1x128xi32, #tpu.memory_space<vmem>> -> memref<128xi32, #tpu.memory_space<vmem>>
          %dma_start3A_496 = arith.constant 0 : i32
          %dma_start3A_497 = arith.constant 0 : i32
          %dma_start3A_498 = tpu.memref_slice %arg7[%dma_start3A_496, %dma_start3A_497] : memref<10240x64xf32, #tpu.memory_space<vmem_shared>> -> memref<10240x64xf32, #tpu.memory_space<vmem_shared>>
          tpu.enqueue_indirect_dma source(%dma_start3A_498 : memref<10240x64xf32, #tpu.memory_space<vmem_shared>>) target(%arg11 : memref<128x64xf32, #tpu.memory_space<vmem>>) offsets(%dma_start3A_495 : memref<128xi32, #tpu.memory_space<vmem>>) semaphore(%arg15 : memref<!tpu.dma_semaphore, #tpu.memory_space<semaphore_mem>>)
        } else {
        }
        %dma_wait3A_424 = arith.constant 2 : i32
        %dma_wait3A_425 = arith.constant 0 : i32
        %dma_wait3A_426 = tpu.memref_slice %arg9[%dma_wait3A_424, %dma_wait3A_425] : memref<4x128xi32, #tpu.memory_space<vmem>> -> memref<1x128xi32, #tpu.memory_space<vmem>>
        %dma_wait3A_427 = tpu.memref_squeeze %dma_wait3A_426 : memref<1x128xi32, #tpu.memory_space<vmem>> -> memref<128xi32, #tpu.memory_space<vmem>>
        %dma_wait3A_428 = arith.constant 0 : i32
        %dma_wait3A_429 = arith.constant 0 : i32
        %dma_wait3A_430 = tpu.memref_slice %arg6[%dma_wait3A_428, %dma_wait3A_429] : memref<10240x64xf32, #tpu.memory_space<vmem_shared>> -> memref<10240x64xf32, #tpu.memory_space<vmem_shared>>
        tpu.wait_indirect_dma semaphore(%arg20 : memref<!tpu.dma_semaphore, #tpu.memory_space<semaphore_mem>>) src(%arg12 : memref<128x64xf32, #tpu.memory_space<vmem>>) dst(%dma_wait3A_430 : memref<10240x64xf32, #tpu.memory_space<vmem_shared>>)
        %add3A_431 = arith.constant 2 : i32
        %add3A_432 = arith.addi %add3A_236, %add3A_431 : i32
        %add3A_433 = arith.constant 4 : i32
        %add3A_434 = arith.addi %add3A_432, %add3A_433 : i32
        %lt3A_435 = arith.constant 64 : i32
        %lt3A_436 = arith.cmpi slt, %add3A_434, %lt3A_435 : i32
        %convert_element_type3A_437 = arith.extui %lt3A_436 : i1 to i32
        %cond3A_438 = arith.constant 0 : i32
        %cond3A_439 = arith.cmpi ne, %convert_element_type3A_437, %cond3A_438 : i32
        scf.if %cond3A_439 {
          %add3A_456 = arith.addi %add3A_10, %add3A_236 : i32
          %add3A_457 = arith.constant 2 : i32
          %add3A_458 = arith.addi %add3A_456, %add3A_457 : i32
          %add3A_459 = arith.constant 4 : i32
          %add3A_460 = arith.addi %add3A_458, %add3A_459 : i32
          %dma_start3A_461 = arith.constant 2 : i32
          %dma_start3A_462 = arith.constant 0 : i32
          %dma_start3A_463 = tpu.memref_slice %arg9[%dma_start3A_461, %dma_start3A_462] : memref<4x128xi32, #tpu.memory_space<vmem>> -> memref<1x128xi32, #tpu.memory_space<vmem>>
          %dma_start3A_464 = tpu.memref_squeeze %dma_start3A_463 : memref<1x128xi32, #tpu.memory_space<vmem>> -> memref<128xi32, #tpu.memory_space<vmem>>
          %dma_start3A_465 = arith.constant 0 : i32
          %dma_start3A_466 = tpu.memref_slice %arg4[%add3A_460, %dma_start3A_465] : memref<2560x128xi32, #tpu.memory_space<hbm>> -> memref<1x128xi32, #tpu.memory_space<hbm>>
          %dma_start3A_467 = tpu.memref_squeeze %dma_start3A_466 : memref<1x128xi32, #tpu.memory_space<hbm>> -> memref<128xi32, #tpu.memory_space<hbm>>
          %dma_start3A_468 = arith.constant 0 : i32
          %dma_start3A_469 = tpu.memref_slice %arg9[%dma_start3A_461, %dma_start3A_468] : memref<4x128xi32, #tpu.memory_space<vmem>> -> memref<1x128xi32, #tpu.memory_space<vmem>>
          %dma_start3A_470 = tpu.memref_squeeze %dma_start3A_469 : memref<1x128xi32, #tpu.memory_space<vmem>> -> memref<128xi32, #tpu.memory_space<vmem>>
          %dma_start3A_471 = arith.constant 0 : i32
          %dma_start3A_472 = tpu.memref_slice %arg4[%add3A_460, %dma_start3A_471] : memref<2560x128xi32, #tpu.memory_space<hbm>> -> memref<1x128xi32, #tpu.memory_space<hbm>>
          %dma_start3A_473 = tpu.memref_squeeze %dma_start3A_472 : memref<1x128xi32, #tpu.memory_space<hbm>> -> memref<128xi32, #tpu.memory_space<hbm>>
          tpu.enqueue_dma source(%dma_start3A_473 : memref<128xi32, #tpu.memory_space<hbm>>) target(%dma_start3A_470 : memref<128xi32, #tpu.memory_space<vmem>>) target_semaphore(%arg28 : memref<!tpu.dma_semaphore, #tpu.memory_space<semaphore_mem>>)
          %add3A_474 = arith.addi %add3A_10, %add3A_236 : i32
          %add3A_475 = arith.constant 2 : i32
          %add3A_476 = arith.addi %add3A_474, %add3A_475 : i32
          %add3A_477 = arith.constant 4 : i32
          %add3A_478 = arith.addi %add3A_476, %add3A_477 : i32
          %dma_wait3A_479 = arith.constant 2 : i32
          %dma_wait3A_480 = arith.constant 0 : i32
          %dma_wait3A_481 = tpu.memref_slice %arg8[%dma_wait3A_479, %dma_wait3A_480] : memref<4x128xi32, #tpu.memory_space<vmem>> -> memref<1x128xi32, #tpu.memory_space<vmem>>
          %dma_wait3A_482 = tpu.memref_squeeze %dma_wait3A_481 : memref<1x128xi32, #tpu.memory_space<vmem>> -> memref<128xi32, #tpu.memory_space<vmem>>
          %dma_wait3A_483 = arith.constant 0 : i32
          %dma_wait3A_484 = tpu.memref_slice %arg3[%add3A_478, %dma_wait3A_483] : memref<2560x128xi32, #tpu.memory_space<hbm>> -> memref<1x128xi32, #tpu.memory_space<hbm>>
          %dma_wait3A_485 = tpu.memref_squeeze %dma_wait3A_484 : memref<1x128xi32, #tpu.memory_space<hbm>> -> memref<128xi32, #tpu.memory_space<hbm>>
          %dma_wait3A_486 = arith.constant 0 : i32
          %dma_wait3A_487 = tpu.memref_slice %arg8[%dma_wait3A_479, %dma_wait3A_486] : memref<4x128xi32, #tpu.memory_space<vmem>> -> memref<1x128xi32, #tpu.memory_space<vmem>>
          %dma_wait3A_488 = tpu.memref_squeeze %dma_wait3A_487 : memref<1x128xi32, #tpu.memory_space<vmem>> -> memref<128xi32, #tpu.memory_space<vmem>>
          %dma_wait3A_489 = arith.constant 0 : i32
          %dma_wait3A_490 = tpu.memref_slice %arg3[%add3A_478, %dma_wait3A_489] : memref<2560x128xi32, #tpu.memory_space<hbm>> -> memref<1x128xi32, #tpu.memory_space<hbm>>
          %dma_wait3A_491 = tpu.memref_squeeze %dma_wait3A_490 : memref<1x128xi32, #tpu.memory_space<hbm>> -> memref<128xi32, #tpu.memory_space<hbm>>
          tpu.wait_dma2 semaphore(%arg24 : memref<!tpu.dma_semaphore, #tpu.memory_space<semaphore_mem>>) src(%dma_wait3A_491 : memref<128xi32, #tpu.memory_space<hbm>>) dst(%dma_wait3A_488 : memref<128xi32, #tpu.memory_space<vmem>>)
          %dma_start3A_492 = arith.constant 2 : i32
          %dma_start3A_493 = arith.constant 0 : i32
          %dma_start3A_494 = tpu.memref_slice %arg8[%dma_start3A_492, %dma_start3A_493] : memref<4x128xi32, #tpu.memory_space<vmem>> -> memref<1x128xi32, #tpu.memory_space<vmem>>
          %dma_start3A_495 = tpu.memref_squeeze %dma_start3A_494 : memref<1x128xi32, #tpu.memory_space<vmem>> -> memref<128xi32, #tpu.memory_space<vmem>>
          %dma_start3A_496 = arith.constant 0 : i32
          %dma_start3A_497 = arith.constant 0 : i32
          %dma_start3A_498 = tpu.memref_slice %arg7[%dma_start3A_496, %dma_start3A_497] : memref<10240x64xf32, #tpu.memory_space<vmem_shared>> -> memref<10240x64xf32, #tpu.memory_space<vmem_shared>>
          tpu.enqueue_indirect_dma source(%dma_start3A_498 : memref<10240x64xf32, #tpu.memory_space<vmem_shared>>) target(%arg12 : memref<128x64xf32, #tpu.memory_space<vmem>>) offsets(%dma_start3A_495 : memref<128xi32, #tpu.memory_space<vmem>>) semaphore(%arg16 : memref<!tpu.dma_semaphore, #tpu.memory_space<semaphore_mem>>)
        } else {
        }
        %dma_wait3A_440 = arith.constant 3 : i32
        %dma_wait3A_441 = arith.constant 0 : i32
        %dma_wait3A_442 = tpu.memref_slice %arg9[%dma_wait3A_440, %dma_wait3A_441] : memref<4x128xi32, #tpu.memory_space<vmem>> -> memref<1x128xi32, #tpu.memory_space<vmem>>
        %dma_wait3A_443 = tpu.memref_squeeze %dma_wait3A_442 : memref<1x128xi32, #tpu.memory_space<vmem>> -> memref<128xi32, #tpu.memory_space<vmem>>
        %dma_wait3A_444 = arith.constant 0 : i32
        %dma_wait3A_445 = arith.constant 0 : i32
        %dma_wait3A_446 = tpu.memref_slice %arg6[%dma_wait3A_444, %dma_wait3A_445] : memref<10240x64xf32, #tpu.memory_space<vmem_shared>> -> memref<10240x64xf32, #tpu.memory_space<vmem_shared>>
        tpu.wait_indirect_dma semaphore(%arg21 : memref<!tpu.dma_semaphore, #tpu.memory_space<semaphore_mem>>) src(%arg13 : memref<128x64xf32, #tpu.memory_space<vmem>>) dst(%dma_wait3A_446 : memref<10240x64xf32, #tpu.memory_space<vmem_shared>>)
        %add3A_447 = arith.constant 3 : i32
        %add3A_448 = arith.addi %add3A_236, %add3A_447 : i32
        %add3A_449 = arith.constant 4 : i32
        %add3A_450 = arith.addi %add3A_448, %add3A_449 : i32
        %lt3A_451 = arith.constant 64 : i32
        %lt3A_452 = arith.cmpi slt, %add3A_450, %lt3A_451 : i32
        %convert_element_type3A_453 = arith.extui %lt3A_452 : i1 to i32
        %cond3A_454 = arith.constant 0 : i32
        %cond3A_455 = arith.cmpi ne, %convert_element_type3A_453, %cond3A_454 : i32
        scf.if %cond3A_455 {
          %add3A_456 = arith.addi %add3A_10, %add3A_236 : i32
          %add3A_457 = arith.constant 3 : i32
          %add3A_458 = arith.addi %add3A_456, %add3A_457 : i32
          %add3A_459 = arith.constant 4 : i32
          %add3A_460 = arith.addi %add3A_458, %add3A_459 : i32
          %dma_start3A_461 = arith.constant 3 : i32
          %dma_start3A_462 = arith.constant 0 : i32
          %dma_start3A_463 = tpu.memref_slice %arg9[%dma_start3A_461, %dma_start3A_462] : memref<4x128xi32, #tpu.memory_space<vmem>> -> memref<1x128xi32, #tpu.memory_space<vmem>>
          %dma_start3A_464 = tpu.memref_squeeze %dma_start3A_463 : memref<1x128xi32, #tpu.memory_space<vmem>> -> memref<128xi32, #tpu.memory_space<vmem>>
          %dma_start3A_465 = arith.constant 0 : i32
          %dma_start3A_466 = tpu.memref_slice %arg4[%add3A_460, %dma_start3A_465] : memref<2560x128xi32, #tpu.memory_space<hbm>> -> memref<1x128xi32, #tpu.memory_space<hbm>>
          %dma_start3A_467 = tpu.memref_squeeze %dma_start3A_466 : memref<1x128xi32, #tpu.memory_space<hbm>> -> memref<128xi32, #tpu.memory_space<hbm>>
          %dma_start3A_468 = arith.constant 0 : i32
          %dma_start3A_469 = tpu.memref_slice %arg9[%dma_start3A_461, %dma_start3A_468] : memref<4x128xi32, #tpu.memory_space<vmem>> -> memref<1x128xi32, #tpu.memory_space<vmem>>
          %dma_start3A_470 = tpu.memref_squeeze %dma_start3A_469 : memref<1x128xi32, #tpu.memory_space<vmem>> -> memref<128xi32, #tpu.memory_space<vmem>>
          %dma_start3A_471 = arith.constant 0 : i32
          %dma_start3A_472 = tpu.memref_slice %arg4[%add3A_460, %dma_start3A_471] : memref<2560x128xi32, #tpu.memory_space<hbm>> -> memref<1x128xi32, #tpu.memory_space<hbm>>
          %dma_start3A_473 = tpu.memref_squeeze %dma_start3A_472 : memref<1x128xi32, #tpu.memory_space<hbm>> -> memref<128xi32, #tpu.memory_space<hbm>>
          tpu.enqueue_dma source(%dma_start3A_473 : memref<128xi32, #tpu.memory_space<hbm>>) target(%dma_start3A_470 : memref<128xi32, #tpu.memory_space<vmem>>) target_semaphore(%arg29 : memref<!tpu.dma_semaphore, #tpu.memory_space<semaphore_mem>>)
          %add3A_474 = arith.addi %add3A_10, %add3A_236 : i32
          %add3A_475 = arith.constant 3 : i32
          %add3A_476 = arith.addi %add3A_474, %add3A_475 : i32
          %add3A_477 = arith.constant 4 : i32
          %add3A_478 = arith.addi %add3A_476, %add3A_477 : i32
          %dma_wait3A_479 = arith.constant 3 : i32
          %dma_wait3A_480 = arith.constant 0 : i32
          %dma_wait3A_481 = tpu.memref_slice %arg8[%dma_wait3A_479, %dma_wait3A_480] : memref<4x128xi32, #tpu.memory_space<vmem>> -> memref<1x128xi32, #tpu.memory_space<vmem>>
          %dma_wait3A_482 = tpu.memref_squeeze %dma_wait3A_481 : memref<1x128xi32, #tpu.memory_space<vmem>> -> memref<128xi32, #tpu.memory_space<vmem>>
          %dma_wait3A_483 = arith.constant 0 : i32
          %dma_wait3A_484 = tpu.memref_slice %arg3[%add3A_478, %dma_wait3A_483] : memref<2560x128xi32, #tpu.memory_space<hbm>> -> memref<1x128xi32, #tpu.memory_space<hbm>>
          %dma_wait3A_485 = tpu.memref_squeeze %dma_wait3A_484 : memref<1x128xi32, #tpu.memory_space<hbm>> -> memref<128xi32, #tpu.memory_space<hbm>>
          %dma_wait3A_486 = arith.constant 0 : i32
          %dma_wait3A_487 = tpu.memref_slice %arg8[%dma_wait3A_479, %dma_wait3A_486] : memref<4x128xi32, #tpu.memory_space<vmem>> -> memref<1x128xi32, #tpu.memory_space<vmem>>
          %dma_wait3A_488 = tpu.memref_squeeze %dma_wait3A_487 : memref<1x128xi32, #tpu.memory_space<vmem>> -> memref<128xi32, #tpu.memory_space<vmem>>
          %dma_wait3A_489 = arith.constant 0 : i32
          %dma_wait3A_490 = tpu.memref_slice %arg3[%add3A_478, %dma_wait3A_489] : memref<2560x128xi32, #tpu.memory_space<hbm>> -> memref<1x128xi32, #tpu.memory_space<hbm>>
          %dma_wait3A_491 = tpu.memref_squeeze %dma_wait3A_490 : memref<1x128xi32, #tpu.memory_space<hbm>> -> memref<128xi32, #tpu.memory_space<hbm>>
          tpu.wait_dma2 semaphore(%arg25 : memref<!tpu.dma_semaphore, #tpu.memory_space<semaphore_mem>>) src(%dma_wait3A_491 : memref<128xi32, #tpu.memory_space<hbm>>) dst(%dma_wait3A_488 : memref<128xi32, #tpu.memory_space<vmem>>)
          %dma_start3A_492 = arith.constant 3 : i32
          %dma_start3A_493 = arith.constant 0 : i32
          %dma_start3A_494 = tpu.memref_slice %arg8[%dma_start3A_492, %dma_start3A_493] : memref<4x128xi32, #tpu.memory_space<vmem>> -> memref<1x128xi32, #tpu.memory_space<vmem>>
          %dma_start3A_495 = tpu.memref_squeeze %dma_start3A_494 : memref<1x128xi32, #tpu.memory_space<vmem>> -> memref<128xi32, #tpu.memory_space<vmem>>
          %dma_start3A_496 = arith.constant 0 : i32
          %dma_start3A_497 = arith.constant 0 : i32
          %dma_start3A_498 = tpu.memref_slice %arg7[%dma_start3A_496, %dma_start3A_497] : memref<10240x64xf32, #tpu.memory_space<vmem_shared>> -> memref<10240x64xf32, #tpu.memory_space<vmem_shared>>
          tpu.enqueue_indirect_dma source(%dma_start3A_498 : memref<10240x64xf32, #tpu.memory_space<vmem_shared>>) target(%arg13 : memref<128x64xf32, #tpu.memory_space<vmem>>) offsets(%dma_start3A_495 : memref<128xi32, #tpu.memory_space<vmem>>) semaphore(%arg17 : memref<!tpu.dma_semaphore, #tpu.memory_space<semaphore_mem>>)
        } else {
        }
      }
      %scan3A_230 = arith.constant 16 : i32
      %barrier3A_231 = arith.constant 0 : index
      tpu.barrier barrier_id(%barrier3A_231)
      "tpu.region"() ({
        %run_scoped3A = tpu.sem_alloc : memref<!tpu.dma_semaphore, #tpu.memory_space<semaphore_mem>>
        %dma_start3A_232 = arith.constant 0 : i32
        %dma_start3A_233 = tpu.memref_slice %arg5[%arg0, %mul3A_0, %dma_start3A_232] : memref<2x10240x64xf32, #tpu.memory_space<hbm>> -> memref<1x640x64xf32, #tpu.memory_space<hbm>>
        %dma_start3A_234 = tpu.memref_squeeze %dma_start3A_233 : memref<1x640x64xf32, #tpu.memory_space<hbm>> -> memref<640x64xf32, #tpu.memory_space<hbm>>
        %dma_start3A_235 = arith.constant 0 : i32
        %dma_start3A_236 = tpu.memref_slice %arg6[%mul3A_0, %dma_start3A_235] : memref<10240x64xf32, #tpu.memory_space<vmem_shared>> -> memref<640x64xf32, #tpu.memory_space<vmem_shared>>
        tpu.enqueue_dma source(%dma_start3A_236 : memref<640x64xf32, #tpu.memory_space<vmem_shared>>) target(%dma_start3A_234 : memref<640x64xf32, #tpu.memory_space<hbm>>) target_semaphore(%run_scoped3A : memref<!tpu.dma_semaphore, #tpu.memory_space<semaphore_mem>>)
        %dma_wait3A_237 = arith.constant 0 : i32
        %dma_wait3A_238 = tpu.memref_slice %arg5[%arg0, %mul3A_0, %dma_wait3A_237] : memref<2x10240x64xf32, #tpu.memory_space<hbm>> -> memref<1x640x64xf32, #tpu.memory_space<hbm>>
        %dma_wait3A_239 = tpu.memref_squeeze %dma_wait3A_238 : memref<1x640x64xf32, #tpu.memory_space<hbm>> -> memref<640x64xf32, #tpu.memory_space<hbm>>
        %dma_wait3A_240 = arith.constant 0 : i32
        %dma_wait3A_241 = tpu.memref_slice %arg6[%mul3A_0, %dma_wait3A_240] : memref<10240x64xf32, #tpu.memory_space<vmem_shared>> -> memref<640x64xf32, #tpu.memory_space<vmem_shared>>
        tpu.wait_dma2 semaphore(%run_scoped3A : memref<!tpu.dma_semaphore, #tpu.memory_space<semaphore_mem>>) src(%dma_wait3A_241 : memref<640x64xf32, #tpu.memory_space<vmem_shared>>) dst(%dma_wait3A_239 : memref<640x64xf32, #tpu.memory_space<hbm>>)
        tpu.yield
      }) : () -> ()
    } else {
    }
    return
  }
}

#map = affine_map<(d0, d1) -> (0, 0)>
#map1 = affine_map<(d0, d1) -> (0, 0, 0)>
module attributes {stable_mosaic.version = 14 : i64} {
  func.func @k(%arg0: i32, %arg1: i32, %arg2: memref<10240x80xf32, #tpu.memory_space<hbm>>, %arg3: memref<2560x128xi32, #tpu.memory_space<hbm>>, %arg4: memref<2560x128xi32, #tpu.memory_space<hbm>>, %arg5: memref<2x10240x80xf32, #tpu.memory_space<hbm>>, %arg6: memref<10240x80xf32, #tpu.memory_space<vmem_shared>>, %arg7: memref<10240x80xf32, #tpu.memory_space<vmem_shared>>, %arg8: memref<2x128xi32, #tpu.memory_space<vmem>>, %arg9: memref<2x128xi32, #tpu.memory_space<vmem>>, %arg10: memref<128x80xf32, #tpu.memory_space<vmem>>, %arg11: memref<128x80xf32, #tpu.memory_space<vmem>>, %arg12: memref<!tpu.dma_semaphore, #tpu.memory_space<semaphore_mem>>, %arg13: memref<!tpu.dma_semaphore, #tpu.memory_space<semaphore_mem>>, %arg14: memref<!tpu.dma_semaphore, #tpu.memory_space<semaphore_mem>>, %arg15: memref<!tpu.dma_semaphore, #tpu.memory_space<semaphore_mem>>, %arg16: memref<!tpu.dma_semaphore, #tpu.memory_space<semaphore_mem>>, %arg17: memref<!tpu.dma_semaphore, #tpu.memory_space<semaphore_mem>>, %arg18: memref<!tpu.dma_semaphore, #tpu.memory_space<semaphore_mem>>, %arg19: memref<!tpu.dma_semaphore, #tpu.memory_space<semaphore_mem>>, %arg20: memref<!tpu.dma_semaphore, #tpu.memory_space<semaphore_mem>>) attributes {dimension_semantics = [#tpu.dimension_semantics<core_parallel>, #tpu.dimension_semantics<subcore_parallel>], iteration_bounds = array<i64: 2, 16>, scalar_prefetch = 0 : i64, scratch_operands = 15 : i64, tpu.core_type = #tpu.core_type<sc_vector_subcore>, window_params = [{transform_indices = #map}, {transform_indices = #map}, {transform_indices = #map}, {transform_indices = #map1}]} {
    %mul3A = arith.constant 640 : i32
    %mul3A_0 = arith.muli %arg1, %mul3A : i32
    %eq3A = arith.constant 0 : i32
    %eq3A_1 = arith.cmpi eq, %arg0, %eq3A : i32
    %convert_element_type3A = arith.extui %eq3A_1 : i1 to i32
    %cond3A = arith.constant 0 : i32
    %cond3A_2 = arith.cmpi ne, %convert_element_type3A, %cond3A : i32
    scf.if %cond3A_2 {
      %mul3A_8 = arith.constant 76 : i32
      %mul3A_9 = arith.muli %arg1, %mul3A_8 : i32
      %scan3A = arith.constant 0 : i32
      %scan3A_10 = arith.constant 128 : i32
      %scan3A_11 = arith.addi %scan3A, %scan3A_10 : i32
      %scan3A_12 = arith.constant 1 : i32
      scf.for %scan3A_122 = %scan3A to %scan3A_11 step %scan3A_12  : i32 {
        %mul3A_123 = arith.constant 1 : i32
        %mul3A_124 = arith.muli %scan3A_122, %mul3A_123 : i32
        %add3A_125 = arith.constant 0 : i32
        %add3A_126 = arith.addi %add3A_125, %mul3A_124 : i32
        %scan3A_127 = arith.constant 0 : i32
        %scan3A_128 = arith.constant 5 : i32
        %scan3A_129 = arith.addi %scan3A_127, %scan3A_128 : i32
        %scan3A_130 = arith.constant 1 : i32
        scf.for %scan3A_132 = %scan3A_127 to %scan3A_129 step %scan3A_130  : i32 {
          %mul3A_133 = arith.constant 1 : i32
          %mul3A_134 = arith.muli %scan3A_132, %mul3A_133 : i32
          %add3A_135 = arith.constant 0 : i32
          %add3A_136 = arith.addi %add3A_135, %mul3A_134 : i32
          %broadcast_in_dim3A = arith.constant 0.000000e+00 : f32
          %broadcast_in_dim3A_137 = vector.broadcast %broadcast_in_dim3A : f32 to vector<16xf32>
          %mul3A_138 = arith.constant 16 : i32
          %mul3A_139 = arith.muli %add3A_136, %mul3A_138 : i32
          %swap3A = arith.index_cast %add3A_126 : i32 to index
          %swap3A_140 = arith.index_cast %mul3A_139 : i32 to index
          %swap3A_141 = tpu.vector_load %arg10[%swap3A, %swap3A_140] {strides = array<i32>} : memref<128x80xf32, #tpu.memory_space<vmem>>, vector<1x16xf32>,
          %swap3A_142 = vector.shape_cast %swap3A_141 : vector<1x16xf32> to vector<16xf32>
          %swap3A_143 = vector.shape_cast %broadcast_in_dim3A_137 : vector<16xf32> to vector<1x16xf32>
          tpu.vector_store %arg10[%swap3A, %swap3A_140], %swap3A_143 {strides = array<i32>} : memref<128x80xf32, #tpu.memory_space<vmem>>, vector<1x16xf32>,
        }
        %scan3A_131 = arith.constant 5 : i32
      }
      %scan3A_13 = arith.constant 128 : i32
      %scan3A_14 = arith.constant 0 : i32
      %scan3A_15 = arith.constant 5 : i32
      %scan3A_16 = arith.addi %scan3A_14, %scan3A_15 : i32
      %scan3A_17 = arith.constant 1 : i32
      scf.for %scan3A_122 = %scan3A_14 to %scan3A_16 step %scan3A_17  : i32 {
        %mul3A_123 = arith.constant 1 : i32
        %mul3A_124 = arith.muli %scan3A_122, %mul3A_123 : i32
        %add3A_125 = arith.constant 0 : i32
        %add3A_126 = arith.addi %add3A_125, %mul3A_124 : i32
        %mul3A_127 = arith.constant 128 : i32
        %mul3A_128 = arith.muli %add3A_126, %mul3A_127 : i32
        %add3A_129 = arith.addi %mul3A_0, %mul3A_128 : i32
        "tpu.region"() ({
          %run_scoped3A = tpu.sem_alloc : memref<!tpu.dma_semaphore, #tpu.memory_space<semaphore_mem>>
          %dma_start3A_130 = arith.constant 0 : i32
          %dma_start3A_131 = tpu.memref_slice %arg6[%add3A_129, %dma_start3A_130] : memref<10240x80xf32, #tpu.memory_space<vmem_shared>> -> memref<128x80xf32, #tpu.memory_space<vmem_shared>>
          %dma_start3A_132 = arith.constant 0 : i32
          %dma_start3A_133 = tpu.memref_slice %arg6[%add3A_129, %dma_start3A_132] : memref<10240x80xf32, #tpu.memory_space<vmem_shared>> -> memref<128x80xf32, #tpu.memory_space<vmem_shared>>
          tpu.enqueue_dma source(%arg10 : memref<128x80xf32, #tpu.memory_space<vmem>>) target(%dma_start3A_133 : memref<128x80xf32, #tpu.memory_space<vmem_shared>>) target_semaphore(%run_scoped3A : memref<!tpu.dma_semaphore, #tpu.memory_space<semaphore_mem>>)
          %dma_wait3A_134 = arith.constant 0 : i32
          %dma_wait3A_135 = tpu.memref_slice %arg6[%add3A_129, %dma_wait3A_134] : memref<10240x80xf32, #tpu.memory_space<vmem_shared>> -> memref<128x80xf32, #tpu.memory_space<vmem_shared>>
          %dma_wait3A_136 = arith.constant 0 : i32
          %dma_wait3A_137 = tpu.memref_slice %arg6[%add3A_129, %dma_wait3A_136] : memref<10240x80xf32, #tpu.memory_space<vmem_shared>> -> memref<128x80xf32, #tpu.memory_space<vmem_shared>>
          tpu.wait_dma2 semaphore(%run_scoped3A : memref<!tpu.dma_semaphore, #tpu.memory_space<semaphore_mem>>) src(%arg10 : memref<128x80xf32, #tpu.memory_space<vmem>>) dst(%dma_wait3A_137 : memref<128x80xf32, #tpu.memory_space<vmem_shared>>)
          tpu.yield
        }) : () -> ()
      }
      %scan3A_18 = arith.constant 5 : i32
      %barrier3A = arith.constant 0 : index
      tpu.barrier barrier_id(%barrier3A)
      %add3A = arith.constant 0 : i32
      %add3A_19 = arith.addi %mul3A_9, %add3A : i32
      %dma_start3A = arith.constant 0 : i32
      %dma_start3A_20 = arith.constant 0 : i32
      %dma_start3A_21 = tpu.memref_slice %arg8[%dma_start3A, %dma_start3A_20] : memref<2x128xi32, #tpu.memory_space<vmem>> -> memref<1x128xi32, #tpu.memory_space<vmem>>
      %dma_start3A_22 = tpu.memref_squeeze %dma_start3A_21 : memref<1x128xi32, #tpu.memory_space<vmem>> -> memref<128xi32, #tpu.memory_space<vmem>>
      %dma_start3A_23 = arith.constant 0 : i32
      %dma_start3A_24 = tpu.memref_slice %arg3[%add3A_19, %dma_start3A_23] : memref<2560x128xi32, #tpu.memory_space<hbm>> -> memref<1x128xi32, #tpu.memory_space<hbm>>
      %dma_start3A_25 = tpu.memref_squeeze %dma_start3A_24 : memref<1x128xi32, #tpu.memory_space<hbm>> -> memref<128xi32, #tpu.memory_space<hbm>>
      %dma_start3A_26 = arith.constant 0 : i32
      %dma_start3A_27 = tpu.memref_slice %arg8[%dma_start3A, %dma_start3A_26] : memref<2x128xi32, #tpu.memory_space<vmem>> -> memref<1x128xi32, #tpu.memory_space<vmem>>
      %dma_start3A_28 = tpu.memref_squeeze %dma_start3A_27 : memref<1x128xi32, #tpu.memory_space<vmem>> -> memref<128xi32, #tpu.memory_space<vmem>>
      %dma_start3A_29 = arith.constant 0 : i32
      %dma_start3A_30 = tpu.memref_slice %arg3[%add3A_19, %dma_start3A_29] : memref<2560x128xi32, #tpu.memory_space<hbm>> -> memref<1x128xi32, #tpu.memory_space<hbm>>
      %dma_start3A_31 = tpu.memref_squeeze %dma_start3A_30 : memref<1x128xi32, #tpu.memory_space<hbm>> -> memref<128xi32, #tpu.memory_space<hbm>>
      tpu.enqueue_dma source(%dma_start3A_31 : memref<128xi32, #tpu.memory_space<hbm>>) target(%dma_start3A_28 : memref<128xi32, #tpu.memory_space<vmem>>) target_semaphore(%arg16 : memref<!tpu.dma_semaphore, #tpu.memory_space<semaphore_mem>>)
      %add3A_32 = arith.constant 1 : i32
      %add3A_33 = arith.addi %mul3A_9, %add3A_32 : i32
      %dma_start3A_34 = arith.constant 1 : i32
      %dma_start3A_35 = arith.constant 0 : i32
      %dma_start3A_36 = tpu.memref_slice %arg8[%dma_start3A_34, %dma_start3A_35] : memref<2x128xi32, #tpu.memory_space<vmem>> -> memref<1x128xi32, #tpu.memory_space<vmem>>
      %dma_start3A_37 = tpu.memref_squeeze %dma_start3A_36 : memref<1x128xi32, #tpu.memory_space<vmem>> -> memref<128xi32, #tpu.memory_space<vmem>>
      %dma_start3A_38 = arith.constant 0 : i32
      %dma_start3A_39 = tpu.memref_slice %arg3[%add3A_33, %dma_start3A_38] : memref<2560x128xi32, #tpu.memory_space<hbm>> -> memref<1x128xi32, #tpu.memory_space<hbm>>
      %dma_start3A_40 = tpu.memref_squeeze %dma_start3A_39 : memref<1x128xi32, #tpu.memory_space<hbm>> -> memref<128xi32, #tpu.memory_space<hbm>>
      %dma_start3A_41 = arith.constant 0 : i32
      %dma_start3A_42 = tpu.memref_slice %arg8[%dma_start3A_34, %dma_start3A_41] : memref<2x128xi32, #tpu.memory_space<vmem>> -> memref<1x128xi32, #tpu.memory_space<vmem>>
      %dma_start3A_43 = tpu.memref_squeeze %dma_start3A_42 : memref<1x128xi32, #tpu.memory_space<vmem>> -> memref<128xi32, #tpu.memory_space<vmem>>
      %dma_start3A_44 = arith.constant 0 : i32
      %dma_start3A_45 = tpu.memref_slice %arg3[%add3A_33, %dma_start3A_44] : memref<2560x128xi32, #tpu.memory_space<hbm>> -> memref<1x128xi32, #tpu.memory_space<hbm>>
      %dma_start3A_46 = tpu.memref_squeeze %dma_start3A_45 : memref<1x128xi32, #tpu.memory_space<hbm>> -> memref<128xi32, #tpu.memory_space<hbm>>
      tpu.enqueue_dma source(%dma_start3A_46 : memref<128xi32, #tpu.memory_space<hbm>>) target(%dma_start3A_43 : memref<128xi32, #tpu.memory_space<vmem>>) target_semaphore(%arg17 : memref<!tpu.dma_semaphore, #tpu.memory_space<semaphore_mem>>)
      %add3A_47 = arith.constant 0 : i32
      %add3A_48 = arith.addi %mul3A_9, %add3A_47 : i32
      %dma_start3A_49 = arith.constant 0 : i32
      %dma_start3A_50 = arith.constant 0 : i32
      %dma_start3A_51 = tpu.memref_slice %arg9[%dma_start3A_49, %dma_start3A_50] : memref<2x128xi32, #tpu.memory_space<vmem>> -> memref<1x128xi32, #tpu.memory_space<vmem>>
      %dma_start3A_52 = tpu.memref_squeeze %dma_start3A_51 : memref<1x128xi32, #tpu.memory_space<vmem>> -> memref<128xi32, #tpu.memory_space<vmem>>
      %dma_start3A_53 = arith.constant 0 : i32
      %dma_start3A_54 = tpu.memref_slice %arg4[%add3A_48, %dma_start3A_53] : memref<2560x128xi32, #tpu.memory_space<hbm>> -> memref<1x128xi32, #tpu.memory_space<hbm>>
      %dma_start3A_55 = tpu.memref_squeeze %dma_start3A_54 : memref<1x128xi32, #tpu.memory_space<hbm>> -> memref<128xi32, #tpu.memory_space<hbm>>
      %dma_start3A_56 = arith.constant 0 : i32
      %dma_start3A_57 = tpu.memref_slice %arg9[%dma_start3A_49, %dma_start3A_56] : memref<2x128xi32, #tpu.memory_space<vmem>> -> memref<1x128xi32, #tpu.memory_space<vmem>>
      %dma_start3A_58 = tpu.memref_squeeze %dma_start3A_57 : memref<1x128xi32, #tpu.memory_space<vmem>> -> memref<128xi32, #tpu.memory_space<vmem>>
      %dma_start3A_59 = arith.constant 0 : i32
      %dma_start3A_60 = tpu.memref_slice %arg4[%add3A_48, %dma_start3A_59] : memref<2560x128xi32, #tpu.memory_space<hbm>> -> memref<1x128xi32, #tpu.memory_space<hbm>>
      %dma_start3A_61 = tpu.memref_squeeze %dma_start3A_60 : memref<1x128xi32, #tpu.memory_space<hbm>> -> memref<128xi32, #tpu.memory_space<hbm>>
      tpu.enqueue_dma source(%dma_start3A_61 : memref<128xi32, #tpu.memory_space<hbm>>) target(%dma_start3A_58 : memref<128xi32, #tpu.memory_space<vmem>>) target_semaphore(%arg18 : memref<!tpu.dma_semaphore, #tpu.memory_space<semaphore_mem>>)
      %add3A_62 = arith.constant 1 : i32
      %add3A_63 = arith.addi %mul3A_9, %add3A_62 : i32
      %dma_start3A_64 = arith.constant 1 : i32
      %dma_start3A_65 = arith.constant 0 : i32
      %dma_start3A_66 = tpu.memref_slice %arg9[%dma_start3A_64, %dma_start3A_65] : memref<2x128xi32, #tpu.memory_space<vmem>> -> memref<1x128xi32, #tpu.memory_space<vmem>>
      %dma_start3A_67 = tpu.memref_squeeze %dma_start3A_66 : memref<1x128xi32, #tpu.memory_space<vmem>> -> memref<128xi32, #tpu.memory_space<vmem>>
      %dma_start3A_68 = arith.constant 0 : i32
      %dma_start3A_69 = tpu.memref_slice %arg4[%add3A_63, %dma_start3A_68] : memref<2560x128xi32, #tpu.memory_space<hbm>> -> memref<1x128xi32, #tpu.memory_space<hbm>>
      %dma_start3A_70 = tpu.memref_squeeze %dma_start3A_69 : memref<1x128xi32, #tpu.memory_space<hbm>> -> memref<128xi32, #tpu.memory_space<hbm>>
      %dma_start3A_71 = arith.constant 0 : i32
      %dma_start3A_72 = tpu.memref_slice %arg9[%dma_start3A_64, %dma_start3A_71] : memref<2x128xi32, #tpu.memory_space<vmem>> -> memref<1x128xi32, #tpu.memory_space<vmem>>
      %dma_start3A_73 = tpu.memref_squeeze %dma_start3A_72 : memref<1x128xi32, #tpu.memory_space<vmem>> -> memref<128xi32, #tpu.memory_space<vmem>>
      %dma_start3A_74 = arith.constant 0 : i32
      %dma_start3A_75 = tpu.memref_slice %arg4[%add3A_63, %dma_start3A_74] : memref<2560x128xi32, #tpu.memory_space<hbm>> -> memref<1x128xi32, #tpu.memory_space<hbm>>
      %dma_start3A_76 = tpu.memref_squeeze %dma_start3A_75 : memref<1x128xi32, #tpu.memory_space<hbm>> -> memref<128xi32, #tpu.memory_space<hbm>>
      tpu.enqueue_dma source(%dma_start3A_76 : memref<128xi32, #tpu.memory_space<hbm>>) target(%dma_start3A_73 : memref<128xi32, #tpu.memory_space<vmem>>) target_semaphore(%arg19 : memref<!tpu.dma_semaphore, #tpu.memory_space<semaphore_mem>>)
      %dma_wait3A = arith.constant 0 : i32
      %dma_wait3A_77 = arith.constant 0 : i32
      %dma_wait3A_78 = tpu.memref_slice %arg8[%dma_wait3A, %dma_wait3A_77] : memref<2x128xi32, #tpu.memory_space<vmem>> -> memref<1x128xi32, #tpu.memory_space<vmem>>
      %dma_wait3A_79 = tpu.memref_squeeze %dma_wait3A_78 : memref<1x128xi32, #tpu.memory_space<vmem>> -> memref<128xi32, #tpu.memory_space<vmem>>
      %dma_wait3A_80 = arith.constant 0 : i32
      %dma_wait3A_81 = tpu.memref_slice %arg3[%add3A_19, %dma_wait3A_80] : memref<2560x128xi32, #tpu.memory_space<hbm>> -> memref<1x128xi32, #tpu.memory_space<hbm>>
      %dma_wait3A_82 = tpu.memref_squeeze %dma_wait3A_81 : memref<1x128xi32, #tpu.memory_space<hbm>> -> memref<128xi32, #tpu.memory_space<hbm>>
      %dma_wait3A_83 = arith.constant 0 : i32
      %dma_wait3A_84 = tpu.memref_slice %arg8[%dma_wait3A, %dma_wait3A_83] : memref<2x128xi32, #tpu.memory_space<vmem>> -> memref<1x128xi32, #tpu.memory_space<vmem>>
      %dma_wait3A_85 = tpu.memref_squeeze %dma_wait3A_84 : memref<1x128xi32, #tpu.memory_space<vmem>> -> memref<128xi32, #tpu.memory_space<vmem>>
      %dma_wait3A_86 = arith.constant 0 : i32
      %dma_wait3A_87 = tpu.memref_slice %arg3[%add3A_19, %dma_wait3A_86] : memref<2560x128xi32, #tpu.memory_space<hbm>> -> memref<1x128xi32, #tpu.memory_space<hbm>>
      %dma_wait3A_88 = tpu.memref_squeeze %dma_wait3A_87 : memref<1x128xi32, #tpu.memory_space<hbm>> -> memref<128xi32, #tpu.memory_space<hbm>>
      tpu.wait_dma2 semaphore(%arg16 : memref<!tpu.dma_semaphore, #tpu.memory_space<semaphore_mem>>) src(%dma_wait3A_88 : memref<128xi32, #tpu.memory_space<hbm>>) dst(%dma_wait3A_85 : memref<128xi32, #tpu.memory_space<vmem>>)
      %dma_start3A_89 = arith.constant 0 : i32
      %dma_start3A_90 = arith.constant 0 : i32
      %dma_start3A_91 = tpu.memref_slice %arg8[%dma_start3A_89, %dma_start3A_90] : memref<2x128xi32, #tpu.memory_space<vmem>> -> memref<1x128xi32, #tpu.memory_space<vmem>>
      %dma_start3A_92 = tpu.memref_squeeze %dma_start3A_91 : memref<1x128xi32, #tpu.memory_space<vmem>> -> memref<128xi32, #tpu.memory_space<vmem>>
      %dma_start3A_93 = arith.constant 0 : i32
      %dma_start3A_94 = arith.constant 0 : i32
      %dma_start3A_95 = tpu.memref_slice %arg2[%dma_start3A_93, %dma_start3A_94] : memref<10240x80xf32, #tpu.memory_space<hbm>> -> memref<10240x80xf32, #tpu.memory_space<hbm>>
      tpu.enqueue_indirect_dma source(%dma_start3A_95 : memref<10240x80xf32, #tpu.memory_space<hbm>>) target(%arg10 : memref<128x80xf32, #tpu.memory_space<vmem>>) offsets(%dma_start3A_92 : memref<128xi32, #tpu.memory_space<vmem>>) semaphore(%arg12 : memref<!tpu.dma_semaphore, #tpu.memory_space<semaphore_mem>>)
      %dma_wait3A_96 = arith.constant 1 : i32
      %dma_wait3A_97 = arith.constant 0 : i32
      %dma_wait3A_98 = tpu.memref_slice %arg8[%dma_wait3A_96, %dma_wait3A_97] : memref<2x128xi32, #tpu.memory_space<vmem>> -> memref<1x128xi32, #tpu.memory_space<vmem>>
      %dma_wait3A_99 = tpu.memref_squeeze %dma_wait3A_98 : memref<1x128xi32, #tpu.memory_space<vmem>> -> memref<128xi32, #tpu.memory_space<vmem>>
      %dma_wait3A_100 = arith.constant 0 : i32
      %dma_wait3A_101 = tpu.memref_slice %arg3[%add3A_33, %dma_wait3A_100] : memref<2560x128xi32, #tpu.memory_space<hbm>> -> memref<1x128xi32, #tpu.memory_space<hbm>>
      %dma_wait3A_102 = tpu.memref_squeeze %dma_wait3A_101 : memref<1x128xi32, #tpu.memory_space<hbm>> -> memref<128xi32, #tpu.memory_space<hbm>>
      %dma_wait3A_103 = arith.constant 0 : i32
      %dma_wait3A_104 = tpu.memref_slice %arg8[%dma_wait3A_96, %dma_wait3A_103] : memref<2x128xi32, #tpu.memory_space<vmem>> -> memref<1x128xi32, #tpu.memory_space<vmem>>
      %dma_wait3A_105 = tpu.memref_squeeze %dma_wait3A_104 : memref<1x128xi32, #tpu.memory_space<vmem>> -> memref<128xi32, #tpu.memory_space<vmem>>
      %dma_wait3A_106 = arith.constant 0 : i32
      %dma_wait3A_107 = tpu.memref_slice %arg3[%add3A_33, %dma_wait3A_106] : memref<2560x128xi32, #tpu.memory_space<hbm>> -> memref<1x128xi32, #tpu.memory_space<hbm>>
      %dma_wait3A_108 = tpu.memref_squeeze %dma_wait3A_107 : memref<1x128xi32, #tpu.memory_space<hbm>> -> memref<128xi32, #tpu.memory_space<hbm>>
      tpu.wait_dma2 semaphore(%arg17 : memref<!tpu.dma_semaphore, #tpu.memory_space<semaphore_mem>>) src(%dma_wait3A_108 : memref<128xi32, #tpu.memory_space<hbm>>) dst(%dma_wait3A_105 : memref<128xi32, #tpu.memory_space<vmem>>)
      %dma_start3A_109 = arith.constant 1 : i32
      %dma_start3A_110 = arith.constant 0 : i32
      %dma_start3A_111 = tpu.memref_slice %arg8[%dma_start3A_109, %dma_start3A_110] : memref<2x128xi32, #tpu.memory_space<vmem>> -> memref<1x128xi32, #tpu.memory_space<vmem>>
      %dma_start3A_112 = tpu.memref_squeeze %dma_start3A_111 : memref<1x128xi32, #tpu.memory_space<vmem>> -> memref<128xi32, #tpu.memory_space<vmem>>
      %dma_start3A_113 = arith.constant 0 : i32
      %dma_start3A_114 = arith.constant 0 : i32
      %dma_start3A_115 = tpu.memref_slice %arg2[%dma_start3A_113, %dma_start3A_114] : memref<10240x80xf32, #tpu.memory_space<hbm>> -> memref<10240x80xf32, #tpu.memory_space<hbm>>
      tpu.enqueue_indirect_dma source(%dma_start3A_115 : memref<10240x80xf32, #tpu.memory_space<hbm>>) target(%arg11 : memref<128x80xf32, #tpu.memory_space<vmem>>) offsets(%dma_start3A_112 : memref<128xi32, #tpu.memory_space<vmem>>) semaphore(%arg13 : memref<!tpu.dma_semaphore, #tpu.memory_space<semaphore_mem>>)
      %scan3A_116 = arith.constant 0 : i32
      %scan3A_117 = arith.constant 38 : i32
      %scan3A_118 = arith.addi %scan3A_116, %scan3A_117 : i32
      %scan3A_119 = arith.constant 1 : i32
      scf.for %scan3A_122 = %scan3A_116 to %scan3A_118 step %scan3A_119  : i32 {
        %mul3A_123 = arith.constant 2 : i32
        %mul3A_124 = arith.muli %scan3A_122, %mul3A_123 : i32
        %add3A_125 = arith.constant 0 : i32
        %add3A_126 = arith.addi %add3A_125, %mul3A_124 : i32
        %dma_wait3A_127 = arith.constant 0 : i32
        %dma_wait3A_128 = arith.constant 0 : i32
        %dma_wait3A_129 = tpu.memref_slice %arg8[%dma_wait3A_127, %dma_wait3A_128] : memref<2x128xi32, #tpu.memory_space<vmem>> -> memref<1x128xi32, #tpu.memory_space<vmem>>
        %dma_wait3A_130 = tpu.memref_squeeze %dma_wait3A_129 : memref<1x128xi32, #tpu.memory_space<vmem>> -> memref<128xi32, #tpu.memory_space<vmem>>
        %dma_wait3A_131 = arith.constant 0 : i32
        %dma_wait3A_132 = arith.constant 0 : i32
        %dma_wait3A_133 = tpu.memref_slice %arg2[%dma_wait3A_131, %dma_wait3A_132] : memref<10240x80xf32, #tpu.memory_space<hbm>> -> memref<10240x80xf32, #tpu.memory_space<hbm>>
        tpu.wait_indirect_dma semaphore(%arg12 : memref<!tpu.dma_semaphore, #tpu.memory_space<semaphore_mem>>) src(%dma_wait3A_133 : memref<10240x80xf32, #tpu.memory_space<hbm>>) dst(%arg10 : memref<128x80xf32, #tpu.memory_space<vmem>>)
        %add3A_134 = arith.addi %mul3A_9, %add3A_126 : i32
        %add3A_135 = arith.constant 0 : i32
        %add3A_136 = arith.addi %add3A_134, %add3A_135 : i32
        %dma_wait3A_137 = arith.constant 0 : i32
        %dma_wait3A_138 = arith.constant 0 : i32
        %dma_wait3A_139 = tpu.memref_slice %arg9[%dma_wait3A_137, %dma_wait3A_138] : memref<2x128xi32, #tpu.memory_space<vmem>> -> memref<1x128xi32, #tpu.memory_space<vmem>>
        %dma_wait3A_140 = tpu.memref_squeeze %dma_wait3A_139 : memref<1x128xi32, #tpu.memory_space<vmem>> -> memref<128xi32, #tpu.memory_space<vmem>>
        %dma_wait3A_141 = arith.constant 0 : i32
        %dma_wait3A_142 = tpu.memref_slice %arg4[%add3A_136, %dma_wait3A_141] : memref<2560x128xi32, #tpu.memory_space<hbm>> -> memref<1x128xi32, #tpu.memory_space<hbm>>
        %dma_wait3A_143 = tpu.memref_squeeze %dma_wait3A_142 : memref<1x128xi32, #tpu.memory_space<hbm>> -> memref<128xi32, #tpu.memory_space<hbm>>
        %dma_wait3A_144 = arith.constant 0 : i32
        %dma_wait3A_145 = tpu.memref_slice %arg9[%dma_wait3A_137, %dma_wait3A_144] : memref<2x128xi32, #tpu.memory_space<vmem>> -> memref<1x128xi32, #tpu.memory_space<vmem>>
        %dma_wait3A_146 = tpu.memref_squeeze %dma_wait3A_145 : memref<1x128xi32, #tpu.memory_space<vmem>> -> memref<128xi32, #tpu.memory_space<vmem>>
        %dma_wait3A_147 = arith.constant 0 : i32
        %dma_wait3A_148 = tpu.memref_slice %arg4[%add3A_136, %dma_wait3A_147] : memref<2560x128xi32, #tpu.memory_space<hbm>> -> memref<1x128xi32, #tpu.memory_space<hbm>>
        %dma_wait3A_149 = tpu.memref_squeeze %dma_wait3A_148 : memref<1x128xi32, #tpu.memory_space<hbm>> -> memref<128xi32, #tpu.memory_space<hbm>>
        tpu.wait_dma2 semaphore(%arg18 : memref<!tpu.dma_semaphore, #tpu.memory_space<semaphore_mem>>) src(%dma_wait3A_149 : memref<128xi32, #tpu.memory_space<hbm>>) dst(%dma_wait3A_146 : memref<128xi32, #tpu.memory_space<vmem>>)
        %dma_start3A_150 = arith.constant 0 : i32
        %dma_start3A_151 = arith.constant 0 : i32
        %dma_start3A_152 = tpu.memref_slice %arg9[%dma_start3A_150, %dma_start3A_151] : memref<2x128xi32, #tpu.memory_space<vmem>> -> memref<1x128xi32, #tpu.memory_space<vmem>>
        %dma_start3A_153 = tpu.memref_squeeze %dma_start3A_152 : memref<1x128xi32, #tpu.memory_space<vmem>> -> memref<128xi32, #tpu.memory_space<vmem>>
        %dma_start3A_154 = arith.constant 0 : i32
        %dma_start3A_155 = arith.constant 0 : i32
        %dma_start3A_156 = tpu.memref_slice %arg6[%dma_start3A_154, %dma_start3A_155] : memref<10240x80xf32, #tpu.memory_space<vmem_shared>> -> memref<10240x80xf32, #tpu.memory_space<vmem_shared>>
        tpu.enqueue_indirect_dma source(%arg10 : memref<128x80xf32, #tpu.memory_space<vmem>>) target(%dma_start3A_156 : memref<10240x80xf32, #tpu.memory_space<vmem_shared>>) offsets(%dma_start3A_153 : memref<128xi32, #tpu.memory_space<vmem>>) semaphore(%arg14 : memref<!tpu.dma_semaphore, #tpu.memory_space<semaphore_mem>>) {add = true}
        %add3A_157 = arith.constant 0 : i32
        %add3A_158 = arith.addi %add3A_126, %add3A_157 : i32
        %add3A_159 = arith.constant 2 : i32
        %add3A_160 = arith.addi %add3A_158, %add3A_159 : i32
        %lt3A = arith.constant 76 : i32
        %lt3A_161 = arith.cmpi slt, %add3A_160, %lt3A : i32
        %convert_element_type3A_162 = arith.extui %lt3A_161 : i1 to i32
        %cond3A_163 = arith.constant 0 : i32
        %cond3A_164 = arith.cmpi ne, %convert_element_type3A_162, %cond3A_163 : i32
        scf.if %cond3A_164 {
          %add3A_236 = arith.addi %mul3A_9, %add3A_126 : i32
          %add3A_237 = arith.constant 0 : i32
          %add3A_238 = arith.addi %add3A_236, %add3A_237 : i32
          %add3A_239 = arith.constant 2 : i32
          %add3A_240 = arith.addi %add3A_238, %add3A_239 : i32
          %dma_start3A_241 = arith.constant 0 : i32
          %dma_start3A_242 = arith.constant 0 : i32
          %dma_start3A_243 = tpu.memref_slice %arg8[%dma_start3A_241, %dma_start3A_242] : memref<2x128xi32, #tpu.memory_space<vmem>> -> memref<1x128xi32, #tpu.memory_space<vmem>>
          %dma_start3A_244 = tpu.memref_squeeze %dma_start3A_243 : memref<1x128xi32, #tpu.memory_space<vmem>> -> memref<128xi32, #tpu.memory_space<vmem>>
          %dma_start3A_245 = arith.constant 0 : i32
          %dma_start3A_246 = tpu.memref_slice %arg3[%add3A_240, %dma_start3A_245] : memref<2560x128xi32, #tpu.memory_space<hbm>> -> memref<1x128xi32, #tpu.memory_space<hbm>>
          %dma_start3A_247 = tpu.memref_squeeze %dma_start3A_246 : memref<1x128xi32, #tpu.memory_space<hbm>> -> memref<128xi32, #tpu.memory_space<hbm>>
          %dma_start3A_248 = arith.constant 0 : i32
          %dma_start3A_249 = tpu.memref_slice %arg8[%dma_start3A_241, %dma_start3A_248] : memref<2x128xi32, #tpu.memory_space<vmem>> -> memref<1x128xi32, #tpu.memory_space<vmem>>
          %dma_start3A_250 = tpu.memref_squeeze %dma_start3A_249 : memref<1x128xi32, #tpu.memory_space<vmem>> -> memref<128xi32, #tpu.memory_space<vmem>>
          %dma_start3A_251 = arith.constant 0 : i32
          %dma_start3A_252 = tpu.memref_slice %arg3[%add3A_240, %dma_start3A_251] : memref<2560x128xi32, #tpu.memory_space<hbm>> -> memref<1x128xi32, #tpu.memory_space<hbm>>
          %dma_start3A_253 = tpu.memref_squeeze %dma_start3A_252 : memref<1x128xi32, #tpu.memory_space<hbm>> -> memref<128xi32, #tpu.memory_space<hbm>>
          tpu.enqueue_dma source(%dma_start3A_253 : memref<128xi32, #tpu.memory_space<hbm>>) target(%dma_start3A_250 : memref<128xi32, #tpu.memory_space<vmem>>) target_semaphore(%arg16 : memref<!tpu.dma_semaphore, #tpu.memory_space<semaphore_mem>>)
        } else {
        }
        %dma_wait3A_165 = arith.constant 1 : i32
        %dma_wait3A_166 = arith.constant 0 : i32
        %dma_wait3A_167 = tpu.memref_slice %arg8[%dma_wait3A_165, %dma_wait3A_166] : memref<2x128xi32, #tpu.memory_space<vmem>> -> memref<1x128xi32, #tpu.memory_space<vmem>>
        %dma_wait3A_168 = tpu.memref_squeeze %dma_wait3A_167 : memref<1x128xi32, #tpu.memory_space<vmem>> -> memref<128xi32, #tpu.memory_space<vmem>>
        %dma_wait3A_169 = arith.constant 0 : i32
        %dma_wait3A_170 = arith.constant 0 : i32
        %dma_wait3A_171 = tpu.memref_slice %arg2[%dma_wait3A_169, %dma_wait3A_170] : memref<10240x80xf32, #tpu.memory_space<hbm>> -> memref<10240x80xf32, #tpu.memory_space<hbm>>
        tpu.wait_indirect_dma semaphore(%arg13 : memref<!tpu.dma_semaphore, #tpu.memory_space<semaphore_mem>>) src(%dma_wait3A_171 : memref<10240x80xf32, #tpu.memory_space<hbm>>) dst(%arg11 : memref<128x80xf32, #tpu.memory_space<vmem>>)
        %add3A_172 = arith.addi %mul3A_9, %add3A_126 : i32
        %add3A_173 = arith.constant 1 : i32
        %add3A_174 = arith.addi %add3A_172, %add3A_173 : i32
        %dma_wait3A_175 = arith.constant 1 : i32
        %dma_wait3A_176 = arith.constant 0 : i32
        %dma_wait3A_177 = tpu.memref_slice %arg9[%dma_wait3A_175, %dma_wait3A_176] : memref<2x128xi32, #tpu.memory_space<vmem>> -> memref<1x128xi32, #tpu.memory_space<vmem>>
        %dma_wait3A_178 = tpu.memref_squeeze %dma_wait3A_177 : memref<1x128xi32, #tpu.memory_space<vmem>> -> memref<128xi32, #tpu.memory_space<vmem>>
        %dma_wait3A_179 = arith.constant 0 : i32
        %dma_wait3A_180 = tpu.memref_slice %arg4[%add3A_174, %dma_wait3A_179] : memref<2560x128xi32, #tpu.memory_space<hbm>> -> memref<1x128xi32, #tpu.memory_space<hbm>>
        %dma_wait3A_181 = tpu.memref_squeeze %dma_wait3A_180 : memref<1x128xi32, #tpu.memory_space<hbm>> -> memref<128xi32, #tpu.memory_space<hbm>>
        %dma_wait3A_182 = arith.constant 0 : i32
        %dma_wait3A_183 = tpu.memref_slice %arg9[%dma_wait3A_175, %dma_wait3A_182] : memref<2x128xi32, #tpu.memory_space<vmem>> -> memref<1x128xi32, #tpu.memory_space<vmem>>
        %dma_wait3A_184 = tpu.memref_squeeze %dma_wait3A_183 : memref<1x128xi32, #tpu.memory_space<vmem>> -> memref<128xi32, #tpu.memory_space<vmem>>
        %dma_wait3A_185 = arith.constant 0 : i32
        %dma_wait3A_186 = tpu.memref_slice %arg4[%add3A_174, %dma_wait3A_185] : memref<2560x128xi32, #tpu.memory_space<hbm>> -> memref<1x128xi32, #tpu.memory_space<hbm>>
        %dma_wait3A_187 = tpu.memref_squeeze %dma_wait3A_186 : memref<1x128xi32, #tpu.memory_space<hbm>> -> memref<128xi32, #tpu.memory_space<hbm>>
        tpu.wait_dma2 semaphore(%arg19 : memref<!tpu.dma_semaphore, #tpu.memory_space<semaphore_mem>>) src(%dma_wait3A_187 : memref<128xi32, #tpu.memory_space<hbm>>) dst(%dma_wait3A_184 : memref<128xi32, #tpu.memory_space<vmem>>)
        %dma_start3A_188 = arith.constant 1 : i32
        %dma_start3A_189 = arith.constant 0 : i32
        %dma_start3A_190 = tpu.memref_slice %arg9[%dma_start3A_188, %dma_start3A_189] : memref<2x128xi32, #tpu.memory_space<vmem>> -> memref<1x128xi32, #tpu.memory_space<vmem>>
        %dma_start3A_191 = tpu.memref_squeeze %dma_start3A_190 : memref<1x128xi32, #tpu.memory_space<vmem>> -> memref<128xi32, #tpu.memory_space<vmem>>
        %dma_start3A_192 = arith.constant 0 : i32
        %dma_start3A_193 = arith.constant 0 : i32
        %dma_start3A_194 = tpu.memref_slice %arg6[%dma_start3A_192, %dma_start3A_193] : memref<10240x80xf32, #tpu.memory_space<vmem_shared>> -> memref<10240x80xf32, #tpu.memory_space<vmem_shared>>
        tpu.enqueue_indirect_dma source(%arg11 : memref<128x80xf32, #tpu.memory_space<vmem>>) target(%dma_start3A_194 : memref<10240x80xf32, #tpu.memory_space<vmem_shared>>) offsets(%dma_start3A_191 : memref<128xi32, #tpu.memory_space<vmem>>) semaphore(%arg15 : memref<!tpu.dma_semaphore, #tpu.memory_space<semaphore_mem>>) {add = true}
        %add3A_195 = arith.constant 1 : i32
        %add3A_196 = arith.addi %add3A_126, %add3A_195 : i32
        %add3A_197 = arith.constant 2 : i32
        %add3A_198 = arith.addi %add3A_196, %add3A_197 : i32
        %lt3A_199 = arith.constant 76 : i32
        %lt3A_200 = arith.cmpi slt, %add3A_198, %lt3A_199 : i32
        %convert_element_type3A_201 = arith.extui %lt3A_200 : i1 to i32
        %cond3A_202 = arith.constant 0 : i32
        %cond3A_203 = arith.cmpi ne, %convert_element_type3A_201, %cond3A_202 : i32
        scf.if %cond3A_203 {
          %add3A_236 = arith.addi %mul3A_9, %add3A_126 : i32
          %add3A_237 = arith.constant 1 : i32
          %add3A_238 = arith.addi %add3A_236, %add3A_237 : i32
          %add3A_239 = arith.constant 2 : i32
          %add3A_240 = arith.addi %add3A_238, %add3A_239 : i32
          %dma_start3A_241 = arith.constant 1 : i32
          %dma_start3A_242 = arith.constant 0 : i32
          %dma_start3A_243 = tpu.memref_slice %arg8[%dma_start3A_241, %dma_start3A_242] : memref<2x128xi32, #tpu.memory_space<vmem>> -> memref<1x128xi32, #tpu.memory_space<vmem>>
          %dma_start3A_244 = tpu.memref_squeeze %dma_start3A_243 : memref<1x128xi32, #tpu.memory_space<vmem>> -> memref<128xi32, #tpu.memory_space<vmem>>
          %dma_start3A_245 = arith.constant 0 : i32
          %dma_start3A_246 = tpu.memref_slice %arg3[%add3A_240, %dma_start3A_245] : memref<2560x128xi32, #tpu.memory_space<hbm>> -> memref<1x128xi32, #tpu.memory_space<hbm>>
          %dma_start3A_247 = tpu.memref_squeeze %dma_start3A_246 : memref<1x128xi32, #tpu.memory_space<hbm>> -> memref<128xi32, #tpu.memory_space<hbm>>
          %dma_start3A_248 = arith.constant 0 : i32
          %dma_start3A_249 = tpu.memref_slice %arg8[%dma_start3A_241, %dma_start3A_248] : memref<2x128xi32, #tpu.memory_space<vmem>> -> memref<1x128xi32, #tpu.memory_space<vmem>>
          %dma_start3A_250 = tpu.memref_squeeze %dma_start3A_249 : memref<1x128xi32, #tpu.memory_space<vmem>> -> memref<128xi32, #tpu.memory_space<vmem>>
          %dma_start3A_251 = arith.constant 0 : i32
          %dma_start3A_252 = tpu.memref_slice %arg3[%add3A_240, %dma_start3A_251] : memref<2560x128xi32, #tpu.memory_space<hbm>> -> memref<1x128xi32, #tpu.memory_space<hbm>>
          %dma_start3A_253 = tpu.memref_squeeze %dma_start3A_252 : memref<1x128xi32, #tpu.memory_space<hbm>> -> memref<128xi32, #tpu.memory_space<hbm>>
          tpu.enqueue_dma source(%dma_start3A_253 : memref<128xi32, #tpu.memory_space<hbm>>) target(%dma_start3A_250 : memref<128xi32, #tpu.memory_space<vmem>>) target_semaphore(%arg17 : memref<!tpu.dma_semaphore, #tpu.memory_space<semaphore_mem>>)
        } else {
        }
        %dma_wait3A_204 = arith.constant 0 : i32
        %dma_wait3A_205 = arith.constant 0 : i32
        %dma_wait3A_206 = tpu.memref_slice %arg9[%dma_wait3A_204, %dma_wait3A_205] : memref<2x128xi32, #tpu.memory_space<vmem>> -> memref<1x128xi32, #tpu.memory_space<vmem>>
        %dma_wait3A_207 = tpu.memref_squeeze %dma_wait3A_206 : memref<1x128xi32, #tpu.memory_space<vmem>> -> memref<128xi32, #tpu.memory_space<vmem>>
        %dma_wait3A_208 = arith.constant 0 : i32
        %dma_wait3A_209 = arith.constant 0 : i32
        %dma_wait3A_210 = tpu.memref_slice %arg6[%dma_wait3A_208, %dma_wait3A_209] : memref<10240x80xf32, #tpu.memory_space<vmem_shared>> -> memref<10240x80xf32, #tpu.memory_space<vmem_shared>>
        tpu.wait_indirect_dma semaphore(%arg14 : memref<!tpu.dma_semaphore, #tpu.memory_space<semaphore_mem>>) src(%arg10 : memref<128x80xf32, #tpu.memory_space<vmem>>) dst(%dma_wait3A_210 : memref<10240x80xf32, #tpu.memory_space<vmem_shared>>)
        %add3A_211 = arith.constant 0 : i32
        %add3A_212 = arith.addi %add3A_126, %add3A_211 : i32
        %add3A_213 = arith.constant 2 : i32
        %add3A_214 = arith.addi %add3A_212, %add3A_213 : i32
        %lt3A_215 = arith.constant 76 : i32
        %lt3A_216 = arith.cmpi slt, %add3A_214, %lt3A_215 : i32
        %convert_element_type3A_217 = arith.extui %lt3A_216 : i1 to i32
        %cond3A_218 = arith.constant 0 : i32
        %cond3A_219 = arith.cmpi ne, %convert_element_type3A_217, %cond3A_218 : i32
        scf.if %cond3A_219 {
          %add3A_236 = arith.addi %mul3A_9, %add3A_126 : i32
          %add3A_237 = arith.constant 0 : i32
          %add3A_238 = arith.addi %add3A_236, %add3A_237 : i32
          %add3A_239 = arith.constant 2 : i32
          %add3A_240 = arith.addi %add3A_238, %add3A_239 : i32
          %dma_start3A_241 = arith.constant 0 : i32
          %dma_start3A_242 = arith.constant 0 : i32
          %dma_start3A_243 = tpu.memref_slice %arg9[%dma_start3A_241, %dma_start3A_242] : memref<2x128xi32, #tpu.memory_space<vmem>> -> memref<1x128xi32, #tpu.memory_space<vmem>>
          %dma_start3A_244 = tpu.memref_squeeze %dma_start3A_243 : memref<1x128xi32, #tpu.memory_space<vmem>> -> memref<128xi32, #tpu.memory_space<vmem>>
          %dma_start3A_245 = arith.constant 0 : i32
          %dma_start3A_246 = tpu.memref_slice %arg4[%add3A_240, %dma_start3A_245] : memref<2560x128xi32, #tpu.memory_space<hbm>> -> memref<1x128xi32, #tpu.memory_space<hbm>>
          %dma_start3A_247 = tpu.memref_squeeze %dma_start3A_246 : memref<1x128xi32, #tpu.memory_space<hbm>> -> memref<128xi32, #tpu.memory_space<hbm>>
          %dma_start3A_248 = arith.constant 0 : i32
          %dma_start3A_249 = tpu.memref_slice %arg9[%dma_start3A_241, %dma_start3A_248] : memref<2x128xi32, #tpu.memory_space<vmem>> -> memref<1x128xi32, #tpu.memory_space<vmem>>
          %dma_start3A_250 = tpu.memref_squeeze %dma_start3A_249 : memref<1x128xi32, #tpu.memory_space<vmem>> -> memref<128xi32, #tpu.memory_space<vmem>>
          %dma_start3A_251 = arith.constant 0 : i32
          %dma_start3A_252 = tpu.memref_slice %arg4[%add3A_240, %dma_start3A_251] : memref<2560x128xi32, #tpu.memory_space<hbm>> -> memref<1x128xi32, #tpu.memory_space<hbm>>
          %dma_start3A_253 = tpu.memref_squeeze %dma_start3A_252 : memref<1x128xi32, #tpu.memory_space<hbm>> -> memref<128xi32, #tpu.memory_space<hbm>>
          tpu.enqueue_dma source(%dma_start3A_253 : memref<128xi32, #tpu.memory_space<hbm>>) target(%dma_start3A_250 : memref<128xi32, #tpu.memory_space<vmem>>) target_semaphore(%arg18 : memref<!tpu.dma_semaphore, #tpu.memory_space<semaphore_mem>>)
          %add3A_254 = arith.addi %mul3A_9, %add3A_126 : i32
          %add3A_255 = arith.constant 0 : i32
          %add3A_256 = arith.addi %add3A_254, %add3A_255 : i32
          %add3A_257 = arith.constant 2 : i32
          %add3A_258 = arith.addi %add3A_256, %add3A_257 : i32
          %dma_wait3A_259 = arith.constant 0 : i32
          %dma_wait3A_260 = arith.constant 0 : i32
          %dma_wait3A_261 = tpu.memref_slice %arg8[%dma_wait3A_259, %dma_wait3A_260] : memref<2x128xi32, #tpu.memory_space<vmem>> -> memref<1x128xi32, #tpu.memory_space<vmem>>
          %dma_wait3A_262 = tpu.memref_squeeze %dma_wait3A_261 : memref<1x128xi32, #tpu.memory_space<vmem>> -> memref<128xi32, #tpu.memory_space<vmem>>
          %dma_wait3A_263 = arith.constant 0 : i32
          %dma_wait3A_264 = tpu.memref_slice %arg3[%add3A_258, %dma_wait3A_263] : memref<2560x128xi32, #tpu.memory_space<hbm>> -> memref<1x128xi32, #tpu.memory_space<hbm>>
          %dma_wait3A_265 = tpu.memref_squeeze %dma_wait3A_264 : memref<1x128xi32, #tpu.memory_space<hbm>> -> memref<128xi32, #tpu.memory_space<hbm>>
          %dma_wait3A_266 = arith.constant 0 : i32
          %dma_wait3A_267 = tpu.memref_slice %arg8[%dma_wait3A_259, %dma_wait3A_266] : memref<2x128xi32, #tpu.memory_space<vmem>> -> memref<1x128xi32, #tpu.memory_space<vmem>>
          %dma_wait3A_268 = tpu.memref_squeeze %dma_wait3A_267 : memref<1x128xi32, #tpu.memory_space<vmem>> -> memref<128xi32, #tpu.memory_space<vmem>>
          %dma_wait3A_269 = arith.constant 0 : i32
          %dma_wait3A_270 = tpu.memref_slice %arg3[%add3A_258, %dma_wait3A_269] : memref<2560x128xi32, #tpu.memory_space<hbm>> -> memref<1x128xi32, #tpu.memory_space<hbm>>
          %dma_wait3A_271 = tpu.memref_squeeze %dma_wait3A_270 : memref<1x128xi32, #tpu.memory_space<hbm>> -> memref<128xi32, #tpu.memory_space<hbm>>
          tpu.wait_dma2 semaphore(%arg16 : memref<!tpu.dma_semaphore, #tpu.memory_space<semaphore_mem>>) src(%dma_wait3A_271 : memref<128xi32, #tpu.memory_space<hbm>>) dst(%dma_wait3A_268 : memref<128xi32, #tpu.memory_space<vmem>>)
          %dma_start3A_272 = arith.constant 0 : i32
          %dma_start3A_273 = arith.constant 0 : i32
          %dma_start3A_274 = tpu.memref_slice %arg8[%dma_start3A_272, %dma_start3A_273] : memref<2x128xi32, #tpu.memory_space<vmem>> -> memref<1x128xi32, #tpu.memory_space<vmem>>
          %dma_start3A_275 = tpu.memref_squeeze %dma_start3A_274 : memref<1x128xi32, #tpu.memory_space<vmem>> -> memref<128xi32, #tpu.memory_space<vmem>>
          %dma_start3A_276 = arith.constant 0 : i32
          %dma_start3A_277 = arith.constant 0 : i32
          %dma_start3A_278 = tpu.memref_slice %arg2[%dma_start3A_276, %dma_start3A_277] : memref<10240x80xf32, #tpu.memory_space<hbm>> -> memref<10240x80xf32, #tpu.memory_space<hbm>>
          tpu.enqueue_indirect_dma source(%dma_start3A_278 : memref<10240x80xf32, #tpu.memory_space<hbm>>) target(%arg10 : memref<128x80xf32, #tpu.memory_space<vmem>>) offsets(%dma_start3A_275 : memref<128xi32, #tpu.memory_space<vmem>>) semaphore(%arg12 : memref<!tpu.dma_semaphore, #tpu.memory_space<semaphore_mem>>)
        } else {
        }
        %dma_wait3A_220 = arith.constant 1 : i32
        %dma_wait3A_221 = arith.constant 0 : i32
        %dma_wait3A_222 = tpu.memref_slice %arg9[%dma_wait3A_220, %dma_wait3A_221] : memref<2x128xi32, #tpu.memory_space<vmem>> -> memref<1x128xi32, #tpu.memory_space<vmem>>
        %dma_wait3A_223 = tpu.memref_squeeze %dma_wait3A_222 : memref<1x128xi32, #tpu.memory_space<vmem>> -> memref<128xi32, #tpu.memory_space<vmem>>
        %dma_wait3A_224 = arith.constant 0 : i32
        %dma_wait3A_225 = arith.constant 0 : i32
        %dma_wait3A_226 = tpu.memref_slice %arg6[%dma_wait3A_224, %dma_wait3A_225] : memref<10240x80xf32, #tpu.memory_space<vmem_shared>> -> memref<10240x80xf32, #tpu.memory_space<vmem_shared>>
        tpu.wait_indirect_dma semaphore(%arg15 : memref<!tpu.dma_semaphore, #tpu.memory_space<semaphore_mem>>) src(%arg11 : memref<128x80xf32, #tpu.memory_space<vmem>>) dst(%dma_wait3A_226 : memref<10240x80xf32, #tpu.memory_space<vmem_shared>>)
        %add3A_227 = arith.constant 1 : i32
        %add3A_228 = arith.addi %add3A_126, %add3A_227 : i32
        %add3A_229 = arith.constant 2 : i32
        %add3A_230 = arith.addi %add3A_228, %add3A_229 : i32
        %lt3A_231 = arith.constant 76 : i32
        %lt3A_232 = arith.cmpi slt, %add3A_230, %lt3A_231 : i32
        %convert_element_type3A_233 = arith.extui %lt3A_232 : i1 to i32
        %cond3A_234 = arith.constant 0 : i32
        %cond3A_235 = arith.cmpi ne, %convert_element_type3A_233, %cond3A_234 : i32
        scf.if %cond3A_235 {
          %add3A_236 = arith.addi %mul3A_9, %add3A_126 : i32
          %add3A_237 = arith.constant 1 : i32
          %add3A_238 = arith.addi %add3A_236, %add3A_237 : i32
          %add3A_239 = arith.constant 2 : i32
          %add3A_240 = arith.addi %add3A_238, %add3A_239 : i32
          %dma_start3A_241 = arith.constant 1 : i32
          %dma_start3A_242 = arith.constant 0 : i32
          %dma_start3A_243 = tpu.memref_slice %arg9[%dma_start3A_241, %dma_start3A_242] : memref<2x128xi32, #tpu.memory_space<vmem>> -> memref<1x128xi32, #tpu.memory_space<vmem>>
          %dma_start3A_244 = tpu.memref_squeeze %dma_start3A_243 : memref<1x128xi32, #tpu.memory_space<vmem>> -> memref<128xi32, #tpu.memory_space<vmem>>
          %dma_start3A_245 = arith.constant 0 : i32
          %dma_start3A_246 = tpu.memref_slice %arg4[%add3A_240, %dma_start3A_245] : memref<2560x128xi32, #tpu.memory_space<hbm>> -> memref<1x128xi32, #tpu.memory_space<hbm>>
          %dma_start3A_247 = tpu.memref_squeeze %dma_start3A_246 : memref<1x128xi32, #tpu.memory_space<hbm>> -> memref<128xi32, #tpu.memory_space<hbm>>
          %dma_start3A_248 = arith.constant 0 : i32
          %dma_start3A_249 = tpu.memref_slice %arg9[%dma_start3A_241, %dma_start3A_248] : memref<2x128xi32, #tpu.memory_space<vmem>> -> memref<1x128xi32, #tpu.memory_space<vmem>>
          %dma_start3A_250 = tpu.memref_squeeze %dma_start3A_249 : memref<1x128xi32, #tpu.memory_space<vmem>> -> memref<128xi32, #tpu.memory_space<vmem>>
          %dma_start3A_251 = arith.constant 0 : i32
          %dma_start3A_252 = tpu.memref_slice %arg4[%add3A_240, %dma_start3A_251] : memref<2560x128xi32, #tpu.memory_space<hbm>> -> memref<1x128xi32, #tpu.memory_space<hbm>>
          %dma_start3A_253 = tpu.memref_squeeze %dma_start3A_252 : memref<1x128xi32, #tpu.memory_space<hbm>> -> memref<128xi32, #tpu.memory_space<hbm>>
          tpu.enqueue_dma source(%dma_start3A_253 : memref<128xi32, #tpu.memory_space<hbm>>) target(%dma_start3A_250 : memref<128xi32, #tpu.memory_space<vmem>>) target_semaphore(%arg19 : memref<!tpu.dma_semaphore, #tpu.memory_space<semaphore_mem>>)
          %add3A_254 = arith.addi %mul3A_9, %add3A_126 : i32
          %add3A_255 = arith.constant 1 : i32
          %add3A_256 = arith.addi %add3A_254, %add3A_255 : i32
          %add3A_257 = arith.constant 2 : i32
          %add3A_258 = arith.addi %add3A_256, %add3A_257 : i32
          %dma_wait3A_259 = arith.constant 1 : i32
          %dma_wait3A_260 = arith.constant 0 : i32
          %dma_wait3A_261 = tpu.memref_slice %arg8[%dma_wait3A_259, %dma_wait3A_260] : memref<2x128xi32, #tpu.memory_space<vmem>> -> memref<1x128xi32, #tpu.memory_space<vmem>>
          %dma_wait3A_262 = tpu.memref_squeeze %dma_wait3A_261 : memref<1x128xi32, #tpu.memory_space<vmem>> -> memref<128xi32, #tpu.memory_space<vmem>>
          %dma_wait3A_263 = arith.constant 0 : i32
          %dma_wait3A_264 = tpu.memref_slice %arg3[%add3A_258, %dma_wait3A_263] : memref<2560x128xi32, #tpu.memory_space<hbm>> -> memref<1x128xi32, #tpu.memory_space<hbm>>
          %dma_wait3A_265 = tpu.memref_squeeze %dma_wait3A_264 : memref<1x128xi32, #tpu.memory_space<hbm>> -> memref<128xi32, #tpu.memory_space<hbm>>
          %dma_wait3A_266 = arith.constant 0 : i32
          %dma_wait3A_267 = tpu.memref_slice %arg8[%dma_wait3A_259, %dma_wait3A_266] : memref<2x128xi32, #tpu.memory_space<vmem>> -> memref<1x128xi32, #tpu.memory_space<vmem>>
          %dma_wait3A_268 = tpu.memref_squeeze %dma_wait3A_267 : memref<1x128xi32, #tpu.memory_space<vmem>> -> memref<128xi32, #tpu.memory_space<vmem>>
          %dma_wait3A_269 = arith.constant 0 : i32
          %dma_wait3A_270 = tpu.memref_slice %arg3[%add3A_258, %dma_wait3A_269] : memref<2560x128xi32, #tpu.memory_space<hbm>> -> memref<1x128xi32, #tpu.memory_space<hbm>>
          %dma_wait3A_271 = tpu.memref_squeeze %dma_wait3A_270 : memref<1x128xi32, #tpu.memory_space<hbm>> -> memref<128xi32, #tpu.memory_space<hbm>>
          tpu.wait_dma2 semaphore(%arg17 : memref<!tpu.dma_semaphore, #tpu.memory_space<semaphore_mem>>) src(%dma_wait3A_271 : memref<128xi32, #tpu.memory_space<hbm>>) dst(%dma_wait3A_268 : memref<128xi32, #tpu.memory_space<vmem>>)
          %dma_start3A_272 = arith.constant 1 : i32
          %dma_start3A_273 = arith.constant 0 : i32
          %dma_start3A_274 = tpu.memref_slice %arg8[%dma_start3A_272, %dma_start3A_273] : memref<2x128xi32, #tpu.memory_space<vmem>> -> memref<1x128xi32, #tpu.memory_space<vmem>>
          %dma_start3A_275 = tpu.memref_squeeze %dma_start3A_274 : memref<1x128xi32, #tpu.memory_space<vmem>> -> memref<128xi32, #tpu.memory_space<vmem>>
          %dma_start3A_276 = arith.constant 0 : i32
          %dma_start3A_277 = arith.constant 0 : i32
          %dma_start3A_278 = tpu.memref_slice %arg2[%dma_start3A_276, %dma_start3A_277] : memref<10240x80xf32, #tpu.memory_space<hbm>> -> memref<10240x80xf32, #tpu.memory_space<hbm>>
          tpu.enqueue_indirect_dma source(%dma_start3A_278 : memref<10240x80xf32, #tpu.memory_space<hbm>>) target(%arg11 : memref<128x80xf32, #tpu.memory_space<vmem>>) offsets(%dma_start3A_275 : memref<128xi32, #tpu.memory_space<vmem>>) semaphore(%arg13 : memref<!tpu.dma_semaphore, #tpu.memory_space<semaphore_mem>>)
        } else {
        }
      }
      %scan3A_120 = arith.constant 38 : i32
      %barrier3A_121 = arith.constant 0 : index
      tpu.barrier barrier_id(%barrier3A_121)
      "tpu.region"() ({
        %run_scoped3A = tpu.sem_alloc : memref<!tpu.dma_semaphore, #tpu.memory_space<semaphore_mem>>
        %dma_start3A_122 = arith.constant 0 : i32
        %dma_start3A_123 = tpu.memref_slice %arg5[%arg0, %mul3A_0, %dma_start3A_122] : memref<2x10240x80xf32, #tpu.memory_space<hbm>> -> memref<1x640x80xf32, #tpu.memory_space<hbm>>
        %dma_start3A_124 = tpu.memref_squeeze %dma_start3A_123 : memref<1x640x80xf32, #tpu.memory_space<hbm>> -> memref<640x80xf32, #tpu.memory_space<hbm>>
        %dma_start3A_125 = arith.constant 0 : i32
        %dma_start3A_126 = tpu.memref_slice %arg6[%mul3A_0, %dma_start3A_125] : memref<10240x80xf32, #tpu.memory_space<vmem_shared>> -> memref<640x80xf32, #tpu.memory_space<vmem_shared>>
        tpu.enqueue_dma source(%dma_start3A_126 : memref<640x80xf32, #tpu.memory_space<vmem_shared>>) target(%dma_start3A_124 : memref<640x80xf32, #tpu.memory_space<hbm>>) target_semaphore(%run_scoped3A : memref<!tpu.dma_semaphore, #tpu.memory_space<semaphore_mem>>)
        %dma_wait3A_127 = arith.constant 0 : i32
        %dma_wait3A_128 = tpu.memref_slice %arg5[%arg0, %mul3A_0, %dma_wait3A_127] : memref<2x10240x80xf32, #tpu.memory_space<hbm>> -> memref<1x640x80xf32, #tpu.memory_space<hbm>>
        %dma_wait3A_129 = tpu.memref_squeeze %dma_wait3A_128 : memref<1x640x80xf32, #tpu.memory_space<hbm>> -> memref<640x80xf32, #tpu.memory_space<hbm>>
        %dma_wait3A_130 = arith.constant 0 : i32
        %dma_wait3A_131 = tpu.memref_slice %arg6[%mul3A_0, %dma_wait3A_130] : memref<10240x80xf32, #tpu.memory_space<vmem_shared>> -> memref<640x80xf32, #tpu.memory_space<vmem_shared>>
        tpu.wait_dma2 semaphore(%run_scoped3A : memref<!tpu.dma_semaphore, #tpu.memory_space<semaphore_mem>>) src(%dma_wait3A_131 : memref<640x80xf32, #tpu.memory_space<vmem_shared>>) dst(%dma_wait3A_129 : memref<640x80xf32, #tpu.memory_space<hbm>>)
        tpu.yield
      }) : () -> ()
    } else {
    }
    %eq3A_3 = arith.constant 1 : i32
    %eq3A_4 = arith.cmpi eq, %arg0, %eq3A_3 : i32
    %convert_element_type3A_5 = arith.extui %eq3A_4 : i1 to i32
    %cond3A_6 = arith.constant 0 : i32
    %cond3A_7 = arith.cmpi ne, %convert_element_type3A_5, %cond3A_6 : i32
    scf.if %cond3A_7 {
      %mul3A_8 = arith.constant 84 : i32
      %mul3A_9 = arith.muli %arg1, %mul3A_8 : i32
      %add3A = arith.constant 1216 : i32
      %add3A_10 = arith.addi %add3A, %mul3A_9 : i32
      %dma_start3A = arith.constant 0 : i32
      %dma_start3A_11 = tpu.memref_slice %arg7[%mul3A_0, %dma_start3A] : memref<10240x80xf32, #tpu.memory_space<vmem_shared>> -> memref<640x80xf32, #tpu.memory_space<vmem_shared>>
      %dma_start3A_12 = arith.constant 0 : i32
      %dma_start3A_13 = tpu.memref_slice %arg2[%mul3A_0, %dma_start3A_12] : memref<10240x80xf32, #tpu.memory_space<hbm>> -> memref<640x80xf32, #tpu.memory_space<hbm>>
      tpu.enqueue_dma source(%dma_start3A_13 : memref<640x80xf32, #tpu.memory_space<hbm>>) target(%dma_start3A_11 : memref<640x80xf32, #tpu.memory_space<vmem_shared>>) target_semaphore(%arg20 : memref<!tpu.dma_semaphore, #tpu.memory_space<semaphore_mem>>)
      %scan3A = arith.constant 0 : i32
      %scan3A_14 = arith.constant 128 : i32
      %scan3A_15 = arith.addi %scan3A, %scan3A_14 : i32
      %scan3A_16 = arith.constant 1 : i32
      scf.for %scan3A_132 = %scan3A to %scan3A_15 step %scan3A_16  : i32 {
        %mul3A_133 = arith.constant 1 : i32
        %mul3A_134 = arith.muli %scan3A_132, %mul3A_133 : i32
        %add3A_135 = arith.constant 0 : i32
        %add3A_136 = arith.addi %add3A_135, %mul3A_134 : i32
        %scan3A_137 = arith.constant 0 : i32
        %scan3A_138 = arith.constant 5 : i32
        %scan3A_139 = arith.addi %scan3A_137, %scan3A_138 : i32
        %scan3A_140 = arith.constant 1 : i32
        scf.for %scan3A_142 = %scan3A_137 to %scan3A_139 step %scan3A_140  : i32 {
          %mul3A_143 = arith.constant 1 : i32
          %mul3A_144 = arith.muli %scan3A_142, %mul3A_143 : i32
          %add3A_145 = arith.constant 0 : i32
          %add3A_146 = arith.addi %add3A_145, %mul3A_144 : i32
          %broadcast_in_dim3A = arith.constant 0.000000e+00 : f32
          %broadcast_in_dim3A_147 = vector.broadcast %broadcast_in_dim3A : f32 to vector<16xf32>
          %mul3A_148 = arith.constant 16 : i32
          %mul3A_149 = arith.muli %add3A_146, %mul3A_148 : i32
          %swap3A = arith.index_cast %add3A_136 : i32 to index
          %swap3A_150 = arith.index_cast %mul3A_149 : i32 to index
          %swap3A_151 = tpu.vector_load %arg10[%swap3A, %swap3A_150] {strides = array<i32>} : memref<128x80xf32, #tpu.memory_space<vmem>>, vector<1x16xf32>,
          %swap3A_152 = vector.shape_cast %swap3A_151 : vector<1x16xf32> to vector<16xf32>
          %swap3A_153 = vector.shape_cast %broadcast_in_dim3A_147 : vector<16xf32> to vector<1x16xf32>
          tpu.vector_store %arg10[%swap3A, %swap3A_150], %swap3A_153 {strides = array<i32>} : memref<128x80xf32, #tpu.memory_space<vmem>>, vector<1x16xf32>,
        }
        %scan3A_141 = arith.constant 5 : i32
      }
      %scan3A_17 = arith.constant 128 : i32
      %scan3A_18 = arith.constant 0 : i32
      %scan3A_19 = arith.constant 5 : i32
      %scan3A_20 = arith.addi %scan3A_18, %scan3A_19 : i32
      %scan3A_21 = arith.constant 1 : i32
      scf.for %scan3A_132 = %scan3A_18 to %scan3A_20 step %scan3A_21  : i32 {
        %mul3A_133 = arith.constant 1 : i32
        %mul3A_134 = arith.muli %scan3A_132, %mul3A_133 : i32
        %add3A_135 = arith.constant 0 : i32
        %add3A_136 = arith.addi %add3A_135, %mul3A_134 : i32
        %mul3A_137 = arith.constant 128 : i32
        %mul3A_138 = arith.muli %add3A_136, %mul3A_137 : i32
        %add3A_139 = arith.addi %mul3A_0, %mul3A_138 : i32
        "tpu.region"() ({
          %run_scoped3A = tpu.sem_alloc : memref<!tpu.dma_semaphore, #tpu.memory_space<semaphore_mem>>
          %dma_start3A_140 = arith.constant 0 : i32
          %dma_start3A_141 = tpu.memref_slice %arg6[%add3A_139, %dma_start3A_140] : memref<10240x80xf32, #tpu.memory_space<vmem_shared>> -> memref<128x80xf32, #tpu.memory_space<vmem_shared>>
          %dma_start3A_142 = arith.constant 0 : i32
          %dma_start3A_143 = tpu.memref_slice %arg6[%add3A_139, %dma_start3A_142] : memref<10240x80xf32, #tpu.memory_space<vmem_shared>> -> memref<128x80xf32, #tpu.memory_space<vmem_shared>>
          tpu.enqueue_dma source(%arg10 : memref<128x80xf32, #tpu.memory_space<vmem>>) target(%dma_start3A_143 : memref<128x80xf32, #tpu.memory_space<vmem_shared>>) target_semaphore(%run_scoped3A : memref<!tpu.dma_semaphore, #tpu.memory_space<semaphore_mem>>)
          %dma_wait3A_144 = arith.constant 0 : i32
          %dma_wait3A_145 = tpu.memref_slice %arg6[%add3A_139, %dma_wait3A_144] : memref<10240x80xf32, #tpu.memory_space<vmem_shared>> -> memref<128x80xf32, #tpu.memory_space<vmem_shared>>
          %dma_wait3A_146 = arith.constant 0 : i32
          %dma_wait3A_147 = tpu.memref_slice %arg6[%add3A_139, %dma_wait3A_146] : memref<10240x80xf32, #tpu.memory_space<vmem_shared>> -> memref<128x80xf32, #tpu.memory_space<vmem_shared>>
          tpu.wait_dma2 semaphore(%run_scoped3A : memref<!tpu.dma_semaphore, #tpu.memory_space<semaphore_mem>>) src(%arg10 : memref<128x80xf32, #tpu.memory_space<vmem>>) dst(%dma_wait3A_147 : memref<128x80xf32, #tpu.memory_space<vmem_shared>>)
          tpu.yield
        }) : () -> ()
      }
      %scan3A_22 = arith.constant 5 : i32
      %dma_wait3A = arith.constant 0 : i32
      %dma_wait3A_23 = tpu.memref_slice %arg7[%mul3A_0, %dma_wait3A] : memref<10240x80xf32, #tpu.memory_space<vmem_shared>> -> memref<640x80xf32, #tpu.memory_space<vmem_shared>>
      %dma_wait3A_24 = arith.constant 0 : i32
      %dma_wait3A_25 = tpu.memref_slice %arg2[%mul3A_0, %dma_wait3A_24] : memref<10240x80xf32, #tpu.memory_space<hbm>> -> memref<640x80xf32, #tpu.memory_space<hbm>>
      tpu.wait_dma2 semaphore(%arg20 : memref<!tpu.dma_semaphore, #tpu.memory_space<semaphore_mem>>) src(%dma_wait3A_25 : memref<640x80xf32, #tpu.memory_space<hbm>>) dst(%dma_wait3A_23 : memref<640x80xf32, #tpu.memory_space<vmem_shared>>)
      %barrier3A = arith.constant 0 : index
      tpu.barrier barrier_id(%barrier3A)
      %add3A_26 = arith.constant 0 : i32
      %add3A_27 = arith.addi %add3A_10, %add3A_26 : i32
      %dma_start3A_28 = arith.constant 0 : i32
      %dma_start3A_29 = arith.constant 0 : i32
      %dma_start3A_30 = tpu.memref_slice %arg8[%dma_start3A_28, %dma_start3A_29] : memref<2x128xi32, #tpu.memory_space<vmem>> -> memref<1x128xi32, #tpu.memory_space<vmem>>
      %dma_start3A_31 = tpu.memref_squeeze %dma_start3A_30 : memref<1x128xi32, #tpu.memory_space<vmem>> -> memref<128xi32, #tpu.memory_space<vmem>>
      %dma_start3A_32 = arith.constant 0 : i32
      %dma_start3A_33 = tpu.memref_slice %arg3[%add3A_27, %dma_start3A_32] : memref<2560x128xi32, #tpu.memory_space<hbm>> -> memref<1x128xi32, #tpu.memory_space<hbm>>
      %dma_start3A_34 = tpu.memref_squeeze %dma_start3A_33 : memref<1x128xi32, #tpu.memory_space<hbm>> -> memref<128xi32, #tpu.memory_space<hbm>>
      %dma_start3A_35 = arith.constant 0 : i32
      %dma_start3A_36 = tpu.memref_slice %arg8[%dma_start3A_28, %dma_start3A_35] : memref<2x128xi32, #tpu.memory_space<vmem>> -> memref<1x128xi32, #tpu.memory_space<vmem>>
      %dma_start3A_37 = tpu.memref_squeeze %dma_start3A_36 : memref<1x128xi32, #tpu.memory_space<vmem>> -> memref<128xi32, #tpu.memory_space<vmem>>
      %dma_start3A_38 = arith.constant 0 : i32
      %dma_start3A_39 = tpu.memref_slice %arg3[%add3A_27, %dma_start3A_38] : memref<2560x128xi32, #tpu.memory_space<hbm>> -> memref<1x128xi32, #tpu.memory_space<hbm>>
      %dma_start3A_40 = tpu.memref_squeeze %dma_start3A_39 : memref<1x128xi32, #tpu.memory_space<hbm>> -> memref<128xi32, #tpu.memory_space<hbm>>
      tpu.enqueue_dma source(%dma_start3A_40 : memref<128xi32, #tpu.memory_space<hbm>>) target(%dma_start3A_37 : memref<128xi32, #tpu.memory_space<vmem>>) target_semaphore(%arg16 : memref<!tpu.dma_semaphore, #tpu.memory_space<semaphore_mem>>)
      %add3A_41 = arith.constant 1 : i32
      %add3A_42 = arith.addi %add3A_10, %add3A_41 : i32
      %dma_start3A_43 = arith.constant 1 : i32
      %dma_start3A_44 = arith.constant 0 : i32
      %dma_start3A_45 = tpu.memref_slice %arg8[%dma_start3A_43, %dma_start3A_44] : memref<2x128xi32, #tpu.memory_space<vmem>> -> memref<1x128xi32, #tpu.memory_space<vmem>>
      %dma_start3A_46 = tpu.memref_squeeze %dma_start3A_45 : memref<1x128xi32, #tpu.memory_space<vmem>> -> memref<128xi32, #tpu.memory_space<vmem>>
      %dma_start3A_47 = arith.constant 0 : i32
      %dma_start3A_48 = tpu.memref_slice %arg3[%add3A_42, %dma_start3A_47] : memref<2560x128xi32, #tpu.memory_space<hbm>> -> memref<1x128xi32, #tpu.memory_space<hbm>>
      %dma_start3A_49 = tpu.memref_squeeze %dma_start3A_48 : memref<1x128xi32, #tpu.memory_space<hbm>> -> memref<128xi32, #tpu.memory_space<hbm>>
      %dma_start3A_50 = arith.constant 0 : i32
      %dma_start3A_51 = tpu.memref_slice %arg8[%dma_start3A_43, %dma_start3A_50] : memref<2x128xi32, #tpu.memory_space<vmem>> -> memref<1x128xi32, #tpu.memory_space<vmem>>
      %dma_start3A_52 = tpu.memref_squeeze %dma_start3A_51 : memref<1x128xi32, #tpu.memory_space<vmem>> -> memref<128xi32, #tpu.memory_space<vmem>>
      %dma_start3A_53 = arith.constant 0 : i32
      %dma_start3A_54 = tpu.memref_slice %arg3[%add3A_42, %dma_start3A_53] : memref<2560x128xi32, #tpu.memory_space<hbm>> -> memref<1x128xi32, #tpu.memory_space<hbm>>
      %dma_start3A_55 = tpu.memref_squeeze %dma_start3A_54 : memref<1x128xi32, #tpu.memory_space<hbm>> -> memref<128xi32, #tpu.memory_space<hbm>>
      tpu.enqueue_dma source(%dma_start3A_55 : memref<128xi32, #tpu.memory_space<hbm>>) target(%dma_start3A_52 : memref<128xi32, #tpu.memory_space<vmem>>) target_semaphore(%arg17 : memref<!tpu.dma_semaphore, #tpu.memory_space<semaphore_mem>>)
      %add3A_56 = arith.constant 0 : i32
      %add3A_57 = arith.addi %add3A_10, %add3A_56 : i32
      %dma_start3A_58 = arith.constant 0 : i32
      %dma_start3A_59 = arith.constant 0 : i32
      %dma_start3A_60 = tpu.memref_slice %arg9[%dma_start3A_58, %dma_start3A_59] : memref<2x128xi32, #tpu.memory_space<vmem>> -> memref<1x128xi32, #tpu.memory_space<vmem>>
      %dma_start3A_61 = tpu.memref_squeeze %dma_start3A_60 : memref<1x128xi32, #tpu.memory_space<vmem>> -> memref<128xi32, #tpu.memory_space<vmem>>
      %dma_start3A_62 = arith.constant 0 : i32
      %dma_start3A_63 = tpu.memref_slice %arg4[%add3A_57, %dma_start3A_62] : memref<2560x128xi32, #tpu.memory_space<hbm>> -> memref<1x128xi32, #tpu.memory_space<hbm>>
      %dma_start3A_64 = tpu.memref_squeeze %dma_start3A_63 : memref<1x128xi32, #tpu.memory_space<hbm>> -> memref<128xi32, #tpu.memory_space<hbm>>
      %dma_start3A_65 = arith.constant 0 : i32
      %dma_start3A_66 = tpu.memref_slice %arg9[%dma_start3A_58, %dma_start3A_65] : memref<2x128xi32, #tpu.memory_space<vmem>> -> memref<1x128xi32, #tpu.memory_space<vmem>>
      %dma_start3A_67 = tpu.memref_squeeze %dma_start3A_66 : memref<1x128xi32, #tpu.memory_space<vmem>> -> memref<128xi32, #tpu.memory_space<vmem>>
      %dma_start3A_68 = arith.constant 0 : i32
      %dma_start3A_69 = tpu.memref_slice %arg4[%add3A_57, %dma_start3A_68] : memref<2560x128xi32, #tpu.memory_space<hbm>> -> memref<1x128xi32, #tpu.memory_space<hbm>>
      %dma_start3A_70 = tpu.memref_squeeze %dma_start3A_69 : memref<1x128xi32, #tpu.memory_space<hbm>> -> memref<128xi32, #tpu.memory_space<hbm>>
      tpu.enqueue_dma source(%dma_start3A_70 : memref<128xi32, #tpu.memory_space<hbm>>) target(%dma_start3A_67 : memref<128xi32, #tpu.memory_space<vmem>>) target_semaphore(%arg18 : memref<!tpu.dma_semaphore, #tpu.memory_space<semaphore_mem>>)
      %add3A_71 = arith.constant 1 : i32
      %add3A_72 = arith.addi %add3A_10, %add3A_71 : i32
      %dma_start3A_73 = arith.constant 1 : i32
      %dma_start3A_74 = arith.constant 0 : i32
      %dma_start3A_75 = tpu.memref_slice %arg9[%dma_start3A_73, %dma_start3A_74] : memref<2x128xi32, #tpu.memory_space<vmem>> -> memref<1x128xi32, #tpu.memory_space<vmem>>
      %dma_start3A_76 = tpu.memref_squeeze %dma_start3A_75 : memref<1x128xi32, #tpu.memory_space<vmem>> -> memref<128xi32, #tpu.memory_space<vmem>>
      %dma_start3A_77 = arith.constant 0 : i32
      %dma_start3A_78 = tpu.memref_slice %arg4[%add3A_72, %dma_start3A_77] : memref<2560x128xi32, #tpu.memory_space<hbm>> -> memref<1x128xi32, #tpu.memory_space<hbm>>
      %dma_start3A_79 = tpu.memref_squeeze %dma_start3A_78 : memref<1x128xi32, #tpu.memory_space<hbm>> -> memref<128xi32, #tpu.memory_space<hbm>>
      %dma_start3A_80 = arith.constant 0 : i32
      %dma_start3A_81 = tpu.memref_slice %arg9[%dma_start3A_73, %dma_start3A_80] : memref<2x128xi32, #tpu.memory_space<vmem>> -> memref<1x128xi32, #tpu.memory_space<vmem>>
      %dma_start3A_82 = tpu.memref_squeeze %dma_start3A_81 : memref<1x128xi32, #tpu.memory_space<vmem>> -> memref<128xi32, #tpu.memory_space<vmem>>
      %dma_start3A_83 = arith.constant 0 : i32
      %dma_start3A_84 = tpu.memref_slice %arg4[%add3A_72, %dma_start3A_83] : memref<2560x128xi32, #tpu.memory_space<hbm>> -> memref<1x128xi32, #tpu.memory_space<hbm>>
      %dma_start3A_85 = tpu.memref_squeeze %dma_start3A_84 : memref<1x128xi32, #tpu.memory_space<hbm>> -> memref<128xi32, #tpu.memory_space<hbm>>
      tpu.enqueue_dma source(%dma_start3A_85 : memref<128xi32, #tpu.memory_space<hbm>>) target(%dma_start3A_82 : memref<128xi32, #tpu.memory_space<vmem>>) target_semaphore(%arg19 : memref<!tpu.dma_semaphore, #tpu.memory_space<semaphore_mem>>)
      %dma_wait3A_86 = arith.constant 0 : i32
      %dma_wait3A_87 = arith.constant 0 : i32
      %dma_wait3A_88 = tpu.memref_slice %arg8[%dma_wait3A_86, %dma_wait3A_87] : memref<2x128xi32, #tpu.memory_space<vmem>> -> memref<1x128xi32, #tpu.memory_space<vmem>>
      %dma_wait3A_89 = tpu.memref_squeeze %dma_wait3A_88 : memref<1x128xi32, #tpu.memory_space<vmem>> -> memref<128xi32, #tpu.memory_space<vmem>>
      %dma_wait3A_90 = arith.constant 0 : i32
      %dma_wait3A_91 = tpu.memref_slice %arg3[%add3A_27, %dma_wait3A_90] : memref<2560x128xi32, #tpu.memory_space<hbm>> -> memref<1x128xi32, #tpu.memory_space<hbm>>
      %dma_wait3A_92 = tpu.memref_squeeze %dma_wait3A_91 : memref<1x128xi32, #tpu.memory_space<hbm>> -> memref<128xi32, #tpu.memory_space<hbm>>
      %dma_wait3A_93 = arith.constant 0 : i32
      %dma_wait3A_94 = tpu.memref_slice %arg8[%dma_wait3A_86, %dma_wait3A_93] : memref<2x128xi32, #tpu.memory_space<vmem>> -> memref<1x128xi32, #tpu.memory_space<vmem>>
      %dma_wait3A_95 = tpu.memref_squeeze %dma_wait3A_94 : memref<1x128xi32, #tpu.memory_space<vmem>> -> memref<128xi32, #tpu.memory_space<vmem>>
      %dma_wait3A_96 = arith.constant 0 : i32
      %dma_wait3A_97 = tpu.memref_slice %arg3[%add3A_27, %dma_wait3A_96] : memref<2560x128xi32, #tpu.memory_space<hbm>> -> memref<1x128xi32, #tpu.memory_space<hbm>>
      %dma_wait3A_98 = tpu.memref_squeeze %dma_wait3A_97 : memref<1x128xi32, #tpu.memory_space<hbm>> -> memref<128xi32, #tpu.memory_space<hbm>>
      tpu.wait_dma2 semaphore(%arg16 : memref<!tpu.dma_semaphore, #tpu.memory_space<semaphore_mem>>) src(%dma_wait3A_98 : memref<128xi32, #tpu.memory_space<hbm>>) dst(%dma_wait3A_95 : memref<128xi32, #tpu.memory_space<vmem>>)
      %dma_start3A_99 = arith.constant 0 : i32
      %dma_start3A_100 = arith.constant 0 : i32
      %dma_start3A_101 = tpu.memref_slice %arg8[%dma_start3A_99, %dma_start3A_100] : memref<2x128xi32, #tpu.memory_space<vmem>> -> memref<1x128xi32, #tpu.memory_space<vmem>>
      %dma_start3A_102 = tpu.memref_squeeze %dma_start3A_101 : memref<1x128xi32, #tpu.memory_space<vmem>> -> memref<128xi32, #tpu.memory_space<vmem>>
      %dma_start3A_103 = arith.constant 0 : i32
      %dma_start3A_104 = arith.constant 0 : i32
      %dma_start3A_105 = tpu.memref_slice %arg7[%dma_start3A_103, %dma_start3A_104] : memref<10240x80xf32, #tpu.memory_space<vmem_shared>> -> memref<10240x80xf32, #tpu.memory_space<vmem_shared>>
      tpu.enqueue_indirect_dma source(%dma_start3A_105 : memref<10240x80xf32, #tpu.memory_space<vmem_shared>>) target(%arg10 : memref<128x80xf32, #tpu.memory_space<vmem>>) offsets(%dma_start3A_102 : memref<128xi32, #tpu.memory_space<vmem>>) semaphore(%arg12 : memref<!tpu.dma_semaphore, #tpu.memory_space<semaphore_mem>>)
      %dma_wait3A_106 = arith.constant 1 : i32
      %dma_wait3A_107 = arith.constant 0 : i32
      %dma_wait3A_108 = tpu.memref_slice %arg8[%dma_wait3A_106, %dma_wait3A_107] : memref<2x128xi32, #tpu.memory_space<vmem>> -> memref<1x128xi32, #tpu.memory_space<vmem>>
      %dma_wait3A_109 = tpu.memref_squeeze %dma_wait3A_108 : memref<1x128xi32, #tpu.memory_space<vmem>> -> memref<128xi32, #tpu.memory_space<vmem>>
      %dma_wait3A_110 = arith.constant 0 : i32
      %dma_wait3A_111 = tpu.memref_slice %arg3[%add3A_42, %dma_wait3A_110] : memref<2560x128xi32, #tpu.memory_space<hbm>> -> memref<1x128xi32, #tpu.memory_space<hbm>>
      %dma_wait3A_112 = tpu.memref_squeeze %dma_wait3A_111 : memref<1x128xi32, #tpu.memory_space<hbm>> -> memref<128xi32, #tpu.memory_space<hbm>>
      %dma_wait3A_113 = arith.constant 0 : i32
      %dma_wait3A_114 = tpu.memref_slice %arg8[%dma_wait3A_106, %dma_wait3A_113] : memref<2x128xi32, #tpu.memory_space<vmem>> -> memref<1x128xi32, #tpu.memory_space<vmem>>
      %dma_wait3A_115 = tpu.memref_squeeze %dma_wait3A_114 : memref<1x128xi32, #tpu.memory_space<vmem>> -> memref<128xi32, #tpu.memory_space<vmem>>
      %dma_wait3A_116 = arith.constant 0 : i32
      %dma_wait3A_117 = tpu.memref_slice %arg3[%add3A_42, %dma_wait3A_116] : memref<2560x128xi32, #tpu.memory_space<hbm>> -> memref<1x128xi32, #tpu.memory_space<hbm>>
      %dma_wait3A_118 = tpu.memref_squeeze %dma_wait3A_117 : memref<1x128xi32, #tpu.memory_space<hbm>> -> memref<128xi32, #tpu.memory_space<hbm>>
      tpu.wait_dma2 semaphore(%arg17 : memref<!tpu.dma_semaphore, #tpu.memory_space<semaphore_mem>>) src(%dma_wait3A_118 : memref<128xi32, #tpu.memory_space<hbm>>) dst(%dma_wait3A_115 : memref<128xi32, #tpu.memory_space<vmem>>)
      %dma_start3A_119 = arith.constant 1 : i32
      %dma_start3A_120 = arith.constant 0 : i32
      %dma_start3A_121 = tpu.memref_slice %arg8[%dma_start3A_119, %dma_start3A_120] : memref<2x128xi32, #tpu.memory_space<vmem>> -> memref<1x128xi32, #tpu.memory_space<vmem>>
      %dma_start3A_122 = tpu.memref_squeeze %dma_start3A_121 : memref<1x128xi32, #tpu.memory_space<vmem>> -> memref<128xi32, #tpu.memory_space<vmem>>
      %dma_start3A_123 = arith.constant 0 : i32
      %dma_start3A_124 = arith.constant 0 : i32
      %dma_start3A_125 = tpu.memref_slice %arg7[%dma_start3A_123, %dma_start3A_124] : memref<10240x80xf32, #tpu.memory_space<vmem_shared>> -> memref<10240x80xf32, #tpu.memory_space<vmem_shared>>
      tpu.enqueue_indirect_dma source(%dma_start3A_125 : memref<10240x80xf32, #tpu.memory_space<vmem_shared>>) target(%arg11 : memref<128x80xf32, #tpu.memory_space<vmem>>) offsets(%dma_start3A_122 : memref<128xi32, #tpu.memory_space<vmem>>) semaphore(%arg13 : memref<!tpu.dma_semaphore, #tpu.memory_space<semaphore_mem>>)
      %scan3A_126 = arith.constant 0 : i32
      %scan3A_127 = arith.constant 42 : i32
      %scan3A_128 = arith.addi %scan3A_126, %scan3A_127 : i32
      %scan3A_129 = arith.constant 1 : i32
      scf.for %scan3A_132 = %scan3A_126 to %scan3A_128 step %scan3A_129  : i32 {
        %mul3A_133 = arith.constant 2 : i32
        %mul3A_134 = arith.muli %scan3A_132, %mul3A_133 : i32
        %add3A_135 = arith.constant 0 : i32
        %add3A_136 = arith.addi %add3A_135, %mul3A_134 : i32
        %dma_wait3A_137 = arith.constant 0 : i32
        %dma_wait3A_138 = arith.constant 0 : i32
        %dma_wait3A_139 = tpu.memref_slice %arg8[%dma_wait3A_137, %dma_wait3A_138] : memref<2x128xi32, #tpu.memory_space<vmem>> -> memref<1x128xi32, #tpu.memory_space<vmem>>
        %dma_wait3A_140 = tpu.memref_squeeze %dma_wait3A_139 : memref<1x128xi32, #tpu.memory_space<vmem>> -> memref<128xi32, #tpu.memory_space<vmem>>
        %dma_wait3A_141 = arith.constant 0 : i32
        %dma_wait3A_142 = arith.constant 0 : i32
        %dma_wait3A_143 = tpu.memref_slice %arg7[%dma_wait3A_141, %dma_wait3A_142] : memref<10240x80xf32, #tpu.memory_space<vmem_shared>> -> memref<10240x80xf32, #tpu.memory_space<vmem_shared>>
        tpu.wait_indirect_dma semaphore(%arg12 : memref<!tpu.dma_semaphore, #tpu.memory_space<semaphore_mem>>) src(%dma_wait3A_143 : memref<10240x80xf32, #tpu.memory_space<vmem_shared>>) dst(%arg10 : memref<128x80xf32, #tpu.memory_space<vmem>>)
        %add3A_144 = arith.addi %add3A_10, %add3A_136 : i32
        %add3A_145 = arith.constant 0 : i32
        %add3A_146 = arith.addi %add3A_144, %add3A_145 : i32
        %dma_wait3A_147 = arith.constant 0 : i32
        %dma_wait3A_148 = arith.constant 0 : i32
        %dma_wait3A_149 = tpu.memref_slice %arg9[%dma_wait3A_147, %dma_wait3A_148] : memref<2x128xi32, #tpu.memory_space<vmem>> -> memref<1x128xi32, #tpu.memory_space<vmem>>
        %dma_wait3A_150 = tpu.memref_squeeze %dma_wait3A_149 : memref<1x128xi32, #tpu.memory_space<vmem>> -> memref<128xi32, #tpu.memory_space<vmem>>
        %dma_wait3A_151 = arith.constant 0 : i32
        %dma_wait3A_152 = tpu.memref_slice %arg4[%add3A_146, %dma_wait3A_151] : memref<2560x128xi32, #tpu.memory_space<hbm>> -> memref<1x128xi32, #tpu.memory_space<hbm>>
        %dma_wait3A_153 = tpu.memref_squeeze %dma_wait3A_152 : memref<1x128xi32, #tpu.memory_space<hbm>> -> memref<128xi32, #tpu.memory_space<hbm>>
        %dma_wait3A_154 = arith.constant 0 : i32
        %dma_wait3A_155 = tpu.memref_slice %arg9[%dma_wait3A_147, %dma_wait3A_154] : memref<2x128xi32, #tpu.memory_space<vmem>> -> memref<1x128xi32, #tpu.memory_space<vmem>>
        %dma_wait3A_156 = tpu.memref_squeeze %dma_wait3A_155 : memref<1x128xi32, #tpu.memory_space<vmem>> -> memref<128xi32, #tpu.memory_space<vmem>>
        %dma_wait3A_157 = arith.constant 0 : i32
        %dma_wait3A_158 = tpu.memref_slice %arg4[%add3A_146, %dma_wait3A_157] : memref<2560x128xi32, #tpu.memory_space<hbm>> -> memref<1x128xi32, #tpu.memory_space<hbm>>
        %dma_wait3A_159 = tpu.memref_squeeze %dma_wait3A_158 : memref<1x128xi32, #tpu.memory_space<hbm>> -> memref<128xi32, #tpu.memory_space<hbm>>
        tpu.wait_dma2 semaphore(%arg18 : memref<!tpu.dma_semaphore, #tpu.memory_space<semaphore_mem>>) src(%dma_wait3A_159 : memref<128xi32, #tpu.memory_space<hbm>>) dst(%dma_wait3A_156 : memref<128xi32, #tpu.memory_space<vmem>>)
        %dma_start3A_160 = arith.constant 0 : i32
        %dma_start3A_161 = arith.constant 0 : i32
        %dma_start3A_162 = tpu.memref_slice %arg9[%dma_start3A_160, %dma_start3A_161] : memref<2x128xi32, #tpu.memory_space<vmem>> -> memref<1x128xi32, #tpu.memory_space<vmem>>
        %dma_start3A_163 = tpu.memref_squeeze %dma_start3A_162 : memref<1x128xi32, #tpu.memory_space<vmem>> -> memref<128xi32, #tpu.memory_space<vmem>>
        %dma_start3A_164 = arith.constant 0 : i32
        %dma_start3A_165 = arith.constant 0 : i32
        %dma_start3A_166 = tpu.memref_slice %arg6[%dma_start3A_164, %dma_start3A_165] : memref<10240x80xf32, #tpu.memory_space<vmem_shared>> -> memref<10240x80xf32, #tpu.memory_space<vmem_shared>>
        tpu.enqueue_indirect_dma source(%arg10 : memref<128x80xf32, #tpu.memory_space<vmem>>) target(%dma_start3A_166 : memref<10240x80xf32, #tpu.memory_space<vmem_shared>>) offsets(%dma_start3A_163 : memref<128xi32, #tpu.memory_space<vmem>>) semaphore(%arg14 : memref<!tpu.dma_semaphore, #tpu.memory_space<semaphore_mem>>) {add = true}
        %add3A_167 = arith.constant 0 : i32
        %add3A_168 = arith.addi %add3A_136, %add3A_167 : i32
        %add3A_169 = arith.constant 2 : i32
        %add3A_170 = arith.addi %add3A_168, %add3A_169 : i32
        %lt3A = arith.constant 84 : i32
        %lt3A_171 = arith.cmpi slt, %add3A_170, %lt3A : i32
        %convert_element_type3A_172 = arith.extui %lt3A_171 : i1 to i32
        %cond3A_173 = arith.constant 0 : i32
        %cond3A_174 = arith.cmpi ne, %convert_element_type3A_172, %cond3A_173 : i32
        scf.if %cond3A_174 {
          %add3A_246 = arith.addi %add3A_10, %add3A_136 : i32
          %add3A_247 = arith.constant 0 : i32
          %add3A_248 = arith.addi %add3A_246, %add3A_247 : i32
          %add3A_249 = arith.constant 2 : i32
          %add3A_250 = arith.addi %add3A_248, %add3A_249 : i32
          %dma_start3A_251 = arith.constant 0 : i32
          %dma_start3A_252 = arith.constant 0 : i32
          %dma_start3A_253 = tpu.memref_slice %arg8[%dma_start3A_251, %dma_start3A_252] : memref<2x128xi32, #tpu.memory_space<vmem>> -> memref<1x128xi32, #tpu.memory_space<vmem>>
          %dma_start3A_254 = tpu.memref_squeeze %dma_start3A_253 : memref<1x128xi32, #tpu.memory_space<vmem>> -> memref<128xi32, #tpu.memory_space<vmem>>
          %dma_start3A_255 = arith.constant 0 : i32
          %dma_start3A_256 = tpu.memref_slice %arg3[%add3A_250, %dma_start3A_255] : memref<2560x128xi32, #tpu.memory_space<hbm>> -> memref<1x128xi32, #tpu.memory_space<hbm>>
          %dma_start3A_257 = tpu.memref_squeeze %dma_start3A_256 : memref<1x128xi32, #tpu.memory_space<hbm>> -> memref<128xi32, #tpu.memory_space<hbm>>
          %dma_start3A_258 = arith.constant 0 : i32
          %dma_start3A_259 = tpu.memref_slice %arg8[%dma_start3A_251, %dma_start3A_258] : memref<2x128xi32, #tpu.memory_space<vmem>> -> memref<1x128xi32, #tpu.memory_space<vmem>>
          %dma_start3A_260 = tpu.memref_squeeze %dma_start3A_259 : memref<1x128xi32, #tpu.memory_space<vmem>> -> memref<128xi32, #tpu.memory_space<vmem>>
          %dma_start3A_261 = arith.constant 0 : i32
          %dma_start3A_262 = tpu.memref_slice %arg3[%add3A_250, %dma_start3A_261] : memref<2560x128xi32, #tpu.memory_space<hbm>> -> memref<1x128xi32, #tpu.memory_space<hbm>>
          %dma_start3A_263 = tpu.memref_squeeze %dma_start3A_262 : memref<1x128xi32, #tpu.memory_space<hbm>> -> memref<128xi32, #tpu.memory_space<hbm>>
          tpu.enqueue_dma source(%dma_start3A_263 : memref<128xi32, #tpu.memory_space<hbm>>) target(%dma_start3A_260 : memref<128xi32, #tpu.memory_space<vmem>>) target_semaphore(%arg16 : memref<!tpu.dma_semaphore, #tpu.memory_space<semaphore_mem>>)
        } else {
        }
        %dma_wait3A_175 = arith.constant 1 : i32
        %dma_wait3A_176 = arith.constant 0 : i32
        %dma_wait3A_177 = tpu.memref_slice %arg8[%dma_wait3A_175, %dma_wait3A_176] : memref<2x128xi32, #tpu.memory_space<vmem>> -> memref<1x128xi32, #tpu.memory_space<vmem>>
        %dma_wait3A_178 = tpu.memref_squeeze %dma_wait3A_177 : memref<1x128xi32, #tpu.memory_space<vmem>> -> memref<128xi32, #tpu.memory_space<vmem>>
        %dma_wait3A_179 = arith.constant 0 : i32
        %dma_wait3A_180 = arith.constant 0 : i32
        %dma_wait3A_181 = tpu.memref_slice %arg7[%dma_wait3A_179, %dma_wait3A_180] : memref<10240x80xf32, #tpu.memory_space<vmem_shared>> -> memref<10240x80xf32, #tpu.memory_space<vmem_shared>>
        tpu.wait_indirect_dma semaphore(%arg13 : memref<!tpu.dma_semaphore, #tpu.memory_space<semaphore_mem>>) src(%dma_wait3A_181 : memref<10240x80xf32, #tpu.memory_space<vmem_shared>>) dst(%arg11 : memref<128x80xf32, #tpu.memory_space<vmem>>)
        %add3A_182 = arith.addi %add3A_10, %add3A_136 : i32
        %add3A_183 = arith.constant 1 : i32
        %add3A_184 = arith.addi %add3A_182, %add3A_183 : i32
        %dma_wait3A_185 = arith.constant 1 : i32
        %dma_wait3A_186 = arith.constant 0 : i32
        %dma_wait3A_187 = tpu.memref_slice %arg9[%dma_wait3A_185, %dma_wait3A_186] : memref<2x128xi32, #tpu.memory_space<vmem>> -> memref<1x128xi32, #tpu.memory_space<vmem>>
        %dma_wait3A_188 = tpu.memref_squeeze %dma_wait3A_187 : memref<1x128xi32, #tpu.memory_space<vmem>> -> memref<128xi32, #tpu.memory_space<vmem>>
        %dma_wait3A_189 = arith.constant 0 : i32
        %dma_wait3A_190 = tpu.memref_slice %arg4[%add3A_184, %dma_wait3A_189] : memref<2560x128xi32, #tpu.memory_space<hbm>> -> memref<1x128xi32, #tpu.memory_space<hbm>>
        %dma_wait3A_191 = tpu.memref_squeeze %dma_wait3A_190 : memref<1x128xi32, #tpu.memory_space<hbm>> -> memref<128xi32, #tpu.memory_space<hbm>>
        %dma_wait3A_192 = arith.constant 0 : i32
        %dma_wait3A_193 = tpu.memref_slice %arg9[%dma_wait3A_185, %dma_wait3A_192] : memref<2x128xi32, #tpu.memory_space<vmem>> -> memref<1x128xi32, #tpu.memory_space<vmem>>
        %dma_wait3A_194 = tpu.memref_squeeze %dma_wait3A_193 : memref<1x128xi32, #tpu.memory_space<vmem>> -> memref<128xi32, #tpu.memory_space<vmem>>
        %dma_wait3A_195 = arith.constant 0 : i32
        %dma_wait3A_196 = tpu.memref_slice %arg4[%add3A_184, %dma_wait3A_195] : memref<2560x128xi32, #tpu.memory_space<hbm>> -> memref<1x128xi32, #tpu.memory_space<hbm>>
        %dma_wait3A_197 = tpu.memref_squeeze %dma_wait3A_196 : memref<1x128xi32, #tpu.memory_space<hbm>> -> memref<128xi32, #tpu.memory_space<hbm>>
        tpu.wait_dma2 semaphore(%arg19 : memref<!tpu.dma_semaphore, #tpu.memory_space<semaphore_mem>>) src(%dma_wait3A_197 : memref<128xi32, #tpu.memory_space<hbm>>) dst(%dma_wait3A_194 : memref<128xi32, #tpu.memory_space<vmem>>)
        %dma_start3A_198 = arith.constant 1 : i32
        %dma_start3A_199 = arith.constant 0 : i32
        %dma_start3A_200 = tpu.memref_slice %arg9[%dma_start3A_198, %dma_start3A_199] : memref<2x128xi32, #tpu.memory_space<vmem>> -> memref<1x128xi32, #tpu.memory_space<vmem>>
        %dma_start3A_201 = tpu.memref_squeeze %dma_start3A_200 : memref<1x128xi32, #tpu.memory_space<vmem>> -> memref<128xi32, #tpu.memory_space<vmem>>
        %dma_start3A_202 = arith.constant 0 : i32
        %dma_start3A_203 = arith.constant 0 : i32
        %dma_start3A_204 = tpu.memref_slice %arg6[%dma_start3A_202, %dma_start3A_203] : memref<10240x80xf32, #tpu.memory_space<vmem_shared>> -> memref<10240x80xf32, #tpu.memory_space<vmem_shared>>
        tpu.enqueue_indirect_dma source(%arg11 : memref<128x80xf32, #tpu.memory_space<vmem>>) target(%dma_start3A_204 : memref<10240x80xf32, #tpu.memory_space<vmem_shared>>) offsets(%dma_start3A_201 : memref<128xi32, #tpu.memory_space<vmem>>) semaphore(%arg15 : memref<!tpu.dma_semaphore, #tpu.memory_space<semaphore_mem>>) {add = true}
        %add3A_205 = arith.constant 1 : i32
        %add3A_206 = arith.addi %add3A_136, %add3A_205 : i32
        %add3A_207 = arith.constant 2 : i32
        %add3A_208 = arith.addi %add3A_206, %add3A_207 : i32
        %lt3A_209 = arith.constant 84 : i32
        %lt3A_210 = arith.cmpi slt, %add3A_208, %lt3A_209 : i32
        %convert_element_type3A_211 = arith.extui %lt3A_210 : i1 to i32
        %cond3A_212 = arith.constant 0 : i32
        %cond3A_213 = arith.cmpi ne, %convert_element_type3A_211, %cond3A_212 : i32
        scf.if %cond3A_213 {
          %add3A_246 = arith.addi %add3A_10, %add3A_136 : i32
          %add3A_247 = arith.constant 1 : i32
          %add3A_248 = arith.addi %add3A_246, %add3A_247 : i32
          %add3A_249 = arith.constant 2 : i32
          %add3A_250 = arith.addi %add3A_248, %add3A_249 : i32
          %dma_start3A_251 = arith.constant 1 : i32
          %dma_start3A_252 = arith.constant 0 : i32
          %dma_start3A_253 = tpu.memref_slice %arg8[%dma_start3A_251, %dma_start3A_252] : memref<2x128xi32, #tpu.memory_space<vmem>> -> memref<1x128xi32, #tpu.memory_space<vmem>>
          %dma_start3A_254 = tpu.memref_squeeze %dma_start3A_253 : memref<1x128xi32, #tpu.memory_space<vmem>> -> memref<128xi32, #tpu.memory_space<vmem>>
          %dma_start3A_255 = arith.constant 0 : i32
          %dma_start3A_256 = tpu.memref_slice %arg3[%add3A_250, %dma_start3A_255] : memref<2560x128xi32, #tpu.memory_space<hbm>> -> memref<1x128xi32, #tpu.memory_space<hbm>>
          %dma_start3A_257 = tpu.memref_squeeze %dma_start3A_256 : memref<1x128xi32, #tpu.memory_space<hbm>> -> memref<128xi32, #tpu.memory_space<hbm>>
          %dma_start3A_258 = arith.constant 0 : i32
          %dma_start3A_259 = tpu.memref_slice %arg8[%dma_start3A_251, %dma_start3A_258] : memref<2x128xi32, #tpu.memory_space<vmem>> -> memref<1x128xi32, #tpu.memory_space<vmem>>
          %dma_start3A_260 = tpu.memref_squeeze %dma_start3A_259 : memref<1x128xi32, #tpu.memory_space<vmem>> -> memref<128xi32, #tpu.memory_space<vmem>>
          %dma_start3A_261 = arith.constant 0 : i32
          %dma_start3A_262 = tpu.memref_slice %arg3[%add3A_250, %dma_start3A_261] : memref<2560x128xi32, #tpu.memory_space<hbm>> -> memref<1x128xi32, #tpu.memory_space<hbm>>
          %dma_start3A_263 = tpu.memref_squeeze %dma_start3A_262 : memref<1x128xi32, #tpu.memory_space<hbm>> -> memref<128xi32, #tpu.memory_space<hbm>>
          tpu.enqueue_dma source(%dma_start3A_263 : memref<128xi32, #tpu.memory_space<hbm>>) target(%dma_start3A_260 : memref<128xi32, #tpu.memory_space<vmem>>) target_semaphore(%arg17 : memref<!tpu.dma_semaphore, #tpu.memory_space<semaphore_mem>>)
        } else {
        }
        %dma_wait3A_214 = arith.constant 0 : i32
        %dma_wait3A_215 = arith.constant 0 : i32
        %dma_wait3A_216 = tpu.memref_slice %arg9[%dma_wait3A_214, %dma_wait3A_215] : memref<2x128xi32, #tpu.memory_space<vmem>> -> memref<1x128xi32, #tpu.memory_space<vmem>>
        %dma_wait3A_217 = tpu.memref_squeeze %dma_wait3A_216 : memref<1x128xi32, #tpu.memory_space<vmem>> -> memref<128xi32, #tpu.memory_space<vmem>>
        %dma_wait3A_218 = arith.constant 0 : i32
        %dma_wait3A_219 = arith.constant 0 : i32
        %dma_wait3A_220 = tpu.memref_slice %arg6[%dma_wait3A_218, %dma_wait3A_219] : memref<10240x80xf32, #tpu.memory_space<vmem_shared>> -> memref<10240x80xf32, #tpu.memory_space<vmem_shared>>
        tpu.wait_indirect_dma semaphore(%arg14 : memref<!tpu.dma_semaphore, #tpu.memory_space<semaphore_mem>>) src(%arg10 : memref<128x80xf32, #tpu.memory_space<vmem>>) dst(%dma_wait3A_220 : memref<10240x80xf32, #tpu.memory_space<vmem_shared>>)
        %add3A_221 = arith.constant 0 : i32
        %add3A_222 = arith.addi %add3A_136, %add3A_221 : i32
        %add3A_223 = arith.constant 2 : i32
        %add3A_224 = arith.addi %add3A_222, %add3A_223 : i32
        %lt3A_225 = arith.constant 84 : i32
        %lt3A_226 = arith.cmpi slt, %add3A_224, %lt3A_225 : i32
        %convert_element_type3A_227 = arith.extui %lt3A_226 : i1 to i32
        %cond3A_228 = arith.constant 0 : i32
        %cond3A_229 = arith.cmpi ne, %convert_element_type3A_227, %cond3A_228 : i32
        scf.if %cond3A_229 {
          %add3A_246 = arith.addi %add3A_10, %add3A_136 : i32
          %add3A_247 = arith.constant 0 : i32
          %add3A_248 = arith.addi %add3A_246, %add3A_247 : i32
          %add3A_249 = arith.constant 2 : i32
          %add3A_250 = arith.addi %add3A_248, %add3A_249 : i32
          %dma_start3A_251 = arith.constant 0 : i32
          %dma_start3A_252 = arith.constant 0 : i32
          %dma_start3A_253 = tpu.memref_slice %arg9[%dma_start3A_251, %dma_start3A_252] : memref<2x128xi32, #tpu.memory_space<vmem>> -> memref<1x128xi32, #tpu.memory_space<vmem>>
          %dma_start3A_254 = tpu.memref_squeeze %dma_start3A_253 : memref<1x128xi32, #tpu.memory_space<vmem>> -> memref<128xi32, #tpu.memory_space<vmem>>
          %dma_start3A_255 = arith.constant 0 : i32
          %dma_start3A_256 = tpu.memref_slice %arg4[%add3A_250, %dma_start3A_255] : memref<2560x128xi32, #tpu.memory_space<hbm>> -> memref<1x128xi32, #tpu.memory_space<hbm>>
          %dma_start3A_257 = tpu.memref_squeeze %dma_start3A_256 : memref<1x128xi32, #tpu.memory_space<hbm>> -> memref<128xi32, #tpu.memory_space<hbm>>
          %dma_start3A_258 = arith.constant 0 : i32
          %dma_start3A_259 = tpu.memref_slice %arg9[%dma_start3A_251, %dma_start3A_258] : memref<2x128xi32, #tpu.memory_space<vmem>> -> memref<1x128xi32, #tpu.memory_space<vmem>>
          %dma_start3A_260 = tpu.memref_squeeze %dma_start3A_259 : memref<1x128xi32, #tpu.memory_space<vmem>> -> memref<128xi32, #tpu.memory_space<vmem>>
          %dma_start3A_261 = arith.constant 0 : i32
          %dma_start3A_262 = tpu.memref_slice %arg4[%add3A_250, %dma_start3A_261] : memref<2560x128xi32, #tpu.memory_space<hbm>> -> memref<1x128xi32, #tpu.memory_space<hbm>>
          %dma_start3A_263 = tpu.memref_squeeze %dma_start3A_262 : memref<1x128xi32, #tpu.memory_space<hbm>> -> memref<128xi32, #tpu.memory_space<hbm>>
          tpu.enqueue_dma source(%dma_start3A_263 : memref<128xi32, #tpu.memory_space<hbm>>) target(%dma_start3A_260 : memref<128xi32, #tpu.memory_space<vmem>>) target_semaphore(%arg18 : memref<!tpu.dma_semaphore, #tpu.memory_space<semaphore_mem>>)
          %add3A_264 = arith.addi %add3A_10, %add3A_136 : i32
          %add3A_265 = arith.constant 0 : i32
          %add3A_266 = arith.addi %add3A_264, %add3A_265 : i32
          %add3A_267 = arith.constant 2 : i32
          %add3A_268 = arith.addi %add3A_266, %add3A_267 : i32
          %dma_wait3A_269 = arith.constant 0 : i32
          %dma_wait3A_270 = arith.constant 0 : i32
          %dma_wait3A_271 = tpu.memref_slice %arg8[%dma_wait3A_269, %dma_wait3A_270] : memref<2x128xi32, #tpu.memory_space<vmem>> -> memref<1x128xi32, #tpu.memory_space<vmem>>
          %dma_wait3A_272 = tpu.memref_squeeze %dma_wait3A_271 : memref<1x128xi32, #tpu.memory_space<vmem>> -> memref<128xi32, #tpu.memory_space<vmem>>
          %dma_wait3A_273 = arith.constant 0 : i32
          %dma_wait3A_274 = tpu.memref_slice %arg3[%add3A_268, %dma_wait3A_273] : memref<2560x128xi32, #tpu.memory_space<hbm>> -> memref<1x128xi32, #tpu.memory_space<hbm>>
          %dma_wait3A_275 = tpu.memref_squeeze %dma_wait3A_274 : memref<1x128xi32, #tpu.memory_space<hbm>> -> memref<128xi32, #tpu.memory_space<hbm>>
          %dma_wait3A_276 = arith.constant 0 : i32
          %dma_wait3A_277 = tpu.memref_slice %arg8[%dma_wait3A_269, %dma_wait3A_276] : memref<2x128xi32, #tpu.memory_space<vmem>> -> memref<1x128xi32, #tpu.memory_space<vmem>>
          %dma_wait3A_278 = tpu.memref_squeeze %dma_wait3A_277 : memref<1x128xi32, #tpu.memory_space<vmem>> -> memref<128xi32, #tpu.memory_space<vmem>>
          %dma_wait3A_279 = arith.constant 0 : i32
          %dma_wait3A_280 = tpu.memref_slice %arg3[%add3A_268, %dma_wait3A_279] : memref<2560x128xi32, #tpu.memory_space<hbm>> -> memref<1x128xi32, #tpu.memory_space<hbm>>
          %dma_wait3A_281 = tpu.memref_squeeze %dma_wait3A_280 : memref<1x128xi32, #tpu.memory_space<hbm>> -> memref<128xi32, #tpu.memory_space<hbm>>
          tpu.wait_dma2 semaphore(%arg16 : memref<!tpu.dma_semaphore, #tpu.memory_space<semaphore_mem>>) src(%dma_wait3A_281 : memref<128xi32, #tpu.memory_space<hbm>>) dst(%dma_wait3A_278 : memref<128xi32, #tpu.memory_space<vmem>>)
          %dma_start3A_282 = arith.constant 0 : i32
          %dma_start3A_283 = arith.constant 0 : i32
          %dma_start3A_284 = tpu.memref_slice %arg8[%dma_start3A_282, %dma_start3A_283] : memref<2x128xi32, #tpu.memory_space<vmem>> -> memref<1x128xi32, #tpu.memory_space<vmem>>
          %dma_start3A_285 = tpu.memref_squeeze %dma_start3A_284 : memref<1x128xi32, #tpu.memory_space<vmem>> -> memref<128xi32, #tpu.memory_space<vmem>>
          %dma_start3A_286 = arith.constant 0 : i32
          %dma_start3A_287 = arith.constant 0 : i32
          %dma_start3A_288 = tpu.memref_slice %arg7[%dma_start3A_286, %dma_start3A_287] : memref<10240x80xf32, #tpu.memory_space<vmem_shared>> -> memref<10240x80xf32, #tpu.memory_space<vmem_shared>>
          tpu.enqueue_indirect_dma source(%dma_start3A_288 : memref<10240x80xf32, #tpu.memory_space<vmem_shared>>) target(%arg10 : memref<128x80xf32, #tpu.memory_space<vmem>>) offsets(%dma_start3A_285 : memref<128xi32, #tpu.memory_space<vmem>>) semaphore(%arg12 : memref<!tpu.dma_semaphore, #tpu.memory_space<semaphore_mem>>)
        } else {
        }
        %dma_wait3A_230 = arith.constant 1 : i32
        %dma_wait3A_231 = arith.constant 0 : i32
        %dma_wait3A_232 = tpu.memref_slice %arg9[%dma_wait3A_230, %dma_wait3A_231] : memref<2x128xi32, #tpu.memory_space<vmem>> -> memref<1x128xi32, #tpu.memory_space<vmem>>
        %dma_wait3A_233 = tpu.memref_squeeze %dma_wait3A_232 : memref<1x128xi32, #tpu.memory_space<vmem>> -> memref<128xi32, #tpu.memory_space<vmem>>
        %dma_wait3A_234 = arith.constant 0 : i32
        %dma_wait3A_235 = arith.constant 0 : i32
        %dma_wait3A_236 = tpu.memref_slice %arg6[%dma_wait3A_234, %dma_wait3A_235] : memref<10240x80xf32, #tpu.memory_space<vmem_shared>> -> memref<10240x80xf32, #tpu.memory_space<vmem_shared>>
        tpu.wait_indirect_dma semaphore(%arg15 : memref<!tpu.dma_semaphore, #tpu.memory_space<semaphore_mem>>) src(%arg11 : memref<128x80xf32, #tpu.memory_space<vmem>>) dst(%dma_wait3A_236 : memref<10240x80xf32, #tpu.memory_space<vmem_shared>>)
        %add3A_237 = arith.constant 1 : i32
        %add3A_238 = arith.addi %add3A_136, %add3A_237 : i32
        %add3A_239 = arith.constant 2 : i32
        %add3A_240 = arith.addi %add3A_238, %add3A_239 : i32
        %lt3A_241 = arith.constant 84 : i32
        %lt3A_242 = arith.cmpi slt, %add3A_240, %lt3A_241 : i32
        %convert_element_type3A_243 = arith.extui %lt3A_242 : i1 to i32
        %cond3A_244 = arith.constant 0 : i32
        %cond3A_245 = arith.cmpi ne, %convert_element_type3A_243, %cond3A_244 : i32
        scf.if %cond3A_245 {
          %add3A_246 = arith.addi %add3A_10, %add3A_136 : i32
          %add3A_247 = arith.constant 1 : i32
          %add3A_248 = arith.addi %add3A_246, %add3A_247 : i32
          %add3A_249 = arith.constant 2 : i32
          %add3A_250 = arith.addi %add3A_248, %add3A_249 : i32
          %dma_start3A_251 = arith.constant 1 : i32
          %dma_start3A_252 = arith.constant 0 : i32
          %dma_start3A_253 = tpu.memref_slice %arg9[%dma_start3A_251, %dma_start3A_252] : memref<2x128xi32, #tpu.memory_space<vmem>> -> memref<1x128xi32, #tpu.memory_space<vmem>>
          %dma_start3A_254 = tpu.memref_squeeze %dma_start3A_253 : memref<1x128xi32, #tpu.memory_space<vmem>> -> memref<128xi32, #tpu.memory_space<vmem>>
          %dma_start3A_255 = arith.constant 0 : i32
          %dma_start3A_256 = tpu.memref_slice %arg4[%add3A_250, %dma_start3A_255] : memref<2560x128xi32, #tpu.memory_space<hbm>> -> memref<1x128xi32, #tpu.memory_space<hbm>>
          %dma_start3A_257 = tpu.memref_squeeze %dma_start3A_256 : memref<1x128xi32, #tpu.memory_space<hbm>> -> memref<128xi32, #tpu.memory_space<hbm>>
          %dma_start3A_258 = arith.constant 0 : i32
          %dma_start3A_259 = tpu.memref_slice %arg9[%dma_start3A_251, %dma_start3A_258] : memref<2x128xi32, #tpu.memory_space<vmem>> -> memref<1x128xi32, #tpu.memory_space<vmem>>
          %dma_start3A_260 = tpu.memref_squeeze %dma_start3A_259 : memref<1x128xi32, #tpu.memory_space<vmem>> -> memref<128xi32, #tpu.memory_space<vmem>>
          %dma_start3A_261 = arith.constant 0 : i32
          %dma_start3A_262 = tpu.memref_slice %arg4[%add3A_250, %dma_start3A_261] : memref<2560x128xi32, #tpu.memory_space<hbm>> -> memref<1x128xi32, #tpu.memory_space<hbm>>
          %dma_start3A_263 = tpu.memref_squeeze %dma_start3A_262 : memref<1x128xi32, #tpu.memory_space<hbm>> -> memref<128xi32, #tpu.memory_space<hbm>>
          tpu.enqueue_dma source(%dma_start3A_263 : memref<128xi32, #tpu.memory_space<hbm>>) target(%dma_start3A_260 : memref<128xi32, #tpu.memory_space<vmem>>) target_semaphore(%arg19 : memref<!tpu.dma_semaphore, #tpu.memory_space<semaphore_mem>>)
          %add3A_264 = arith.addi %add3A_10, %add3A_136 : i32
          %add3A_265 = arith.constant 1 : i32
          %add3A_266 = arith.addi %add3A_264, %add3A_265 : i32
          %add3A_267 = arith.constant 2 : i32
          %add3A_268 = arith.addi %add3A_266, %add3A_267 : i32
          %dma_wait3A_269 = arith.constant 1 : i32
          %dma_wait3A_270 = arith.constant 0 : i32
          %dma_wait3A_271 = tpu.memref_slice %arg8[%dma_wait3A_269, %dma_wait3A_270] : memref<2x128xi32, #tpu.memory_space<vmem>> -> memref<1x128xi32, #tpu.memory_space<vmem>>
          %dma_wait3A_272 = tpu.memref_squeeze %dma_wait3A_271 : memref<1x128xi32, #tpu.memory_space<vmem>> -> memref<128xi32, #tpu.memory_space<vmem>>
          %dma_wait3A_273 = arith.constant 0 : i32
          %dma_wait3A_274 = tpu.memref_slice %arg3[%add3A_268, %dma_wait3A_273] : memref<2560x128xi32, #tpu.memory_space<hbm>> -> memref<1x128xi32, #tpu.memory_space<hbm>>
          %dma_wait3A_275 = tpu.memref_squeeze %dma_wait3A_274 : memref<1x128xi32, #tpu.memory_space<hbm>> -> memref<128xi32, #tpu.memory_space<hbm>>
          %dma_wait3A_276 = arith.constant 0 : i32
          %dma_wait3A_277 = tpu.memref_slice %arg8[%dma_wait3A_269, %dma_wait3A_276] : memref<2x128xi32, #tpu.memory_space<vmem>> -> memref<1x128xi32, #tpu.memory_space<vmem>>
          %dma_wait3A_278 = tpu.memref_squeeze %dma_wait3A_277 : memref<1x128xi32, #tpu.memory_space<vmem>> -> memref<128xi32, #tpu.memory_space<vmem>>
          %dma_wait3A_279 = arith.constant 0 : i32
          %dma_wait3A_280 = tpu.memref_slice %arg3[%add3A_268, %dma_wait3A_279] : memref<2560x128xi32, #tpu.memory_space<hbm>> -> memref<1x128xi32, #tpu.memory_space<hbm>>
          %dma_wait3A_281 = tpu.memref_squeeze %dma_wait3A_280 : memref<1x128xi32, #tpu.memory_space<hbm>> -> memref<128xi32, #tpu.memory_space<hbm>>
          tpu.wait_dma2 semaphore(%arg17 : memref<!tpu.dma_semaphore, #tpu.memory_space<semaphore_mem>>) src(%dma_wait3A_281 : memref<128xi32, #tpu.memory_space<hbm>>) dst(%dma_wait3A_278 : memref<128xi32, #tpu.memory_space<vmem>>)
          %dma_start3A_282 = arith.constant 1 : i32
          %dma_start3A_283 = arith.constant 0 : i32
          %dma_start3A_284 = tpu.memref_slice %arg8[%dma_start3A_282, %dma_start3A_283] : memref<2x128xi32, #tpu.memory_space<vmem>> -> memref<1x128xi32, #tpu.memory_space<vmem>>
          %dma_start3A_285 = tpu.memref_squeeze %dma_start3A_284 : memref<1x128xi32, #tpu.memory_space<vmem>> -> memref<128xi32, #tpu.memory_space<vmem>>
          %dma_start3A_286 = arith.constant 0 : i32
          %dma_start3A_287 = arith.constant 0 : i32
          %dma_start3A_288 = tpu.memref_slice %arg7[%dma_start3A_286, %dma_start3A_287] : memref<10240x80xf32, #tpu.memory_space<vmem_shared>> -> memref<10240x80xf32, #tpu.memory_space<vmem_shared>>
          tpu.enqueue_indirect_dma source(%dma_start3A_288 : memref<10240x80xf32, #tpu.memory_space<vmem_shared>>) target(%arg11 : memref<128x80xf32, #tpu.memory_space<vmem>>) offsets(%dma_start3A_285 : memref<128xi32, #tpu.memory_space<vmem>>) semaphore(%arg13 : memref<!tpu.dma_semaphore, #tpu.memory_space<semaphore_mem>>)
        } else {
        }
      }
      %scan3A_130 = arith.constant 42 : i32
      %barrier3A_131 = arith.constant 0 : index
      tpu.barrier barrier_id(%barrier3A_131)
      "tpu.region"() ({
        %run_scoped3A = tpu.sem_alloc : memref<!tpu.dma_semaphore, #tpu.memory_space<semaphore_mem>>
        %dma_start3A_132 = arith.constant 0 : i32
        %dma_start3A_133 = tpu.memref_slice %arg5[%arg0, %mul3A_0, %dma_start3A_132] : memref<2x10240x80xf32, #tpu.memory_space<hbm>> -> memref<1x640x80xf32, #tpu.memory_space<hbm>>
        %dma_start3A_134 = tpu.memref_squeeze %dma_start3A_133 : memref<1x640x80xf32, #tpu.memory_space<hbm>> -> memref<640x80xf32, #tpu.memory_space<hbm>>
        %dma_start3A_135 = arith.constant 0 : i32
        %dma_start3A_136 = tpu.memref_slice %arg6[%mul3A_0, %dma_start3A_135] : memref<10240x80xf32, #tpu.memory_space<vmem_shared>> -> memref<640x80xf32, #tpu.memory_space<vmem_shared>>
        tpu.enqueue_dma source(%dma_start3A_136 : memref<640x80xf32, #tpu.memory_space<vmem_shared>>) target(%dma_start3A_134 : memref<640x80xf32, #tpu.memory_space<hbm>>) target_semaphore(%run_scoped3A : memref<!tpu.dma_semaphore, #tpu.memory_space<semaphore_mem>>)
        %dma_wait3A_137 = arith.constant 0 : i32
        %dma_wait3A_138 = tpu.memref_slice %arg5[%arg0, %mul3A_0, %dma_wait3A_137] : memref<2x10240x80xf32, #tpu.memory_space<hbm>> -> memref<1x640x80xf32, #tpu.memory_space<hbm>>
        %dma_wait3A_139 = tpu.memref_squeeze %dma_wait3A_138 : memref<1x640x80xf32, #tpu.memory_space<hbm>> -> memref<640x80xf32, #tpu.memory_space<hbm>>
        %dma_wait3A_140 = arith.constant 0 : i32
        %dma_wait3A_141 = tpu.memref_slice %arg6[%mul3A_0, %dma_wait3A_140] : memref<10240x80xf32, #tpu.memory_space<vmem_shared>> -> memref<640x80xf32, #tpu.memory_space<vmem_shared>>
        tpu.wait_dma2 semaphore(%run_scoped3A : memref<!tpu.dma_semaphore, #tpu.memory_space<semaphore_mem>>) src(%dma_wait3A_141 : memref<640x80xf32, #tpu.memory_space<vmem_shared>>) dst(%dma_wait3A_139 : memref<640x80xf32, #tpu.memory_space<hbm>>)
        tpu.yield
      }) : () -> ()
    } else {
    }
    return
  }
}

module attributes {stable_mosaic.version = 14 : i64} {
  func.func @body(%arg0: i32, %arg1: memref<1280x128xf32, #tpu.memory_space<vmem>>, %arg2: memref<1280x16xf32, #tpu.memory_space<vmem>>, %arg3: memref<128x64xf32, #tpu.memory_space<vmem>>, %arg4: memref<16x64xf32, #tpu.memory_space<vmem>>, %arg5: memref<1280x64xf32, #tpu.memory_space<vmem>>) attributes {dimension_semantics = [#tpu.dimension_semantics<arbitrary>], iteration_bounds = array<i64: 8>, scalar_prefetch = 0 : i64, scratch_operands = 0 : i64, tpu.core_type = #tpu.core_type<tc>, window_params = [{transform_indices = @transform_0, window_bounds = array<i64: 1280, 128>}, {transform_indices = @transform_1, window_bounds = array<i64: 1280, 16>}, {pipeline_mode = #tpu.pipeline_mode<synchronous>, transform_indices = @transform_2, window_bounds = array<i64: 128, 64>}, {pipeline_mode = #tpu.pipeline_mode<synchronous>, transform_indices = @transform_3, window_bounds = array<i64: 16, 64>}, {transform_indices = @transform_4, window_bounds = array<i64: 1280, 64>}]} {
    %get3A = arith.constant 0 : index
    %get3A_0 = arith.constant 0 : index
    %get3A_1 = vector.load %arg1[%get3A, %get3A_0] : memref<1280x128xf32, #tpu.memory_space<vmem>>, vector<1280x128xf32>
    %get3A_2 = arith.constant 0 : index
    %get3A_3 = arith.constant 0 : index
    %get3A_4 = vector.load %arg3[%get3A_2, %get3A_3] : memref<128x64xf32, #tpu.memory_space<vmem>>, vector<128x64xf32>
    %dot_general3A = arith.constant dense<0.000000e+00> : vector<1280x64xf32>
    %dot_general3A_5 = tpu.matmul %get3A_1, %get3A_4, %dot_general3A {dimension_numbers = #tpu.dot_dimension_numbers<[1], [0], [0], [1], [0, 0, 1, 1], [], []>, transpose_lhs_hint = false} : vector<1280x128xf32>, vector<128x64xf32>, vector<1280x64xf32> -> vector<1280x64xf32>
    %get3A_6 = arith.constant 0 : index
    %get3A_7 = arith.constant 0 : index
    %get3A_8 = vector.load %arg2[%get3A_6, %get3A_7] : memref<1280x16xf32, #tpu.memory_space<vmem>>, vector<1280x16xf32>
    %get3A_9 = arith.constant 0 : index
    %get3A_10 = arith.constant 0 : index
    %get3A_11 = vector.load %arg4[%get3A_9, %get3A_10] : memref<16x64xf32, #tpu.memory_space<vmem>>, vector<16x64xf32>
    %dot_general3A_12 = arith.constant dense<0.000000e+00> : vector<1280x64xf32>
    %dot_general3A_13 = tpu.matmul %get3A_8, %get3A_11, %dot_general3A_12 {dimension_numbers = #tpu.dot_dimension_numbers<[1], [0], [0], [1], [0, 0, 1, 1], [], []>, transpose_lhs_hint = false} : vector<1280x16xf32>, vector<16x64xf32>, vector<1280x64xf32> -> vector<1280x64xf32>
    %add3A = arith.addf %dot_general3A_5, %dot_general3A_13 : vector<1280x64xf32>
    %swap3A = arith.constant 0 : index
    %swap3A_14 = arith.constant 0 : index
    %swap3A_15 = vector.load %arg5[%swap3A, %swap3A_14] : memref<1280x64xf32, #tpu.memory_space<vmem>>, vector<1280x64xf32>
    tpu.vector_store %arg5[%swap3A, %swap3A_14], %add3A {strides = array<i32>} : memref<1280x64xf32, #tpu.memory_space<vmem>>, vector<1280x64xf32>,
    return
  }
  func.func @transform_0(%arg0: i32) -> (i32, i32) {
    %c0_i32 = arith.constant 0 : i32
    %c0_i32_0 = arith.constant 0 : i32
    return %arg0, %c0_i32 : i32, i32
  }
  func.func @transform_1(%arg0: i32) -> (i32, i32) {
    %c0_i32 = arith.constant 0 : i32
    %c0_i32_0 = arith.constant 0 : i32
    return %arg0, %c0_i32 : i32, i32
  }
  func.func @transform_2(%arg0: i32) -> (i32, i32) {
    %c0_i32 = arith.constant 0 : i32
    %c0_i32_0 = arith.constant 0 : i32
    %c0_i32_1 = arith.constant 0 : i32
    return %c0_i32, %c0_i32_0 : i32, i32
  }
  func.func @transform_3(%arg0: i32) -> (i32, i32) {
    %c0_i32 = arith.constant 0 : i32
    %c0_i32_0 = arith.constant 0 : i32
    %c0_i32_1 = arith.constant 0 : i32
    return %c0_i32, %c0_i32_0 : i32, i32
  }
  func.func @transform_4(%arg0: i32) -> (i32, i32) {
    %c0_i32 = arith.constant 0 : i32
    %c0_i32_0 = arith.constant 0 : i32
    return %arg0, %c0_i32 : i32, i32
  }
}

module attributes {stable_mosaic.version = 14 : i64} {
  func.func @body(%arg0: i32, %arg1: memref<1280x64xf32, #tpu.memory_space<vmem>>, %arg2: memref<2x1280x16xf32, #tpu.memory_space<vmem>>, %arg3: memref<1280x64xf32, #tpu.memory_space<vmem>>, %arg4: memref<1280x16xf32, #tpu.memory_space<vmem>>) attributes {dimension_semantics = [#tpu.dimension_semantics<arbitrary>], iteration_bounds = array<i64: 8>, scalar_prefetch = 0 : i64, scratch_operands = 0 : i64, tpu.core_type = #tpu.core_type<tc>, window_params = [{transform_indices = @transform_0, window_bounds = array<i64: 1280, 64>}, {transform_indices = @transform_1, window_bounds = array<i64: 2, 1280, 16>}, {transform_indices = @transform_2, window_bounds = array<i64: 1280, 64>}, {transform_indices = @transform_3, window_bounds = array<i64: 1280, 16>}]} {
    %get3A = arith.constant 0 : index
    %get3A_0 = arith.constant 0 : index
    %get3A_1 = arith.constant 0 : index
    %get3A_2 = vector.load %arg2[%get3A, %get3A_0, %get3A_1] : memref<2x1280x16xf32, #tpu.memory_space<vmem>>, vector<1x1280x1xf32>
    %get3A_3 = vector.shape_cast %get3A_2 : vector<1x1280x1xf32> to vector<1280x1xf32>
    %add3A = arith.constant 1.000000e+00 : f32
    %add3A_4 = vector.broadcast %add3A : f32 to vector<1280x1xf32>
    %add3A_5 = arith.addf %add3A_4, %get3A_3 : vector<1280x1xf32>
    %get3A_6 = arith.constant 1 : index
    %get3A_7 = arith.constant 0 : index
    %get3A_8 = arith.constant 0 : index
    %get3A_9 = vector.load %arg2[%get3A_6, %get3A_7, %get3A_8] : memref<2x1280x16xf32, #tpu.memory_space<vmem>>, vector<1x1280x1xf32>
    %get3A_10 = vector.shape_cast %get3A_9 : vector<1x1280x1xf32> to vector<1280x1xf32>
    %add3A_11 = arith.addf %add3A_5, %get3A_10 : vector<1280x1xf32>
    %rsqrt3A = math.rsqrt %add3A_11 : vector<1280x1xf32>
    %get3A_12 = arith.constant 0 : index
    %get3A_13 = arith.constant 0 : index
    %get3A_14 = vector.load %arg1[%get3A_12, %get3A_13] : memref<1280x64xf32, #tpu.memory_space<vmem>>, vector<1280x64xf32>
    %mul3A = vector.broadcast %rsqrt3A : vector<1280x1xf32> to vector<1280x64xf32>
    %mul3A_15 = arith.mulf %get3A_14, %mul3A : vector<1280x64xf32>
    %swap3A = arith.constant 0 : index
    %swap3A_16 = arith.constant 0 : index
    %swap3A_17 = vector.load %arg3[%swap3A, %swap3A_16] : memref<1280x64xf32, #tpu.memory_space<vmem>>, vector<1280x64xf32>
    tpu.vector_store %arg3[%swap3A, %swap3A_16], %mul3A_15 {strides = array<i32>} : memref<1280x64xf32, #tpu.memory_space<vmem>>, vector<1280x64xf32>,
    %broadcast_in_dim3A = vector.shape_cast %rsqrt3A : vector<1280x1xf32> to vector<1280x1xf32>
    %broadcast_in_dim3A_18 = vector.broadcast %broadcast_in_dim3A : vector<1280x1xf32> to vector<1280x16xf32>
    %swap3A_19 = arith.constant 0 : index
    %swap3A_20 = arith.constant 0 : index
    %swap3A_21 = vector.load %arg4[%swap3A_19, %swap3A_20] : memref<1280x16xf32, #tpu.memory_space<vmem>>, vector<1280x16xf32>
    tpu.vector_store %arg4[%swap3A_19, %swap3A_20], %broadcast_in_dim3A_18 {strides = array<i32>} : memref<1280x16xf32, #tpu.memory_space<vmem>>, vector<1280x16xf32>,
    return
  }
  func.func @transform_0(%arg0: i32) -> (i32, i32) {
    %c0_i32 = arith.constant 0 : i32
    %c0_i32_0 = arith.constant 0 : i32
    return %arg0, %c0_i32 : i32, i32
  }
  func.func @transform_1(%arg0: i32) -> (i32, i32, i32) {
    %c0_i32 = arith.constant 0 : i32
    %c0_i32_0 = arith.constant 0 : i32
    %c0_i32_1 = arith.constant 0 : i32
    return %c0_i32, %arg0, %c0_i32_0 : i32, i32, i32
  }
  func.func @transform_2(%arg0: i32) -> (i32, i32) {
    %c0_i32 = arith.constant 0 : i32
    %c0_i32_0 = arith.constant 0 : i32
    return %arg0, %c0_i32 : i32, i32
  }
  func.func @transform_3(%arg0: i32) -> (i32, i32) {
    %c0_i32 = arith.constant 0 : i32
    %c0_i32_0 = arith.constant 0 : i32
    return %arg0, %c0_i32 : i32, i32
  }
}

module attributes {stable_mosaic.version = 14 : i64} {
  func.func @body(%arg0: i32, %arg1: memref<2x1280x64xf32, #tpu.memory_space<vmem>>, %arg2: memref<1280x64xf32, #tpu.memory_space<vmem>>, %arg3: memref<1280x16xf32, #tpu.memory_space<vmem>>, %arg4: memref<1280x16xf32, #tpu.memory_space<vmem>>, %arg5: memref<1x64xf32, #tpu.memory_space<vmem>>, %arg6: memref<1280x80xf32, #tpu.memory_space<vmem>>) attributes {dimension_semantics = [#tpu.dimension_semantics<arbitrary>], iteration_bounds = array<i64: 8>, scalar_prefetch = 0 : i64, scratch_operands = 0 : i64, tpu.core_type = #tpu.core_type<tc>, window_params = [{transform_indices = @transform_0, window_bounds = array<i64: 2, 1280, 64>}, {transform_indices = @transform_1, window_bounds = array<i64: 1280, 64>}, {transform_indices = @transform_2, window_bounds = array<i64: 1280, 16>}, {transform_indices = @transform_3, window_bounds = array<i64: 1280, 16>}, {pipeline_mode = #tpu.pipeline_mode<synchronous>, transform_indices = @transform_4, window_bounds = array<i64: 1, 64>}, {transform_indices = @transform_5, window_bounds = array<i64: 1280, 80>}]} {
    %get3A = arith.constant 0 : index
    %get3A_0 = arith.constant 0 : index
    %get3A_1 = vector.load %arg3[%get3A, %get3A_0] : memref<1280x16xf32, #tpu.memory_space<vmem>>, vector<1280x1xf32>
    %get3A_2 = arith.constant 0 : index
    %get3A_3 = arith.constant 0 : index
    %get3A_4 = arith.constant 0 : index
    %get3A_5 = vector.load %arg1[%get3A_2, %get3A_3, %get3A_4] : memref<2x1280x64xf32, #tpu.memory_space<vmem>>, vector<1x1280x64xf32>
    %get3A_6 = vector.shape_cast %get3A_5 : vector<1x1280x64xf32> to vector<1280x64xf32>
    %get3A_7 = arith.constant 1 : index
    %get3A_8 = arith.constant 0 : index
    %get3A_9 = arith.constant 0 : index
    %get3A_10 = vector.load %arg1[%get3A_7, %get3A_8, %get3A_9] : memref<2x1280x64xf32, #tpu.memory_space<vmem>>, vector<1x1280x64xf32>
    %get3A_11 = vector.shape_cast %get3A_10 : vector<1x1280x64xf32> to vector<1280x64xf32>
    %add3A = arith.addf %get3A_6, %get3A_11 : vector<1280x64xf32>
    %get3A_12 = arith.constant 0 : index
    %get3A_13 = arith.constant 0 : index
    %get3A_14 = vector.load %arg2[%get3A_12, %get3A_13] : memref<1280x64xf32, #tpu.memory_space<vmem>>, vector<1280x64xf32>
    %add3A_15 = arith.addf %add3A, %get3A_14 : vector<1280x64xf32>
    %mul3A = vector.broadcast %get3A_1 : vector<1280x1xf32> to vector<1280x64xf32>
    %mul3A_16 = arith.mulf %add3A_15, %mul3A : vector<1280x64xf32>
    %get3A_17 = arith.constant 0 : index
    %get3A_18 = arith.constant 0 : index
    %get3A_19 = vector.load %arg5[%get3A_17, %get3A_18] : memref<1x64xf32, #tpu.memory_space<vmem>>, vector<1x64xf32>
    %add3A_20 = vector.broadcast %get3A_19 : vector<1x64xf32> to vector<1280x64xf32>
    %add3A_21 = arith.addf %mul3A_16, %add3A_20 : vector<1280x64xf32>
    %max3A = arith.constant 0.000000e+00 : f32
    %max3A_22 = vector.broadcast %max3A : f32 to vector<1280x64xf32>
    %max3A_23 = arith.maximumf %add3A_21, %max3A_22 : vector<1280x64xf32>
    %mul3A_24 = vector.broadcast %get3A_1 : vector<1280x1xf32> to vector<1280x64xf32>
    %mul3A_25 = arith.mulf %max3A_23, %mul3A_24 : vector<1280x64xf32>
    %get3A_26 = arith.constant 0 : index
    %get3A_27 = arith.constant 0 : index
    %get3A_28 = vector.load %arg4[%get3A_26, %get3A_27] : memref<1280x16xf32, #tpu.memory_space<vmem>>, vector<1280x16xf32>
    %mul3A_29 = vector.broadcast %get3A_1 : vector<1280x1xf32> to vector<1280x16xf32>
    %mul3A_30 = arith.mulf %get3A_28, %mul3A_29 : vector<1280x16xf32>
    %concatenate3A = tpu.concatenate %mul3A_25, %mul3A_30 in 1 : vector<1280x64xf32>, vector<1280x16xf32> -> vector<1280x80xf32>
    %swap3A = arith.constant 0 : index
    %swap3A_31 = arith.constant 0 : index
    %swap3A_32 = vector.load %arg6[%swap3A, %swap3A_31] : memref<1280x80xf32, #tpu.memory_space<vmem>>, vector<1280x80xf32>
    tpu.vector_store %arg6[%swap3A, %swap3A_31], %concatenate3A {strides = array<i32>} : memref<1280x80xf32, #tpu.memory_space<vmem>>, vector<1280x80xf32>,
    return
  }
  func.func @transform_0(%arg0: i32) -> (i32, i32, i32) {
    %c0_i32 = arith.constant 0 : i32
    %c0_i32_0 = arith.constant 0 : i32
    %c0_i32_1 = arith.constant 0 : i32
    return %c0_i32, %arg0, %c0_i32_0 : i32, i32, i32
  }
  func.func @transform_1(%arg0: i32) -> (i32, i32) {
    %c0_i32 = arith.constant 0 : i32
    %c0_i32_0 = arith.constant 0 : i32
    return %arg0, %c0_i32 : i32, i32
  }
  func.func @transform_2(%arg0: i32) -> (i32, i32) {
    %c0_i32 = arith.constant 0 : i32
    %c0_i32_0 = arith.constant 0 : i32
    return %arg0, %c0_i32 : i32, i32
  }
  func.func @transform_3(%arg0: i32) -> (i32, i32) {
    %c0_i32 = arith.constant 0 : i32
    %c0_i32_0 = arith.constant 0 : i32
    return %arg0, %c0_i32 : i32, i32
  }
  func.func @transform_4(%arg0: i32) -> (i32, i32) {
    %c0_i32 = arith.constant 0 : i32
    %c0_i32_0 = arith.constant 0 : i32
    %c0_i32_1 = arith.constant 0 : i32
    return %c0_i32, %c0_i32_0 : i32, i32
  }
  func.func @transform_5(%arg0: i32) -> (i32, i32) {
    %c0_i32 = arith.constant 0 : i32
    %c0_i32_0 = arith.constant 0 : i32
    return %arg0, %c0_i32 : i32, i32
  }
}

module attributes {stable_mosaic.version = 14 : i64} {
  func.func @body(%arg0: i32, %arg1: memref<2x1280x80xf32, #tpu.memory_space<vmem>>, %arg2: memref<1280x80xf32, #tpu.memory_space<vmem>>, %arg3: memref<1280x16xf32, #tpu.memory_space<vmem>>, %arg4: memref<80x128xf32, #tpu.memory_space<vmem>>, %arg5: memref<1x128xf32, #tpu.memory_space<vmem>>, %arg6: memref<1280x128xf32, #tpu.memory_space<vmem>>) attributes {dimension_semantics = [#tpu.dimension_semantics<arbitrary>], iteration_bounds = array<i64: 8>, scalar_prefetch = 0 : i64, scratch_operands = 0 : i64, tpu.core_type = #tpu.core_type<tc>, window_params = [{transform_indices = @transform_0, window_bounds = array<i64: 2, 1280, 80>}, {transform_indices = @transform_1, window_bounds = array<i64: 1280, 80>}, {transform_indices = @transform_2, window_bounds = array<i64: 1280, 16>}, {pipeline_mode = #tpu.pipeline_mode<synchronous>, transform_indices = @transform_3, window_bounds = array<i64: 80, 128>}, {pipeline_mode = #tpu.pipeline_mode<synchronous>, transform_indices = @transform_4, window_bounds = array<i64: 1, 128>}, {transform_indices = @transform_5, window_bounds = array<i64: 1280, 128>}]} {
    %get3A = arith.constant 0 : index
    %get3A_0 = arith.constant 0 : index
    %get3A_1 = vector.load %arg3[%get3A, %get3A_0] : memref<1280x16xf32, #tpu.memory_space<vmem>>, vector<1280x1xf32>
    %get3A_2 = arith.constant 0 : index
    %get3A_3 = arith.constant 0 : index
    %get3A_4 = arith.constant 0 : index
    %get3A_5 = vector.load %arg1[%get3A_2, %get3A_3, %get3A_4] : memref<2x1280x80xf32, #tpu.memory_space<vmem>>, vector<1x1280x80xf32>
    %get3A_6 = vector.shape_cast %get3A_5 : vector<1x1280x80xf32> to vector<1280x80xf32>
    %get3A_7 = arith.constant 1 : index
    %get3A_8 = arith.constant 0 : index
    %get3A_9 = arith.constant 0 : index
    %get3A_10 = vector.load %arg1[%get3A_7, %get3A_8, %get3A_9] : memref<2x1280x80xf32, #tpu.memory_space<vmem>>, vector<1x1280x80xf32>
    %get3A_11 = vector.shape_cast %get3A_10 : vector<1x1280x80xf32> to vector<1280x80xf32>
    %add3A = arith.addf %get3A_6, %get3A_11 : vector<1280x80xf32>
    %get3A_12 = arith.constant 0 : index
    %get3A_13 = arith.constant 0 : index
    %get3A_14 = vector.load %arg2[%get3A_12, %get3A_13] : memref<1280x80xf32, #tpu.memory_space<vmem>>, vector<1280x80xf32>
    %add3A_15 = arith.addf %add3A, %get3A_14 : vector<1280x80xf32>
    %mul3A = vector.broadcast %get3A_1 : vector<1280x1xf32> to vector<1280x80xf32>
    %mul3A_16 = arith.mulf %add3A_15, %mul3A : vector<1280x80xf32>
    %get3A_17 = arith.constant 0 : index
    %get3A_18 = arith.constant 0 : index
    %get3A_19 = vector.load %arg4[%get3A_17, %get3A_18] : memref<80x128xf32, #tpu.memory_space<vmem>>, vector<80x128xf32>
    %dot_general3A = arith.constant dense<0.000000e+00> : vector<1280x128xf32>
    %dot_general3A_20 = tpu.matmul %mul3A_16, %get3A_19, %dot_general3A {dimension_numbers = #tpu.dot_dimension_numbers<[1], [0], [0], [1], [0, 0, 1, 1], [], []>, transpose_lhs_hint = false} : vector<1280x80xf32>, vector<80x128xf32>, vector<1280x128xf32> -> vector<1280x128xf32>
    %get3A_21 = arith.constant 0 : index
    %get3A_22 = arith.constant 0 : index
    %get3A_23 = vector.load %arg5[%get3A_21, %get3A_22] : memref<1x128xf32, #tpu.memory_space<vmem>>, vector<1x128xf32>
    %add3A_24 = vector.broadcast %get3A_23 : vector<1x128xf32> to vector<1280x128xf32>
    %add3A_25 = arith.addf %dot_general3A_20, %add3A_24 : vector<1280x128xf32>
    %swap3A = arith.constant 0 : index
    %swap3A_26 = arith.constant 0 : index
    %swap3A_27 = vector.load %arg6[%swap3A, %swap3A_26] : memref<1280x128xf32, #tpu.memory_space<vmem>>, vector<1280x128xf32>
    tpu.vector_store %arg6[%swap3A, %swap3A_26], %add3A_25 {strides = array<i32>} : memref<1280x128xf32, #tpu.memory_space<vmem>>, vector<1280x128xf32>,
    return
  }
  func.func @transform_0(%arg0: i32) -> (i32, i32, i32) {
    %c0_i32 = arith.constant 0 : i32
    %c0_i32_0 = arith.constant 0 : i32
    %c0_i32_1 = arith.constant 0 : i32
    return %c0_i32, %arg0, %c0_i32_0 : i32, i32, i32
  }
  func.func @transform_1(%arg0: i32) -> (i32, i32) {
    %c0_i32 = arith.constant 0 : i32
    %c0_i32_0 = arith.constant 0 : i32
    return %arg0, %c0_i32 : i32, i32
  }
  func.func @transform_2(%arg0: i32) -> (i32, i32) {
    %c0_i32 = arith.constant 0 : i32
    %c0_i32_0 = arith.constant 0 : i32
    return %arg0, %c0_i32 : i32, i32
  }
  func.func @transform_3(%arg0: i32) -> (i32, i32) {
    %c0_i32 = arith.constant 0 : i32
    %c0_i32_0 = arith.constant 0 : i32
    %c0_i32_1 = arith.constant 0 : i32
    return %c0_i32, %c0_i32_0 : i32, i32
  }
  func.func @transform_4(%arg0: i32) -> (i32, i32) {
    %c0_i32 = arith.constant 0 : i32
    %c0_i32_0 = arith.constant 0 : i32
    %c0_i32_1 = arith.constant 0 : i32
    return %c0_i32, %c0_i32_0 : i32, i32
  }
  func.func @transform_5(%arg0: i32) -> (i32, i32) {
    %c0_i32 = arith.constant 0 : i32
    %c0_i32_0 = arith.constant 0 : i32
    return %arg0, %c0_i32 : i32, i32
  }
}

</mosaic_0001>

<sc_bundles>
// kernel: kernel.12.cloned.1.call-start
scs
__scs_entry_jumppad:
0x0: {  	(pc) =	sbr.rel $0x88, $3  }
0x1: {  	(tag) =	ssettag $0x0;
	lr =	simm.s32 $0x1  }
0x2: {  	[smem:$0x3F9A] =	sst lr;
	_ =	strace $0xD0000000  }
0x3: {  	_ = 	snop  }
0x4: {  	_ = 	snop  }
0x5: {  	_ = 	snop  }
0x6: {  	_ = 	snop  }
0x7: {  	_ = 	snop  }
__scs_overlays_trampoline_lowered:
0x8: {  	[smem:$0x3FA9] =	sst s0  }
0x9: {  	[smem:$0x3FAA] =	sst s1  }
0xa: {  	[smem:$0x3FAB] =	sst s2  }
0xb: {  	[smem:$0x3FAC] =	sst s3  }
0xc: {  	[smem:$0x3FAD] =	sst s4  }
0xd: {  	[smem:$0x3FAE] =	sst s5  }
0xe: {  	[smem:$0x3FAF] =	sst s6  }
0xf: {  	[smem:$0x3FB0] =	sst s7  }
0x10: {  	[smem:$0x3FB1] =	sst s8  }
0x11: {  	[smem:$0x3FB2] =	sst s9;
	s0 =	simm.s32 @!p0 $0x0  }
0x12: {  	s1 =	sld [smem:$0x3F98];
	s0 =	simm.s32 @p0 $0x1  }
0x13: {  	[smem:$0x3FB3] =	sst s0;
	s0 =	simm.s32 @!p1 $0x0  }
0x14: {  	s2 =	sld [smem:$0x3F97];
	s0 =	simm.s32 @p1 $0x1  }
0x15: {  	[smem:$0x3FB4] =	sst s0;
	s0 =	simm.s32 @!p2 $0x0  }
0x16: {  	s3 =	sld [smem:$0x3FDB];
	s0 =	simm.s32 @p2 $0x1  }
0x17: {  	s4 =	simm.s32 $0x1BF5;
	[smem:$0x3FB6] =	sst s0  }
0x18: {  	s0 =	sld [smem:$0x3F99];
	_ =	swait.ge [sflag:s4], $0x0  }
0x19: {  	s7 =	sld [smem:$0x3F9A]  }
0x1a: {  	s8 =	sadd.s32 $0xFFFFE003, lr  }
0x1b: {  	s9 =	sadd.s32 $0xFFFFFEF7, lr;
	s5 =	simm.s32 $0xFFFFFFFF;
	p2 =	slt.u32 s8, $0xFFFFF086  }
0x1c: {  	p1 =	slt.u32 s9, $0xF7A;
	s5 =	simm.s32 @!p2 $0x0  }
0x1d: {  	s5 =	simm.s32 @p1 $0x1;
	p0 =	seq.s32 s7, s2  }
0x1e: {  	s7 =	smul.u32 @!p0 $0xF7A, s2;
	p2 =	seq.s32 @!p0 s5, $0x0  }
0x1f: {  	s9 =	smul.u32 $0xF7A, s1;
	s8 =	simm.s32 @!p0 $0x1BF5;
	p2 =	por !p2, p0  }
0x20: {  	[sflag:s8] =	ssyncset.s32 @!p0 $0xFFFFF086;
	s6 =	sadd.s32 @!p0 s3, s7;
	s7 =	simm.s32 @!p0 $0x108  }
0x21: {  	s3 =	sadd.s32 s3, s9;
	s6 =	sadd.s32 @!p0 $0x88, s6;
	s7 =	simm.s32 @p2 $0x1082  }
0x22: {  	[simem:s7], [sflag:s8] =	dma.local @!p0 [hbm:s6], $0xF7A  }
0x23: {  	s9 =	sor.u32 $0xD0000000, s2;
	s6 =	simm.s32 $0x108;
	_ =	swait.ge @!p0 [sflag:s8], $0x0  }
0x24: {  	s3 =	sadd.s32 $0x88, s3;
	s6 =	simm.s32 @!p1 $0x1082;
	[sflag:s4] =	ssyncset.s32 $0xFFFFF086  }
0x25: {  	[simem:s6], [sflag:s4] =	dma.local [hbm:s3], $0xF7A  }
0x26: {  	[smem:$0x3F9A] =	sst s1;
	(tag) =	ssettag s2;
	_ =	strace s9  }
0x27: {  	s1 =	sld [smem:$0x3FAA]  }
0x28: {  	s2 =	sld [smem:$0x3FAB]  }
0x29: {  	s4 =	sld [smem:$0x3FAD]  }
0x2a: {  	p0 =	seq.s32 s5, $0x0;
	s5 =	sld [smem:$0x3FAE]  }
0x2b: {  	s6 =	sld [smem:$0x3FAF]  }
0x2c: {  	s7 =	sld [smem:$0x3FB0]  }
0x2d: {  	s3 =	simm.s32 $0x108;
	s8 =	sld [smem:$0x3FB1]  }
0x2e: {  	s3 =	simm.s32 @!p0 $0x1082;
	s9 =	sld [smem:$0x3FB2]  }
0x2f: {  	lr =	sadd.s32 s0, s3;
	s0 =	sld [smem:$0x3FA9]  }
0x30: {  	s3 =	sld [smem:$0x3FAC]  }
0x31: {  	[smem:$0x3FB5] =	sst s10  }
0x32: {  	s10 =	sld [smem:$0x3FB3];
	_ =	sdelay $0x3  }
0x33: {  	p0 =	seq.s32 s10, $0x1;
	s10 =	sld [smem:$0x3FB5];
	_ =	sdelay $0x3  }
0x34: {  	[smem:$0x3FB5] =	sst s10  }
0x35: {  	s10 =	sld [smem:$0x3FB4];
	_ =	sdelay $0x3  }
0x36: {  	p1 =	seq.s32 s10, $0x1;
	s10 =	sld [smem:$0x3FB5];
	_ =	sdelay $0x3  }
0x37: {  	[smem:$0x3FB5] =	sst s10  }
0x38: {  	s10 =	sld [smem:$0x3FB6]  }
0x39: {  	_ = 	snop;
	(pc) =	sbr.ind lr, $3  }
0x3a: {  	_ = 	snop  }
0x3b: {  	_ = 	snop  }
0x3c: {  	p2 =	seq.s32 s10, $0x1;
	s10 =	sld [smem:$0x3FB5]  }
0x3d: {  	_ =	shalt  }
0x3e: {  	_ =	shalt  }
0x3f: {  	_ =	shalt  }
0x40: {  	_ =	shalt  }
0x41: {  	_ =	shalt  }
0x42: {  	_ =	shalt  }
0x43: {  	_ =	shalt  }
0x44: {  	_ =	shalt  }
0x45: {  	_ =	shalt  }
0x46: {  	_ =	shalt  }
0x47: {  	_ =	shalt  }
0x48: {  	_ =	shalt  }
0x49: {  	_ =	shalt  }
0x4a: {  	_ =	shalt  }
0x4b: {  	_ =	shalt  }
0x4c: {  	_ =	shalt  }
0x4d: {  	_ =	shalt  }
0x4e: {  	_ =	shalt  }
0x4f: {  	_ =	shalt  }
0x50: {  	_ =	shalt  }
0x51: {  	_ =	shalt  }
0x52: {  	_ =	shalt  }
0x53: {  	_ =	shalt  }
0x54: {  	_ =	shalt  }
0x55: {  	_ =	shalt  }
0x56: {  	_ =	shalt  }
0x57: {  	_ =	shalt  }
0x58: {  	_ =	shalt  }
0x59: {  	_ =	shalt  }
0x5a: {  	_ =	shalt  }
0x5b: {  	_ =	shalt  }
0x5c: {  	_ =	shalt  }
0x5d: {  	_ =	shalt  }
0x5e: {  	_ =	shalt  }
0x5f: {  	_ =	shalt  }
0x60: {  	_ =	shalt  }
0x61: {  	_ =	shalt  }
0x62: {  	_ =	shalt  }
0x63: {  	_ =	shalt  }
0x64: {  	_ =	shalt  }
0x65: {  	_ =	shalt  }
0x66: {  	_ =	shalt  }
0x67: {  	_ =	shalt  }
0x68: {  	_ =	shalt  }
0x69: {  	_ =	shalt  }
0x6a: {  	_ =	shalt  }
0x6b: {  	_ =	shalt  }
0x6c: {  	_ =	shalt  }
0x6d: {  	_ =	shalt  }
0x6e: {  	_ =	shalt  }
0x6f: {  	_ =	shalt  }
0x70: {  	_ =	shalt  }
0x71: {  	_ =	shalt  }
0x72: {  	_ =	shalt  }
0x73: {  	_ =	shalt  }
0x74: {  	_ =	shalt  }
0x75: {  	_ =	shalt  }
0x76: {  	_ =	shalt  }
0x77: {  	_ =	shalt  }
0x78: {  	_ =	shalt  }
0x79: {  	_ =	shalt  }
0x7a: {  	_ =	shalt  }
0x7b: {  	_ =	shalt  }
0x7c: {  	_ =	shalt  }
0x7d: {  	_ =	shalt  }
0x7e: {  	_ =	shalt  }
0x7f: {  	_ =	shalt  }
0x80: {  	_ =	shalt  }
0x81: {  	_ =	shalt  }
0x82: {  	_ =	shalt  }
0x83: {  	_ =	shalt  }
0x84: {  	_ =	shalt  }
0x85: {  	_ =	shalt  }
0x86: {  	_ =	shalt  }
0x87: {  	_ =	shalt  }
.Lfunc_end0:
.L_simem_size_0:
called_computation.1_lowered:
.L_overlay_start_0:
0x88: {  	s2 =	sld [smem:$0x3FD9]  }
0x89: {  	s3 =	sld [smem:$0x3FFE];
	_ =	sdelay $0x1  }
0x8a: {  	s1 =	srdreg.scid  }
0x8b: {  	s0 =	sand.u32 $0x1, s1  }
0x8c: {  	s17 =	sshll.u32 s0, $0xA;
	s2 =	sadd.s32 s3, s2  }
0x8d: {  	s2 =	sadd.s32 s2, s17  }
0x8e: {  	[smem:$0x3FC1] =	sst s2  }
0x8f: {  	_ = 	snop  }
0x90: {  	s2 =	sld [smem:$0x3FD0];
	(tm) =	ssettm $0x1  }
0x91: {  	s18 =	sld [smem:$0x3FFB];
	_ =	sdelay $0x3  }
0x92: {  	_ =	strace s18  }
0x93: {  	s3 =	sld [smem:$0x3FFC];
	_ =	sdelay $0x3  }
0x94: {  	_ =	strace s3  }
0x95: {  	s3 =	sld [smem:$0x3FFD];
	_ =	sdelay $0x3  }
0x96: {  	_ =	strace s3  }
0x97: {  	_ =	strace $0x8FFFFFFF  }
0x98: {  	s19 =	sld [smem:$0x3FDB];
	_ =	sdelay $0x1  }
0x99: {  	s4 =	simm.s32 $_scs_section_size  }
0x9a: {  	s5 =	simm.s32 $_size__tile_overlayer_lowered;
	s6 =	simm.s32 $_tile_overlayer_lowered  }
0x9b: {  	s22 =	simm.s32 $0x1BFF;
	s21 =	sshll.u32 s6, $0x1;
	s3 =	sadd.s32 s4, s19  }
0x9c: {  	s7 =	simm.s32 $0x0;
	s20 =	sshll.u32 s5, $0x1;
	s5 =	sadd.s32 s21, s3  }
0x9d: {  	[timem:s7], [sflag:s22] =	dma.local [hbm:s5], s20  }
0x9e: {  	_ =	swait.ge [sflag:s22], s20  }
0x9f: {  	s4 =	ssub.s32 $0x0, s20;
	[sflag:s22] =	ssyncset.done $0x0  }
0xa0: {  	[sflag:s22] =	ssyncadd.s32 s4;
	_ =	sdelay $0x1  }
0xa1: {  	s23 =	simm.s32 $0x1B8B  }
0xa2: {  	_ =	swait.ge [sflag:s23], $0x1  }
0xa3: {  	[sflag:s23] =	ssyncset.done $0x0  }
0xa4: {  	s25 =	simm.s32 $0x1B8E;
	s24 =	sld [smem:$0x3FFE];
	[sflag:s23] =	ssyncadd.s32 $0xFFFFFFFF  }
0xa5: {  	s26 =	simm.s32 $execute0_lowered;
	[smem:$0x3FD2] =	sst s25  }
0xa6: {  	s5 =	sshll.u32 s26, $0x1;
	_ =	strace $0x80000049;
	[dreg:$0x1] =	wrdreg $0xFFFFFFFF  }
0xa7: {  	s28 =	simm.s32 $_size_execute0_lowered;
	s3 =	sadd.s32 s3, s5;
	[dreg:$0x0] =	wrdreg $0x0  }
0xa8: {  	s5 =	sshll.u32 s28, $0x1;
	[dreg:$0x2] =	wrdreg s3  }
0xa9: {  	[dreg:$0x3] =	wrdreg s5  }
0xaa: {  	[dreg:$0x4] =	wrdreg $0xC0  }
0xab: {  	_ =	task [dreg:s7], $0x5FFFF  }
0xac: {  	[dreg:$0x1] =	wrdreg $0xFFFFFFFF  }
0xad: {  	[dreg:$0x0] =	wrdreg $0x60  }
0xae: {  	[dreg:$0x2] =	wrdreg s2  }
0xaf: {  	[dreg:$0x3] =	wrdreg s24  }
0xb0: {  	[dreg:$0x4] =	wrdreg $0x0  }
0xb1: {  	[dreg:$0x5] =	wrdreg $0xA0000  }
0xb2: {  	[dreg:$0x6] =	wrdreg $0x9  }
0xb3: {  	_ =	task.clear_ibuf [dreg:s7], $0x7FFFF;
	_ =	strace $0x90000049  }
0xb4: {  	s29 =	simm.s32 $0x9;
	_ =	strace $0x8000004B  }
0xb5: {  	_ =	swait.ge [sflag:s29], $0x1  }
0xb6: {  	[sflag:s29] =	ssyncadd.s32 $0xFFFFFFFF  }
0xb7: {  	_ =	strace $0x9000004B  }
0xb8: {  	_ =	sfence  }
0xb9: {  	s30 =	sld [smem:$0x0];
	_ =	sdelay $0x2  }
0xba: {  	s31 =	sshll.u32 s1, $0xD;
	s1 =	sshrl.u32 s1, $0x2  }
0xbb: {  	s3 =	sand.u32 $0x4000, s31;
	s1 =	sadd.s32 s1, s30  }
0xbc: {  	s0 =	sor.u32 s3, s0;
	s1 =	sshll.u32 s1, $0x11  }
0xbd: {  	s0 =	sor.u32 s1, s0  }
0xbe: {  	s0 =	sadd.s32 $0x8F2B, s0  }
0xbf: {  	[sflag:s0] =	ssyncadd.remote.s32 $0x1  }
0xc0: {  	_ =	sfence.sel $0xFFFF  }
0xc1: {  	[dreg:$0x0] =	wrdreg $0xFFFFFFFF;
	(pc) =	sbr.abs _section_cstart, $3  }
0xc2: {  	[dreg:$0x1] =	wrdreg $0xFFFFFFFF  }
0xc3: {  	_ =	task.clear_ibuf [dreg:s7], $0x2FFFF;
	_ =	strace $0x9FFFFFFF  }
0xc4: {  	(tm) =	ssettm $0x7FFFFFFF  }
0xc5: {  	_ =	shalt  }
tec
execute0_lowered:
.L_overlay_start_1:
0x0: {  	(tag) =	ssettag $0x1  }
0x1: {  	s0 =	rddreg [dreg:$0x0]  }
0x2: {  	s1 =	rddreg [dreg:$0x1]  }
0x3: {  	s2 =	rddreg [dreg:$0x2];
	s4 =	srdreg.scid  }
0x4: {  	s14 =	rddreg [dreg:$0x3];
	s3 =	stileid.u32;
	s29 =	simm.s32 $0x14380  }
0x5: {  	s31 =	simm.s32 $0x80;
	s28 =	simm.s32 $0xC;
	s30 =	simm.s32 $0x1A400  }
0x6: {  	s5 =	sand.u32 $0x1, s4;
	s4 =	simm.s32 $0x0;
	s7 =	smul.u32 $0x600, s3  }
0x7: {  	s8 =	sadd.s32 $0xBE00, s1;
	s9 =	sadd.s32 $0x1E00, s1;
	s1 =	sadd.s32 $0x15E00, s1  }
0x8: {  	s6 =	ssub.s32 $0x2, s5;
	p0 =	seq.s32 s5, $0x1;
	[smem:$0x7FF] =	sst s4  }
0x9: {  	s10 =	sshrl.u32 s6, $0x1;
	s21 =	sor.u32 $0x10, s7;
	s26 =	sadd.s32 s9, s7  }
0xa: {  	s11 =	sor.u32 $0x20, s7;
	s22 =	sadd.s32 s8, s21;
	[dreg:$0x9] =	wrdreg s26  }
0xb: {  	s12 =	sor.u32 $0x30, s7;
	s24 =	sadd.s32 s8, s11;
	[dreg:$0x6] =	wrdreg s22  }
0xc: {  	s23 =	sadd.s32 s8, s7;
	s25 =	sadd.s32 s8, s12;
	[dreg:$0x7] =	wrdreg s24  }
0xd: {  	s6 =	ssub.s32 s6, s10;
	s7 =	sadd.s32 s9, s21;
	[dreg:$0x8] =	wrdreg s25  }
0xe: {  	s10 =	sadd.s32 s9, s11;
	s11 =	sadd.s32 s9, s12;
	[dreg:$0xa] =	wrdreg s7  }
0xf: {  	s26 =	smul.u32 $0x28000, s3;
	s7 =	sshll.u32 s3, $0xA;
	[dreg:$0xb] =	wrdreg s10  }
0x10: {  	[dreg:$0xc] =	wrdreg s11;
	s12 =	sadd.s32 $0x6000, s7;
	s11 =	sadd.s32 s7, s9  }
0x11: {  	s16 =	sadd.s32 $0x6010, s7;
	s15 =	sadd.s32 s8, s12;
	[dreg:$0x15] =	wrdreg s11  }
0x12: {  	s17 =	sadd.s32 $0x6020, s7;
	s18 =	sadd.s32 s8, s16;
	[dreg:$0xd] =	wrdreg s15  }
0x13: {  	s13 =	sadd.s32 $0x6030, s7;
	s19 =	sadd.s32 s8, s17;
	[dreg:$0xe] =	wrdreg s18  }
0x14: {  	s6 =	smax.u32 s6, $0x1;
	s20 =	sadd.s32 s8, s13;
	[dreg:$0xf] =	wrdreg s19  }
0x15: {  	s10 =	simm.s32 $0xF;
	s21 =	sadd.s32 s9, s12;
	[dreg:$0x10] =	wrdreg s20  }
0x16: {  	s22 =	sadd.s32 s9, s16;
	s24 =	sadd.s32 s9, s17;
	[dreg:$0x11] =	wrdreg s21  }
0x17: {  	s25 =	sadd.s32 s9, s13;
	s12 =	sadd.s32 s7, s8;
	[dreg:$0x12] =	wrdreg s22  }
0x18: {  	s13 =	sshrl.u32 s26, $0x2;
	s11 =	simm.s32 $0x14400;
	[dreg:$0x13] =	wrdreg s24  }
0x19: {  	s7 =	simm.s32 $0xD;
	s8 =	simm.s32 $0x3;
	[dreg:$0x14] =	wrdreg s25  }
0x1a: {  	s9 =	simm.s32 $0x5;
	[dreg:$0x16] =	wrdreg s12;
	s15 =	smul.u32 $0xA000, s3  }
0x1b: {  	s16 =	sadd.s32 s13, s2;
	_ =	strace $0x8000004A;
	[dreg:$0x17] =	wrdreg s1  }
0x1c: {  	s13 =	simm.s32 $0xB;
	s12 =	simm.s32 $0x10;
	[dreg:$0x1a] =	wrdreg s6  }
0x1d: {  	s3 =	simm.s32 $0x0;
	s22 =	sadd.s32 $0x2000, s16;
	[dreg:$0x18] =	wrdreg s16  }
0x1e: {  	s24 =	sadd.s32 $0x4000, s16;
	s25 =	sadd.s32 $0x6000, s16;
	[dreg:$0x5] =	wrdreg s23  }
0x1f: {  	s26 =	sadd.s32 $0x8000, s16;
	s16 =	simm.s32 $0x12;
	[dreg:$0x1f] =	wrdreg s22  }
0x20: {  	s6 =	simm.s32 $0x1;
	s17 =	sshrl.u32 s15, $0x3;
	[smem:$0x7FB] =	sst s24  }
0x21: {  	s18 =	sadd.s32 s15, s2;
	s19 =	sadd.s32 s15, s14;
	[smem:$0x7FC] =	sst s25  }
0x22: {  	[smem:$0x7FD] =	sst s26;
	s24 =	simm.s32 $0x18400;
	s25 =	simm.s32 $0x4  }
0x23: {  	s22 =	simm.s32 $0x6;
	s20 =	sshrl.u32 s19, $0x3;
	[dreg:$0x19] =	wrdreg s17  }
.Ltmp0:
0x24: {  	s1 =	sshrl.u32 s18, $0x3;
	[dreg:$0x1b] =	wrdreg s20;
	(pc) =	sbr.rel .LBB2_1-.Ltmp0, $4  }
0x25: {  	s26 =	simm.s32 $0x8;
	s0 =	sadd.s32 s0, s17;
	[dreg:$0x1c] =	wrdreg s1  }
0x26: {  	s21 =	sadd.s32 $0x14000, s17;
	s17 =	simm.s32 $0x14180;
	[dreg:$0x1d] =	wrdreg s0  }
0x27: {  	s18 =	simm.s32 $0x14200;
	s19 =	simm.s32 $0x7;
	[dreg:$0x1e] =	wrdreg s21  }
0x28: {  	v0 =	vimm.f32 $0.0e+00;
	s21 =	simm.s32 $0x14300;
	s1 =	simm.s32 $0x9;
	s20 =	simm.s32 $0xA  }
.LBB2_12:
0x29: {  	s14 =	rddreg [dreg:$0x1e]  }
0x2a: {  	s23 =	rddreg [dreg:$0x5]  }
0x2b: {  	s15 =	sld [smem:$0x7F9]  }
.LBB2_13:
0x2c: {  	_ =	swait.ge [sflag:s25], $0x2000  }
0x2d: {  	[sflag:s25] =	ssyncset.done $0x0  }
0x2e: {  	[sflag:s25] =	ssyncadd.s32 $0xFFFFE000  }
0x2f: {  	_ =	swait.ge [sflag:s12], $0x80  }
0x30: {  	[sflag:s12] =	ssyncset.done $0x0  }
0x31: {  	[sflag:s12] =	ssyncadd.s32 $0xFFFFFF80  }
0x32: {  	[spmem:s2] =	stream.indirect.scatter.add.f32 [tilespmem:s30], [sflag:$0x8], $0x40, s29, s31, $0xb8;
	[tilespmem:$0x1C400] =	vst v63  }
0x33: {  	_ =	swait.ge [sflag:s9], $0x2000  }
0x34: {  	[sflag:s9] =	ssyncset.done $0x0  }
0x35: {  	[sflag:s9] =	ssyncadd.s32 $0xFFFFE000  }
0x36: {  	_ =	swait.ge [sflag:s22], $0x2000  }
0x37: {  	[sflag:s22] =	ssyncset.done $0x0  }
0x38: {  	[sflag:s22] =	ssyncadd.s32 $0xFFFFE000  }
0x39: {  	_ =	swait.ge [sflag:s19], $0x2000  }
0x3a: {  	[sflag:s19] =	ssyncset.done $0x0  }
0x3b: {  	[sflag:s19] =	ssyncadd.s32 $0xFFFFE000  }
0x3c: {  	_ =	swait.ge [sflag:s26], $0x2000  }
0x3d: {  	[sflag:s26] =	ssyncset.done $0x0  }
0x3e: {  	[sflag:s26] =	ssyncadd.s32 $0xFFFFE000  }
0x3f: {  	s0 =	rddreg [dreg:$0x17];
	[bflag:$0x0] =	sbarrier.arrive $0xFFFF  }
0x40: {  	s3 =	sld [smem:$0x7FA];
	_ =	sdelay $0x1  }
0x41: {  	s16 =	simm.s32 $0x12  }
0x42: {  	s0 =	sadd.s32 s0, s14;
	s5 =	rddreg [dreg:$0x1c];
	s3 =	sor.u32 $0x1C12, s3  }
0x43: {  	[hbm:s0], [sflag:s3] =	dma.local [spmem:s5], $0x1400  }
0x44: {  	_ =	swait.ge [sflag:s16], $0x1400  }
0x45: {  	s3 =	sadd.s32 $0x1, s15;
	s15 =	rddreg [dreg:$0x1a]  }
0x46: {  	p1 =	sne.s32 s3, s15  }
.Ltmp1:
0x47: {  	_ = 	snop;
	(pc) =	sbr.rel @!p1 .LBB2_14-.Ltmp1, $3  }
0x48: {  	_ =	sdelay $0x1  }
0x49: {  	[sflag:s16] =	ssyncset.done $0x0  }
0x4a: {  	[sflag:s16] =	ssyncadd.s32 $0xFFFFEC00  }
.LBB2_1:
.Ltmp2:
0x4b: {  	(pc) =	sbr.rel @!p0 .LBB2_2-.Ltmp2, $4  }
0x4c: {  	_ = 	snop  }
0x4d: {  	s0 =	stileid.u32  }
0x4e: {  	[smem:$0x7F9] =	sst s3;
	s0 =	sshll.u32 s0, $0x6  }
0x4f: {  	[smem:$0x7FA] =	sst s0  }
0x50: {  	s0 =	sor.u32 $0x1C11, s0;
	s3 =	rddreg [dreg:$0x1b]  }
0x51: {  	s5 =	rddreg [dreg:$0x1d];
	s15 =	simm.s32 $0x100;
	s14 =	simm.s32 $0x0  }
0x52: {  	[spmem:s3], [sflag:s0] =	dma.local [hbm:s5], $0x1400  }
.LBB2_9:
0x53: {  	p1 =	seq.s32 s15, $0x7F00;
	[tilespmem:s14+$0x14430] =	vst v0;
	s0 =	smov.u32 s15;
	s15 =	sadd.s32 $0x100, s15  }
.Ltmp3:
0x54: {  	[tilespmem:s14+$0x14420] =	vst v0;
	(pc) =	sbr.rel @!p1 .LBB2_9-.Ltmp3, $3  }
0x55: {  	[tilespmem:s14+$0x14400] =	vst v0  }
0x56: {  	[tilespmem:s14+$0x14410] =	vst v0;
	_ =	sdelay $0x1  }
0x57: {  	s14 =	sshra.s32 s0, $0x2  }
0x58: {  	[tilespmem:s14+$0x14430] =	vst v0  }
0x59: {  	[tilespmem:s14+$0x14420] =	vst v0  }
0x5a: {  	[tilespmem:s14+$0x14400] =	vst v0  }
0x5b: {  	[tilespmem:s14+$0x14410] =	vst v0;
	s0 =	rddreg [dreg:$0x18]  }
0x5c: {  	[spmem:s0] =	stream.linear.scatter [tilespmem:s11], [sflag:$0x12], $0x2000, $0x38;
	[tilespmem:$0x1C400] =	vst v63  }
0x5d: {  	_ =	swait.ge [sflag:s16], $0x2000  }
0x5e: {  	[sflag:s16] =	ssyncset.done $0x0  }
0x5f: {  	s15 =	rddreg [dreg:$0x1f];
	[sflag:s16] =	ssyncadd.s32 $0xFFFFE000  }
0x60: {  	[spmem:s15] =	stream.linear.scatter [tilespmem:s11], [sflag:$0x12], $0x2000, $0x38;
	[tilespmem:$0x1C400] =	vst v63  }
0x61: {  	_ =	swait.ge [sflag:s16], $0x2000  }
0x62: {  	s23 =	sld [smem:$0x7FB]  }
0x63: {  	[sflag:s16] =	ssyncset.done $0x0  }
0x64: {  	[sflag:s16] =	ssyncadd.s32 $0xFFFFE000  }
0x65: {  	[spmem:s23] =	stream.linear.scatter [tilespmem:s11], [sflag:$0x12], $0x2000, $0x38;
	[tilespmem:$0x1C400] =	vst v63  }
0x66: {  	_ =	swait.ge [sflag:s16], $0x2000  }
0x67: {  	s3 =	sld [smem:$0x7FC]  }
0x68: {  	[sflag:s16] =	ssyncset.done $0x0  }
0x69: {  	[sflag:s16] =	ssyncadd.s32 $0xFFFFE000  }
0x6a: {  	[spmem:s3] =	stream.linear.scatter [tilespmem:s11], [sflag:$0x12], $0x2000, $0x38;
	[tilespmem:$0x1C400] =	vst v63  }
0x6b: {  	_ =	swait.ge [sflag:s16], $0x2000  }
0x6c: {  	s5 =	sld [smem:$0x7FD]  }
0x6d: {  	[sflag:s16] =	ssyncset.done $0x0  }
0x6e: {  	[sflag:s16] =	ssyncadd.s32 $0xFFFFE000  }
0x6f: {  	[spmem:s5] =	stream.linear.scatter [tilespmem:s11], [sflag:$0x12], $0x2000, $0x38;
	[tilespmem:$0x1C400] =	vst v63  }
0x70: {  	_ =	swait.ge [sflag:s16], $0x2000  }
0x71: {  	[sflag:s16] =	ssyncset.done $0x0  }
0x72: {  	s14 =	simm.s32 $0x11;
	[sflag:s16] =	ssyncadd.s32 $0xFFFFE000  }
0x73: {  	_ =	swait.ge [sflag:s14], $0x1400  }
0x74: {  	[sflag:s14] =	ssyncset.done $0x0  }
0x75: {  	[sflag:s14] =	ssyncadd.s32 $0xFFFFEC00  }
0x76: {  	[bflag:$0x0] =	sbarrier.arrive $0xFFFF  }
0x77: {  	s3 =	simm.s32 $0x14000;
	s14 =	simm.s32 $0x0;
	s15 =	rddreg [dreg:$0xd]  }
0x78: {  	[tilespmem:s3], [sflag:$0x9] =	stream.linear.gather [hbm4b:s15+s14], $0x80, $0x38;
	[tilespmem:$0x1C400] =	vst v63  }
0x79: {  	s5 =	simm.s32 $0x14080;
	s16 =	rddreg [dreg:$0xe]  }
0x7a: {  	[tilespmem:s5], [sflag:$0xA] =	stream.linear.gather [hbm4b:s16+s14], $0x80, $0x38;
	[tilespmem:$0x1C400] =	vst v63  }
0x7b: {  	s23 =	rddreg [dreg:$0xf];
	s15 =	simm.s32 $0x14100  }
0x7c: {  	[tilespmem:s15], [sflag:$0xB] =	stream.linear.gather [hbm4b:s23+s14], $0x80, $0x38;
	[tilespmem:$0x1C400] =	vst v63  }
0x7d: {  	s16 =	rddreg [dreg:$0x10]  }
0x7e: {  	[tilespmem:s17], [sflag:$0xC] =	stream.linear.gather [hbm4b:s16+s14], $0x80, $0x38;
	[tilespmem:$0x1C400] =	vst v63  }
0x7f: {  	s23 =	rddreg [dreg:$0x11]  }
0x80: {  	[tilespmem:s18], [sflag:$0xD] =	stream.linear.gather [hbm4b:s23+s14], $0x80, $0x38;
	[tilespmem:$0x1C400] =	vst v63  }
0x81: {  	s16 =	rddreg [dreg:$0x12];
	s23 =	simm.s32 $0x14280  }
0x82: {  	[tilespmem:s23], [sflag:$0xE] =	stream.linear.gather [hbm4b:s16+s14], $0x80, $0x38;
	[tilespmem:$0x1C400] =	vst v63  }
0x83: {  	s16 =	rddreg [dreg:$0x13]  }
0x84: {  	[tilespmem:s21], [sflag:$0xF] =	stream.linear.gather [hbm4b:s16+s14], $0x80, $0x38;
	[tilespmem:$0x1C400] =	vst v63  }
0x85: {  	s23 =	rddreg [dreg:$0x14]  }
0x86: {  	[tilespmem:s29], [sflag:$0x10] =	stream.linear.gather [hbm4b:s23+s14], $0x80, $0x38;
	[tilespmem:$0x1C400] =	vst v63  }
0x87: {  	_ =	swait.ge [sflag:s1], $0x80  }
0x88: {  	[sflag:s1] =	ssyncset.done $0x0  }
0x89: {  	[sflag:s1] =	ssyncadd.s32 $0xFFFFFF80  }
0x8a: {  	s16 =	rddreg [dreg:$0x3]  }
0x8b: {  	[tilespmem:s11], [sflag:$0x1] =	stream.indirect.gather [spmem:s16], $0x40, s3, s31, $0xb8;
	[tilespmem:$0x1C400] =	vst v63  }
0x8c: {  	_ =	swait.ge [sflag:s20], $0x80  }
0x8d: {  	[sflag:s20] =	ssyncset.done $0x0  }
0x8e: {  	s23 =	simm.s32 $0x16400;
	[sflag:s20] =	ssyncadd.s32 $0xFFFFFF80  }
0x8f: {  	[tilespmem:s23], [sflag:$0x2] =	stream.indirect.gather [spmem:s16], $0x40, s5, s31, $0xb8;
	[tilespmem:$0x1C400] =	vst v63  }
0x90: {  	_ =	swait.ge [sflag:s13], $0x80  }
0x91: {  	[sflag:s13] =	ssyncset.done $0x0  }
0x92: {  	[sflag:s13] =	ssyncadd.s32 $0xFFFFFF80  }
0x93: {  	[tilespmem:s24], [sflag:$0x3] =	stream.indirect.gather [spmem:s16], $0x40, s15, s31, $0xb8;
	[tilespmem:$0x1C400] =	vst v63  }
0x94: {  	_ =	swait.ge [sflag:s28], $0x80  }
0x95: {  	[sflag:s28] =	ssyncset.done $0x0  }
0x96: {  	[sflag:s28] =	ssyncadd.s32 $0xFFFFFF80  }
0x97: {  	[tilespmem:s30], [sflag:$0x4] =	stream.indirect.gather [spmem:s16], $0x40, s17, s31, $0xb8;
	[tilespmem:$0x1C400] =	vst v63  }
0x98: {  	s16 =	rddreg [dreg:$0x16]  }
.LBB2_11:
0x99: {  	_ =	swait.ge [sflag:s6], $0x2000  }
0x9a: {  	[sflag:s6] =	ssyncset.done $0x0  }
0x9b: {  	[sflag:s6] =	ssyncadd.s32 $0xFFFFE000  }
0x9c: {  	_ =	swait.ge [sflag:s7], $0x80  }
0x9d: {  	p1 =	seq.s32 s14, $0x3C0;
	[sflag:s7] =	ssyncset.done $0x0  }
0x9e: {  	s0 =	simm.s32 @p1 $0x2;
	[sflag:s7] =	ssyncadd.s32 $0xFFFFFF80  }
0x9f: {  	[spmem:s2] =	stream.indirect.scatter.add.f32 [tilespmem:s11], [sflag:$0x5], $0x40, s18, s31, $0xb8;
	[tilespmem:$0x1C400] =	vst v63  }
0xa0: {  	_ =	swait.ge @p1 [sflag:s0], $0x2000  }
0xa1: {  	[sflag:s0] =	ssyncset.done @p1 $0x0  }
0xa2: {  	[sflag:s0] =	ssyncadd.s32 @p1 $0xFFFFE000;
	s0 =	simm.s32 @p1 $0xE  }
0xa3: {  	_ =	swait.ge @p1 [sflag:s0], $0x80  }
0xa4: {  	s3 =	simm.s32 @p1 $0x14280;
	[sflag:s0] =	ssyncset.done @p1 $0x0  }
0xa5: {  	s5 =	simm.s32 @p1 $0x16400;
	[sflag:s0] =	ssyncadd.s32 @p1 $0xFFFFFF80;
	s0 =	simm.s32 @p1 $0x80  }
0xa6: {  	[spmem:s2] =	stream.indirect.scatter.add.f32 @p1 [tilespmem:s5], [sflag:$0x6], $0x40, s3, s0, $0xb8;
	[tilespmem:$0x1C400] =	vst v63  }
0xa7: {  	s0 =	sadd.s32 @!p1 s14, s16  }
0xa8: {  	s15 =	simm.s32 @!p1 $0x14000;
	s5 =	simm.s32 @!p1 $0x0;
	s3 =	sadd.s32 @!p1 $0x6040, s0  }
0xa9: {  	[tilespmem:s15], [sflag:$0x9] =	stream.linear.gather @!p1 [hbm4b:s3+s5], $0x80, $0x38;
	[tilespmem:$0x1C400] =	vst v63  }
0xaa: {  	s3 =	simm.s32 @!p1 $0x2  }
0xab: {  	_ =	swait.ge @!p1 [sflag:s3], $0x2000  }
0xac: {  	[sflag:s3] =	ssyncset.done @!p1 $0x0  }
0xad: {  	[sflag:s3] =	ssyncadd.s32 @!p1 $0xFFFFE000;
	s3 =	simm.s32 @!p1 $0xE  }
0xae: {  	_ =	swait.ge @!p1 [sflag:s3], $0x80  }
0xaf: {  	s23 =	simm.s32 @!p1 $0x16400;
	[sflag:s3] =	ssyncset.done @!p1 $0x0  }
0xb0: {  	s15 =	simm.s32 @!p1 $0x14280;
	[sflag:s3] =	ssyncadd.s32 @!p1 $0xFFFFFF80;
	s3 =	simm.s32 @!p1 $0x80  }
0xb1: {  	[spmem:s2] =	stream.indirect.scatter.add.f32 @!p1 [tilespmem:s23], [sflag:$0x6], $0x40, s15, s3, $0xb8;
	[tilespmem:$0x1C400] =	vst v63  }
0xb2: {  	s0 =	sadd.s32 @!p1 $0x6050, s0;
	s3 =	simm.s32 @!p1 $0x14080  }
0xb3: {  	[tilespmem:s3], [sflag:$0xA] =	stream.linear.gather @!p1 [hbm4b:s0+s5], $0x80, $0x38;
	[tilespmem:$0x1C400] =	vst v63  }
0xb4: {  	_ =	swait.ge [sflag:s8], $0x2000  }
0xb5: {  	[sflag:s8] =	ssyncset.done $0x0  }
.Ltmp4:
0xb6: {  	[sflag:s8] =	ssyncadd.s32 $0xFFFFE000;
	(pc) =	sbr.rel @p1 .LBB2_12-.Ltmp4, $4  }
0xb7: {  	_ =	swait.ge [sflag:s10], $0x80  }
0xb8: {  	[sflag:s10] =	ssyncset.done $0x0  }
0xb9: {  	[sflag:s10] =	ssyncadd.s32 $0xFFFFFF80  }
0xba: {  	[spmem:s2] =	stream.indirect.scatter.add.f32 [tilespmem:s24], [sflag:$0x7], $0x40, s21, s31, $0xb8;
	[tilespmem:$0x1C400] =	vst v63  }
0xbb: {  	s0 =	sadd.s32 s14, s16  }
0xbc: {  	s15 =	simm.s32 $0x14100;
	s3 =	sadd.s32 $0x6060, s0  }
0xbd: {  	[tilespmem:s15], [sflag:$0xB] =	stream.linear.gather [hbm4b:s3+s4], $0x80, $0x38;
	[tilespmem:$0x1C400] =	vst v63  }
0xbe: {  	_ =	swait.ge [sflag:s25], $0x2000  }
0xbf: {  	[sflag:s25] =	ssyncset.done $0x0  }
0xc0: {  	[sflag:s25] =	ssyncadd.s32 $0xFFFFE000  }
0xc1: {  	_ =	swait.ge [sflag:s12], $0x80  }
0xc2: {  	[sflag:s12] =	ssyncset.done $0x0  }
0xc3: {  	[sflag:s12] =	ssyncadd.s32 $0xFFFFFF80  }
0xc4: {  	[spmem:s2] =	stream.indirect.scatter.add.f32 [tilespmem:s30], [sflag:$0x8], $0x40, s29, s31, $0xb8;
	[tilespmem:$0x1C400] =	vst v63  }
0xc5: {  	s0 =	sadd.s32 $0x6070, s0  }
0xc6: {  	[tilespmem:s17], [sflag:$0xC] =	stream.linear.gather [hbm4b:s0+s4], $0x80, $0x38;
	[tilespmem:$0x1C400] =	vst v63  }
0xc7: {  	_ =	swait.ge [sflag:s9], $0x2000  }
0xc8: {  	s3 =	rddreg [dreg:$0x15]  }
0xc9: {  	[sflag:s9] =	ssyncset.done $0x0;
	s0 =	sadd.s32 s14, s3  }
0xca: {  	[sflag:s9] =	ssyncadd.s32 $0xFFFFE000;
	s5 =	sadd.s32 $0x6040, s0  }
0xcb: {  	[tilespmem:s18], [sflag:$0xD] =	stream.linear.gather [hbm4b:s5+s4], $0x80, $0x38;
	[tilespmem:$0x1C400] =	vst v63  }
0xcc: {  	_ =	swait.ge [sflag:s1], $0x80  }
0xcd: {  	[sflag:s1] =	ssyncset.done $0x0  }
0xce: {  	[sflag:s1] =	ssyncadd.s32 $0xFFFFFF80  }
0xcf: {  	s23 =	simm.s32 $0x14000;
	s5 =	rddreg [dreg:$0x3]  }
0xd0: {  	[tilespmem:s11], [sflag:$0x1] =	stream.indirect.gather [spmem:s5], $0x40, s23, s31, $0xb8;
	[tilespmem:$0x1C400] =	vst v63  }
0xd1: {  	_ =	swait.ge [sflag:s22], $0x2000  }
0xd2: {  	[sflag:s22] =	ssyncset.done $0x0  }
0xd3: {  	s3 =	sadd.s32 $0x6050, s0;
	s23 =	simm.s32 $0x14280;
	[sflag:s22] =	ssyncadd.s32 $0xFFFFE000  }
0xd4: {  	[tilespmem:s23], [sflag:$0xE] =	stream.linear.gather [hbm4b:s3+s4], $0x80, $0x38;
	[tilespmem:$0x1C400] =	vst v63  }
0xd5: {  	_ =	swait.ge [sflag:s20], $0x80  }
0xd6: {  	[sflag:s20] =	ssyncset.done $0x0  }
0xd7: {  	s3 =	simm.s32 $0x14080;
	s23 =	simm.s32 $0x16400;
	[sflag:s20] =	ssyncadd.s32 $0xFFFFFF80  }
0xd8: {  	[tilespmem:s23], [sflag:$0x2] =	stream.indirect.gather [spmem:s5], $0x40, s3, s31, $0xb8;
	[tilespmem:$0x1C400] =	vst v63  }
0xd9: {  	_ =	swait.ge [sflag:s19], $0x2000  }
0xda: {  	[sflag:s19] =	ssyncset.done $0x0  }
0xdb: {  	s23 =	sadd.s32 $0x6060, s0;
	[sflag:s19] =	ssyncadd.s32 $0xFFFFE000  }
0xdc: {  	[tilespmem:s21], [sflag:$0xF] =	stream.linear.gather [hbm4b:s23+s4], $0x80, $0x38;
	[tilespmem:$0x1C400] =	vst v63  }
0xdd: {  	_ =	swait.ge [sflag:s13], $0x80  }
0xde: {  	[sflag:s13] =	ssyncset.done $0x0  }
0xdf: {  	[sflag:s13] =	ssyncadd.s32 $0xFFFFFF80  }
0xe0: {  	[tilespmem:s24], [sflag:$0x3] =	stream.indirect.gather [spmem:s5], $0x40, s15, s31, $0xb8;
	[tilespmem:$0x1C400] =	vst v63  }
0xe1: {  	_ =	swait.ge [sflag:s26], $0x2000  }
0xe2: {  	[sflag:s26] =	ssyncset.done $0x0  }
0xe3: {  	s0 =	sadd.s32 $0x6070, s0;
	[sflag:s26] =	ssyncadd.s32 $0xFFFFE000  }
0xe4: {  	[tilespmem:s29], [sflag:$0x10] =	stream.linear.gather [hbm4b:s0+s4], $0x80, $0x38;
	[tilespmem:$0x1C400] =	vst v63  }
.Ltmp5:
0xe5: {  	_ = 	snop;
	(pc) =	sbr.rel .LBB2_11-.Ltmp5, $4  }
0xe6: {  	_ =	swait.ge [sflag:s28], $0x80  }
0xe7: {  	[sflag:s28] =	ssyncset.done $0x0  }
0xe8: {  	s14 =	sadd.s32 $0x40, s14;
	[sflag:s28] =	ssyncadd.s32 $0xFFFFFF80  }
0xe9: {  	[tilespmem:s30], [sflag:$0x4] =	stream.indirect.gather [spmem:s5], $0x40, s17, s31, $0xb8;
	[tilespmem:$0x1C400] =	vst v63  }
.LBB2_2:
0xea: {  	s15 =	simm.s32 $0x100;
	s14 =	simm.s32 $0x0  }
.LBB2_3:
0xeb: {  	p1 =	seq.s32 s15, $0x7F00;
	[tilespmem:s14+$0x14430] =	vst v0;
	s0 =	smov.u32 s15;
	s15 =	sadd.s32 $0x100, s15  }
.Ltmp6:
0xec: {  	[tilespmem:s14+$0x14420] =	vst v0;
	(pc) =	sbr.rel @!p1 .LBB2_3-.Ltmp6, $3  }
0xed: {  	[tilespmem:s14+$0x14400] =	vst v0  }
0xee: {  	[tilespmem:s14+$0x14410] =	vst v0;
	_ =	sdelay $0x1  }
0xef: {  	s14 =	sshra.s32 s0, $0x2  }
0xf0: {  	[tilespmem:s14+$0x14430] =	vst v0  }
0xf1: {  	[tilespmem:s14+$0x14420] =	vst v0  }
0xf2: {  	[tilespmem:s14+$0x14400] =	vst v0  }
0xf3: {  	[tilespmem:s14+$0x14410] =	vst v0;
	s0 =	rddreg [dreg:$0x18]  }
0xf4: {  	[spmem:s0] =	stream.linear.scatter [tilespmem:s11], [sflag:$0x12], $0x2000, $0x38;
	[tilespmem:$0x1C400] =	vst v63  }
0xf5: {  	_ =	swait.ge [sflag:s16], $0x2000  }
0xf6: {  	[sflag:s16] =	ssyncset.done $0x0  }
0xf7: {  	s15 =	rddreg [dreg:$0x1f];
	[sflag:s16] =	ssyncadd.s32 $0xFFFFE000  }
0xf8: {  	[spmem:s15] =	stream.linear.scatter [tilespmem:s11], [sflag:$0x12], $0x2000, $0x38;
	[tilespmem:$0x1C400] =	vst v63  }
0xf9: {  	_ =	swait.ge [sflag:s16], $0x2000  }
0xfa: {  	s3 =	sld [smem:$0x7FB]  }
0xfb: {  	[sflag:s16] =	ssyncset.done $0x0  }
0xfc: {  	[sflag:s16] =	ssyncadd.s32 $0xFFFFE000  }
0xfd: {  	[spmem:s3] =	stream.linear.scatter [tilespmem:s11], [sflag:$0x12], $0x2000, $0x38;
	[tilespmem:$0x1C400] =	vst v63  }
0xfe: {  	_ =	swait.ge [sflag:s16], $0x2000  }
0xff: {  	s5 =	sld [smem:$0x7FC]  }
0x100: {  	[sflag:s16] =	ssyncset.done $0x0  }
0x101: {  	[sflag:s16] =	ssyncadd.s32 $0xFFFFE000  }
0x102: {  	[spmem:s5] =	stream.linear.scatter [tilespmem:s11], [sflag:$0x12], $0x2000, $0x38;
	[tilespmem:$0x1C400] =	vst v63  }
0x103: {  	_ =	swait.ge [sflag:s16], $0x2000  }
0x104: {  	s14 =	sld [smem:$0x7FD]  }
0x105: {  	[sflag:s16] =	ssyncset.done $0x0  }
0x106: {  	[sflag:s16] =	ssyncadd.s32 $0xFFFFE000  }
0x107: {  	[spmem:s14] =	stream.linear.scatter [tilespmem:s11], [sflag:$0x12], $0x2000, $0x38;
	[tilespmem:$0x1C400] =	vst v63  }
0x108: {  	_ =	swait.ge [sflag:s16], $0x2000  }
0x109: {  	[sflag:s16] =	ssyncset.done $0x0  }
0x10a: {  	[sflag:s16] =	ssyncadd.s32 $0xFFFFE000  }
0x10b: {  	s3 =	simm.s32 $0x14000;
	s14 =	simm.s32 $0x0;
	[bflag:$0x0] =	sbarrier.arrive $0xFFFF  }
0x10c: {  	[tilespmem:s3], [sflag:$0x9] =	stream.linear.gather [hbm4b:s23+s14], $0x80, $0x38;
	[tilespmem:$0x1C400] =	vst v63  }
0x10d: {  	s5 =	simm.s32 $0x14080;
	s15 =	rddreg [dreg:$0x6]  }
0x10e: {  	[tilespmem:s5], [sflag:$0xA] =	stream.linear.gather [hbm4b:s15+s14], $0x80, $0x38;
	[tilespmem:$0x1C400] =	vst v63  }
0x10f: {  	s16 =	rddreg [dreg:$0x7];
	s15 =	simm.s32 $0x14100  }
0x110: {  	[tilespmem:s15], [sflag:$0xB] =	stream.linear.gather [hbm4b:s16+s14], $0x80, $0x38;
	[tilespmem:$0x1C400] =	vst v63  }
0x111: {  	s16 =	rddreg [dreg:$0x8]  }
0x112: {  	[tilespmem:s17], [sflag:$0xC] =	stream.linear.gather [hbm4b:s16+s14], $0x80, $0x38;
	[tilespmem:$0x1C400] =	vst v63  }
0x113: {  	s16 =	rddreg [dreg:$0x9]  }
0x114: {  	[tilespmem:s18], [sflag:$0xD] =	stream.linear.gather [hbm4b:s16+s14], $0x80, $0x38;
	[tilespmem:$0x1C400] =	vst v63  }
0x115: {  	s0 =	rddreg [dreg:$0xa];
	s16 =	simm.s32 $0x14280  }
0x116: {  	[tilespmem:s16], [sflag:$0xE] =	stream.linear.gather [hbm4b:s0+s14], $0x80, $0x38;
	[tilespmem:$0x1C400] =	vst v63  }
0x117: {  	s16 =	rddreg [dreg:$0xb]  }
0x118: {  	[tilespmem:s21], [sflag:$0xF] =	stream.linear.gather [hbm4b:s16+s14], $0x80, $0x38;
	[tilespmem:$0x1C400] =	vst v63  }
0x119: {  	s16 =	rddreg [dreg:$0xc]  }
0x11a: {  	[tilespmem:s29], [sflag:$0x10] =	stream.linear.gather [hbm4b:s16+s14], $0x80, $0x38;
	[tilespmem:$0x1C400] =	vst v63  }
0x11b: {  	_ =	swait.ge [sflag:s1], $0x80  }
0x11c: {  	[sflag:s1] =	ssyncset.done $0x0  }
0x11d: {  	[sflag:s1] =	ssyncadd.s32 $0xFFFFFF80  }
0x11e: {  	s0 =	rddreg [dreg:$0x0]  }
0x11f: {  	[tilespmem:s11], [sflag:$0x1] =	stream.indirect.gather [hbm4b:s0+s31], $0x40, s3, s31, $0xb8;
	[tilespmem:$0x1C400] =	vst v63  }
0x120: {  	_ =	swait.ge [sflag:s20], $0x80  }
0x121: {  	[sflag:s20] =	ssyncset.done $0x0  }
0x122: {  	s16 =	simm.s32 $0x16400;
	[sflag:s20] =	ssyncadd.s32 $0xFFFFFF80  }
0x123: {  	[tilespmem:s16], [sflag:$0x2] =	stream.indirect.gather [hbm4b:s0+s31], $0x40, s5, s31, $0xb8;
	[tilespmem:$0x1C400] =	vst v63  }
0x124: {  	_ =	swait.ge [sflag:s13], $0x80  }
0x125: {  	[sflag:s13] =	ssyncset.done $0x0  }
0x126: {  	[sflag:s13] =	ssyncadd.s32 $0xFFFFFF80  }
0x127: {  	[tilespmem:s24], [sflag:$0x3] =	stream.indirect.gather [hbm4b:s0+s31], $0x40, s15, s31, $0xb8;
	[tilespmem:$0x1C400] =	vst v63  }
0x128: {  	_ =	swait.ge [sflag:s28], $0x80  }
0x129: {  	[sflag:s28] =	ssyncset.done $0x0  }
0x12a: {  	[sflag:s28] =	ssyncadd.s32 $0xFFFFFF80  }
0x12b: {  	[tilespmem:s30], [sflag:$0x4] =	stream.indirect.gather [hbm4b:s0+s31], $0x40, s17, s31, $0xb8;
	[tilespmem:$0x1C400] =	vst v63  }
.LBB2_5:
0x12c: {  	_ =	swait.ge [sflag:s6], $0x2000  }
0x12d: {  	[sflag:s6] =	ssyncset.done $0x0  }
0x12e: {  	[sflag:s6] =	ssyncadd.s32 $0xFFFFE000  }
0x12f: {  	_ =	swait.ge [sflag:s7], $0x80  }
0x130: {  	p1 =	seq.s32 s14, $0x5C0;
	[sflag:s7] =	ssyncset.done $0x0  }
0x131: {  	s0 =	simm.s32 @p1 $0x2;
	[sflag:s7] =	ssyncadd.s32 $0xFFFFFF80  }
0x132: {  	[spmem:s2] =	stream.indirect.scatter.add.f32 [tilespmem:s11], [sflag:$0x5], $0x40, s18, s31, $0xb8;
	[tilespmem:$0x1C400] =	vst v63  }
0x133: {  	_ =	swait.ge @p1 [sflag:s0], $0x2000  }
0x134: {  	[sflag:s0] =	ssyncset.done @p1 $0x0  }
0x135: {  	[sflag:s0] =	ssyncadd.s32 @p1 $0xFFFFE000;
	s0 =	simm.s32 @p1 $0xE  }
0x136: {  	_ =	swait.ge @p1 [sflag:s0], $0x80  }
0x137: {  	s15 =	simm.s32 @p1 $0x14280;
	[sflag:s0] =	ssyncset.done @p1 $0x0  }
0x138: {  	s3 =	simm.s32 @p1 $0x16400;
	[sflag:s0] =	ssyncadd.s32 @p1 $0xFFFFFF80;
	s0 =	simm.s32 @p1 $0x80  }
0x139: {  	[spmem:s2] =	stream.indirect.scatter.add.f32 @p1 [tilespmem:s3], [sflag:$0x6], $0x40, s15, s0, $0xb8;
	[tilespmem:$0x1C400] =	vst v63  }
0x13a: {  	s0 =	sadd.s32 @!p1 s14, s23  }
0x13b: {  	s5 =	simm.s32 @!p1 $0x14000;
	s15 =	simm.s32 @!p1 $0x0;
	s3 =	sadd.s32 @!p1 $0x40, s0  }
0x13c: {  	[tilespmem:s5], [sflag:$0x9] =	stream.linear.gather @!p1 [hbm4b:s3+s15], $0x80, $0x38;
	[tilespmem:$0x1C400] =	vst v63  }
0x13d: {  	s3 =	simm.s32 @!p1 $0x2  }
0x13e: {  	_ =	swait.ge @!p1 [sflag:s3], $0x2000  }
0x13f: {  	[sflag:s3] =	ssyncset.done @!p1 $0x0  }
0x140: {  	[sflag:s3] =	ssyncadd.s32 @!p1 $0xFFFFE000;
	s3 =	simm.s32 @!p1 $0xE  }
0x141: {  	_ =	swait.ge @!p1 [sflag:s3], $0x80  }
0x142: {  	s16 =	smov.u32 s23;
	s23 =	simm.s32 @!p1 $0x16400;
	[sflag:s3] =	ssyncset.done @!p1 $0x0  }
0x143: {  	s5 =	simm.s32 @!p1 $0x14280;
	[sflag:s3] =	ssyncadd.s32 @!p1 $0xFFFFFF80;
	s3 =	simm.s32 @!p1 $0x80  }
0x144: {  	[spmem:s2] =	stream.indirect.scatter.add.f32 @!p1 [tilespmem:s23], [sflag:$0x6], $0x40, s5, s3, $0xb8;
	[tilespmem:$0x1C400] =	vst v63  }
0x145: {  	s0 =	sadd.s32 @!p1 $0x50, s0;
	s3 =	simm.s32 @!p1 $0x14080  }
0x146: {  	[tilespmem:s3], [sflag:$0xA] =	stream.linear.gather @!p1 [hbm4b:s0+s15], $0x80, $0x38;
	[tilespmem:$0x1C400] =	vst v63  }
0x147: {  	_ =	swait.ge [sflag:s8], $0x2000  }
0x148: {  	[sflag:s8] =	ssyncset.done $0x0  }
.Ltmp7:
0x149: {  	[sflag:s8] =	ssyncadd.s32 $0xFFFFE000;
	(pc) =	sbr.rel @p1 .LBB2_6-.Ltmp7, $4  }
0x14a: {  	_ =	swait.ge [sflag:s10], $0x80  }
0x14b: {  	[sflag:s10] =	ssyncset.done $0x0  }
0x14c: {  	[sflag:s10] =	ssyncadd.s32 $0xFFFFFF80  }
0x14d: {  	[spmem:s2] =	stream.indirect.scatter.add.f32 [tilespmem:s24], [sflag:$0x7], $0x40, s21, s31, $0xb8;
	[tilespmem:$0x1C400] =	vst v63  }
0x14e: {  	s0 =	sadd.s32 s14, s16  }
0x14f: {  	s15 =	simm.s32 $0x14100;
	s3 =	sadd.s32 $0x60, s0  }
0x150: {  	[tilespmem:s15], [sflag:$0xB] =	stream.linear.gather [hbm4b:s3+s4], $0x80, $0x38;
	[tilespmem:$0x1C400] =	vst v63  }
0x151: {  	_ =	swait.ge [sflag:s25], $0x2000  }
0x152: {  	[sflag:s25] =	ssyncset.done $0x0  }
0x153: {  	[sflag:s25] =	ssyncadd.s32 $0xFFFFE000  }
0x154: {  	_ =	swait.ge [sflag:s12], $0x80  }
0x155: {  	[sflag:s12] =	ssyncset.done $0x0  }
0x156: {  	[sflag:s12] =	ssyncadd.s32 $0xFFFFFF80  }
0x157: {  	[spmem:s2] =	stream.indirect.scatter.add.f32 [tilespmem:s30], [sflag:$0x8], $0x40, s29, s31, $0xb8;
	[tilespmem:$0x1C400] =	vst v63  }
0x158: {  	s0 =	sadd.s32 $0x70, s0  }
0x159: {  	[tilespmem:s17], [sflag:$0xC] =	stream.linear.gather [hbm4b:s0+s4], $0x80, $0x38;
	[tilespmem:$0x1C400] =	vst v63  }
0x15a: {  	_ =	swait.ge [sflag:s9], $0x2000  }
0x15b: {  	s3 =	rddreg [dreg:$0x9]  }
0x15c: {  	[sflag:s9] =	ssyncset.done $0x0;
	s0 =	sadd.s32 s14, s3  }
0x15d: {  	[sflag:s9] =	ssyncadd.s32 $0xFFFFE000;
	s5 =	sadd.s32 $0x40, s0  }
0x15e: {  	[tilespmem:s18], [sflag:$0xD] =	stream.linear.gather [hbm4b:s5+s4], $0x80, $0x38;
	[tilespmem:$0x1C400] =	vst v63  }
0x15f: {  	_ =	swait.ge [sflag:s1], $0x80  }
0x160: {  	[sflag:s1] =	ssyncset.done $0x0  }
0x161: {  	[sflag:s1] =	ssyncadd.s32 $0xFFFFFF80  }
0x162: {  	s23 =	simm.s32 $0x14000;
	s5 =	rddreg [dreg:$0x0]  }
0x163: {  	[tilespmem:s11], [sflag:$0x1] =	stream.indirect.gather [hbm4b:s5+s31], $0x40, s23, s31, $0xb8;
	[tilespmem:$0x1C400] =	vst v63  }
0x164: {  	_ =	swait.ge [sflag:s22], $0x2000  }
0x165: {  	[sflag:s22] =	ssyncset.done $0x0  }
0x166: {  	s3 =	sadd.s32 $0x50, s0;
	s23 =	simm.s32 $0x14280;
	[sflag:s22] =	ssyncadd.s32 $0xFFFFE000  }
0x167: {  	[tilespmem:s23], [sflag:$0xE] =	stream.linear.gather [hbm4b:s3+s4], $0x80, $0x38;
	[tilespmem:$0x1C400] =	vst v63  }
0x168: {  	_ =	swait.ge [sflag:s20], $0x80  }
0x169: {  	[sflag:s20] =	ssyncset.done $0x0  }
0x16a: {  	s3 =	simm.s32 $0x14080;
	s23 =	simm.s32 $0x16400;
	[sflag:s20] =	ssyncadd.s32 $0xFFFFFF80  }
0x16b: {  	[tilespmem:s23], [sflag:$0x2] =	stream.indirect.gather [hbm4b:s5+s31], $0x40, s3, s31, $0xb8;
	[tilespmem:$0x1C400] =	vst v63  }
0x16c: {  	_ =	swait.ge [sflag:s19], $0x2000  }
0x16d: {  	[sflag:s19] =	ssyncset.done $0x0  }
0x16e: {  	s23 =	sadd.s32 $0x60, s0;
	[sflag:s19] =	ssyncadd.s32 $0xFFFFE000  }
0x16f: {  	[tilespmem:s21], [sflag:$0xF] =	stream.linear.gather [hbm4b:s23+s4], $0x80, $0x38;
	[tilespmem:$0x1C400] =	vst v63  }
0x170: {  	_ =	swait.ge [sflag:s13], $0x80  }
0x171: {  	[sflag:s13] =	ssyncset.done $0x0  }
0x172: {  	[sflag:s13] =	ssyncadd.s32 $0xFFFFFF80  }
0x173: {  	[tilespmem:s24], [sflag:$0x3] =	stream.indirect.gather [hbm4b:s5+s31], $0x40, s15, s31, $0xb8;
	[tilespmem:$0x1C400] =	vst v63  }
0x174: {  	_ =	swait.ge [sflag:s26], $0x2000  }
0x175: {  	[sflag:s26] =	ssyncset.done $0x0  }
0x176: {  	s0 =	sadd.s32 $0x70, s0;
	[sflag:s26] =	ssyncadd.s32 $0xFFFFE000  }
0x177: {  	[tilespmem:s29], [sflag:$0x10] =	stream.linear.gather [hbm4b:s0+s4], $0x80, $0x38;
	[tilespmem:$0x1C400] =	vst v63  }
.Ltmp8:
0x178: {  	_ = 	snop;
	(pc) =	sbr.rel .LBB2_5-.Ltmp8, $4  }
0x179: {  	_ =	swait.ge [sflag:s28], $0x80  }
0x17a: {  	[sflag:s28] =	ssyncset.done $0x0  }
0x17b: {  	s14 =	sadd.s32 $0x40, s14;
	s23 =	smov.u32 s16;
	[sflag:s28] =	ssyncadd.s32 $0xFFFFFF80  }
0x17c: {  	[tilespmem:s30], [sflag:$0x4] =	stream.indirect.gather [hbm4b:s5+s31], $0x40, s17, s31, $0xb8;
	[tilespmem:$0x1C400] =	vst v63  }
.LBB2_6:
.Ltmp9:
0x17d: {  	(pc) =	sbr.rel .LBB2_13-.Ltmp9, $3  }
0x17e: {  	_ =	sdelay $0x1  }
0x17f: {  	s14 =	rddreg [dreg:$0x19]  }
0x180: {  	s23 =	smov.u32 s16;
	s15 =	sld [smem:$0x7F9]  }
.LBB2_14:
0x181: {  	_ =	sfence.sel $0x180000  }
0x182: {  	[bflag:$0x0] =	sbarrier.arrive $0xFFFF  }
0x183: {  	_ =	strace $0x9000004A  }
0x184: {  	s0 =	stileid.u32;
	[bflag:$0x2] =	sbarrier.arrive $0xFFFF  }
0x185: {  	p0 =	sne.s32 s0, $0x0;
	s0 =	rddreg [dreg:$0x4]  }
0x186: {  	s0 =	sadd.s32 @!p0 $0x100000, s0  }
0x187: {  	[sflag:s0] =	ssyncadd.tile.s32 @!p0 $0x1;
	_ =	shalt  }
.Lfunc_end2:
_tile_overlayer_lowered:
.L_overlay_start_2:
0x188: {  	(tag) =	ssettag $0x2  }
0x189: {  	s0 =	rddreg [dreg:$0x0];
	s2 =	stileid.u32  }
0x18a: {  	s1 =	rddreg [dreg:$0x1];
	p0 =	sne.s32 s2, $0x0  }
0x18b: {  	s3 =	rddreg [dreg:$0x2];
	[bflag:$0x3] =	sbarrier.arrive $0xFFFF;
	s2 =	simm.s32 @!p0 $0x1C12  }
0x18c: {  	[timem:s3], [sflag:s2] =	dma.local @!p0 [hbm:s0], s1  }
0x18d: {  	s0 =	simm.s32 @!p0 $0x12  }
0x18e: {  	_ =	swait.ge @!p0 [sflag:s0], s1  }
0x18f: {  	s1 =	ssub.s32 @!p0 $0x0, s1;
	[sflag:s0] =	ssyncset.done @!p0 $0x0  }
0x190: {  	[sflag:s0] =	ssyncadd.s32 @!p0 s1  }
0x191: {  	[bflag:$0x3] =	sbarrier.arrive $0xFFFF  }
0x192: {  	_ =	shalt  }

// kernel: kernel.15.cloned.1.call-start
scs
__scs_entry_jumppad:
0x0: {  	(pc) =	sbr.rel $0x88, $3  }
0x1: {  	(tag) =	ssettag $0x0;
	lr =	simm.s32 $0x1  }
0x2: {  	[smem:$0x3F9A] =	sst lr;
	_ =	strace $0xD0000000  }
0x3: {  	_ = 	snop  }
0x4: {  	_ = 	snop  }
0x5: {  	_ = 	snop  }
0x6: {  	_ = 	snop  }
0x7: {  	_ = 	snop  }
__scs_overlays_trampoline_lowered:
0x8: {  	[smem:$0x3FA9] =	sst s0  }
0x9: {  	[smem:$0x3FAA] =	sst s1  }
0xa: {  	[smem:$0x3FAB] =	sst s2  }
0xb: {  	[smem:$0x3FAC] =	sst s3  }
0xc: {  	[smem:$0x3FAD] =	sst s4  }
0xd: {  	[smem:$0x3FAE] =	sst s5  }
0xe: {  	[smem:$0x3FAF] =	sst s6  }
0xf: {  	[smem:$0x3FB0] =	sst s7  }
0x10: {  	[smem:$0x3FB1] =	sst s8  }
0x11: {  	[smem:$0x3FB2] =	sst s9;
	s0 =	simm.s32 @!p0 $0x0  }
0x12: {  	s1 =	sld [smem:$0x3F98];
	s0 =	simm.s32 @p0 $0x1  }
0x13: {  	[smem:$0x3FB3] =	sst s0;
	s0 =	simm.s32 @!p1 $0x0  }
0x14: {  	s2 =	sld [smem:$0x3F97];
	s0 =	simm.s32 @p1 $0x1  }
0x15: {  	[smem:$0x3FB4] =	sst s0;
	s0 =	simm.s32 @!p2 $0x0  }
0x16: {  	s3 =	sld [smem:$0x3FDB];
	s0 =	simm.s32 @p2 $0x1  }
0x17: {  	s4 =	simm.s32 $0x1BF5;
	[smem:$0x3FB6] =	sst s0  }
0x18: {  	s0 =	sld [smem:$0x3F99];
	_ =	swait.ge [sflag:s4], $0x0  }
0x19: {  	s7 =	sld [smem:$0x3F9A]  }
0x1a: {  	s8 =	sadd.s32 $0xFFFFE003, lr  }
0x1b: {  	s9 =	sadd.s32 $0xFFFFFEF7, lr;
	s5 =	simm.s32 $0xFFFFFFFF;
	p2 =	slt.u32 s8, $0xFFFFF086  }
0x1c: {  	p1 =	slt.u32 s9, $0xF7A;
	s5 =	simm.s32 @!p2 $0x0  }
0x1d: {  	s5 =	simm.s32 @p1 $0x1;
	p0 =	seq.s32 s7, s2  }
0x1e: {  	s7 =	smul.u32 @!p0 $0xF7A, s2;
	p2 =	seq.s32 @!p0 s5, $0x0  }
0x1f: {  	s9 =	smul.u32 $0xF7A, s1;
	s8 =	simm.s32 @!p0 $0x1BF5;
	p2 =	por !p2, p0  }
0x20: {  	[sflag:s8] =	ssyncset.s32 @!p0 $0xFFFFF086;
	s6 =	sadd.s32 @!p0 s3, s7;
	s7 =	simm.s32 @!p0 $0x108  }
0x21: {  	s3 =	sadd.s32 s3, s9;
	s6 =	sadd.s32 @!p0 $0x88, s6;
	s7 =	simm.s32 @p2 $0x1082  }
0x22: {  	[simem:s7], [sflag:s8] =	dma.local @!p0 [hbm:s6], $0xF7A  }
0x23: {  	s9 =	sor.u32 $0xD0000000, s2;
	s6 =	simm.s32 $0x108;
	_ =	swait.ge @!p0 [sflag:s8], $0x0  }
0x24: {  	s3 =	sadd.s32 $0x88, s3;
	s6 =	simm.s32 @!p1 $0x1082;
	[sflag:s4] =	ssyncset.s32 $0xFFFFF086  }
0x25: {  	[simem:s6], [sflag:s4] =	dma.local [hbm:s3], $0xF7A  }
0x26: {  	[smem:$0x3F9A] =	sst s1;
	(tag) =	ssettag s2;
	_ =	strace s9  }
0x27: {  	s1 =	sld [smem:$0x3FAA]  }
0x28: {  	s2 =	sld [smem:$0x3FAB]  }
0x29: {  	s4 =	sld [smem:$0x3FAD]  }
0x2a: {  	p0 =	seq.s32 s5, $0x0;
	s5 =	sld [smem:$0x3FAE]  }
0x2b: {  	s6 =	sld [smem:$0x3FAF]  }
0x2c: {  	s7 =	sld [smem:$0x3FB0]  }
0x2d: {  	s3 =	simm.s32 $0x108;
	s8 =	sld [smem:$0x3FB1]  }
0x2e: {  	s3 =	simm.s32 @!p0 $0x1082;
	s9 =	sld [smem:$0x3FB2]  }
0x2f: {  	lr =	sadd.s32 s0, s3;
	s0 =	sld [smem:$0x3FA9]  }
0x30: {  	s3 =	sld [smem:$0x3FAC]  }
0x31: {  	[smem:$0x3FB5] =	sst s10  }
0x32: {  	s10 =	sld [smem:$0x3FB3];
	_ =	sdelay $0x3  }
0x33: {  	p0 =	seq.s32 s10, $0x1;
	s10 =	sld [smem:$0x3FB5];
	_ =	sdelay $0x3  }
0x34: {  	[smem:$0x3FB5] =	sst s10  }
0x35: {  	s10 =	sld [smem:$0x3FB4];
	_ =	sdelay $0x3  }
0x36: {  	p1 =	seq.s32 s10, $0x1;
	s10 =	sld [smem:$0x3FB5];
	_ =	sdelay $0x3  }
0x37: {  	[smem:$0x3FB5] =	sst s10  }
0x38: {  	s10 =	sld [smem:$0x3FB6]  }
0x39: {  	_ = 	snop;
	(pc) =	sbr.ind lr, $3  }
0x3a: {  	_ = 	snop  }
0x3b: {  	_ = 	snop  }
0x3c: {  	p2 =	seq.s32 s10, $0x1;
	s10 =	sld [smem:$0x3FB5]  }
0x3d: {  	_ =	shalt  }
0x3e: {  	_ =	shalt  }
0x3f: {  	_ =	shalt  }
0x40: {  	_ =	shalt  }
0x41: {  	_ =	shalt  }
0x42: {  	_ =	shalt  }
0x43: {  	_ =	shalt  }
0x44: {  	_ =	shalt  }
0x45: {  	_ =	shalt  }
0x46: {  	_ =	shalt  }
0x47: {  	_ =	shalt  }
0x48: {  	_ =	shalt  }
0x49: {  	_ =	shalt  }
0x4a: {  	_ =	shalt  }
0x4b: {  	_ =	shalt  }
0x4c: {  	_ =	shalt  }
0x4d: {  	_ =	shalt  }
0x4e: {  	_ =	shalt  }
0x4f: {  	_ =	shalt  }
0x50: {  	_ =	shalt  }
0x51: {  	_ =	shalt  }
0x52: {  	_ =	shalt  }
0x53: {  	_ =	shalt  }
0x54: {  	_ =	shalt  }
0x55: {  	_ =	shalt  }
0x56: {  	_ =	shalt  }
0x57: {  	_ =	shalt  }
0x58: {  	_ =	shalt  }
0x59: {  	_ =	shalt  }
0x5a: {  	_ =	shalt  }
0x5b: {  	_ =	shalt  }
0x5c: {  	_ =	shalt  }
0x5d: {  	_ =	shalt  }
0x5e: {  	_ =	shalt  }
0x5f: {  	_ =	shalt  }
0x60: {  	_ =	shalt  }
0x61: {  	_ =	shalt  }
0x62: {  	_ =	shalt  }
0x63: {  	_ =	shalt  }
0x64: {  	_ =	shalt  }
0x65: {  	_ =	shalt  }
0x66: {  	_ =	shalt  }
0x67: {  	_ =	shalt  }
0x68: {  	_ =	shalt  }
0x69: {  	_ =	shalt  }
0x6a: {  	_ =	shalt  }
0x6b: {  	_ =	shalt  }
0x6c: {  	_ =	shalt  }
0x6d: {  	_ =	shalt  }
0x6e: {  	_ =	shalt  }
0x6f: {  	_ =	shalt  }
0x70: {  	_ =	shalt  }
0x71: {  	_ =	shalt  }
0x72: {  	_ =	shalt  }
0x73: {  	_ =	shalt  }
0x74: {  	_ =	shalt  }
0x75: {  	_ =	shalt  }
0x76: {  	_ =	shalt  }
0x77: {  	_ =	shalt  }
0x78: {  	_ =	shalt  }
0x79: {  	_ =	shalt  }
0x7a: {  	_ =	shalt  }
0x7b: {  	_ =	shalt  }
0x7c: {  	_ =	shalt  }
0x7d: {  	_ =	shalt  }
0x7e: {  	_ =	shalt  }
0x7f: {  	_ =	shalt  }
0x80: {  	_ =	shalt  }
0x81: {  	_ =	shalt  }
0x82: {  	_ =	shalt  }
0x83: {  	_ =	shalt  }
0x84: {  	_ =	shalt  }
0x85: {  	_ =	shalt  }
0x86: {  	_ =	shalt  }
0x87: {  	_ =	shalt  }
.Lfunc_end0:
.L_simem_size_0:
called_computation.2_lowered:
.L_overlay_start_0:
0x88: {  	s2 =	sld [smem:$0x3FD9]  }
0x89: {  	s3 =	sld [smem:$0x3FFE];
	_ =	sdelay $0x1  }
0x8a: {  	s1 =	srdreg.scid  }
0x8b: {  	s0 =	sand.u32 $0x1, s1  }
0x8c: {  	s17 =	sshll.u32 s0, $0xA;
	s2 =	sadd.s32 s3, s2  }
0x8d: {  	s2 =	sadd.s32 s2, s17  }
0x8e: {  	[smem:$0x3FC1] =	sst s2  }
0x8f: {  	_ = 	snop  }
0x90: {  	s2 =	sld [smem:$0x3FD0];
	(tm) =	ssettm $0x1  }
0x91: {  	s18 =	sld [smem:$0x3FFB];
	_ =	sdelay $0x3  }
0x92: {  	_ =	strace s18  }
0x93: {  	s3 =	sld [smem:$0x3FFC];
	_ =	sdelay $0x3  }
0x94: {  	_ =	strace s3  }
0x95: {  	s3 =	sld [smem:$0x3FFD];
	_ =	sdelay $0x3  }
0x96: {  	_ =	strace s3  }
0x97: {  	_ =	strace $0x8FFFFFFF  }
0x98: {  	s19 =	sld [smem:$0x3FDB];
	_ =	sdelay $0x1  }
0x99: {  	s4 =	simm.s32 $_scs_section_size  }
0x9a: {  	s5 =	simm.s32 $_size__tile_overlayer_lowered;
	s6 =	simm.s32 $_tile_overlayer_lowered  }
0x9b: {  	s22 =	simm.s32 $0x1BFF;
	s21 =	sshll.u32 s6, $0x1;
	s3 =	sadd.s32 s4, s19  }
0x9c: {  	s7 =	simm.s32 $0x0;
	s20 =	sshll.u32 s5, $0x1;
	s5 =	sadd.s32 s21, s3  }
0x9d: {  	[timem:s7], [sflag:s22] =	dma.local [hbm:s5], s20  }
0x9e: {  	_ =	swait.ge [sflag:s22], s20  }
0x9f: {  	s4 =	ssub.s32 $0x0, s20;
	[sflag:s22] =	ssyncset.done $0x0  }
0xa0: {  	[sflag:s22] =	ssyncadd.s32 s4;
	_ =	sdelay $0x1  }
0xa1: {  	s23 =	simm.s32 $0x1B8B  }
0xa2: {  	_ =	swait.ge [sflag:s23], $0x1  }
0xa3: {  	[sflag:s23] =	ssyncset.done $0x0  }
0xa4: {  	s25 =	simm.s32 $0x1B8E;
	s24 =	sld [smem:$0x3FFE];
	[sflag:s23] =	ssyncadd.s32 $0xFFFFFFFF  }
0xa5: {  	s26 =	simm.s32 $execute0_lowered;
	[smem:$0x3FD2] =	sst s25  }
0xa6: {  	s5 =	sshll.u32 s26, $0x1;
	_ =	strace $0x8000004C;
	[dreg:$0x1] =	wrdreg $0xFFFFFFFF  }
0xa7: {  	s28 =	simm.s32 $_size_execute0_lowered;
	s3 =	sadd.s32 s3, s5;
	[dreg:$0x0] =	wrdreg $0x0  }
0xa8: {  	s5 =	sshll.u32 s28, $0x1;
	[dreg:$0x2] =	wrdreg s3  }
0xa9: {  	[dreg:$0x3] =	wrdreg s5  }
0xaa: {  	[dreg:$0x4] =	wrdreg $0xC0  }
0xab: {  	_ =	task [dreg:s7], $0x5FFFF  }
0xac: {  	[dreg:$0x1] =	wrdreg $0xFFFFFFFF  }
0xad: {  	[dreg:$0x0] =	wrdreg $0x60  }
0xae: {  	[dreg:$0x2] =	wrdreg s2  }
0xaf: {  	[dreg:$0x3] =	wrdreg s24  }
0xb0: {  	[dreg:$0x4] =	wrdreg $0x0  }
0xb1: {  	[dreg:$0x5] =	wrdreg $0xC8000  }
0xb2: {  	[dreg:$0x6] =	wrdreg $0x9  }
0xb3: {  	_ =	task.clear_ibuf [dreg:s7], $0x7FFFF;
	_ =	strace $0x9000004C  }
0xb4: {  	s29 =	simm.s32 $0x9;
	_ =	strace $0x8000004E  }
0xb5: {  	_ =	swait.ge [sflag:s29], $0x1  }
0xb6: {  	[sflag:s29] =	ssyncadd.s32 $0xFFFFFFFF  }
0xb7: {  	_ =	strace $0x9000004E  }
0xb8: {  	_ =	sfence  }
0xb9: {  	s30 =	sld [smem:$0x0];
	_ =	sdelay $0x2  }
0xba: {  	s31 =	sshll.u32 s1, $0xD;
	s1 =	sshrl.u32 s1, $0x2  }
0xbb: {  	s3 =	sand.u32 $0x4000, s31;
	s1 =	sadd.s32 s1, s30  }
0xbc: {  	s0 =	sor.u32 s3, s0;
	s1 =	sshll.u32 s1, $0x11  }
0xbd: {  	s0 =	sor.u32 s1, s0  }
0xbe: {  	s0 =	sadd.s32 $0x8F2B, s0  }
0xbf: {  	[sflag:s0] =	ssyncadd.remote.s32 $0x1  }
0xc0: {  	_ =	sfence.sel $0xFFFF  }
0xc1: {  	[dreg:$0x0] =	wrdreg $0xFFFFFFFF;
	(pc) =	sbr.abs _section_cstart, $3  }
0xc2: {  	[dreg:$0x1] =	wrdreg $0xFFFFFFFF  }
0xc3: {  	_ =	task.clear_ibuf [dreg:s7], $0x2FFFF;
	_ =	strace $0x9FFFFFFF  }
0xc4: {  	(tm) =	ssettm $0x7FFFFFFF  }
0xc5: {  	_ =	shalt  }
tec
execute0_lowered:
.L_overlay_start_1:
0x0: {  	(tag) =	ssettag $0x1  }
0x1: {  	s1 =	rddreg [dreg:$0x0]  }
0x2: {  	s0 =	rddreg [dreg:$0x1]  }
0x3: {  	s2 =	rddreg [dreg:$0x2]  }
0x4: {  	s3 =	rddreg [dreg:$0x3]  }
0x5: {  	s4 =	simm.s32 $0x0;
	s5 =	srdreg.scid;
	s14 =	stileid.u32  }
0x6: {  	s29 =	simm.s32 $0x19200;
	s30 =	simm.s32 $0xA;
	s9 =	smul.u32 $0x4C0, s14  }
0x7: {  	s31 =	simm.s32 $0x3;
	[smem:$0x7FF] =	sst s4;
	s26 =	smul.u32 $0xC800, s14  }
0x8: {  	s5 =	sand.u32 $0x1, s5;
	s8 =	sadd.s32 $0xBE00, s0;
	s28 =	smul.u32 $0x540, s14  }
0x9: {  	s10 =	sadd.s32 $0x1E00, s0;
	s0 =	sadd.s32 $0x15E00, s0;
	s17 =	smul.u32 $0x2A00, s14  }
0xa: {  	s14 =	smul.u32 $0x32000, s14;
	_ =	strace $0x8000004D;
	s6 =	ssub.s32 $0x2, s5  }
0xb: {  	[dreg:$0x5] =	wrdreg s0;
	p0 =	seq.s32 s5, $0x1;
	s7 =	sshrl.u32 s6, $0x1  }
0xc: {  	s25 =	sor.u32 $0x10, s9;
	s15 =	sshrl.u32 s26, $0x3;
	s12 =	sadd.s32 s26, s2  }
0xd: {  	s13 =	sadd.s32 $0x4C00, s28;
	s20 =	sshrl.u32 s14, $0x2;
	s14 =	simm.s32 $0x80  }
0xe: {  	s24 =	ssub.s32 s6, s7;
	s11 =	sadd.s32 s8, s25;
	[dreg:$0x8] =	wrdreg s15  }
0xf: {  	s7 =	sadd.s32 s8, s9;
	s5 =	sadd.s32 s10, s25;
	[dreg:$0x6] =	wrdreg s11  }
0x10: {  	s9 =	sadd.s32 s10, s9;
	s16 =	sadd.s32 s1, s15;
	[dreg:$0x7] =	wrdreg s5  }
0x11: {  	s6 =	sadd.s32 s26, s3;
	s18 =	sadd.s32 s8, s13;
	[dreg:$0x9] =	wrdreg s16  }
0x12: {  	s13 =	sadd.s32 s10, s13;
	s21 =	sadd.s32 $0x19000, s15;
	[dreg:$0xa] =	wrdreg s18  }
0x13: {  	s25 =	sshrl.u32 s12, $0x3;
	s12 =	simm.s32 $0x19180;
	[dreg:$0xc] =	wrdreg s13  }
0x14: {  	s15 =	simm.s32 $0x6;
	s5 =	sshrl.u32 s17, $0x3;
	[dreg:$0xe] =	wrdreg s21  }
0x15: {  	s18 =	sadd.s32 s20, s2;
	s0 =	smax.u32 s24, $0x1;
	s21 =	sadd.s32 s28, s8  }
0x16: {  	s24 =	sshrl.u32 s6, $0x3;
	[dreg:$0x13] =	wrdreg s25;
	s13 =	simm.s32 $0x5  }
0x17: {  	s16 =	simm.s32 $0x1BA00;
	s17 =	simm.s32 $0x1;
	s11 =	simm.s32 $0x8  }
0x18: {  	s6 =	simm.s32 $0x4;
	s5 =	sadd.s32 $0x4C10, s5;
	[dreg:$0xf] =	wrdreg s0  }
0x19: {  	s22 =	sadd.s32 $0x2800, s18;
	s23 =	sadd.s32 $0x5000, s18;
	[dreg:$0x12] =	wrdreg s24  }
0x1a: {  	s26 =	sadd.s32 $0x7800, s18;
	s0 =	simm.s32 $0x19000;
	[dreg:$0x10] =	wrdreg s22  }
.Ltmp0:
0x1b: {  	s24 =	simm.s32 $0x7;
	[dreg:$0x11] =	wrdreg s23;
	(pc) =	sbr.rel .LBB2_1-.Ltmp0, $4  }
0x1c: {  	s19 =	sadd.s32 s8, s5;
	s5 =	sadd.s32 s10, s5;
	[dreg:$0x14] =	wrdreg s26  }
0x1d: {  	s22 =	sadd.s32 s28, s10;
	s28 =	sadd.s32 $0xA000, s18;
	[dreg:$0xb] =	wrdreg s19  }
0x1e: {  	s8 =	simm.s32 $0x19080;
	s10 =	simm.s32 $0x19100;
	[dreg:$0xd] =	wrdreg s5  }
0x1f: {  	v0 =	vimm.f32 $0.0e+00;
	[dreg:$0x15] =	wrdreg s28;
	s5 =	simm.s32 $0x2;
	s19 =	simm.s32 $0x0  }
.LBB2_11:
0x20: {  	[tilespmem:s16], [sflag:$0x2] =	stream.indirect.gather [spmem:s3], $0x50, s8, s14, $0xb8;
	[tilespmem:$0x1E200] =	vst v63  }
0x21: {  	s23 =	rddreg [dreg:$0xe]  }
.LBB2_12:
0x22: {  	_ =	swait.ge [sflag:s17], $0x2800  }
0x23: {  	[sflag:s17] =	ssyncset.done $0x0  }
0x24: {  	[sflag:s17] =	ssyncadd.s32 $0xFFFFD800  }
0x25: {  	_ =	swait.ge [sflag:s24], $0x80  }
0x26: {  	[sflag:s24] =	ssyncset.done $0x0  }
0x27: {  	[sflag:s24] =	ssyncadd.s32 $0xFFFFFF80  }
0x28: {  	[spmem:s2] =	stream.indirect.scatter.add.f32 [tilespmem:s29], [sflag:$0x3], $0x50, s10, s14, $0xb8;
	[tilespmem:$0x1E200] =	vst v63  }
0x29: {  	_ =	swait.ge [sflag:s5], $0x2800  }
0x2a: {  	[sflag:s5] =	ssyncset.done $0x0  }
0x2b: {  	[sflag:s5] =	ssyncadd.s32 $0xFFFFD800  }
0x2c: {  	_ =	swait.ge [sflag:s11], $0x80  }
0x2d: {  	[sflag:s11] =	ssyncset.done $0x0  }
0x2e: {  	[sflag:s11] =	ssyncadd.s32 $0xFFFFFF80  }
0x2f: {  	[spmem:s2] =	stream.indirect.scatter.add.f32 [tilespmem:s16], [sflag:$0x4], $0x50, s12, s14, $0xb8;
	[tilespmem:$0x1E200] =	vst v63  }
0x30: {  	_ =	swait.ge [sflag:s31], $0x2800  }
0x31: {  	[sflag:s31] =	ssyncset.done $0x0  }
0x32: {  	[sflag:s31] =	ssyncadd.s32 $0xFFFFD800  }
0x33: {  	_ =	swait.ge [sflag:s6], $0x2800  }
0x34: {  	[sflag:s6] =	ssyncset.done $0x0  }
0x35: {  	[sflag:s6] =	ssyncadd.s32 $0xFFFFD800  }
0x36: {  	s25 =	rddreg [dreg:$0x5];
	[bflag:$0x0] =	sbarrier.arrive $0xFFFF  }
0x37: {  	s20 =	sor.u32 $0x1C0A, s20;
	s23 =	sadd.s32 s25, s23;
	s26 =	rddreg [dreg:$0x13]  }
0x38: {  	[hbm:s23], [sflag:s20] =	dma.local [spmem:s26], $0x1900  }
0x39: {  	_ =	swait.ge [sflag:s30], $0x1900  }
0x3a: {  	s19 =	sadd.s32 $0x1, s19;
	s28 =	rddreg [dreg:$0xf]  }
0x3b: {  	p1 =	sne.s32 s19, s28  }
.Ltmp1:
0x3c: {  	_ = 	snop;
	(pc) =	sbr.rel @!p1 .LBB2_13-.Ltmp1, $3  }
0x3d: {  	_ =	sdelay $0x1  }
0x3e: {  	[sflag:s30] =	ssyncset.done $0x0  }
0x3f: {  	[sflag:s30] =	ssyncadd.s32 $0xFFFFE700  }
.LBB2_1:
.Ltmp2:
0x40: {  	(pc) =	sbr.rel @!p0 .LBB2_2-.Ltmp2, $3  }
0x41: {  	_ =	sdelay $0x1  }
0x42: {  	s20 =	stileid.u32  }
0x43: {  	s20 =	sshll.u32 s20, $0x6  }
0x44: {  	s25 =	rddreg [dreg:$0x9]  }
0x45: {  	s23 =	sor.u32 $0x1C09, s20;
	s26 =	rddreg [dreg:$0x12]  }
0x46: {  	[spmem:s26], [sflag:s23] =	dma.local [hbm:s25], $0x1900  }
0x47: {  	s25 =	simm.s32 $0x240;
	s23 =	simm.s32 $0x40  }
.LBB2_8:
0x48: {  	p1 =	seq.s32 s25, $0x9FC0;
	[tilespmem:s23+$0x19200] =	vst v0;
	s26 =	smov.u32 s25;
	s25 =	sadd.s32 $0x140, s25  }
.Ltmp3:
0x49: {  	[tilespmem:s23+$0x191F0] =	vst v0;
	(pc) =	sbr.rel @!p1 .LBB2_8-.Ltmp3, $4  }
0x4a: {  	[tilespmem:s23+$0x191E0] =	vst v0  }
0x4b: {  	[tilespmem:s23+$0x191C0] =	vst v0  }
0x4c: {  	[tilespmem:s23+$0x191D0] =	vst v0  }
0x4d: {  	s23 =	sshra.s32 s26, $0x2  }
0x4e: {  	[tilespmem:s23+$0x19200] =	vst v0  }
0x4f: {  	[tilespmem:s23+$0x191F0] =	vst v0  }
0x50: {  	[tilespmem:s23+$0x191E0] =	vst v0  }
0x51: {  	[tilespmem:s23+$0x191C0] =	vst v0  }
0x52: {  	[tilespmem:s23+$0x191D0] =	vst v0  }
0x53: {  	[spmem:s18] =	stream.linear.scatter [tilespmem:s29], [sflag:$0xA], $0x2800, $0x38;
	[tilespmem:$0x1E200] =	vst v63  }
0x54: {  	_ =	swait.ge [sflag:s30], $0x2800  }
0x55: {  	[sflag:s30] =	ssyncset.done $0x0  }
0x56: {  	s28 =	rddreg [dreg:$0x10];
	[sflag:s30] =	ssyncadd.s32 $0xFFFFD800  }
0x57: {  	[spmem:s28] =	stream.linear.scatter [tilespmem:s29], [sflag:$0xA], $0x2800, $0x38;
	[tilespmem:$0x1E200] =	vst v63  }
0x58: {  	_ =	swait.ge [sflag:s30], $0x2800  }
0x59: {  	[sflag:s30] =	ssyncset.done $0x0  }
0x5a: {  	s25 =	rddreg [dreg:$0x11];
	[sflag:s30] =	ssyncadd.s32 $0xFFFFD800  }
0x5b: {  	[spmem:s25] =	stream.linear.scatter [tilespmem:s29], [sflag:$0xA], $0x2800, $0x38;
	[tilespmem:$0x1E200] =	vst v63  }
0x5c: {  	_ =	swait.ge [sflag:s30], $0x2800  }
0x5d: {  	[sflag:s30] =	ssyncset.done $0x0  }
0x5e: {  	s26 =	rddreg [dreg:$0x14];
	[sflag:s30] =	ssyncadd.s32 $0xFFFFD800  }
0x5f: {  	[spmem:s26] =	stream.linear.scatter [tilespmem:s29], [sflag:$0xA], $0x2800, $0x38;
	[tilespmem:$0x1E200] =	vst v63  }
0x60: {  	_ =	swait.ge [sflag:s30], $0x2800  }
0x61: {  	[sflag:s30] =	ssyncset.done $0x0  }
0x62: {  	s28 =	rddreg [dreg:$0x15];
	[sflag:s30] =	ssyncadd.s32 $0xFFFFD800  }
0x63: {  	[spmem:s28] =	stream.linear.scatter [tilespmem:s29], [sflag:$0xA], $0x2800, $0x38;
	[tilespmem:$0x1E200] =	vst v63  }
0x64: {  	_ =	swait.ge [sflag:s30], $0x2800  }
0x65: {  	[sflag:s30] =	ssyncset.done $0x0  }
0x66: {  	s25 =	simm.s32 $0x9;
	[sflag:s30] =	ssyncadd.s32 $0xFFFFD800  }
0x67: {  	_ =	swait.ge [sflag:s25], $0x1900  }
0x68: {  	[sflag:s25] =	ssyncset.done $0x0  }
0x69: {  	[sflag:s25] =	ssyncadd.s32 $0xFFFFE700  }
0x6a: {  	[bflag:$0x0] =	sbarrier.arrive $0xFFFF  }
0x6b: {  	s26 =	rddreg [dreg:$0xa]  }
0x6c: {  	[tilespmem:s0], [sflag:$0x5] =	stream.linear.gather [hbm4b:s26+s4], $0x80, $0x38;
	[tilespmem:$0x1E200] =	vst v63  }
0x6d: {  	s28 =	rddreg [dreg:$0xb]  }
0x6e: {  	[tilespmem:s8], [sflag:$0x6] =	stream.linear.gather [hbm4b:s28+s4], $0x80, $0x38;
	[tilespmem:$0x1E200] =	vst v63  }
0x6f: {  	s25 =	rddreg [dreg:$0xc]  }
0x70: {  	[tilespmem:s10], [sflag:$0x7] =	stream.linear.gather [hbm4b:s25+s4], $0x80, $0x38;
	[tilespmem:$0x1E200] =	vst v63  }
0x71: {  	s26 =	rddreg [dreg:$0xd]  }
0x72: {  	[tilespmem:s12], [sflag:$0x8] =	stream.linear.gather [hbm4b:s26+s4], $0x80, $0x38;
	[tilespmem:$0x1E200] =	vst v63  }
0x73: {  	_ =	swait.ge [sflag:s13], $0x80  }
0x74: {  	[sflag:s13] =	ssyncset.done $0x0  }
0x75: {  	[sflag:s13] =	ssyncadd.s32 $0xFFFFFF80  }
0x76: {  	[tilespmem:s29], [sflag:$0x1] =	stream.indirect.gather [spmem:s3], $0x50, s0, s14, $0xb8;
	[tilespmem:$0x1E200] =	vst v63  }
0x77: {  	_ =	swait.ge [sflag:s15], $0x80  }
0x78: {  	[sflag:s15] =	ssyncset.done $0x0  }
0x79: {  	[sflag:s15] =	ssyncadd.s32 $0xFFFFFF80  }
0x7a: {  	[tilespmem:s16], [sflag:$0x2] =	stream.indirect.gather [spmem:s3], $0x50, s8, s14, $0xb8;
	[tilespmem:$0x1E200] =	vst v63  }
0x7b: {  	_ =	swait.ge [sflag:s17], $0x2800  }
0x7c: {  	[sflag:s17] =	ssyncset.done $0x0  }
0x7d: {  	[sflag:s17] =	ssyncadd.s32 $0xFFFFD800  }
0x7e: {  	_ =	swait.ge [sflag:s24], $0x80  }
0x7f: {  	[sflag:s24] =	ssyncset.done $0x0  }
0x80: {  	s28 =	sadd.s32 $0xFFFFFAE0, s21;
	[sflag:s24] =	ssyncadd.s32 $0xFFFFFF80  }
0x81: {  	[spmem:s2] =	stream.indirect.scatter.add.f32 [tilespmem:s29], [sflag:$0x3], $0x50, s10, s14, $0xb8;
	[tilespmem:$0x1E200] =	vst v63  }
0x82: {  	s25 =	sadd.s32 $0x5140, s28  }
0x83: {  	[tilespmem:s0], [sflag:$0x5] =	stream.linear.gather [hbm4b:s25+s4], $0x80, $0x38;
	[tilespmem:$0x1E200] =	vst v63  }
0x84: {  	_ =	swait.ge [sflag:s5], $0x2800  }
0x85: {  	[sflag:s5] =	ssyncset.done $0x0  }
0x86: {  	[sflag:s5] =	ssyncadd.s32 $0xFFFFD800  }
0x87: {  	_ =	swait.ge [sflag:s11], $0x80  }
0x88: {  	[sflag:s11] =	ssyncset.done $0x0  }
0x89: {  	[sflag:s11] =	ssyncadd.s32 $0xFFFFFF80  }
0x8a: {  	[spmem:s2] =	stream.indirect.scatter.add.f32 [tilespmem:s16], [sflag:$0x4], $0x50, s12, s14, $0xb8;
	[tilespmem:$0x1E200] =	vst v63  }
0x8b: {  	s23 =	sadd.s32 $0x5150, s28  }
0x8c: {  	[tilespmem:s8], [sflag:$0x6] =	stream.linear.gather [hbm4b:s23+s4], $0x80, $0x38;
	[tilespmem:$0x1E200] =	vst v63  }
0x8d: {  	_ =	swait.ge [sflag:s31], $0x2800  }
0x8e: {  	s26 =	sadd.s32 $0xFFFFFAE0, s22;
	[sflag:s31] =	ssyncset.done $0x0  }
0x8f: {  	s28 =	sadd.s32 $0x5140, s26;
	[sflag:s31] =	ssyncadd.s32 $0xFFFFD800  }
0x90: {  	[tilespmem:s10], [sflag:$0x7] =	stream.linear.gather [hbm4b:s28+s4], $0x80, $0x38;
	[tilespmem:$0x1E200] =	vst v63  }
0x91: {  	_ =	swait.ge [sflag:s13], $0x80  }
0x92: {  	[sflag:s13] =	ssyncset.done $0x0  }
0x93: {  	[sflag:s13] =	ssyncadd.s32 $0xFFFFFF80  }
0x94: {  	[tilespmem:s29], [sflag:$0x1] =	stream.indirect.gather [spmem:s3], $0x50, s0, s14, $0xb8;
	[tilespmem:$0x1E200] =	vst v63  }
0x95: {  	_ =	swait.ge [sflag:s6], $0x2800  }
0x96: {  	[sflag:s6] =	ssyncset.done $0x0  }
0x97: {  	s23 =	sadd.s32 $0x5150, s26;
	[sflag:s6] =	ssyncadd.s32 $0xFFFFD800  }
0x98: {  	[tilespmem:s12], [sflag:$0x8] =	stream.linear.gather [hbm4b:s23+s4], $0x80, $0x38;
	[tilespmem:$0x1E200] =	vst v63  }
0x99: {  	_ =	swait.ge [sflag:s15], $0x80  }
0x9a: {  	[sflag:s15] =	ssyncset.done $0x0  }
0x9b: {  	s23 =	simm.s32 $0xFFFFFB00;
	[sflag:s15] =	ssyncadd.s32 $0xFFFFFF80  }
.LBB2_10:
0x9c: {  	[tilespmem:s16], [sflag:$0x2] =	stream.indirect.gather [spmem:s3], $0x50, s8, s14, $0xb8;
	[tilespmem:$0x1E200] =	vst v63  }
0x9d: {  	s25 =	smov.u32 s23  }
0x9e: {  	p1 =	sne.s32 s23, $0xFFFFFFE0;
	s23 =	sadd.s32 $0x20, s23;
	_ =	swait.ge [sflag:s17], $0x2800  }
0x9f: {  	[sflag:s17] =	ssyncset.done $0x0  }
0xa0: {  	[sflag:s17] =	ssyncadd.s32 $0xFFFFD800  }
0xa1: {  	_ =	swait.ge [sflag:s24], $0x80  }
0xa2: {  	[sflag:s24] =	ssyncset.done $0x0  }
0xa3: {  	s26 =	sadd.s32 s25, s21;
	[sflag:s24] =	ssyncadd.s32 $0xFFFFFF80  }
0xa4: {  	[spmem:s2] =	stream.indirect.scatter.add.f32 [tilespmem:s29], [sflag:$0x3], $0x50, s10, s14, $0xb8;
	[tilespmem:$0x1E200] =	vst v63  }
0xa5: {  	s28 =	sadd.s32 $0x5140, s26  }
0xa6: {  	[tilespmem:s0], [sflag:$0x5] =	stream.linear.gather [hbm4b:s28+s4], $0x80, $0x38;
	[tilespmem:$0x1E200] =	vst v63  }
0xa7: {  	_ =	swait.ge [sflag:s5], $0x2800  }
0xa8: {  	[sflag:s5] =	ssyncset.done $0x0  }
0xa9: {  	[sflag:s5] =	ssyncadd.s32 $0xFFFFD800  }
0xaa: {  	_ =	swait.ge [sflag:s11], $0x80  }
0xab: {  	[sflag:s11] =	ssyncset.done $0x0  }
0xac: {  	[sflag:s11] =	ssyncadd.s32 $0xFFFFFF80  }
0xad: {  	[spmem:s2] =	stream.indirect.scatter.add.f32 [tilespmem:s16], [sflag:$0x4], $0x50, s12, s14, $0xb8;
	[tilespmem:$0x1E200] =	vst v63  }
0xae: {  	s26 =	sadd.s32 $0x5150, s26  }
0xaf: {  	[tilespmem:s8], [sflag:$0x6] =	stream.linear.gather [hbm4b:s26+s4], $0x80, $0x38;
	[tilespmem:$0x1E200] =	vst v63  }
0xb0: {  	_ =	swait.ge [sflag:s31], $0x2800  }
0xb1: {  	s25 =	sadd.s32 s25, s22;
	[sflag:s31] =	ssyncset.done $0x0  }
0xb2: {  	s26 =	sadd.s32 $0x5140, s25;
	[sflag:s31] =	ssyncadd.s32 $0xFFFFD800  }
0xb3: {  	[tilespmem:s10], [sflag:$0x7] =	stream.linear.gather [hbm4b:s26+s4], $0x80, $0x38;
	[tilespmem:$0x1E200] =	vst v63  }
0xb4: {  	_ =	swait.ge [sflag:s13], $0x80  }
0xb5: {  	[sflag:s13] =	ssyncset.done $0x0  }
0xb6: {  	[sflag:s13] =	ssyncadd.s32 $0xFFFFFF80  }
0xb7: {  	[tilespmem:s29], [sflag:$0x1] =	stream.indirect.gather [spmem:s3], $0x50, s0, s14, $0xb8;
	[tilespmem:$0x1E200] =	vst v63  }
0xb8: {  	_ =	swait.ge [sflag:s6], $0x2800  }
0xb9: {  	[sflag:s6] =	ssyncset.done $0x0  }
.Ltmp4:
0xba: {  	s25 =	sadd.s32 $0x5150, s25;
	[sflag:s6] =	ssyncadd.s32 $0xFFFFD800;
	(pc) =	sbr.rel @p1 .LBB2_10-.Ltmp4, $4  }
0xbb: {  	[tilespmem:s12], [sflag:$0x8] =	stream.linear.gather [hbm4b:s25+s4], $0x80, $0x38;
	[tilespmem:$0x1E200] =	vst v63  }
0xbc: {  	_ =	swait.ge [sflag:s15], $0x80  }
0xbd: {  	[sflag:s15] =	ssyncset.done $0x0  }
0xbe: {  	[sflag:s15] =	ssyncadd.s32 $0xFFFFFF80  }
.Ltmp5:
0xbf: {  	_ = 	snop;
	(pc) =	sbr.rel .LBB2_11-.Ltmp5, $1  }
0xc0: {  	_ =	sdelay $0x3  }
.LBB2_2:
0xc1: {  	s25 =	simm.s32 $0x240;
	s23 =	simm.s32 $0x40  }
.LBB2_3:
0xc2: {  	p1 =	seq.s32 s25, $0x9FC0;
	[tilespmem:s23+$0x19200] =	vst v0;
	s26 =	smov.u32 s25;
	s25 =	sadd.s32 $0x140, s25  }
.Ltmp6:
0xc3: {  	[tilespmem:s23+$0x191F0] =	vst v0;
	(pc) =	sbr.rel @!p1 .LBB2_3-.Ltmp6, $4  }
0xc4: {  	[tilespmem:s23+$0x191E0] =	vst v0  }
0xc5: {  	[tilespmem:s23+$0x191C0] =	vst v0  }
0xc6: {  	[tilespmem:s23+$0x191D0] =	vst v0  }
0xc7: {  	s23 =	sshra.s32 s26, $0x2  }
0xc8: {  	[tilespmem:s23+$0x19200] =	vst v0  }
0xc9: {  	[tilespmem:s23+$0x191F0] =	vst v0  }
0xca: {  	[tilespmem:s23+$0x191E0] =	vst v0  }
0xcb: {  	[tilespmem:s23+$0x191C0] =	vst v0  }
0xcc: {  	[tilespmem:s23+$0x191D0] =	vst v0  }
0xcd: {  	[spmem:s18] =	stream.linear.scatter [tilespmem:s29], [sflag:$0xA], $0x2800, $0x38;
	[tilespmem:$0x1E200] =	vst v63  }
0xce: {  	_ =	swait.ge [sflag:s30], $0x2800  }
0xcf: {  	[sflag:s30] =	ssyncset.done $0x0  }
0xd0: {  	s28 =	rddreg [dreg:$0x10];
	[sflag:s30] =	ssyncadd.s32 $0xFFFFD800  }
0xd1: {  	[spmem:s28] =	stream.linear.scatter [tilespmem:s29], [sflag:$0xA], $0x2800, $0x38;
	[tilespmem:$0x1E200] =	vst v63  }
0xd2: {  	_ =	swait.ge [sflag:s30], $0x2800  }
0xd3: {  	[sflag:s30] =	ssyncset.done $0x0  }
0xd4: {  	s25 =	rddreg [dreg:$0x11];
	[sflag:s30] =	ssyncadd.s32 $0xFFFFD800  }
0xd5: {  	[spmem:s25] =	stream.linear.scatter [tilespmem:s29], [sflag:$0xA], $0x2800, $0x38;
	[tilespmem:$0x1E200] =	vst v63  }
0xd6: {  	_ =	swait.ge [sflag:s30], $0x2800  }
0xd7: {  	[sflag:s30] =	ssyncset.done $0x0  }
0xd8: {  	s26 =	rddreg [dreg:$0x14];
	[sflag:s30] =	ssyncadd.s32 $0xFFFFD800  }
0xd9: {  	[spmem:s26] =	stream.linear.scatter [tilespmem:s29], [sflag:$0xA], $0x2800, $0x38;
	[tilespmem:$0x1E200] =	vst v63  }
0xda: {  	_ =	swait.ge [sflag:s30], $0x2800  }
0xdb: {  	[sflag:s30] =	ssyncset.done $0x0  }
0xdc: {  	s28 =	rddreg [dreg:$0x15];
	[sflag:s30] =	ssyncadd.s32 $0xFFFFD800  }
0xdd: {  	[spmem:s28] =	stream.linear.scatter [tilespmem:s29], [sflag:$0xA], $0x2800, $0x38;
	[tilespmem:$0x1E200] =	vst v63  }
0xde: {  	_ =	swait.ge [sflag:s30], $0x2800  }
0xdf: {  	[sflag:s30] =	ssyncset.done $0x0  }
0xe0: {  	[sflag:s30] =	ssyncadd.s32 $0xFFFFD800  }
0xe1: {  	[bflag:$0x0] =	sbarrier.arrive $0xFFFF  }
0xe2: {  	[tilespmem:s0], [sflag:$0x5] =	stream.linear.gather [hbm4b:s7+s4], $0x80, $0x38;
	[tilespmem:$0x1E200] =	vst v63  }
0xe3: {  	s25 =	rddreg [dreg:$0x6]  }
0xe4: {  	[tilespmem:s8], [sflag:$0x6] =	stream.linear.gather [hbm4b:s25+s4], $0x80, $0x38;
	[tilespmem:$0x1E200] =	vst v63  }
0xe5: {  	_ = 	snop  }
0xe6: {  	[tilespmem:s10], [sflag:$0x7] =	stream.linear.gather [hbm4b:s9+s4], $0x80, $0x38;
	[tilespmem:$0x1E200] =	vst v63  }
0xe7: {  	s26 =	rddreg [dreg:$0x7]  }
0xe8: {  	[tilespmem:s12], [sflag:$0x8] =	stream.linear.gather [hbm4b:s26+s4], $0x80, $0x38;
	[tilespmem:$0x1E200] =	vst v63  }
0xe9: {  	_ =	swait.ge [sflag:s13], $0x80  }
0xea: {  	[sflag:s13] =	ssyncset.done $0x0  }
0xeb: {  	[sflag:s13] =	ssyncadd.s32 $0xFFFFFF80  }
0xec: {  	[tilespmem:s29], [sflag:$0x1] =	stream.indirect.gather [hbm4b:s1+s14], $0x50, s0, s14, $0xb8;
	[tilespmem:$0x1E200] =	vst v63  }
0xed: {  	_ =	swait.ge [sflag:s15], $0x80  }
0xee: {  	[sflag:s15] =	ssyncset.done $0x0  }
0xef: {  	[sflag:s15] =	ssyncadd.s32 $0xFFFFFF80  }
0xf0: {  	[tilespmem:s16], [sflag:$0x2] =	stream.indirect.gather [hbm4b:s1+s14], $0x50, s8, s14, $0xb8;
	[tilespmem:$0x1E200] =	vst v63  }
0xf1: {  	_ =	swait.ge [sflag:s17], $0x2800  }
0xf2: {  	[sflag:s17] =	ssyncset.done $0x0  }
0xf3: {  	[sflag:s17] =	ssyncadd.s32 $0xFFFFD800  }
0xf4: {  	_ =	swait.ge [sflag:s24], $0x80  }
0xf5: {  	[sflag:s24] =	ssyncset.done $0x0  }
0xf6: {  	s28 =	sadd.s32 $0xFFFFFB60, s7;
	[sflag:s24] =	ssyncadd.s32 $0xFFFFFF80  }
0xf7: {  	[spmem:s2] =	stream.indirect.scatter.add.f32 [tilespmem:s29], [sflag:$0x3], $0x50, s10, s14, $0xb8;
	[tilespmem:$0x1E200] =	vst v63  }
0xf8: {  	s25 =	sadd.s32 $0x4C0, s28  }
0xf9: {  	[tilespmem:s0], [sflag:$0x5] =	stream.linear.gather [hbm4b:s25+s4], $0x80, $0x38;
	[tilespmem:$0x1E200] =	vst v63  }
0xfa: {  	_ =	swait.ge [sflag:s5], $0x2800  }
0xfb: {  	[sflag:s5] =	ssyncset.done $0x0  }
0xfc: {  	[sflag:s5] =	ssyncadd.s32 $0xFFFFD800  }
0xfd: {  	_ =	swait.ge [sflag:s11], $0x80  }
0xfe: {  	[sflag:s11] =	ssyncset.done $0x0  }
0xff: {  	[sflag:s11] =	ssyncadd.s32 $0xFFFFFF80  }
0x100: {  	[spmem:s2] =	stream.indirect.scatter.add.f32 [tilespmem:s16], [sflag:$0x4], $0x50, s12, s14, $0xb8;
	[tilespmem:$0x1E200] =	vst v63  }
0x101: {  	s23 =	sadd.s32 $0x4D0, s28  }
0x102: {  	[tilespmem:s8], [sflag:$0x6] =	stream.linear.gather [hbm4b:s23+s4], $0x80, $0x38;
	[tilespmem:$0x1E200] =	vst v63  }
0x103: {  	_ =	swait.ge [sflag:s31], $0x2800  }
0x104: {  	s26 =	sadd.s32 $0xFFFFFB60, s9;
	[sflag:s31] =	ssyncset.done $0x0  }
0x105: {  	s28 =	sadd.s32 $0x4C0, s26;
	[sflag:s31] =	ssyncadd.s32 $0xFFFFD800  }
0x106: {  	[tilespmem:s10], [sflag:$0x7] =	stream.linear.gather [hbm4b:s28+s4], $0x80, $0x38;
	[tilespmem:$0x1E200] =	vst v63  }
0x107: {  	_ =	swait.ge [sflag:s13], $0x80  }
0x108: {  	[sflag:s13] =	ssyncset.done $0x0  }
0x109: {  	[sflag:s13] =	ssyncadd.s32 $0xFFFFFF80  }
0x10a: {  	[tilespmem:s29], [sflag:$0x1] =	stream.indirect.gather [hbm4b:s1+s14], $0x50, s0, s14, $0xb8;
	[tilespmem:$0x1E200] =	vst v63  }
0x10b: {  	_ =	swait.ge [sflag:s6], $0x2800  }
0x10c: {  	[sflag:s6] =	ssyncset.done $0x0  }
0x10d: {  	s23 =	sadd.s32 $0x4D0, s26;
	[sflag:s6] =	ssyncadd.s32 $0xFFFFD800  }
0x10e: {  	[tilespmem:s12], [sflag:$0x8] =	stream.linear.gather [hbm4b:s23+s4], $0x80, $0x38;
	[tilespmem:$0x1E200] =	vst v63  }
0x10f: {  	_ =	swait.ge [sflag:s15], $0x80  }
0x110: {  	[sflag:s15] =	ssyncset.done $0x0  }
0x111: {  	s23 =	simm.s32 $0xFFFFFB80;
	[sflag:s15] =	ssyncadd.s32 $0xFFFFFF80  }
.LBB2_5:
0x112: {  	[tilespmem:s16], [sflag:$0x2] =	stream.indirect.gather [hbm4b:s1+s14], $0x50, s8, s14, $0xb8;
	[tilespmem:$0x1E200] =	vst v63  }
0x113: {  	s25 =	smov.u32 s23  }
0x114: {  	p1 =	seq.s32 s23, $0xFFFFFFE0;
	s23 =	sadd.s32 $0x20, s23;
	_ =	swait.ge [sflag:s17], $0x2800  }
0x115: {  	[sflag:s17] =	ssyncset.done $0x0  }
0x116: {  	[sflag:s17] =	ssyncadd.s32 $0xFFFFD800  }
0x117: {  	_ =	swait.ge [sflag:s24], $0x80  }
0x118: {  	[sflag:s24] =	ssyncset.done $0x0  }
0x119: {  	s26 =	sadd.s32 s25, s7;
	[sflag:s24] =	ssyncadd.s32 $0xFFFFFF80  }
0x11a: {  	[spmem:s2] =	stream.indirect.scatter.add.f32 [tilespmem:s29], [sflag:$0x3], $0x50, s10, s14, $0xb8;
	[tilespmem:$0x1E200] =	vst v63  }
0x11b: {  	s28 =	sadd.s32 $0x4C0, s26  }
0x11c: {  	[tilespmem:s0], [sflag:$0x5] =	stream.linear.gather [hbm4b:s28+s4], $0x80, $0x38;
	[tilespmem:$0x1E200] =	vst v63  }
0x11d: {  	_ =	swait.ge [sflag:s5], $0x2800  }
0x11e: {  	[sflag:s5] =	ssyncset.done $0x0  }
0x11f: {  	[sflag:s5] =	ssyncadd.s32 $0xFFFFD800  }
0x120: {  	_ =	swait.ge [sflag:s11], $0x80  }
0x121: {  	[sflag:s11] =	ssyncset.done $0x0  }
0x122: {  	[sflag:s11] =	ssyncadd.s32 $0xFFFFFF80  }
0x123: {  	[spmem:s2] =	stream.indirect.scatter.add.f32 [tilespmem:s16], [sflag:$0x4], $0x50, s12, s14, $0xb8;
	[tilespmem:$0x1E200] =	vst v63  }
0x124: {  	s26 =	sadd.s32 $0x4D0, s26  }
0x125: {  	[tilespmem:s8], [sflag:$0x6] =	stream.linear.gather [hbm4b:s26+s4], $0x80, $0x38;
	[tilespmem:$0x1E200] =	vst v63  }
0x126: {  	_ =	swait.ge [sflag:s31], $0x2800  }
0x127: {  	s25 =	sadd.s32 s25, s9;
	[sflag:s31] =	ssyncset.done $0x0  }
0x128: {  	s26 =	sadd.s32 $0x4C0, s25;
	[sflag:s31] =	ssyncadd.s32 $0xFFFFD800  }
0x129: {  	[tilespmem:s10], [sflag:$0x7] =	stream.linear.gather [hbm4b:s26+s4], $0x80, $0x38;
	[tilespmem:$0x1E200] =	vst v63  }
0x12a: {  	_ =	swait.ge [sflag:s13], $0x80  }
0x12b: {  	[sflag:s13] =	ssyncset.done $0x0  }
0x12c: {  	[sflag:s13] =	ssyncadd.s32 $0xFFFFFF80  }
0x12d: {  	[tilespmem:s29], [sflag:$0x1] =	stream.indirect.gather [hbm4b:s1+s14], $0x50, s0, s14, $0xb8;
	[tilespmem:$0x1E200] =	vst v63  }
0x12e: {  	_ =	swait.ge [sflag:s6], $0x2800  }
0x12f: {  	[sflag:s6] =	ssyncset.done $0x0  }
.Ltmp7:
0x130: {  	s25 =	sadd.s32 $0x4D0, s25;
	[sflag:s6] =	ssyncadd.s32 $0xFFFFD800;
	(pc) =	sbr.rel @!p1 .LBB2_5-.Ltmp7, $4  }
0x131: {  	[tilespmem:s12], [sflag:$0x8] =	stream.linear.gather [hbm4b:s25+s4], $0x80, $0x38;
	[tilespmem:$0x1E200] =	vst v63  }
0x132: {  	_ =	swait.ge [sflag:s15], $0x80  }
0x133: {  	[sflag:s15] =	ssyncset.done $0x0  }
0x134: {  	[sflag:s15] =	ssyncadd.s32 $0xFFFFFF80  }
.Ltmp8:
0x135: {  	(pc) =	sbr.rel .LBB2_12-.Ltmp8, $3  }
0x136: {  	_ =	sdelay $0x1  }
0x137: {  	[tilespmem:s16], [sflag:$0x2] =	stream.indirect.gather [hbm4b:s1+s14], $0x50, s8, s14, $0xb8;
	[tilespmem:$0x1E200] =	vst v63  }
0x138: {  	s23 =	rddreg [dreg:$0x8]  }
.LBB2_13:
0x139: {  	_ =	sfence.sel $0x180000  }
0x13a: {  	[bflag:$0x0] =	sbarrier.arrive $0xFFFF  }
0x13b: {  	_ =	strace $0x9000004D  }
0x13c: {  	s0 =	stileid.u32;
	[bflag:$0x2] =	sbarrier.arrive $0xFFFF  }
0x13d: {  	p0 =	sne.s32 s0, $0x0;
	s0 =	rddreg [dreg:$0x4]  }
0x13e: {  	s0 =	sadd.s32 @!p0 $0x100000, s0  }
0x13f: {  	[sflag:s0] =	ssyncadd.tile.s32 @!p0 $0x1;
	_ =	shalt  }
.Lfunc_end2:
_tile_overlayer_lowered:
.L_overlay_start_2:
0x140: {  	(tag) =	ssettag $0x2  }
0x141: {  	s0 =	rddreg [dreg:$0x0];
	s2 =	stileid.u32  }
0x142: {  	s1 =	rddreg [dreg:$0x1];
	p0 =	sne.s32 s2, $0x0  }
0x143: {  	s3 =	rddreg [dreg:$0x2];
	[bflag:$0x3] =	sbarrier.arrive $0xFFFF;
	s2 =	simm.s32 @!p0 $0x1C0A  }
0x144: {  	[timem:s3], [sflag:s2] =	dma.local @!p0 [hbm:s0], s1  }
0x145: {  	s0 =	simm.s32 @!p0 $0xA  }
0x146: {  	_ =	swait.ge @!p0 [sflag:s0], s1  }
0x147: {  	s1 =	ssub.s32 @!p0 $0x0, s1;
	[sflag:s0] =	ssyncset.done @!p0 $0x0  }
0x148: {  	[sflag:s0] =	ssyncadd.s32 @!p0 s1  }
0x149: {  	[bflag:$0x3] =	sbarrier.arrive $0xFFFF  }
0x14a: {  	_ =	shalt  }

// kernel: kernel.9.cloned.1.call-start
scs
__scs_entry_jumppad:
0x0: {  	(pc) =	sbr.rel $0x88, $3  }
0x1: {  	(tag) =	ssettag $0x0;
	lr =	simm.s32 $0x1  }
0x2: {  	[smem:$0x3F9A] =	sst lr;
	_ =	strace $0xD0000000  }
0x3: {  	_ = 	snop  }
0x4: {  	_ = 	snop  }
0x5: {  	_ = 	snop  }
0x6: {  	_ = 	snop  }
0x7: {  	_ = 	snop  }
__scs_overlays_trampoline_lowered:
0x8: {  	[smem:$0x3FA9] =	sst s0  }
0x9: {  	[smem:$0x3FAA] =	sst s1  }
0xa: {  	[smem:$0x3FAB] =	sst s2  }
0xb: {  	[smem:$0x3FAC] =	sst s3  }
0xc: {  	[smem:$0x3FAD] =	sst s4  }
0xd: {  	[smem:$0x3FAE] =	sst s5  }
0xe: {  	[smem:$0x3FAF] =	sst s6  }
0xf: {  	[smem:$0x3FB0] =	sst s7  }
0x10: {  	[smem:$0x3FB1] =	sst s8  }
0x11: {  	[smem:$0x3FB2] =	sst s9;
	s0 =	simm.s32 @!p0 $0x0  }
0x12: {  	s1 =	sld [smem:$0x3F98];
	s0 =	simm.s32 @p0 $0x1  }
0x13: {  	[smem:$0x3FB3] =	sst s0;
	s0 =	simm.s32 @!p1 $0x0  }
0x14: {  	s2 =	sld [smem:$0x3F97];
	s0 =	simm.s32 @p1 $0x1  }
0x15: {  	[smem:$0x3FB4] =	sst s0;
	s0 =	simm.s32 @!p2 $0x0  }
0x16: {  	s3 =	sld [smem:$0x3FDB];
	s0 =	simm.s32 @p2 $0x1  }
0x17: {  	s4 =	simm.s32 $0x1BF5;
	[smem:$0x3FB6] =	sst s0  }
0x18: {  	s0 =	sld [smem:$0x3F99];
	_ =	swait.ge [sflag:s4], $0x0  }
0x19: {  	s7 =	sld [smem:$0x3F9A]  }
0x1a: {  	s8 =	sadd.s32 $0xFFFFE003, lr  }
0x1b: {  	s9 =	sadd.s32 $0xFFFFFEF7, lr;
	s5 =	simm.s32 $0xFFFFFFFF;
	p2 =	slt.u32 s8, $0xFFFFF086  }
0x1c: {  	p1 =	slt.u32 s9, $0xF7A;
	s5 =	simm.s32 @!p2 $0x0  }
0x1d: {  	s5 =	simm.s32 @p1 $0x1;
	p0 =	seq.s32 s7, s2  }
0x1e: {  	s7 =	smul.u32 @!p0 $0xF7A, s2;
	p2 =	seq.s32 @!p0 s5, $0x0  }
0x1f: {  	s9 =	smul.u32 $0xF7A, s1;
	s8 =	simm.s32 @!p0 $0x1BF5;
	p2 =	por !p2, p0  }
0x20: {  	[sflag:s8] =	ssyncset.s32 @!p0 $0xFFFFF086;
	s6 =	sadd.s32 @!p0 s3, s7;
	s7 =	simm.s32 @!p0 $0x108  }
0x21: {  	s3 =	sadd.s32 s3, s9;
	s6 =	sadd.s32 @!p0 $0x88, s6;
	s7 =	simm.s32 @p2 $0x1082  }
0x22: {  	[simem:s7], [sflag:s8] =	dma.local @!p0 [hbm:s6], $0xF7A  }
0x23: {  	s9 =	sor.u32 $0xD0000000, s2;
	s6 =	simm.s32 $0x108;
	_ =	swait.ge @!p0 [sflag:s8], $0x0  }
0x24: {  	s3 =	sadd.s32 $0x88, s3;
	s6 =	simm.s32 @!p1 $0x1082;
	[sflag:s4] =	ssyncset.s32 $0xFFFFF086  }
0x25: {  	[simem:s6], [sflag:s4] =	dma.local [hbm:s3], $0xF7A  }
0x26: {  	[smem:$0x3F9A] =	sst s1;
	(tag) =	ssettag s2;
	_ =	strace s9  }
0x27: {  	s1 =	sld [smem:$0x3FAA]  }
0x28: {  	s2 =	sld [smem:$0x3FAB]  }
0x29: {  	s4 =	sld [smem:$0x3FAD]  }
0x2a: {  	p0 =	seq.s32 s5, $0x0;
	s5 =	sld [smem:$0x3FAE]  }
0x2b: {  	s6 =	sld [smem:$0x3FAF]  }
0x2c: {  	s7 =	sld [smem:$0x3FB0]  }
0x2d: {  	s3 =	simm.s32 $0x108;
	s8 =	sld [smem:$0x3FB1]  }
0x2e: {  	s3 =	simm.s32 @!p0 $0x1082;
	s9 =	sld [smem:$0x3FB2]  }
0x2f: {  	lr =	sadd.s32 s0, s3;
	s0 =	sld [smem:$0x3FA9]  }
0x30: {  	s3 =	sld [smem:$0x3FAC]  }
0x31: {  	[smem:$0x3FB5] =	sst s10  }
0x32: {  	s10 =	sld [smem:$0x3FB3];
	_ =	sdelay $0x3  }
0x33: {  	p0 =	seq.s32 s10, $0x1;
	s10 =	sld [smem:$0x3FB5];
	_ =	sdelay $0x3  }
0x34: {  	[smem:$0x3FB5] =	sst s10  }
0x35: {  	s10 =	sld [smem:$0x3FB4];
	_ =	sdelay $0x3  }
0x36: {  	p1 =	seq.s32 s10, $0x1;
	s10 =	sld [smem:$0x3FB5];
	_ =	sdelay $0x3  }
0x37: {  	[smem:$0x3FB5] =	sst s10  }
0x38: {  	s10 =	sld [smem:$0x3FB6]  }
0x39: {  	_ = 	snop;
	(pc) =	sbr.ind lr, $3  }
0x3a: {  	_ = 	snop  }
0x3b: {  	_ = 	snop  }
0x3c: {  	p2 =	seq.s32 s10, $0x1;
	s10 =	sld [smem:$0x3FB5]  }
0x3d: {  	_ =	shalt  }
0x3e: {  	_ =	shalt  }
0x3f: {  	_ =	shalt  }
0x40: {  	_ =	shalt  }
0x41: {  	_ =	shalt  }
0x42: {  	_ =	shalt  }
0x43: {  	_ =	shalt  }
0x44: {  	_ =	shalt  }
0x45: {  	_ =	shalt  }
0x46: {  	_ =	shalt  }
0x47: {  	_ =	shalt  }
0x48: {  	_ =	shalt  }
0x49: {  	_ =	shalt  }
0x4a: {  	_ =	shalt  }
0x4b: {  	_ =	shalt  }
0x4c: {  	_ =	shalt  }
0x4d: {  	_ =	shalt  }
0x4e: {  	_ =	shalt  }
0x4f: {  	_ =	shalt  }
0x50: {  	_ =	shalt  }
0x51: {  	_ =	shalt  }
0x52: {  	_ =	shalt  }
0x53: {  	_ =	shalt  }
0x54: {  	_ =	shalt  }
0x55: {  	_ =	shalt  }
0x56: {  	_ =	shalt  }
0x57: {  	_ =	shalt  }
0x58: {  	_ =	shalt  }
0x59: {  	_ =	shalt  }
0x5a: {  	_ =	shalt  }
0x5b: {  	_ =	shalt  }
0x5c: {  	_ =	shalt  }
0x5d: {  	_ =	shalt  }
0x5e: {  	_ =	shalt  }
0x5f: {  	_ =	shalt  }
0x60: {  	_ =	shalt  }
0x61: {  	_ =	shalt  }
0x62: {  	_ =	shalt  }
0x63: {  	_ =	shalt  }
0x64: {  	_ =	shalt  }
0x65: {  	_ =	shalt  }
0x66: {  	_ =	shalt  }
0x67: {  	_ =	shalt  }
0x68: {  	_ =	shalt  }
0x69: {  	_ =	shalt  }
0x6a: {  	_ =	shalt  }
0x6b: {  	_ =	shalt  }
0x6c: {  	_ =	shalt  }
0x6d: {  	_ =	shalt  }
0x6e: {  	_ =	shalt  }
0x6f: {  	_ =	shalt  }
0x70: {  	_ =	shalt  }
0x71: {  	_ =	shalt  }
0x72: {  	_ =	shalt  }
0x73: {  	_ =	shalt  }
0x74: {  	_ =	shalt  }
0x75: {  	_ =	shalt  }
0x76: {  	_ =	shalt  }
0x77: {  	_ =	shalt  }
0x78: {  	_ =	shalt  }
0x79: {  	_ =	shalt  }
0x7a: {  	_ =	shalt  }
0x7b: {  	_ =	shalt  }
0x7c: {  	_ =	shalt  }
0x7d: {  	_ =	shalt  }
0x7e: {  	_ =	shalt  }
0x7f: {  	_ =	shalt  }
0x80: {  	_ =	shalt  }
0x81: {  	_ =	shalt  }
0x82: {  	_ =	shalt  }
0x83: {  	_ =	shalt  }
0x84: {  	_ =	shalt  }
0x85: {  	_ =	shalt  }
0x86: {  	_ =	shalt  }
0x87: {  	_ =	shalt  }
.Lfunc_end0:
.L_simem_size_0:
called_computation_lowered:
.L_overlay_start_0:
0x88: {  	s2 =	sld [smem:$0x3FD9]  }
0x89: {  	s3 =	sld [smem:$0x3FFE];
	_ =	sdelay $0x1  }
0x8a: {  	s1 =	srdreg.scid  }
0x8b: {  	s0 =	sand.u32 $0x1, s1  }
0x8c: {  	s17 =	sshll.u32 s0, $0xA;
	s2 =	sadd.s32 s3, s2  }
0x8d: {  	s2 =	sadd.s32 s2, s17  }
0x8e: {  	[smem:$0x3FC1] =	sst s2  }
0x8f: {  	_ = 	snop  }
0x90: {  	s2 =	sld [smem:$0x3FD0];
	(tm) =	ssettm $0x1  }
0x91: {  	s18 =	sld [smem:$0x3FFB];
	_ =	sdelay $0x3  }
0x92: {  	_ =	strace s18  }
0x93: {  	s3 =	sld [smem:$0x3FFC];
	_ =	sdelay $0x3  }
0x94: {  	_ =	strace s3  }
0x95: {  	s3 =	sld [smem:$0x3FFD];
	_ =	sdelay $0x3  }
0x96: {  	_ =	strace s3  }
0x97: {  	_ =	strace $0x8FFFFFFF  }
0x98: {  	s19 =	sld [smem:$0x3FDB];
	_ =	sdelay $0x1  }
0x99: {  	s4 =	simm.s32 $_scs_section_size  }
0x9a: {  	s5 =	simm.s32 $_size__tile_overlayer_lowered;
	s6 =	simm.s32 $_tile_overlayer_lowered  }
0x9b: {  	s22 =	simm.s32 $0x1BFF;
	s21 =	sshll.u32 s6, $0x1;
	s3 =	sadd.s32 s4, s19  }
0x9c: {  	s7 =	simm.s32 $0x0;
	s20 =	sshll.u32 s5, $0x1;
	s5 =	sadd.s32 s21, s3  }
0x9d: {  	[timem:s7], [sflag:s22] =	dma.local [hbm:s5], s20  }
0x9e: {  	_ =	swait.ge [sflag:s22], s20  }
0x9f: {  	s4 =	ssub.s32 $0x0, s20;
	[sflag:s22] =	ssyncset.done $0x0  }
0xa0: {  	[sflag:s22] =	ssyncadd.s32 s4;
	_ =	sdelay $0x1  }
0xa1: {  	s23 =	simm.s32 $0x1B8B  }
0xa2: {  	_ =	swait.ge [sflag:s23], $0x1  }
0xa3: {  	[sflag:s23] =	ssyncset.done $0x0  }
0xa4: {  	s25 =	simm.s32 $0x1B8E;
	s24 =	sld [smem:$0x3FFE];
	[sflag:s23] =	ssyncadd.s32 $0xFFFFFFFF  }
0xa5: {  	s26 =	simm.s32 $execute0_lowered;
	[smem:$0x3FD2] =	sst s25  }
0xa6: {  	s5 =	sshll.u32 s26, $0x1;
	_ =	strace $0x80000046;
	[dreg:$0x1] =	wrdreg $0xFFFFFFFF  }
0xa7: {  	s28 =	simm.s32 $_size_execute0_lowered;
	s3 =	sadd.s32 s3, s5;
	[dreg:$0x0] =	wrdreg $0x0  }
0xa8: {  	s5 =	sshll.u32 s28, $0x1;
	[dreg:$0x2] =	wrdreg s3  }
0xa9: {  	[dreg:$0x3] =	wrdreg s5  }
0xaa: {  	[dreg:$0x4] =	wrdreg $0xC0  }
0xab: {  	_ =	task [dreg:s7], $0x5FFFF  }
0xac: {  	[dreg:$0x1] =	wrdreg $0xFFFFFFFF  }
0xad: {  	[dreg:$0x0] =	wrdreg $0x60  }
0xae: {  	[dreg:$0x2] =	wrdreg s24  }
0xaf: {  	[dreg:$0x3] =	wrdreg s2  }
0xb0: {  	[dreg:$0x4] =	wrdreg $0x0  }
0xb1: {  	[dreg:$0x5] =	wrdreg $0x9  }
0xb2: {  	_ =	task.clear_ibuf [dreg:s7], $0x6FFFF;
	_ =	strace $0x90000046  }
0xb3: {  	s29 =	simm.s32 $0x9;
	_ =	strace $0x80000048  }
0xb4: {  	_ =	swait.ge [sflag:s29], $0x1  }
0xb5: {  	[sflag:s29] =	ssyncadd.s32 $0xFFFFFFFF  }
0xb6: {  	_ =	strace $0x90000048  }
0xb7: {  	_ =	sfence  }
0xb8: {  	s30 =	sld [smem:$0x0];
	_ =	sdelay $0x2  }
0xb9: {  	s31 =	sshll.u32 s1, $0xD;
	s1 =	sshrl.u32 s1, $0x2  }
0xba: {  	s3 =	sand.u32 $0x4000, s31;
	s1 =	sadd.s32 s1, s30  }
0xbb: {  	s0 =	sor.u32 s3, s0;
	s1 =	sshll.u32 s1, $0x11  }
0xbc: {  	s0 =	sor.u32 s1, s0  }
0xbd: {  	s0 =	sadd.s32 $0x8F2B, s0  }
0xbe: {  	[sflag:s0] =	ssyncadd.remote.s32 $0x1  }
0xbf: {  	_ =	sfence.sel $0xFFFF  }
0xc0: {  	[dreg:$0x0] =	wrdreg $0xFFFFFFFF;
	(pc) =	sbr.abs _section_cstart, $3  }
0xc1: {  	[dreg:$0x1] =	wrdreg $0xFFFFFFFF  }
0xc2: {  	_ =	task.clear_ibuf [dreg:s7], $0x2FFFF;
	_ =	strace $0x9FFFFFFF  }
0xc3: {  	(tm) =	ssettm $0x7FFFFFFF  }
tec
execute0_lowered:
.L_overlay_start_1:
0x0: {  	(tag) =	ssettag $0x1  }
0x1: {  	s5 =	rddreg [dreg:$0x0]  }
0x2: {  	s1 =	rddreg [dreg:$0x1]  }
0x3: {  	s2 =	rddreg [dreg:$0x2]  }
0x4: {  	s3 =	srdreg.scid;
	s0 =	rddreg [dreg:$0x3]  }
0x5: {  	s4 =	simm.s32 $0x0;
	s15 =	simm.s32 $0x2800;
	s16 =	simm.s32 $0x5800  }
0x6: {  	s17 =	simm.s32 $0x2;
	s18 =	simm.s32 $0x1;
	s19 =	simm.s32 $0x80  }
0x7: {  	s6 =	sand.u32 $0x1, s3;
	[smem:$0x7FF] =	sst s4;
	s3 =	stileid.u32  }
0x8: {  	s10 =	sadd.s32 $0x1E00, s5;
	s7 =	ssub.s32 $0x2, s6;
	s9 =	smul.u32 $0x600, s3  }
0x9: {  	_ =	strace $0x80000047;
	s30 =	smul.u32 $0xA000, s3;
	p0 =	seq.s32 s6, $0x1  }
0xa: {  	s5 =	smul.u32 $0x2800, s3;
	s31 =	sshll.u32 s3, $0xA;
	s8 =	sshrl.u32 s7, $0x1  }
.Ltmp0:
0xb: {  	s11 =	ssub.s32 s7, s8;
	s6 =	sadd.s32 s10, s9;
	(pc) =	sbr.rel .LBB2_1-.Ltmp0, $4  }
0xc: {  	s7 =	sshrl.u32 s30, $0x2;
	s8 =	sadd.s32 s31, s10;
	s20 =	sadd.s32 s5, s2  }
0xd: {  	s9 =	sadd.s32 $0x28000, s5;
	s7 =	sadd.s32 s7, s2;
	s8 =	sadd.s32 $0x6000, s8  }
0xe: {  	s10 =	smax.u32 s11, $0x1;
	s20 =	sshrl.u32 s20, $0x3;
	s11 =	sadd.s32 $0x800, s7  }
0xf: {  	v0 =	vimm.f32 $0.0e+00;
	v1 =	vimm.f32 $1.000000000e+00;
	s12 =	sadd.s32 $0x1000, s7;
	s13 =	sadd.s32 $0x1800, s7;
	s14 =	sadd.s32 $0x2000, s7  }
.LBB2_13:
0x10: {  	s21 =	sadd.s32 $0x2800, s23;
	[sflag:s18] =	ssyncadd.s32 $0xFFFFF800  }
0x11: {  	[spmem:s2] =	stream.indirect.scatter.add.f32 [tilespmem:s16], [sflag:$0x1], $0x10, s21, s19, $0xb8;
	[tilespmem:$0x6000] =	vst v63  }
0x12: {  	s24 =	sadd.s32 $0x2880, s23  }
0x13: {  	[spmem:s2] =	stream.indirect.scatter.add.f32 [tilespmem:s16], [sflag:$0x1], $0x10, s24, s19, $0xb8;
	[tilespmem:$0x6000] =	vst v63  }
0x14: {  	s25 =	sadd.s32 $0x2900, s23  }
0x15: {  	[spmem:s2] =	stream.indirect.scatter.add.f32 [tilespmem:s16], [sflag:$0x1], $0x10, s25, s19, $0xb8;
	[tilespmem:$0x6000] =	vst v63  }
0x16: {  	s26 =	sadd.s32 $0x2980, s23  }
0x17: {  	[spmem:s2] =	stream.indirect.scatter.add.f32 [tilespmem:s16], [sflag:$0x1], $0x10, s26, s19, $0xb8;
	[tilespmem:$0x6000] =	vst v63  }
0x18: {  	s28 =	sadd.s32 $0x2A00, s23  }
0x19: {  	[spmem:s2] =	stream.indirect.scatter.add.f32 [tilespmem:s16], [sflag:$0x1], $0x10, s28, s19, $0xb8;
	[tilespmem:$0x6000] =	vst v63  }
0x1a: {  	s29 =	sadd.s32 $0x2A80, s23  }
0x1b: {  	[spmem:s2] =	stream.indirect.scatter.add.f32 [tilespmem:s16], [sflag:$0x1], $0x10, s29, s19, $0xb8;
	[tilespmem:$0x6000] =	vst v63  }
0x1c: {  	s30 =	sadd.s32 $0x2B00, s23  }
0x1d: {  	[spmem:s2] =	stream.indirect.scatter.add.f32 [tilespmem:s16], [sflag:$0x1], $0x10, s30, s19, $0xb8;
	[tilespmem:$0x6000] =	vst v63  }
0x1e: {  	s31 =	sadd.s32 $0x2B80, s23  }
0x1f: {  	[spmem:s2] =	stream.indirect.scatter.add.f32 [tilespmem:s16], [sflag:$0x1], $0x10, s31, s19, $0xb8;
	[tilespmem:$0x6000] =	vst v63  }
0x20: {  	_ =	swait.ge [sflag:s18], $0x800  }
0x21: {  	[sflag:s18] =	ssyncset.done $0x0  }
0x22: {  	[sflag:s18] =	ssyncadd.s32 $0xFFFFF800  }
0x23: {  	_ =	swait.ge [sflag:s18], $0x800  }
0x24: {  	[sflag:s18] =	ssyncset.done $0x0  }
0x25: {  	[sflag:s18] =	ssyncadd.s32 $0xFFFFF800  }
0x26: {  	_ =	swait.ge [sflag:s18], $0x800  }
0x27: {  	[sflag:s18] =	ssyncset.done $0x0  }
0x28: {  	[sflag:s18] =	ssyncadd.s32 $0xFFFFF800  }
0x29: {  	_ =	swait.ge [sflag:s18], $0x800  }
0x2a: {  	[sflag:s18] =	ssyncset.done $0x0  }
0x2b: {  	[sflag:s18] =	ssyncadd.s32 $0xFFFFF800  }
0x2c: {  	_ =	swait.ge [sflag:s18], $0x800  }
0x2d: {  	[sflag:s18] =	ssyncset.done $0x0  }
0x2e: {  	[sflag:s18] =	ssyncadd.s32 $0xFFFFF800  }
0x2f: {  	_ =	swait.ge [sflag:s18], $0x800  }
0x30: {  	[sflag:s18] =	ssyncset.done $0x0  }
0x31: {  	[sflag:s18] =	ssyncadd.s32 $0xFFFFF800  }
0x32: {  	_ =	swait.ge [sflag:s18], $0x800  }
0x33: {  	[sflag:s18] =	ssyncset.done $0x0  }
0x34: {  	[sflag:s18] =	ssyncadd.s32 $0xFFFFF800  }
0x35: {  	_ =	swait.ge [sflag:s18], $0x800  }
0x36: {  	[sflag:s18] =	ssyncset.done $0x0  }
0x37: {  	s21 =	smov.u32 s9;
	[sflag:s18] =	ssyncadd.s32 $0xFFFFF800  }
.LBB2_14:
0x38: {  	s21 =	sshrl.u32 s21, $0x3;
	s4 =	sadd.s32 $0x1, s4  }
0x39: {  	s22 =	sshll.u32 s3, $0x6;
	[bflag:$0x0] =	sbarrier.arrive $0xFFFF;
	p1 =	sne.s32 s4, s10  }
.Ltmp1:
0x3a: {  	s21 =	sadd.s32 s1, s21;
	s22 =	sor.u32 $0x1C02, s22;
	(pc) =	sbr.rel @!p1 .LBB2_15-.Ltmp1, $4  }
0x3b: {  	[hbm:s21], [sflag:s22] =	dma.local [spmem:s20], $0x500  }
0x3c: {  	_ =	swait.ge [sflag:s17], $0x500  }
0x3d: {  	[sflag:s17] =	ssyncset.done $0x0  }
0x3e: {  	[sflag:s17] =	ssyncadd.s32 $0xFFFFFB00  }
.LBB2_1:
.Ltmp2:
0x3f: {  	(pc) =	sbr.rel @!p0 .LBB2_2-.Ltmp2, $2  }
0x40: {  	_ =	sdelay $0x2  }
0x41: {  	s21 =	simm.s32 $0x40;
	s22 =	simm.s32 $0x0  }
.LBB2_8:
0x42: {  	p1 =	sne.s32 s21, $0x1FC0;
	[tilespmem:s22+$0x5800] =	vst v0;
	s22 =	smov.u32 s21;
	s21 =	sadd.s32 $0x40, s21  }
.Ltmp3:
0x43: {  	(pc) =	sbr.rel @p1 .LBB2_8-.Ltmp3, $2  }
0x44: {  	_ =	sdelay $0x2  }
0x45: {  	s22 =	sshra.s32 s22, $0x2  }
0x46: {  	[tilespmem:s22+$0x5800] =	vst v0;
	s21 =	simm.s32 $0x0  }
0x47: {  	[tilespmem:s15], [sflag:$0x1] =	stream.linear.gather [hbm4b:s8+s21], $0x2000, $0x38;
	[tilespmem:$0x6000] =	vst v63  }
0x48: {  	_ = 	snop  }
0x49: {  	[spmem:s7] =	stream.linear.scatter [tilespmem:s16], [sflag:$0x2], $0x800, $0x38;
	[tilespmem:$0x6000] =	vst v63  }
0x4a: {  	_ =	swait.ge [sflag:s17], $0x800  }
0x4b: {  	[sflag:s17] =	ssyncset.done $0x0  }
0x4c: {  	[sflag:s17] =	ssyncadd.s32 $0xFFFFF800  }
0x4d: {  	[spmem:s11] =	stream.linear.scatter [tilespmem:s16], [sflag:$0x2], $0x800, $0x38;
	[tilespmem:$0x6000] =	vst v63  }
0x4e: {  	_ =	swait.ge [sflag:s17], $0x800  }
0x4f: {  	[sflag:s17] =	ssyncset.done $0x0  }
0x50: {  	[sflag:s17] =	ssyncadd.s32 $0xFFFFF800  }
0x51: {  	[spmem:s12] =	stream.linear.scatter [tilespmem:s16], [sflag:$0x2], $0x800, $0x38;
	[tilespmem:$0x6000] =	vst v63  }
0x52: {  	_ =	swait.ge [sflag:s17], $0x800  }
0x53: {  	[sflag:s17] =	ssyncset.done $0x0  }
0x54: {  	[sflag:s17] =	ssyncadd.s32 $0xFFFFF800  }
0x55: {  	[spmem:s13] =	stream.linear.scatter [tilespmem:s16], [sflag:$0x2], $0x800, $0x38;
	[tilespmem:$0x6000] =	vst v63  }
0x56: {  	_ =	swait.ge [sflag:s17], $0x800  }
0x57: {  	[sflag:s17] =	ssyncset.done $0x0  }
0x58: {  	[sflag:s17] =	ssyncadd.s32 $0xFFFFF800  }
0x59: {  	[spmem:s14] =	stream.linear.scatter [tilespmem:s16], [sflag:$0x2], $0x800, $0x38;
	[tilespmem:$0x6000] =	vst v63  }
0x5a: {  	_ =	swait.ge [sflag:s17], $0x800  }
0x5b: {  	[sflag:s17] =	ssyncset.done $0x0  }
0x5c: {  	s22 =	simm.s32 $0x0;
	s21 =	simm.s32 $0x40;
	[sflag:s17] =	ssyncadd.s32 $0xFFFFF800  }
.LBB2_10:
0x5d: {  	p1 =	sne.s32 s21, $0x1FC0;
	[tilespmem:s22+$0x5800] =	vst v1;
	s22 =	smov.u32 s21;
	s21 =	sadd.s32 $0x40, s21  }
.Ltmp4:
0x5e: {  	(pc) =	sbr.rel @p1 .LBB2_10-.Ltmp4, $2  }
0x5f: {  	_ =	sdelay $0x2  }
0x60: {  	s22 =	sshra.s32 s22, $0x2  }
0x61: {  	[tilespmem:s22+$0x5800] =	vst v1  }
0x62: {  	_ =	swait.ge [sflag:s18], $0x2000  }
0x63: {  	[sflag:s18] =	ssyncset.done $0x0  }
0x64: {  	[sflag:s18] =	ssyncadd.s32 $0xFFFFE000  }
0x65: {  	s21 =	simm.s32 $0x2800;
	[bflag:$0x0] =	sbarrier.arrive $0xFFFF  }
0x66: {  	[spmem:s2] =	stream.indirect.scatter.add.f32 [tilespmem:s16], [sflag:$0x1], $0x10, s21, s19, $0xb8;
	[tilespmem:$0x6000] =	vst v63  }
0x67: {  	s24 =	simm.s32 $0x2880  }
0x68: {  	[spmem:s2] =	stream.indirect.scatter.add.f32 [tilespmem:s16], [sflag:$0x1], $0x10, s24, s19, $0xb8;
	[tilespmem:$0x6000] =	vst v63  }
0x69: {  	s25 =	simm.s32 $0x2900  }
0x6a: {  	[spmem:s2] =	stream.indirect.scatter.add.f32 [tilespmem:s16], [sflag:$0x1], $0x10, s25, s19, $0xb8;
	[tilespmem:$0x6000] =	vst v63  }
0x6b: {  	s26 =	simm.s32 $0x2980  }
0x6c: {  	[spmem:s2] =	stream.indirect.scatter.add.f32 [tilespmem:s16], [sflag:$0x1], $0x10, s26, s19, $0xb8;
	[tilespmem:$0x6000] =	vst v63  }
0x6d: {  	s28 =	simm.s32 $0x2A00  }
0x6e: {  	[spmem:s2] =	stream.indirect.scatter.add.f32 [tilespmem:s16], [sflag:$0x1], $0x10, s28, s19, $0xb8;
	[tilespmem:$0x6000] =	vst v63  }
0x6f: {  	s29 =	simm.s32 $0x2A80  }
0x70: {  	[spmem:s2] =	stream.indirect.scatter.add.f32 [tilespmem:s16], [sflag:$0x1], $0x10, s29, s19, $0xb8;
	[tilespmem:$0x6000] =	vst v63  }
0x71: {  	s30 =	simm.s32 $0x2B00  }
0x72: {  	[spmem:s2] =	stream.indirect.scatter.add.f32 [tilespmem:s16], [sflag:$0x1], $0x10, s30, s19, $0xb8;
	[tilespmem:$0x6000] =	vst v63  }
0x73: {  	s31 =	simm.s32 $0x2B80  }
0x74: {  	[spmem:s2] =	stream.indirect.scatter.add.f32 [tilespmem:s16], [sflag:$0x1], $0x10, s31, s19, $0xb8;
	[tilespmem:$0x6000] =	vst v63  }
0x75: {  	_ =	swait.ge [sflag:s18], $0x800  }
0x76: {  	[sflag:s18] =	ssyncset.done $0x0  }
0x77: {  	[sflag:s18] =	ssyncadd.s32 $0xFFFFF800  }
0x78: {  	_ =	swait.ge [sflag:s18], $0x800  }
0x79: {  	[sflag:s18] =	ssyncset.done $0x0  }
0x7a: {  	[sflag:s18] =	ssyncadd.s32 $0xFFFFF800  }
0x7b: {  	_ =	swait.ge [sflag:s18], $0x800  }
0x7c: {  	[sflag:s18] =	ssyncset.done $0x0  }
0x7d: {  	[sflag:s18] =	ssyncadd.s32 $0xFFFFF800  }
0x7e: {  	_ =	swait.ge [sflag:s18], $0x800  }
0x7f: {  	[sflag:s18] =	ssyncset.done $0x0  }
0x80: {  	[sflag:s18] =	ssyncadd.s32 $0xFFFFF800  }
0x81: {  	_ =	swait.ge [sflag:s18], $0x800  }
0x82: {  	[sflag:s18] =	ssyncset.done $0x0  }
0x83: {  	[sflag:s18] =	ssyncadd.s32 $0xFFFFF800  }
0x84: {  	_ =	swait.ge [sflag:s18], $0x800  }
0x85: {  	[sflag:s18] =	ssyncset.done $0x0  }
0x86: {  	[sflag:s18] =	ssyncadd.s32 $0xFFFFF800  }
0x87: {  	_ =	swait.ge [sflag:s18], $0x800  }
0x88: {  	[sflag:s18] =	ssyncset.done $0x0  }
0x89: {  	[sflag:s18] =	ssyncadd.s32 $0xFFFFF800  }
0x8a: {  	_ =	swait.ge [sflag:s18], $0x800  }
0x8b: {  	s23 =	simm.s32 $0x400;
	s24 =	simm.s32 $0x2000;
	[sflag:s18] =	ssyncset.done $0x0  }
.LBB2_12:
0x8c: {  	s25 =	sadd.s32 $0x2800, s23  }
0x8d: {  	[sflag:s18] =	ssyncadd.s32 $0xFFFFF800;
	s22 =	smov.u32 s24;
	s21 =	sadd.s32 $0x1000, s24  }
0x8e: {  	[spmem:s2] =	stream.indirect.scatter.add.f32 [tilespmem:s16], [sflag:$0x1], $0x10, s25, s19, $0xb8;
	[tilespmem:$0x6000] =	vst v63  }
0x8f: {  	p1 =	sne.s32 s24, $0x7000;
	s24 =	sadd.s32 $0x2880, s23  }
0x90: {  	[spmem:s2] =	stream.indirect.scatter.add.f32 [tilespmem:s16], [sflag:$0x1], $0x10, s24, s19, $0xb8;
	[tilespmem:$0x6000] =	vst v63  }
0x91: {  	s24 =	sadd.s32 $0x2900, s23  }
0x92: {  	[spmem:s2] =	stream.indirect.scatter.add.f32 [tilespmem:s16], [sflag:$0x1], $0x10, s24, s19, $0xb8;
	[tilespmem:$0x6000] =	vst v63  }
0x93: {  	s24 =	sadd.s32 $0x2980, s23  }
0x94: {  	[spmem:s2] =	stream.indirect.scatter.add.f32 [tilespmem:s16], [sflag:$0x1], $0x10, s24, s19, $0xb8;
	[tilespmem:$0x6000] =	vst v63  }
0x95: {  	s24 =	sadd.s32 $0x2A00, s23  }
0x96: {  	[spmem:s2] =	stream.indirect.scatter.add.f32 [tilespmem:s16], [sflag:$0x1], $0x10, s24, s19, $0xb8;
	[tilespmem:$0x6000] =	vst v63  }
0x97: {  	s24 =	sadd.s32 $0x2A80, s23  }
0x98: {  	[spmem:s2] =	stream.indirect.scatter.add.f32 [tilespmem:s16], [sflag:$0x1], $0x10, s24, s19, $0xb8;
	[tilespmem:$0x6000] =	vst v63  }
0x99: {  	s24 =	sadd.s32 $0x2B00, s23  }
0x9a: {  	[spmem:s2] =	stream.indirect.scatter.add.f32 [tilespmem:s16], [sflag:$0x1], $0x10, s24, s19, $0xb8;
	[tilespmem:$0x6000] =	vst v63  }
0x9b: {  	s23 =	sadd.s32 $0x2B80, s23  }
0x9c: {  	[spmem:s2] =	stream.indirect.scatter.add.f32 [tilespmem:s16], [sflag:$0x1], $0x10, s23, s19, $0xb8;
	[tilespmem:$0x6000] =	vst v63  }
0x9d: {  	_ =	swait.ge [sflag:s18], $0x800  }
0x9e: {  	[sflag:s18] =	ssyncset.done $0x0  }
0x9f: {  	[sflag:s18] =	ssyncadd.s32 $0xFFFFF800  }
0xa0: {  	_ =	swait.ge [sflag:s18], $0x800  }
0xa1: {  	[sflag:s18] =	ssyncset.done $0x0  }
0xa2: {  	[sflag:s18] =	ssyncadd.s32 $0xFFFFF800  }
0xa3: {  	_ =	swait.ge [sflag:s18], $0x800  }
0xa4: {  	[sflag:s18] =	ssyncset.done $0x0  }
0xa5: {  	[sflag:s18] =	ssyncadd.s32 $0xFFFFF800  }
0xa6: {  	_ =	swait.ge [sflag:s18], $0x800  }
0xa7: {  	[sflag:s18] =	ssyncset.done $0x0  }
0xa8: {  	[sflag:s18] =	ssyncadd.s32 $0xFFFFF800  }
0xa9: {  	_ =	swait.ge [sflag:s18], $0x800  }
0xaa: {  	[sflag:s18] =	ssyncset.done $0x0  }
0xab: {  	[sflag:s18] =	ssyncadd.s32 $0xFFFFF800  }
0xac: {  	_ =	swait.ge [sflag:s18], $0x800  }
0xad: {  	[sflag:s18] =	ssyncset.done $0x0  }
0xae: {  	[sflag:s18] =	ssyncadd.s32 $0xFFFFF800  }
.Ltmp5:
0xaf: {  	_ =	swait.ge [sflag:s18], $0x800;
	(pc) =	sbr.rel @p1 .LBB2_12-.Ltmp5, $4  }
0xb0: {  	[sflag:s18] =	ssyncset.done $0x0  }
0xb1: {  	[sflag:s18] =	ssyncadd.s32 $0xFFFFF800  }
0xb2: {  	_ =	swait.ge [sflag:s18], $0x800  }
0xb3: {  	s24 =	smov.u32 s21;
	s23 =	sshra.s32 s22, $0x2;
	[sflag:s18] =	ssyncset.done $0x0  }
.Ltmp6:
0xb4: {  	_ = 	snop;
	(pc) =	sbr.rel .LBB2_13-.Ltmp6, $1  }
0xb5: {  	_ =	sdelay $0x3  }
.LBB2_2:
0xb6: {  	p1 =	sne.s32 s21, $0x1FC0;
	[tilespmem:s22+$0x5800] =	vst v0;
	s22 =	smov.u32 s21;
	s21 =	sadd.s32 $0x40, s21  }
.Ltmp7:
0xb7: {  	(pc) =	sbr.rel @p1 .LBB2_2-.Ltmp7, $2  }
0xb8: {  	_ =	sdelay $0x2  }
0xb9: {  	s22 =	sshra.s32 s22, $0x2  }
0xba: {  	[tilespmem:s22+$0x5800] =	vst v0;
	s21 =	simm.s32 $0x0  }
0xbb: {  	[tilespmem:s15], [sflag:$0x1] =	stream.linear.gather [hbm4b:s6+s21], $0x3000, $0x38;
	[tilespmem:$0x6000] =	vst v63  }
0xbc: {  	_ = 	snop  }
0xbd: {  	[spmem:s7] =	stream.linear.scatter [tilespmem:s16], [sflag:$0x2], $0x800, $0x38;
	[tilespmem:$0x6000] =	vst v63  }
0xbe: {  	_ =	swait.ge [sflag:s17], $0x800  }
0xbf: {  	[sflag:s17] =	ssyncset.done $0x0  }
0xc0: {  	[sflag:s17] =	ssyncadd.s32 $0xFFFFF800  }
0xc1: {  	[spmem:s11] =	stream.linear.scatter [tilespmem:s16], [sflag:$0x2], $0x800, $0x38;
	[tilespmem:$0x6000] =	vst v63  }
0xc2: {  	_ =	swait.ge [sflag:s17], $0x800  }
0xc3: {  	[sflag:s17] =	ssyncset.done $0x0  }
0xc4: {  	[sflag:s17] =	ssyncadd.s32 $0xFFFFF800  }
0xc5: {  	[spmem:s12] =	stream.linear.scatter [tilespmem:s16], [sflag:$0x2], $0x800, $0x38;
	[tilespmem:$0x6000] =	vst v63  }
0xc6: {  	_ =	swait.ge [sflag:s17], $0x800  }
0xc7: {  	[sflag:s17] =	ssyncset.done $0x0  }
0xc8: {  	[sflag:s17] =	ssyncadd.s32 $0xFFFFF800  }
0xc9: {  	[spmem:s13] =	stream.linear.scatter [tilespmem:s16], [sflag:$0x2], $0x800, $0x38;
	[tilespmem:$0x6000] =	vst v63  }
0xca: {  	_ =	swait.ge [sflag:s17], $0x800  }
0xcb: {  	[sflag:s17] =	ssyncset.done $0x0  }
0xcc: {  	[sflag:s17] =	ssyncadd.s32 $0xFFFFF800  }
0xcd: {  	[spmem:s14] =	stream.linear.scatter [tilespmem:s16], [sflag:$0x2], $0x800, $0x38;
	[tilespmem:$0x6000] =	vst v63  }
0xce: {  	_ =	swait.ge [sflag:s17], $0x800  }
0xcf: {  	[sflag:s17] =	ssyncset.done $0x0  }
0xd0: {  	s22 =	simm.s32 $0x0;
	s21 =	simm.s32 $0x40;
	[sflag:s17] =	ssyncadd.s32 $0xFFFFF800  }
.LBB2_4:
0xd1: {  	p1 =	sne.s32 s21, $0x1FC0;
	[tilespmem:s22+$0x5800] =	vst v1;
	s22 =	smov.u32 s21;
	s21 =	sadd.s32 $0x40, s21  }
.Ltmp8:
0xd2: {  	(pc) =	sbr.rel @p1 .LBB2_4-.Ltmp8, $2  }
0xd3: {  	_ =	sdelay $0x2  }
0xd4: {  	s22 =	sshra.s32 s22, $0x2  }
0xd5: {  	[tilespmem:s22+$0x5800] =	vst v1  }
0xd6: {  	_ =	swait.ge [sflag:s18], $0x3000  }
0xd7: {  	[sflag:s18] =	ssyncset.done $0x0  }
0xd8: {  	[sflag:s18] =	ssyncadd.s32 $0xFFFFD000  }
0xd9: {  	s21 =	simm.s32 $0x2800;
	[bflag:$0x0] =	sbarrier.arrive $0xFFFF  }
0xda: {  	[spmem:s2] =	stream.indirect.scatter.add.f32 [tilespmem:s16], [sflag:$0x1], $0x10, s21, s19, $0xb8;
	[tilespmem:$0x6000] =	vst v63  }
0xdb: {  	s24 =	simm.s32 $0x2880  }
0xdc: {  	[spmem:s2] =	stream.indirect.scatter.add.f32 [tilespmem:s16], [sflag:$0x1], $0x10, s24, s19, $0xb8;
	[tilespmem:$0x6000] =	vst v63  }
0xdd: {  	s25 =	simm.s32 $0x2900  }
0xde: {  	[spmem:s2] =	stream.indirect.scatter.add.f32 [tilespmem:s16], [sflag:$0x1], $0x10, s25, s19, $0xb8;
	[tilespmem:$0x6000] =	vst v63  }
0xdf: {  	s26 =	simm.s32 $0x2980  }
0xe0: {  	[spmem:s2] =	stream.indirect.scatter.add.f32 [tilespmem:s16], [sflag:$0x1], $0x10, s26, s19, $0xb8;
	[tilespmem:$0x6000] =	vst v63  }
0xe1: {  	s28 =	simm.s32 $0x2A00  }
0xe2: {  	[spmem:s2] =	stream.indirect.scatter.add.f32 [tilespmem:s16], [sflag:$0x1], $0x10, s28, s19, $0xb8;
	[tilespmem:$0x6000] =	vst v63  }
0xe3: {  	s29 =	simm.s32 $0x2A80  }
0xe4: {  	[spmem:s2] =	stream.indirect.scatter.add.f32 [tilespmem:s16], [sflag:$0x1], $0x10, s29, s19, $0xb8;
	[tilespmem:$0x6000] =	vst v63  }
0xe5: {  	s30 =	simm.s32 $0x2B00  }
0xe6: {  	[spmem:s2] =	stream.indirect.scatter.add.f32 [tilespmem:s16], [sflag:$0x1], $0x10, s30, s19, $0xb8;
	[tilespmem:$0x6000] =	vst v63  }
0xe7: {  	s31 =	simm.s32 $0x2B80  }
0xe8: {  	[spmem:s2] =	stream.indirect.scatter.add.f32 [tilespmem:s16], [sflag:$0x1], $0x10, s31, s19, $0xb8;
	[tilespmem:$0x6000] =	vst v63  }
0xe9: {  	_ =	swait.ge [sflag:s18], $0x800  }
0xea: {  	[sflag:s18] =	ssyncset.done $0x0  }
0xeb: {  	[sflag:s18] =	ssyncadd.s32 $0xFFFFF800  }
0xec: {  	_ =	swait.ge [sflag:s18], $0x800  }
0xed: {  	[sflag:s18] =	ssyncset.done $0x0  }
0xee: {  	[sflag:s18] =	ssyncadd.s32 $0xFFFFF800  }
0xef: {  	_ =	swait.ge [sflag:s18], $0x800  }
0xf0: {  	[sflag:s18] =	ssyncset.done $0x0  }
0xf1: {  	[sflag:s18] =	ssyncadd.s32 $0xFFFFF800  }
0xf2: {  	_ =	swait.ge [sflag:s18], $0x800  }
0xf3: {  	[sflag:s18] =	ssyncset.done $0x0  }
0xf4: {  	[sflag:s18] =	ssyncadd.s32 $0xFFFFF800  }
0xf5: {  	_ =	swait.ge [sflag:s18], $0x800  }
0xf6: {  	[sflag:s18] =	ssyncset.done $0x0  }
0xf7: {  	[sflag:s18] =	ssyncadd.s32 $0xFFFFF800  }
0xf8: {  	_ =	swait.ge [sflag:s18], $0x800  }
0xf9: {  	[sflag:s18] =	ssyncset.done $0x0  }
0xfa: {  	[sflag:s18] =	ssyncadd.s32 $0xFFFFF800  }
0xfb: {  	_ =	swait.ge [sflag:s18], $0x800  }
0xfc: {  	[sflag:s18] =	ssyncset.done $0x0  }
0xfd: {  	[sflag:s18] =	ssyncadd.s32 $0xFFFFF800  }
0xfe: {  	_ =	swait.ge [sflag:s18], $0x800  }
0xff: {  	s23 =	simm.s32 $0x400;
	s24 =	simm.s32 $0x2000;
	[sflag:s18] =	ssyncset.done $0x0  }
.LBB2_6:
0x100: {  	s25 =	sadd.s32 $0x2800, s23  }
0x101: {  	[sflag:s18] =	ssyncadd.s32 $0xFFFFF800;
	s22 =	smov.u32 s24;
	s21 =	sadd.s32 $0x1000, s24  }
0x102: {  	[spmem:s2] =	stream.indirect.scatter.add.f32 [tilespmem:s16], [sflag:$0x1], $0x10, s25, s19, $0xb8;
	[tilespmem:$0x6000] =	vst v63  }
0x103: {  	p1 =	seq.s32 s24, $0xB000;
	s24 =	sadd.s32 $0x2880, s23  }
0x104: {  	[spmem:s2] =	stream.indirect.scatter.add.f32 [tilespmem:s16], [sflag:$0x1], $0x10, s24, s19, $0xb8;
	[tilespmem:$0x6000] =	vst v63  }
0x105: {  	s24 =	sadd.s32 $0x2900, s23  }
0x106: {  	[spmem:s2] =	stream.indirect.scatter.add.f32 [tilespmem:s16], [sflag:$0x1], $0x10, s24, s19, $0xb8;
	[tilespmem:$0x6000] =	vst v63  }
0x107: {  	s24 =	sadd.s32 $0x2980, s23  }
0x108: {  	[spmem:s2] =	stream.indirect.scatter.add.f32 [tilespmem:s16], [sflag:$0x1], $0x10, s24, s19, $0xb8;
	[tilespmem:$0x6000] =	vst v63  }
0x109: {  	s24 =	sadd.s32 $0x2A00, s23  }
0x10a: {  	[spmem:s2] =	stream.indirect.scatter.add.f32 [tilespmem:s16], [sflag:$0x1], $0x10, s24, s19, $0xb8;
	[tilespmem:$0x6000] =	vst v63  }
0x10b: {  	s24 =	sadd.s32 $0x2A80, s23  }
0x10c: {  	[spmem:s2] =	stream.indirect.scatter.add.f32 [tilespmem:s16], [sflag:$0x1], $0x10, s24, s19, $0xb8;
	[tilespmem:$0x6000] =	vst v63  }
0x10d: {  	s24 =	sadd.s32 $0x2B00, s23  }
0x10e: {  	[spmem:s2] =	stream.indirect.scatter.add.f32 [tilespmem:s16], [sflag:$0x1], $0x10, s24, s19, $0xb8;
	[tilespmem:$0x6000] =	vst v63  }
0x10f: {  	s23 =	sadd.s32 $0x2B80, s23  }
0x110: {  	[spmem:s2] =	stream.indirect.scatter.add.f32 [tilespmem:s16], [sflag:$0x1], $0x10, s23, s19, $0xb8;
	[tilespmem:$0x6000] =	vst v63  }
0x111: {  	_ =	swait.ge [sflag:s18], $0x800  }
0x112: {  	[sflag:s18] =	ssyncset.done $0x0  }
0x113: {  	[sflag:s18] =	ssyncadd.s32 $0xFFFFF800  }
0x114: {  	_ =	swait.ge [sflag:s18], $0x800  }
0x115: {  	[sflag:s18] =	ssyncset.done $0x0  }
0x116: {  	[sflag:s18] =	ssyncadd.s32 $0xFFFFF800  }
0x117: {  	_ =	swait.ge [sflag:s18], $0x800  }
0x118: {  	[sflag:s18] =	ssyncset.done $0x0  }
0x119: {  	[sflag:s18] =	ssyncadd.s32 $0xFFFFF800  }
0x11a: {  	_ =	swait.ge [sflag:s18], $0x800  }
0x11b: {  	[sflag:s18] =	ssyncset.done $0x0  }
0x11c: {  	[sflag:s18] =	ssyncadd.s32 $0xFFFFF800  }
0x11d: {  	_ =	swait.ge [sflag:s18], $0x800  }
0x11e: {  	[sflag:s18] =	ssyncset.done $0x0  }
0x11f: {  	[sflag:s18] =	ssyncadd.s32 $0xFFFFF800  }
0x120: {  	_ =	swait.ge [sflag:s18], $0x800  }
0x121: {  	[sflag:s18] =	ssyncset.done $0x0  }
0x122: {  	[sflag:s18] =	ssyncadd.s32 $0xFFFFF800  }
.Ltmp9:
0x123: {  	_ =	swait.ge [sflag:s18], $0x800;
	(pc) =	sbr.rel @!p1 .LBB2_6-.Ltmp9, $4  }
0x124: {  	[sflag:s18] =	ssyncset.done $0x0  }
0x125: {  	[sflag:s18] =	ssyncadd.s32 $0xFFFFF800  }
0x126: {  	_ =	swait.ge [sflag:s18], $0x800  }
0x127: {  	s24 =	smov.u32 s21;
	s23 =	sshra.s32 s22, $0x2;
	[sflag:s18] =	ssyncset.done $0x0  }
0x128: {  	s21 =	sadd.s32 $0x2800, s23;
	[sflag:s18] =	ssyncadd.s32 $0xFFFFF800  }
0x129: {  	[spmem:s2] =	stream.indirect.scatter.add.f32 [tilespmem:s16], [sflag:$0x1], $0x10, s21, s19, $0xb8;
	[tilespmem:$0x6000] =	vst v63  }
0x12a: {  	s24 =	sadd.s32 $0x2880, s23  }
0x12b: {  	[spmem:s2] =	stream.indirect.scatter.add.f32 [tilespmem:s16], [sflag:$0x1], $0x10, s24, s19, $0xb8;
	[tilespmem:$0x6000] =	vst v63  }
0x12c: {  	s25 =	sadd.s32 $0x2900, s23  }
0x12d: {  	[spmem:s2] =	stream.indirect.scatter.add.f32 [tilespmem:s16], [sflag:$0x1], $0x10, s25, s19, $0xb8;
	[tilespmem:$0x6000] =	vst v63  }
0x12e: {  	s26 =	sadd.s32 $0x2980, s23  }
0x12f: {  	[spmem:s2] =	stream.indirect.scatter.add.f32 [tilespmem:s16], [sflag:$0x1], $0x10, s26, s19, $0xb8;
	[tilespmem:$0x6000] =	vst v63  }
0x130: {  	s28 =	sadd.s32 $0x2A00, s23  }
0x131: {  	[spmem:s2] =	stream.indirect.scatter.add.f32 [tilespmem:s16], [sflag:$0x1], $0x10, s28, s19, $0xb8;
	[tilespmem:$0x6000] =	vst v63  }
0x132: {  	s29 =	sadd.s32 $0x2A80, s23  }
0x133: {  	[spmem:s2] =	stream.indirect.scatter.add.f32 [tilespmem:s16], [sflag:$0x1], $0x10, s29, s19, $0xb8;
	[tilespmem:$0x6000] =	vst v63  }
0x134: {  	s30 =	sadd.s32 $0x2B00, s23  }
0x135: {  	[spmem:s2] =	stream.indirect.scatter.add.f32 [tilespmem:s16], [sflag:$0x1], $0x10, s30, s19, $0xb8;
	[tilespmem:$0x6000] =	vst v63  }
0x136: {  	s31 =	sadd.s32 $0x2B80, s23  }
0x137: {  	[spmem:s2] =	stream.indirect.scatter.add.f32 [tilespmem:s16], [sflag:$0x1], $0x10, s31, s19, $0xb8;
	[tilespmem:$0x6000] =	vst v63  }
0x138: {  	_ =	swait.ge [sflag:s18], $0x800  }
0x139: {  	[sflag:s18] =	ssyncset.done $0x0  }
0x13a: {  	[sflag:s18] =	ssyncadd.s32 $0xFFFFF800  }
0x13b: {  	_ =	swait.ge [sflag:s18], $0x800  }
0x13c: {  	[sflag:s18] =	ssyncset.done $0x0  }
0x13d: {  	[sflag:s18] =	ssyncadd.s32 $0xFFFFF800  }
0x13e: {  	_ =	swait.ge [sflag:s18], $0x800  }
0x13f: {  	[sflag:s18] =	ssyncset.done $0x0  }
0x140: {  	[sflag:s18] =	ssyncadd.s32 $0xFFFFF800  }
0x141: {  	_ =	swait.ge [sflag:s18], $0x800  }
0x142: {  	[sflag:s18] =	ssyncset.done $0x0  }
0x143: {  	[sflag:s18] =	ssyncadd.s32 $0xFFFFF800  }
0x144: {  	_ =	swait.ge [sflag:s18], $0x800  }
0x145: {  	[sflag:s18] =	ssyncset.done $0x0  }
0x146: {  	[sflag:s18] =	ssyncadd.s32 $0xFFFFF800  }
0x147: {  	_ =	swait.ge [sflag:s18], $0x800  }
0x148: {  	[sflag:s18] =	ssyncset.done $0x0  }
0x149: {  	[sflag:s18] =	ssyncadd.s32 $0xFFFFF800  }
0x14a: {  	_ =	swait.ge [sflag:s18], $0x800  }
.Ltmp10:
0x14b: {  	[sflag:s18] =	ssyncset.done $0x0;
	(pc) =	sbr.rel .LBB2_14-.Ltmp10, $4  }
0x14c: {  	[sflag:s18] =	ssyncadd.s32 $0xFFFFF800  }
0x14d: {  	_ =	swait.ge [sflag:s18], $0x800  }
0x14e: {  	[sflag:s18] =	ssyncset.done $0x0  }
0x14f: {  	s21 =	smov.u32 s5;
	[sflag:s18] =	ssyncadd.s32 $0xFFFFF800  }
.LBB2_15:
0x150: {  	_ =	sfence.sel $0x180000  }
0x151: {  	[bflag:$0x0] =	sbarrier.arrive $0xFFFF  }
0x152: {  	p0 =	sne.s32 s3, $0x0;
	_ =	strace $0x90000047  }
0x153: {  	s0 =	sadd.s32 @!p0 $0x100000, s0;
	[bflag:$0x2] =	sbarrier.arrive $0xFFFF  }
0x154: {  	[sflag:s0] =	ssyncadd.tile.s32 @!p0 $0x1;
	_ =	shalt  }
.Lfunc_end2:
_tile_overlayer_lowered:
.L_overlay_start_2:
0x155: {  	(tag) =	ssettag $0x2  }
0x156: {  	s0 =	rddreg [dreg:$0x0];
	s2 =	stileid.u32  }
0x157: {  	s1 =	rddreg [dreg:$0x1];
	p0 =	sne.s32 s2, $0x0  }
0x158: {  	s3 =	rddreg [dreg:$0x2];
	[bflag:$0x3] =	sbarrier.arrive $0xFFFF;
	s2 =	simm.s32 @!p0 $0x1C02  }
0x159: {  	[timem:s3], [sflag:s2] =	dma.local @!p0 [hbm:s0], s1  }
0x15a: {  	s0 =	simm.s32 @!p0 $0x2  }
0x15b: {  	_ =	swait.ge @!p0 [sflag:s0], s1  }
0x15c: {  	s1 =	ssub.s32 @!p0 $0x0, s1;
	[sflag:s0] =	ssyncset.done @!p0 $0x0  }
0x15d: {  	[sflag:s0] =	ssyncadd.s32 @!p0 s1  }
0x15e: {  	[bflag:$0x3] =	sbarrier.arrive $0xFFFF  }
0x15f: {  	_ =	shalt  }

</sc_bundles>
